<compile_context>
chip_gen: v7x
topology: tpu7x:2x2x1
jax: 0.10.2.dev20260603
libtpu: 0.0.44.dev20260713+nightly
codegen_flags: <defaults>
</compile_context>

<pallas_src>
import functools

import jax
import jax.numpy as jnp
from jax import lax
from jax.experimental import pallas as pl
from jax.experimental.pallas import tpu as pltpu
from jax.experimental.pallas import tpu_sc as plsc

DIM = 768
NUM_HEADS = 12
B = 8
NQ = 16
NK = 4096
ROWS = B * NQ
NC = 2
NS = 16
NW = NC * NS
ROWS_PER_W = ROWS // NW
LANES = 16
CHUNKS = NK // LANES
RADIX_BITS = 8
NBINS = 1 << RADIX_BITS
NPASSES = 32 // RADIX_BITS


MINI32 = -0x80000000
MAXI32 = 0x7FFFFFFF


def _f32_key(v):
    u = lax.bitcast_convert_type(v, jnp.int32)
    m = lax.shift_right_arithmetic(u, 31)
    xm = (jnp.bitwise_not(m) & MAXI32) | jnp.int32(MINI32)
    return u ^ xm


NSTR = 4
CHUNKS_S = CHUNKS // NSTR


def _sort_body(scores_hbm, out_hbm, rowf, keyA, valA, keyB, valB,
               h0, h1, h2, h3, base, sem):
    hists = (h0, h1, h2, h3)
    wid = lax.axis_index("s") * NC + lax.axis_index("c")
    iota = lax.iota(jnp.int32, LANES)
    ones = jnp.full((LANES,), 1, jnp.int32)
    zeros = jnp.full((LANES,), 0, jnp.int32)

    def do_row(j, _):
        row = wid * ROWS_PER_W + j
        pltpu.sync_copy(scores_hbm.at[row], rowf)

        def prescan(i, carry):
            mn, mx = carry
            key = _f32_key(rowf[pl.ds(i * LANES, LANES)])
            return jnp.minimum(mn, key), jnp.maximum(mx, key)
        mn, mx = lax.fori_loop(0, CHUNKS, prescan,
                               (jnp.full((LANES,), MAXI32, jnp.int32),
                                jnp.full((LANES,), MINI32, jnp.int32)),
                               unroll=8)
        kmin = jnp.min(mn)
        rng = jnp.max(mx) - kmin
        one = jnp.int32(1)
        npasses = (one
                   + (lax.shift_right_logical(rng, 8) != 0).astype(jnp.int32)
                   + (lax.shift_right_logical(rng, 16) != 0).astype(jnp.int32)
                   + (lax.shift_right_logical(rng, 24) != 0).astype(jnp.int32))

        def radix_pass(kin, vin, kout, vout, shift):
            first = kin is None

            def load_key(i):
                idx = iota * CHUNKS + i
                if first:
                    return idx, _f32_key(plsc.load_gather(rowf, [idx])) - kmin
                return idx, plsc.load_gather(kin, [idx])

            def zero(i, _):
                for h in hists:
                    h[pl.ds(i * LANES, LANES)] = zeros
                return 0
            lax.fori_loop(0, NBINS, zero, 0, unroll=4)

            def histo(i, _):
                for j, h in enumerate(hists):
                    _, kv = load_key(i + CHUNKS_S * j)
                    d = lax.shift_right_logical(kv, shift) & (NBINS - 1)
                    plsc.addupdate_scatter(h, [d * LANES + iota], ones)
                return 0
            lax.fori_loop(0, CHUNKS_S, histo, 0, unroll=2)

            def totals(c, _):
                s = zeros
                for h in hists:
                    s = s + h[pl.ds(c * LANES, LANES)]
                inc = plsc.cumsum(s)
                t = jnp.max(inc)
                plsc.store_scatter(base, [zeros + c], zeros + t, mask=iota == 0)
                return 0
            lax.fori_loop(0, NBINS, totals, 0, unroll=4)

            def chunk_scan(t, carry):
                vec = base[pl.ds(t * LANES, LANES)]
                inc = plsc.cumsum(vec)
                base[pl.ds(t * LANES, LANES)] = (inc - vec) + carry
                return carry + jnp.max(inc)
            lax.fori_loop(0, NBINS // LANES, chunk_scan, jnp.int32(0))

            def finalize(c, _):
                sl = pl.ds(c * LANES, LANES)
                v = [h[sl] for h in hists]
                s = v[0] + v[1] + v[2] + v[3]
                inc = plsc.cumsum(s)
                b = plsc.load_gather(base, [zeros + c])
                p = (inc - s) + b
                for j, h in enumerate(hists):
                    h[sl] = p
                    if j + 1 < NSTR:
                        p = p + v[j]
                return 0
            lax.fori_loop(0, NBINS, finalize, 0, unroll=2)

            def permute(i, _):
                for j, h in enumerate(hists):
                    idx, kv = load_key(i + CHUNKS_S * j)
                    vv = idx if first else plsc.load_gather(vin, [idx])
                    d = lax.shift_right_logical(kv, shift) & (NBINS - 1)
                    pidx = d * LANES + iota
                    pos = plsc.load_gather(h, [pidx])
                    plsc.store_scatter(kout, [pos], kv)
                    plsc.store_scatter(vout, [pos], vv)
                    plsc.addupdate_scatter(h, [pidx], ones)
                return 0
            lax.fori_loop(0, CHUNKS_S, permute, 0, unroll=2)

        radix_pass(None, None, keyB, valB, 0)

        @pl.when(npasses >= 2)
        def _():
            radix_pass(keyB, valB, keyA, valA, 8)

        @pl.when(npasses >= 3)
        def _():
            radix_pass(keyA, valA, keyB, valB, 16)

        @pl.when(npasses >= 4)
        def _():
            radix_pass(keyB, valB, keyA, valA, 24)

        @pl.when((npasses & 1) == 1)
        def _():
            pltpu.sync_copy(valB, out_hbm.at[row])

        @pl.when((npasses & 1) == 0)
        def _():
            pltpu.sync_copy(valA, out_hbm.at[row])

        return 0

    lax.fori_loop(0, ROWS_PER_W, do_row, 0)


_sort_rows = functools.partial(
    pl.kernel,
    out_type=jax.ShapeDtypeStruct((ROWS, NK), jnp.int32),
    mesh=plsc.VectorSubcoreMesh(core_axis_name="c", subcore_axis_name="s"),
    compiler_params=pltpu.CompilerParams(needs_layout_passes=False),
    scratch_types=[
        pltpu.VMEM((NK,), jnp.float32),
        pltpu.VMEM((NK,), jnp.int32),
        pltpu.VMEM((NK,), jnp.int32),
        pltpu.VMEM((NK,), jnp.int32),
        pltpu.VMEM((NK,), jnp.int32),
        pltpu.VMEM((NBINS * LANES,), jnp.int32),
        pltpu.VMEM((NBINS * LANES,), jnp.int32),
        pltpu.VMEM((NBINS * LANES,), jnp.int32),
        pltpu.VMEM((NBINS * LANES,), jnp.int32),
        pltpu.VMEM((NBINS,), jnp.int32),
        pltpu.SemaphoreType.DMA,
    ],
)(_sort_body)


def kernel(q, k, Wq, Wk):
    Bq, Nq, C = q.shape
    _, Nk, _ = k.shape
    H = NUM_HEADS
    hd = C // H
    scale = hd ** (-0.5)
    query = (q @ Wq.T).reshape(Bq, Nq, H, hd).transpose(0, 2, 1, 3)
    key_ = (k @ Wk.T).reshape(Bq, Nk, H, hd).transpose(0, 2, 1, 3)
    attn = jnp.einsum('bhqd,bhkd->bhqk', query, key_) * scale
    attn = jax.nn.softmax(attn, axis=-1)
    scores = jnp.mean(attn, axis=1)

    topk_indices = _sort_rows(scores.reshape(ROWS, NK)).reshape(Bq, Nq, Nk)
    mask = jnp.ones((Bq, Nk), dtype=bool)
    return (mask, topk_indices)

# --- scband reference (transcript-rebuilt; emitter-appended) ---
"""Pipeline reference for scband-attention-score-mask-31507880084055 (READ-ONLY COPY).

The authoritative reference and input builder live on the scoring server;
editing this copy changes nothing except your own understanding.
"""

import jax, jax.numpy as jnp
import numpy as np

DIM = 768
NUM_HEADS = 12
TOP_K = 1.0


def setup_inputs(seed: int = 0) -> dict:
    key = jax.random.key(seed)
    k1, k2, k3, k4 = jax.random.split(key, 4)
    q = jax.random.normal(k1, (8, 16, DIM), dtype=jnp.float32)
    k = jax.random.normal(k2, (8, 4096, DIM), dtype=jnp.float32)
    # Learned parameters: nn.Linear(dim, dim, bias=False) weights, torch layout [out, in]
    Wq = jax.random.normal(k3, (DIM, DIM), dtype=jnp.float32) * 0.02
    Wk = jax.random.normal(k4, (DIM, DIM), dtype=jnp.float32) * 0.02
    return {"q": q, "k": k, "Wq": Wq, "Wk": Wk}


def reference(q, k, Wq, Wk):
    B, Nq, C = q.shape
    _, Nk, _ = k.shape
    H = NUM_HEADS
    hd = C // H
    scale = hd ** (-0.5)
    # q_/k_ linear projections (torch Linear: x @ W.T)
    query = (q @ Wq.T).reshape(B, Nq, H, hd).transpose(0, 2, 1, 3)
    key_ = (k @ Wk.T).reshape(B, Nk, H, hd).transpose(0, 2, 1, 3)
    attn = jnp.einsum('bhqd,bhkd->bhqk', query, key_) * scale
    attn = jax.nn.softmax(attn, axis=-1)
    # method == 'mean': average heads, topk over kv axis, scatter boolean mask
    scores = jnp.mean(attn, axis=1)  # [B, Nq, Nk]
    kk = int(Nk * TOP_K)
    _, topk_indices = jax.lax.top_k(scores, kk)  # [B, Nq, kk]
    mask = jnp.zeros((B, Nq, Nk), dtype=bool)
    b_idx = jnp.arange(B)[:, None, None]
    q_idx = jnp.arange(Nq)[None, :, None]
    mask = mask.at[b_idx, q_idx, topk_indices].set(True)
    mask = mask[:, 0, :]  # [B, Nk]
    return (mask, topk_indices)

if __name__ == "__main__":
    import jax
    _d = setup_inputs()
    print(jax.jit(kernel)(*tuple(_d.values())))

</pallas_src>

<mosaic_0001>
#map = affine_map<(d0, d1) -> (0, 0)>
module attributes {stable_mosaic.version = 14 : i64} {
  func.func @_sort_body(%arg0: i32, %arg1: i32, %arg2: memref<128x4096xf32, #tpu.memory_space<hbm>>, %arg3: memref<128x4096xi32, #tpu.memory_space<hbm>>, %arg4: memref<4096xf32, #tpu.memory_space<vmem>>, %arg5: memref<4096xi32, #tpu.memory_space<vmem>>, %arg6: memref<4096xi32, #tpu.memory_space<vmem>>, %arg7: memref<4096xi32, #tpu.memory_space<vmem>>, %arg8: memref<4096xi32, #tpu.memory_space<vmem>>, %arg9: memref<4096xi32, #tpu.memory_space<vmem>>, %arg10: memref<4096xi32, #tpu.memory_space<vmem>>, %arg11: memref<4096xi32, #tpu.memory_space<vmem>>, %arg12: memref<4096xi32, #tpu.memory_space<vmem>>, %arg13: memref<256xi32, #tpu.memory_space<vmem>>, %arg14: memref<!tpu.dma_semaphore, #tpu.memory_space<semaphore_mem>>) attributes {dimension_semantics = [#tpu.dimension_semantics<core_parallel>, #tpu.dimension_semantics<subcore_parallel>], iteration_bounds = array<i64: 2, 16>, scalar_prefetch = 0 : i64, scratch_operands = 11 : i64, tpu.core_type = #tpu.core_type<sc_vector_subcore>, window_params = [{transform_indices = #map}, {transform_indices = #map}]} {
    %mul3A = arith.constant 2 : i32
    %mul3A_0 = arith.muli %arg1, %mul3A : i32
    %add3A = arith.addi %mul3A_0, %arg0 : i32
    %iota3A = tpu.iota {dimensions = array<i32: 0>} : vector<16xi32>
    %broadcast_in_dim3A = arith.constant 1 : i32
    %broadcast_in_dim3A_1 = vector.broadcast %broadcast_in_dim3A : i32 to vector<16xi32>
    %broadcast_in_dim3A_2 = arith.constant 0 : i32
    %broadcast_in_dim3A_3 = vector.broadcast %broadcast_in_dim3A_2 : i32 to vector<16xi32>
    %scan3A = arith.constant 0 : i32
    %scan3A_4 = arith.constant 0 : i32
    %scan3A_5 = arith.constant 4 : i32
    %scan3A_6 = arith.addi %scan3A_4, %scan3A_5 : i32
    %scan3A_7 = arith.constant 1 : i32
    %scan3A_8 = scf.for %scan3A_10 = %scan3A_4 to %scan3A_6 step %scan3A_7 iter_args(%scan3A_11 = %scan3A) -> (i32)  : i32 {
      %mul3A_12 = arith.constant 4 : i32
      %mul3A_13 = arith.muli %add3A, %mul3A_12 : i32
      %add3A_14 = arith.addi %mul3A_13, %scan3A_10 : i32
      "tpu.region"() ({
        %run_scoped3A = tpu.sem_alloc : memref<!tpu.dma_semaphore, #tpu.memory_space<semaphore_mem>>
        %dma_start3A = arith.constant 0 : i32
        %dma_start3A_123 = tpu.memref_slice %arg2[%add3A_14, %dma_start3A] : memref<128x4096xf32, #tpu.memory_space<hbm>> -> memref<1x4096xf32, #tpu.memory_space<hbm>>
        %dma_start3A_124 = tpu.memref_squeeze %dma_start3A_123 : memref<1x4096xf32, #tpu.memory_space<hbm>> -> memref<4096xf32, #tpu.memory_space<hbm>>
        %dma_start3A_125 = arith.constant 0 : i32
        %dma_start3A_126 = tpu.memref_slice %arg2[%add3A_14, %dma_start3A_125] : memref<128x4096xf32, #tpu.memory_space<hbm>> -> memref<1x4096xf32, #tpu.memory_space<hbm>>
        %dma_start3A_127 = tpu.memref_squeeze %dma_start3A_126 : memref<1x4096xf32, #tpu.memory_space<hbm>> -> memref<4096xf32, #tpu.memory_space<hbm>>
        tpu.enqueue_dma source(%dma_start3A_127 : memref<4096xf32, #tpu.memory_space<hbm>>) target(%arg4 : memref<4096xf32, #tpu.memory_space<vmem>>) target_semaphore(%run_scoped3A : memref<!tpu.dma_semaphore, #tpu.memory_space<semaphore_mem>>)
        %dma_wait3A = arith.constant 0 : i32
        %dma_wait3A_128 = tpu.memref_slice %arg2[%add3A_14, %dma_wait3A] : memref<128x4096xf32, #tpu.memory_space<hbm>> -> memref<1x4096xf32, #tpu.memory_space<hbm>>
        %dma_wait3A_129 = tpu.memref_squeeze %dma_wait3A_128 : memref<1x4096xf32, #tpu.memory_space<hbm>> -> memref<4096xf32, #tpu.memory_space<hbm>>
        %dma_wait3A_130 = arith.constant 0 : i32
        %dma_wait3A_131 = tpu.memref_slice %arg2[%add3A_14, %dma_wait3A_130] : memref<128x4096xf32, #tpu.memory_space<hbm>> -> memref<1x4096xf32, #tpu.memory_space<hbm>>
        %dma_wait3A_132 = tpu.memref_squeeze %dma_wait3A_131 : memref<1x4096xf32, #tpu.memory_space<hbm>> -> memref<4096xf32, #tpu.memory_space<hbm>>
        tpu.wait_dma2 semaphore(%run_scoped3A : memref<!tpu.dma_semaphore, #tpu.memory_space<semaphore_mem>>) src(%dma_wait3A_132 : memref<4096xf32, #tpu.memory_space<hbm>>) dst(%arg4 : memref<4096xf32, #tpu.memory_space<vmem>>)
        tpu.yield
      }) : () -> ()
      %broadcast_in_dim3A_15 = arith.constant 2147483647 : i32
      %broadcast_in_dim3A_16 = vector.broadcast %broadcast_in_dim3A_15 : i32 to vector<16xi32>
      %broadcast_in_dim3A_17 = arith.constant -2147483648 : i32
      %broadcast_in_dim3A_18 = vector.broadcast %broadcast_in_dim3A_17 : i32 to vector<16xi32>
      %scan3A_19 = arith.constant 0 : i32
      %scan3A_20 = arith.constant 256 : i32
      %scan3A_21 = arith.addi %scan3A_19, %scan3A_20 : i32
      %scan3A_22 = arith.constant 8 : i32
      %scan3A_23:2 = scf.for %scan3A_123 = %scan3A_19 to %scan3A_21 step %scan3A_22 iter_args(%scan3A_124 = %broadcast_in_dim3A_16, %scan3A_125 = %broadcast_in_dim3A_18) -> (vector<16xi32>, vector<16xi32>)  : i32 {
        %mul3A_126 = arith.constant 16 : i32
        %mul3A_127 = arith.muli %scan3A_123, %mul3A_126 : i32
        %get3A = arith.index_cast %mul3A_127 : i32 to index
        %get3A_128 = tpu.vector_load %arg4[%get3A] {strides = array<i32>} : memref<4096xf32, #tpu.memory_space<vmem>>, vector<16xf32>,
        %bitcast_convert_type3A = tpu.bitcast %get3A_128 : vector<16xf32> -> vector<16xi32>
        %shift_right_arithmetic3A = arith.constant 31 : i32
        %shift_right_arithmetic3A_129 = vector.broadcast %shift_right_arithmetic3A : i32 to vector<16xi32>
        %shift_right_arithmetic3A_130 = arith.shrsi %bitcast_convert_type3A, %shift_right_arithmetic3A_129 : vector<16xi32>
        %not3A = arith.constant dense<-1> : vector<16xi32>
        %not3A_131 = arith.xori %shift_right_arithmetic3A_130, %not3A : vector<16xi32>
        %and3A_132 = arith.constant 2147483647 : i32
        %and3A_133 = vector.broadcast %and3A_132 : i32 to vector<16xi32>
        %and3A_134 = arith.andi %not3A_131, %and3A_133 : vector<16xi32>
        %or3A = arith.constant -2147483648 : i32
        %or3A_135 = vector.broadcast %or3A : i32 to vector<16xi32>
        %or3A_136 = arith.ori %and3A_134, %or3A_135 : vector<16xi32>
        %xor3A = arith.xori %bitcast_convert_type3A, %or3A_136 : vector<16xi32>
        %min3A = arith.minsi %scan3A_124, %xor3A : vector<16xi32>
        %max3A = arith.maxsi %scan3A_125, %xor3A : vector<16xi32>
        %scan3A_137 = arith.constant 1 : i32
        %scan3A_138 = arith.addi %scan3A_123, %scan3A_137 : i32
        %mul3A_139 = arith.constant 16 : i32
        %mul3A_140 = arith.muli %scan3A_138, %mul3A_139 : i32
        %get3A_141 = arith.index_cast %mul3A_140 : i32 to index
        %get3A_142 = tpu.vector_load %arg4[%get3A_141] {strides = array<i32>} : memref<4096xf32, #tpu.memory_space<vmem>>, vector<16xf32>,
        %bitcast_convert_type3A_143 = tpu.bitcast %get3A_142 : vector<16xf32> -> vector<16xi32>
        %shift_right_arithmetic3A_144 = arith.constant 31 : i32
        %shift_right_arithmetic3A_145 = vector.broadcast %shift_right_arithmetic3A_144 : i32 to vector<16xi32>
        %shift_right_arithmetic3A_146 = arith.shrsi %bitcast_convert_type3A_143, %shift_right_arithmetic3A_145 : vector<16xi32>
        %not3A_147 = arith.constant dense<-1> : vector<16xi32>
        %not3A_148 = arith.xori %shift_right_arithmetic3A_146, %not3A_147 : vector<16xi32>
        %and3A_149 = arith.constant 2147483647 : i32
        %and3A_150 = vector.broadcast %and3A_149 : i32 to vector<16xi32>
        %and3A_151 = arith.andi %not3A_148, %and3A_150 : vector<16xi32>
        %or3A_152 = arith.constant -2147483648 : i32
        %or3A_153 = vector.broadcast %or3A_152 : i32 to vector<16xi32>
        %or3A_154 = arith.ori %and3A_151, %or3A_153 : vector<16xi32>
        %xor3A_155 = arith.xori %bitcast_convert_type3A_143, %or3A_154 : vector<16xi32>
        %min3A_156 = arith.minsi %min3A, %xor3A_155 : vector<16xi32>
        %max3A_157 = arith.maxsi %max3A, %xor3A_155 : vector<16xi32>
        %scan3A_158 = arith.constant 2 : i32
        %scan3A_159 = arith.addi %scan3A_123, %scan3A_158 : i32
        %mul3A_160 = arith.constant 16 : i32
        %mul3A_161 = arith.muli %scan3A_159, %mul3A_160 : i32
        %get3A_162 = arith.index_cast %mul3A_161 : i32 to index
        %get3A_163 = tpu.vector_load %arg4[%get3A_162] {strides = array<i32>} : memref<4096xf32, #tpu.memory_space<vmem>>, vector<16xf32>,
        %bitcast_convert_type3A_164 = tpu.bitcast %get3A_163 : vector<16xf32> -> vector<16xi32>
        %shift_right_arithmetic3A_165 = arith.constant 31 : i32
        %shift_right_arithmetic3A_166 = vector.broadcast %shift_right_arithmetic3A_165 : i32 to vector<16xi32>
        %shift_right_arithmetic3A_167 = arith.shrsi %bitcast_convert_type3A_164, %shift_right_arithmetic3A_166 : vector<16xi32>
        %not3A_168 = arith.constant dense<-1> : vector<16xi32>
        %not3A_169 = arith.xori %shift_right_arithmetic3A_167, %not3A_168 : vector<16xi32>
        %and3A_170 = arith.constant 2147483647 : i32
        %and3A_171 = vector.broadcast %and3A_170 : i32 to vector<16xi32>
        %and3A_172 = arith.andi %not3A_169, %and3A_171 : vector<16xi32>
        %or3A_173 = arith.constant -2147483648 : i32
        %or3A_174 = vector.broadcast %or3A_173 : i32 to vector<16xi32>
        %or3A_175 = arith.ori %and3A_172, %or3A_174 : vector<16xi32>
        %xor3A_176 = arith.xori %bitcast_convert_type3A_164, %or3A_175 : vector<16xi32>
        %min3A_177 = arith.minsi %min3A_156, %xor3A_176 : vector<16xi32>
        %max3A_178 = arith.maxsi %max3A_157, %xor3A_176 : vector<16xi32>
        %scan3A_179 = arith.constant 3 : i32
        %scan3A_180 = arith.addi %scan3A_123, %scan3A_179 : i32
        %mul3A_181 = arith.constant 16 : i32
        %mul3A_182 = arith.muli %scan3A_180, %mul3A_181 : i32
        %get3A_183 = arith.index_cast %mul3A_182 : i32 to index
        %get3A_184 = tpu.vector_load %arg4[%get3A_183] {strides = array<i32>} : memref<4096xf32, #tpu.memory_space<vmem>>, vector<16xf32>,
        %bitcast_convert_type3A_185 = tpu.bitcast %get3A_184 : vector<16xf32> -> vector<16xi32>
        %shift_right_arithmetic3A_186 = arith.constant 31 : i32
        %shift_right_arithmetic3A_187 = vector.broadcast %shift_right_arithmetic3A_186 : i32 to vector<16xi32>
        %shift_right_arithmetic3A_188 = arith.shrsi %bitcast_convert_type3A_185, %shift_right_arithmetic3A_187 : vector<16xi32>
        %not3A_189 = arith.constant dense<-1> : vector<16xi32>
        %not3A_190 = arith.xori %shift_right_arithmetic3A_188, %not3A_189 : vector<16xi32>
        %and3A_191 = arith.constant 2147483647 : i32
        %and3A_192 = vector.broadcast %and3A_191 : i32 to vector<16xi32>
        %and3A_193 = arith.andi %not3A_190, %and3A_192 : vector<16xi32>
        %or3A_194 = arith.constant -2147483648 : i32
        %or3A_195 = vector.broadcast %or3A_194 : i32 to vector<16xi32>
        %or3A_196 = arith.ori %and3A_193, %or3A_195 : vector<16xi32>
        %xor3A_197 = arith.xori %bitcast_convert_type3A_185, %or3A_196 : vector<16xi32>
        %min3A_198 = arith.minsi %min3A_177, %xor3A_197 : vector<16xi32>
        %max3A_199 = arith.maxsi %max3A_178, %xor3A_197 : vector<16xi32>
        %scan3A_200 = arith.constant 4 : i32
        %scan3A_201 = arith.addi %scan3A_123, %scan3A_200 : i32
        %mul3A_202 = arith.constant 16 : i32
        %mul3A_203 = arith.muli %scan3A_201, %mul3A_202 : i32
        %get3A_204 = arith.index_cast %mul3A_203 : i32 to index
        %get3A_205 = tpu.vector_load %arg4[%get3A_204] {strides = array<i32>} : memref<4096xf32, #tpu.memory_space<vmem>>, vector<16xf32>,
        %bitcast_convert_type3A_206 = tpu.bitcast %get3A_205 : vector<16xf32> -> vector<16xi32>
        %shift_right_arithmetic3A_207 = arith.constant 31 : i32
        %shift_right_arithmetic3A_208 = vector.broadcast %shift_right_arithmetic3A_207 : i32 to vector<16xi32>
        %shift_right_arithmetic3A_209 = arith.shrsi %bitcast_convert_type3A_206, %shift_right_arithmetic3A_208 : vector<16xi32>
        %not3A_210 = arith.constant dense<-1> : vector<16xi32>
        %not3A_211 = arith.xori %shift_right_arithmetic3A_209, %not3A_210 : vector<16xi32>
        %and3A_212 = arith.constant 2147483647 : i32
        %and3A_213 = vector.broadcast %and3A_212 : i32 to vector<16xi32>
        %and3A_214 = arith.andi %not3A_211, %and3A_213 : vector<16xi32>
        %or3A_215 = arith.constant -2147483648 : i32
        %or3A_216 = vector.broadcast %or3A_215 : i32 to vector<16xi32>
        %or3A_217 = arith.ori %and3A_214, %or3A_216 : vector<16xi32>
        %xor3A_218 = arith.xori %bitcast_convert_type3A_206, %or3A_217 : vector<16xi32>
        %min3A_219 = arith.minsi %min3A_198, %xor3A_218 : vector<16xi32>
        %max3A_220 = arith.maxsi %max3A_199, %xor3A_218 : vector<16xi32>
        %scan3A_221 = arith.constant 5 : i32
        %scan3A_222 = arith.addi %scan3A_123, %scan3A_221 : i32
        %mul3A_223 = arith.constant 16 : i32
        %mul3A_224 = arith.muli %scan3A_222, %mul3A_223 : i32
        %get3A_225 = arith.index_cast %mul3A_224 : i32 to index
        %get3A_226 = tpu.vector_load %arg4[%get3A_225] {strides = array<i32>} : memref<4096xf32, #tpu.memory_space<vmem>>, vector<16xf32>,
        %bitcast_convert_type3A_227 = tpu.bitcast %get3A_226 : vector<16xf32> -> vector<16xi32>
        %shift_right_arithmetic3A_228 = arith.constant 31 : i32
        %shift_right_arithmetic3A_229 = vector.broadcast %shift_right_arithmetic3A_228 : i32 to vector<16xi32>
        %shift_right_arithmetic3A_230 = arith.shrsi %bitcast_convert_type3A_227, %shift_right_arithmetic3A_229 : vector<16xi32>
        %not3A_231 = arith.constant dense<-1> : vector<16xi32>
        %not3A_232 = arith.xori %shift_right_arithmetic3A_230, %not3A_231 : vector<16xi32>
        %and3A_233 = arith.constant 2147483647 : i32
        %and3A_234 = vector.broadcast %and3A_233 : i32 to vector<16xi32>
        %and3A_235 = arith.andi %not3A_232, %and3A_234 : vector<16xi32>
        %or3A_236 = arith.constant -2147483648 : i32
        %or3A_237 = vector.broadcast %or3A_236 : i32 to vector<16xi32>
        %or3A_238 = arith.ori %and3A_235, %or3A_237 : vector<16xi32>
        %xor3A_239 = arith.xori %bitcast_convert_type3A_227, %or3A_238 : vector<16xi32>
        %min3A_240 = arith.minsi %min3A_219, %xor3A_239 : vector<16xi32>
        %max3A_241 = arith.maxsi %max3A_220, %xor3A_239 : vector<16xi32>
        %scan3A_242 = arith.constant 6 : i32
        %scan3A_243 = arith.addi %scan3A_123, %scan3A_242 : i32
        %mul3A_244 = arith.constant 16 : i32
        %mul3A_245 = arith.muli %scan3A_243, %mul3A_244 : i32
        %get3A_246 = arith.index_cast %mul3A_245 : i32 to index
        %get3A_247 = tpu.vector_load %arg4[%get3A_246] {strides = array<i32>} : memref<4096xf32, #tpu.memory_space<vmem>>, vector<16xf32>,
        %bitcast_convert_type3A_248 = tpu.bitcast %get3A_247 : vector<16xf32> -> vector<16xi32>
        %shift_right_arithmetic3A_249 = arith.constant 31 : i32
        %shift_right_arithmetic3A_250 = vector.broadcast %shift_right_arithmetic3A_249 : i32 to vector<16xi32>
        %shift_right_arithmetic3A_251 = arith.shrsi %bitcast_convert_type3A_248, %shift_right_arithmetic3A_250 : vector<16xi32>
        %not3A_252 = arith.constant dense<-1> : vector<16xi32>
        %not3A_253 = arith.xori %shift_right_arithmetic3A_251, %not3A_252 : vector<16xi32>
        %and3A_254 = arith.constant 2147483647 : i32
        %and3A_255 = vector.broadcast %and3A_254 : i32 to vector<16xi32>
        %and3A_256 = arith.andi %not3A_253, %and3A_255 : vector<16xi32>
        %or3A_257 = arith.constant -2147483648 : i32
        %or3A_258 = vector.broadcast %or3A_257 : i32 to vector<16xi32>
        %or3A_259 = arith.ori %and3A_256, %or3A_258 : vector<16xi32>
        %xor3A_260 = arith.xori %bitcast_convert_type3A_248, %or3A_259 : vector<16xi32>
        %min3A_261 = arith.minsi %min3A_240, %xor3A_260 : vector<16xi32>
        %max3A_262 = arith.maxsi %max3A_241, %xor3A_260 : vector<16xi32>
        %scan3A_263 = arith.constant 7 : i32
        %scan3A_264 = arith.addi %scan3A_123, %scan3A_263 : i32
        %mul3A_265 = arith.constant 16 : i32
        %mul3A_266 = arith.muli %scan3A_264, %mul3A_265 : i32
        %get3A_267 = arith.index_cast %mul3A_266 : i32 to index
        %get3A_268 = tpu.vector_load %arg4[%get3A_267] {strides = array<i32>} : memref<4096xf32, #tpu.memory_space<vmem>>, vector<16xf32>,
        %bitcast_convert_type3A_269 = tpu.bitcast %get3A_268 : vector<16xf32> -> vector<16xi32>
        %shift_right_arithmetic3A_270 = arith.constant 31 : i32
        %shift_right_arithmetic3A_271 = vector.broadcast %shift_right_arithmetic3A_270 : i32 to vector<16xi32>
        %shift_right_arithmetic3A_272 = arith.shrsi %bitcast_convert_type3A_269, %shift_right_arithmetic3A_271 : vector<16xi32>
        %not3A_273 = arith.constant dense<-1> : vector<16xi32>
        %not3A_274 = arith.xori %shift_right_arithmetic3A_272, %not3A_273 : vector<16xi32>
        %and3A_275 = arith.constant 2147483647 : i32
        %and3A_276 = vector.broadcast %and3A_275 : i32 to vector<16xi32>
        %and3A_277 = arith.andi %not3A_274, %and3A_276 : vector<16xi32>
        %or3A_278 = arith.constant -2147483648 : i32
        %or3A_279 = vector.broadcast %or3A_278 : i32 to vector<16xi32>
        %or3A_280 = arith.ori %and3A_277, %or3A_279 : vector<16xi32>
        %xor3A_281 = arith.xori %bitcast_convert_type3A_269, %or3A_280 : vector<16xi32>
        %min3A_282 = arith.minsi %min3A_261, %xor3A_281 : vector<16xi32>
        %max3A_283 = arith.maxsi %max3A_262, %xor3A_281 : vector<16xi32>
        scf.yield %min3A_282, %max3A_283 : vector<16xi32>, vector<16xi32>
      }
      %scan3A_24 = arith.constant 256 : i32
      %reduce_min3A = arith.constant true
      %reduce_min3A_25 = vector.broadcast %reduce_min3A : i1 to vector<16xi1>
      %reduce_min3A_26 = arith.constant -2147483648 : i32
      %reduce_min3A_27 = vector.broadcast %reduce_min3A_26 : i32 to vector<16xi32>
      %reduce_min3A_28 = arith.xori %scan3A_23#0, %reduce_min3A_27 : vector<16xi32>
      %reduce_min3A_29 = tpu.scan <min>, %reduce_min3A_28 masked %reduce_min3A_25 : vector<16xi32>, vector<16xi1> -> vector<16xi32>
      %reduce_min3A_30 = arith.xori %reduce_min3A_29, %reduce_min3A_27 : vector<16xi32>
      %reduce_min3A_31 = vector.extract %reduce_min3A_30[15] : i32 from vector<16xi32>
      %reduce_max3A = arith.constant true
      %reduce_max3A_32 = vector.broadcast %reduce_max3A : i1 to vector<16xi1>
      %reduce_max3A_33 = arith.constant -2147483648 : i32
      %reduce_max3A_34 = vector.broadcast %reduce_max3A_33 : i32 to vector<16xi32>
      %reduce_max3A_35 = arith.xori %scan3A_23#1, %reduce_max3A_34 : vector<16xi32>
      %reduce_max3A_36 = tpu.scan <max>, %reduce_max3A_35 masked %reduce_max3A_32 : vector<16xi32>, vector<16xi1> -> vector<16xi32>
      %reduce_max3A_37 = arith.xori %reduce_max3A_36, %reduce_max3A_34 : vector<16xi32>
      %reduce_max3A_38 = vector.extract %reduce_max3A_37[15] : i32 from vector<16xi32>
      %sub3A = arith.subi %reduce_max3A_38, %reduce_min3A_31 : i32
      %shift_right_logical3A = arith.constant 8 : i32
      %shift_right_logical3A_39 = arith.shrui %sub3A, %shift_right_logical3A : i32
      %ne3A = arith.constant 0 : i32
      %ne3A_40 = arith.cmpi ne, %shift_right_logical3A_39, %ne3A : i32
      %convert_element_type3A = arith.extui %ne3A_40 : i1 to i32
      %add3A_41 = arith.constant 1 : i32
      %add3A_42 = arith.addi %add3A_41, %convert_element_type3A : i32
      %shift_right_logical3A_43 = arith.constant 16 : i32
      %shift_right_logical3A_44 = arith.shrui %sub3A, %shift_right_logical3A_43 : i32
      %ne3A_45 = arith.constant 0 : i32
      %ne3A_46 = arith.cmpi ne, %shift_right_logical3A_44, %ne3A_45 : i32
      %convert_element_type3A_47 = arith.extui %ne3A_46 : i1 to i32
      %add3A_48 = arith.addi %add3A_42, %convert_element_type3A_47 : i32
      %shift_right_logical3A_49 = arith.constant 24 : i32
      %shift_right_logical3A_50 = arith.shrui %sub3A, %shift_right_logical3A_49 : i32
      %ne3A_51 = arith.constant 0 : i32
      %ne3A_52 = arith.cmpi ne, %shift_right_logical3A_50, %ne3A_51 : i32
      %convert_element_type3A_53 = arith.extui %ne3A_52 : i1 to i32
      %add3A_54 = arith.addi %add3A_48, %convert_element_type3A_53 : i32
      %scan3A_55 = arith.constant 0 : i32
      %scan3A_56 = arith.constant 0 : i32
      %scan3A_57 = arith.constant 256 : i32
      %scan3A_58 = arith.addi %scan3A_56, %scan3A_57 : i32
      %scan3A_59 = arith.constant 4 : i32
      %scan3A_60 = scf.for %scan3A_123 = %scan3A_56 to %scan3A_58 step %scan3A_59 iter_args(%scan3A_124 = %scan3A_55) -> (i32)  : i32 {
        %mul3A_125 = arith.constant 16 : i32
        %mul3A_126 = arith.muli %scan3A_123, %mul3A_125 : i32
        %swap3A = arith.index_cast %mul3A_126 : i32 to index
        %swap3A_127 = tpu.vector_load %arg9[%swap3A] {strides = array<i32>} : memref<4096xi32, #tpu.memory_space<vmem>>, vector<16xi32>,
        tpu.vector_store %arg9[%swap3A], %broadcast_in_dim3A_3 {strides = array<i32>} : memref<4096xi32, #tpu.memory_space<vmem>>, vector<16xi32>,
        %mul3A_128 = arith.constant 16 : i32
        %mul3A_129 = arith.muli %scan3A_123, %mul3A_128 : i32
        %swap3A_130 = arith.index_cast %mul3A_129 : i32 to index
        %swap3A_131 = tpu.vector_load %arg10[%swap3A_130] {strides = array<i32>} : memref<4096xi32, #tpu.memory_space<vmem>>, vector<16xi32>,
        tpu.vector_store %arg10[%swap3A_130], %broadcast_in_dim3A_3 {strides = array<i32>} : memref<4096xi32, #tpu.memory_space<vmem>>, vector<16xi32>,
        %mul3A_132 = arith.constant 16 : i32
        %mul3A_133 = arith.muli %scan3A_123, %mul3A_132 : i32
        %swap3A_134 = arith.index_cast %mul3A_133 : i32 to index
        %swap3A_135 = tpu.vector_load %arg11[%swap3A_134] {strides = array<i32>} : memref<4096xi32, #tpu.memory_space<vmem>>, vector<16xi32>,
        tpu.vector_store %arg11[%swap3A_134], %broadcast_in_dim3A_3 {strides = array<i32>} : memref<4096xi32, #tpu.memory_space<vmem>>, vector<16xi32>,
        %mul3A_136 = arith.constant 16 : i32
        %mul3A_137 = arith.muli %scan3A_123, %mul3A_136 : i32
        %swap3A_138 = arith.index_cast %mul3A_137 : i32 to index
        %swap3A_139 = tpu.vector_load %arg12[%swap3A_138] {strides = array<i32>} : memref<4096xi32, #tpu.memory_space<vmem>>, vector<16xi32>,
        tpu.vector_store %arg12[%swap3A_138], %broadcast_in_dim3A_3 {strides = array<i32>} : memref<4096xi32, #tpu.memory_space<vmem>>, vector<16xi32>,
        %scan3A_140 = arith.constant 0 : i32
        %scan3A_141 = arith.constant 1 : i32
        %scan3A_142 = arith.addi %scan3A_123, %scan3A_141 : i32
        %mul3A_143 = arith.constant 16 : i32
        %mul3A_144 = arith.muli %scan3A_142, %mul3A_143 : i32
        %swap3A_145 = arith.index_cast %mul3A_144 : i32 to index
        %swap3A_146 = tpu.vector_load %arg9[%swap3A_145] {strides = array<i32>} : memref<4096xi32, #tpu.memory_space<vmem>>, vector<16xi32>,
        tpu.vector_store %arg9[%swap3A_145], %broadcast_in_dim3A_3 {strides = array<i32>} : memref<4096xi32, #tpu.memory_space<vmem>>, vector<16xi32>,
        %mul3A_147 = arith.constant 16 : i32
        %mul3A_148 = arith.muli %scan3A_142, %mul3A_147 : i32
        %swap3A_149 = arith.index_cast %mul3A_148 : i32 to index
        %swap3A_150 = tpu.vector_load %arg10[%swap3A_149] {strides = array<i32>} : memref<4096xi32, #tpu.memory_space<vmem>>, vector<16xi32>,
        tpu.vector_store %arg10[%swap3A_149], %broadcast_in_dim3A_3 {strides = array<i32>} : memref<4096xi32, #tpu.memory_space<vmem>>, vector<16xi32>,
        %mul3A_151 = arith.constant 16 : i32
        %mul3A_152 = arith.muli %scan3A_142, %mul3A_151 : i32
        %swap3A_153 = arith.index_cast %mul3A_152 : i32 to index
        %swap3A_154 = tpu.vector_load %arg11[%swap3A_153] {strides = array<i32>} : memref<4096xi32, #tpu.memory_space<vmem>>, vector<16xi32>,
        tpu.vector_store %arg11[%swap3A_153], %broadcast_in_dim3A_3 {strides = array<i32>} : memref<4096xi32, #tpu.memory_space<vmem>>, vector<16xi32>,
        %mul3A_155 = arith.constant 16 : i32
        %mul3A_156 = arith.muli %scan3A_142, %mul3A_155 : i32
        %swap3A_157 = arith.index_cast %mul3A_156 : i32 to index
        %swap3A_158 = tpu.vector_load %arg12[%swap3A_157] {strides = array<i32>} : memref<4096xi32, #tpu.memory_space<vmem>>, vector<16xi32>,
        tpu.vector_store %arg12[%swap3A_157], %broadcast_in_dim3A_3 {strides = array<i32>} : memref<4096xi32, #tpu.memory_space<vmem>>, vector<16xi32>,
        %scan3A_159 = arith.constant 0 : i32
        %scan3A_160 = arith.constant 2 : i32
        %scan3A_161 = arith.addi %scan3A_123, %scan3A_160 : i32
        %mul3A_162 = arith.constant 16 : i32
        %mul3A_163 = arith.muli %scan3A_161, %mul3A_162 : i32
        %swap3A_164 = arith.index_cast %mul3A_163 : i32 to index
        %swap3A_165 = tpu.vector_load %arg9[%swap3A_164] {strides = array<i32>} : memref<4096xi32, #tpu.memory_space<vmem>>, vector<16xi32>,
        tpu.vector_store %arg9[%swap3A_164], %broadcast_in_dim3A_3 {strides = array<i32>} : memref<4096xi32, #tpu.memory_space<vmem>>, vector<16xi32>,
        %mul3A_166 = arith.constant 16 : i32
        %mul3A_167 = arith.muli %scan3A_161, %mul3A_166 : i32
        %swap3A_168 = arith.index_cast %mul3A_167 : i32 to index
        %swap3A_169 = tpu.vector_load %arg10[%swap3A_168] {strides = array<i32>} : memref<4096xi32, #tpu.memory_space<vmem>>, vector<16xi32>,
        tpu.vector_store %arg10[%swap3A_168], %broadcast_in_dim3A_3 {strides = array<i32>} : memref<4096xi32, #tpu.memory_space<vmem>>, vector<16xi32>,
        %mul3A_170 = arith.constant 16 : i32
        %mul3A_171 = arith.muli %scan3A_161, %mul3A_170 : i32
        %swap3A_172 = arith.index_cast %mul3A_171 : i32 to index
        %swap3A_173 = tpu.vector_load %arg11[%swap3A_172] {strides = array<i32>} : memref<4096xi32, #tpu.memory_space<vmem>>, vector<16xi32>,
        tpu.vector_store %arg11[%swap3A_172], %broadcast_in_dim3A_3 {strides = array<i32>} : memref<4096xi32, #tpu.memory_space<vmem>>, vector<16xi32>,
        %mul3A_174 = arith.constant 16 : i32
        %mul3A_175 = arith.muli %scan3A_161, %mul3A_174 : i32
        %swap3A_176 = arith.index_cast %mul3A_175 : i32 to index
        %swap3A_177 = tpu.vector_load %arg12[%swap3A_176] {strides = array<i32>} : memref<4096xi32, #tpu.memory_space<vmem>>, vector<16xi32>,
        tpu.vector_store %arg12[%swap3A_176], %broadcast_in_dim3A_3 {strides = array<i32>} : memref<4096xi32, #tpu.memory_space<vmem>>, vector<16xi32>,
        %scan3A_178 = arith.constant 0 : i32
        %scan3A_179 = arith.constant 3 : i32
        %scan3A_180 = arith.addi %scan3A_123, %scan3A_179 : i32
        %mul3A_181 = arith.constant 16 : i32
        %mul3A_182 = arith.muli %scan3A_180, %mul3A_181 : i32
        %swap3A_183 = arith.index_cast %mul3A_182 : i32 to index
        %swap3A_184 = tpu.vector_load %arg9[%swap3A_183] {strides = array<i32>} : memref<4096xi32, #tpu.memory_space<vmem>>, vector<16xi32>,
        tpu.vector_store %arg9[%swap3A_183], %broadcast_in_dim3A_3 {strides = array<i32>} : memref<4096xi32, #tpu.memory_space<vmem>>, vector<16xi32>,
        %mul3A_185 = arith.constant 16 : i32
        %mul3A_186 = arith.muli %scan3A_180, %mul3A_185 : i32
        %swap3A_187 = arith.index_cast %mul3A_186 : i32 to index
        %swap3A_188 = tpu.vector_load %arg10[%swap3A_187] {strides = array<i32>} : memref<4096xi32, #tpu.memory_space<vmem>>, vector<16xi32>,
        tpu.vector_store %arg10[%swap3A_187], %broadcast_in_dim3A_3 {strides = array<i32>} : memref<4096xi32, #tpu.memory_space<vmem>>, vector<16xi32>,
        %mul3A_189 = arith.constant 16 : i32
        %mul3A_190 = arith.muli %scan3A_180, %mul3A_189 : i32
        %swap3A_191 = arith.index_cast %mul3A_190 : i32 to index
        %swap3A_192 = tpu.vector_load %arg11[%swap3A_191] {strides = array<i32>} : memref<4096xi32, #tpu.memory_space<vmem>>, vector<16xi32>,
        tpu.vector_store %arg11[%swap3A_191], %broadcast_in_dim3A_3 {strides = array<i32>} : memref<4096xi32, #tpu.memory_space<vmem>>, vector<16xi32>,
        %mul3A_193 = arith.constant 16 : i32
        %mul3A_194 = arith.muli %scan3A_180, %mul3A_193 : i32
        %swap3A_195 = arith.index_cast %mul3A_194 : i32 to index
        %swap3A_196 = tpu.vector_load %arg12[%swap3A_195] {strides = array<i32>} : memref<4096xi32, #tpu.memory_space<vmem>>, vector<16xi32>,
        tpu.vector_store %arg12[%swap3A_195], %broadcast_in_dim3A_3 {strides = array<i32>} : memref<4096xi32, #tpu.memory_space<vmem>>, vector<16xi32>,
        %scan3A_197 = arith.constant 0 : i32
        scf.yield %scan3A_197 : i32
      }
      %scan3A_61 = arith.constant 256 : i32
      %scan3A_62 = arith.constant 0 : i32
      %scan3A_63 = arith.constant 0 : i32
      %scan3A_64 = arith.constant 64 : i32
      %scan3A_65 = arith.addi %scan3A_63, %scan3A_64 : i32
      %scan3A_66 = arith.constant 2 : i32
      %scan3A_67 = scf.for %scan3A_123 = %scan3A_63 to %scan3A_65 step %scan3A_66 iter_args(%scan3A_124 = %scan3A_62) -> (i32)  : i32 {
        %add3A_125 = arith.constant 0 : i32
        %add3A_126 = arith.addi %scan3A_123, %add3A_125 : i32
        %mul3A_127 = arith.constant 256 : i32
        %mul3A_128 = vector.broadcast %mul3A_127 : i32 to vector<16xi32>
        %mul3A_129 = arith.muli %iota3A, %mul3A_128 : vector<16xi32>
        %add3A_130 = vector.broadcast %add3A_126 : i32 to vector<16xi32>
        %add3A_131 = arith.addi %mul3A_129, %add3A_130 : vector<16xi32>
        %gather3A = tpu.vector_load_idx %arg4[%add3A_131] : memref<4096xf32, #tpu.memory_space<vmem>>[vector<16xi32>], vector<16xf32>,
        %bitcast_convert_type3A = tpu.bitcast %gather3A : vector<16xf32> -> vector<16xi32>
        %shift_right_arithmetic3A = arith.constant 31 : i32
        %shift_right_arithmetic3A_132 = vector.broadcast %shift_right_arithmetic3A : i32 to vector<16xi32>
        %shift_right_arithmetic3A_133 = arith.shrsi %bitcast_convert_type3A, %shift_right_arithmetic3A_132 : vector<16xi32>
        %not3A = arith.constant dense<-1> : vector<16xi32>
        %not3A_134 = arith.xori %shift_right_arithmetic3A_133, %not3A : vector<16xi32>
        %and3A_135 = arith.constant 2147483647 : i32
        %and3A_136 = vector.broadcast %and3A_135 : i32 to vector<16xi32>
        %and3A_137 = arith.andi %not3A_134, %and3A_136 : vector<16xi32>
        %or3A = arith.constant -2147483648 : i32
        %or3A_138 = vector.broadcast %or3A : i32 to vector<16xi32>
        %or3A_139 = arith.ori %and3A_137, %or3A_138 : vector<16xi32>
        %xor3A = arith.xori %bitcast_convert_type3A, %or3A_139 : vector<16xi32>
        %sub3A_140 = vector.broadcast %reduce_min3A_31 : i32 to vector<16xi32>
        %sub3A_141 = arith.subi %xor3A, %sub3A_140 : vector<16xi32>
        %shift_right_logical3A_142 = arith.constant 0 : i32
        %shift_right_logical3A_143 = vector.broadcast %shift_right_logical3A_142 : i32 to vector<16xi32>
        %shift_right_logical3A_144 = arith.shrui %sub3A_141, %shift_right_logical3A_143 : vector<16xi32>
        %and3A_145 = arith.constant 255 : i32
        %and3A_146 = vector.broadcast %and3A_145 : i32 to vector<16xi32>
        %and3A_147 = arith.andi %shift_right_logical3A_144, %and3A_146 : vector<16xi32>
        %mul3A_148 = arith.constant 16 : i32
        %mul3A_149 = vector.broadcast %mul3A_148 : i32 to vector<16xi32>
        %mul3A_150 = arith.muli %and3A_147, %mul3A_149 : vector<16xi32>
        %add3A_151 = arith.addi %mul3A_150, %iota3A : vector<16xi32>
        tpu.vector_store_idx %arg9[%add3A_151], %broadcast_in_dim3A_1 {add = true} : memref<4096xi32, #tpu.memory_space<vmem>>[vector<16xi32>], vector<16xi32>,
        %add3A_152 = arith.constant 64 : i32
        %add3A_153 = arith.addi %scan3A_123, %add3A_152 : i32
        %mul3A_154 = arith.constant 256 : i32
        %mul3A_155 = vector.broadcast %mul3A_154 : i32 to vector<16xi32>
        %mul3A_156 = arith.muli %iota3A, %mul3A_155 : vector<16xi32>
        %add3A_157 = vector.broadcast %add3A_153 : i32 to vector<16xi32>
        %add3A_158 = arith.addi %mul3A_156, %add3A_157 : vector<16xi32>
        %gather3A_159 = tpu.vector_load_idx %arg4[%add3A_158] : memref<4096xf32, #tpu.memory_space<vmem>>[vector<16xi32>], vector<16xf32>,
        %bitcast_convert_type3A_160 = tpu.bitcast %gather3A_159 : vector<16xf32> -> vector<16xi32>
        %shift_right_arithmetic3A_161 = arith.constant 31 : i32
        %shift_right_arithmetic3A_162 = vector.broadcast %shift_right_arithmetic3A_161 : i32 to vector<16xi32>
        %shift_right_arithmetic3A_163 = arith.shrsi %bitcast_convert_type3A_160, %shift_right_arithmetic3A_162 : vector<16xi32>
        %not3A_164 = arith.constant dense<-1> : vector<16xi32>
        %not3A_165 = arith.xori %shift_right_arithmetic3A_163, %not3A_164 : vector<16xi32>
        %and3A_166 = arith.constant 2147483647 : i32
        %and3A_167 = vector.broadcast %and3A_166 : i32 to vector<16xi32>
        %and3A_168 = arith.andi %not3A_165, %and3A_167 : vector<16xi32>
        %or3A_169 = arith.constant -2147483648 : i32
        %or3A_170 = vector.broadcast %or3A_169 : i32 to vector<16xi32>
        %or3A_171 = arith.ori %and3A_168, %or3A_170 : vector<16xi32>
        %xor3A_172 = arith.xori %bitcast_convert_type3A_160, %or3A_171 : vector<16xi32>
        %sub3A_173 = vector.broadcast %reduce_min3A_31 : i32 to vector<16xi32>
        %sub3A_174 = arith.subi %xor3A_172, %sub3A_173 : vector<16xi32>
        %shift_right_logical3A_175 = arith.constant 0 : i32
        %shift_right_logical3A_176 = vector.broadcast %shift_right_logical3A_175 : i32 to vector<16xi32>
        %shift_right_logical3A_177 = arith.shrui %sub3A_174, %shift_right_logical3A_176 : vector<16xi32>
        %and3A_178 = arith.constant 255 : i32
        %and3A_179 = vector.broadcast %and3A_178 : i32 to vector<16xi32>
        %and3A_180 = arith.andi %shift_right_logical3A_177, %and3A_179 : vector<16xi32>
        %mul3A_181 = arith.constant 16 : i32
        %mul3A_182 = vector.broadcast %mul3A_181 : i32 to vector<16xi32>
        %mul3A_183 = arith.muli %and3A_180, %mul3A_182 : vector<16xi32>
        %add3A_184 = arith.addi %mul3A_183, %iota3A : vector<16xi32>
        tpu.vector_store_idx %arg10[%add3A_184], %broadcast_in_dim3A_1 {add = true} : memref<4096xi32, #tpu.memory_space<vmem>>[vector<16xi32>], vector<16xi32>,
        %add3A_185 = arith.constant 128 : i32
        %add3A_186 = arith.addi %scan3A_123, %add3A_185 : i32
        %mul3A_187 = arith.constant 256 : i32
        %mul3A_188 = vector.broadcast %mul3A_187 : i32 to vector<16xi32>
        %mul3A_189 = arith.muli %iota3A, %mul3A_188 : vector<16xi32>
        %add3A_190 = vector.broadcast %add3A_186 : i32 to vector<16xi32>
        %add3A_191 = arith.addi %mul3A_189, %add3A_190 : vector<16xi32>
        %gather3A_192 = tpu.vector_load_idx %arg4[%add3A_191] : memref<4096xf32, #tpu.memory_space<vmem>>[vector<16xi32>], vector<16xf32>,
        %bitcast_convert_type3A_193 = tpu.bitcast %gather3A_192 : vector<16xf32> -> vector<16xi32>
        %shift_right_arithmetic3A_194 = arith.constant 31 : i32
        %shift_right_arithmetic3A_195 = vector.broadcast %shift_right_arithmetic3A_194 : i32 to vector<16xi32>
        %shift_right_arithmetic3A_196 = arith.shrsi %bitcast_convert_type3A_193, %shift_right_arithmetic3A_195 : vector<16xi32>
        %not3A_197 = arith.constant dense<-1> : vector<16xi32>
        %not3A_198 = arith.xori %shift_right_arithmetic3A_196, %not3A_197 : vector<16xi32>
        %and3A_199 = arith.constant 2147483647 : i32
        %and3A_200 = vector.broadcast %and3A_199 : i32 to vector<16xi32>
        %and3A_201 = arith.andi %not3A_198, %and3A_200 : vector<16xi32>
        %or3A_202 = arith.constant -2147483648 : i32
        %or3A_203 = vector.broadcast %or3A_202 : i32 to vector<16xi32>
        %or3A_204 = arith.ori %and3A_201, %or3A_203 : vector<16xi32>
        %xor3A_205 = arith.xori %bitcast_convert_type3A_193, %or3A_204 : vector<16xi32>
        %sub3A_206 = vector.broadcast %reduce_min3A_31 : i32 to vector<16xi32>
        %sub3A_207 = arith.subi %xor3A_205, %sub3A_206 : vector<16xi32>
        %shift_right_logical3A_208 = arith.constant 0 : i32
        %shift_right_logical3A_209 = vector.broadcast %shift_right_logical3A_208 : i32 to vector<16xi32>
        %shift_right_logical3A_210 = arith.shrui %sub3A_207, %shift_right_logical3A_209 : vector<16xi32>
        %and3A_211 = arith.constant 255 : i32
        %and3A_212 = vector.broadcast %and3A_211 : i32 to vector<16xi32>
        %and3A_213 = arith.andi %shift_right_logical3A_210, %and3A_212 : vector<16xi32>
        %mul3A_214 = arith.constant 16 : i32
        %mul3A_215 = vector.broadcast %mul3A_214 : i32 to vector<16xi32>
        %mul3A_216 = arith.muli %and3A_213, %mul3A_215 : vector<16xi32>
        %add3A_217 = arith.addi %mul3A_216, %iota3A : vector<16xi32>
        tpu.vector_store_idx %arg11[%add3A_217], %broadcast_in_dim3A_1 {add = true} : memref<4096xi32, #tpu.memory_space<vmem>>[vector<16xi32>], vector<16xi32>,
        %add3A_218 = arith.constant 192 : i32
        %add3A_219 = arith.addi %scan3A_123, %add3A_218 : i32
        %mul3A_220 = arith.constant 256 : i32
        %mul3A_221 = vector.broadcast %mul3A_220 : i32 to vector<16xi32>
        %mul3A_222 = arith.muli %iota3A, %mul3A_221 : vector<16xi32>
        %add3A_223 = vector.broadcast %add3A_219 : i32 to vector<16xi32>
        %add3A_224 = arith.addi %mul3A_222, %add3A_223 : vector<16xi32>
        %gather3A_225 = tpu.vector_load_idx %arg4[%add3A_224] : memref<4096xf32, #tpu.memory_space<vmem>>[vector<16xi32>], vector<16xf32>,
        %bitcast_convert_type3A_226 = tpu.bitcast %gather3A_225 : vector<16xf32> -> vector<16xi32>
        %shift_right_arithmetic3A_227 = arith.constant 31 : i32
        %shift_right_arithmetic3A_228 = vector.broadcast %shift_right_arithmetic3A_227 : i32 to vector<16xi32>
        %shift_right_arithmetic3A_229 = arith.shrsi %bitcast_convert_type3A_226, %shift_right_arithmetic3A_228 : vector<16xi32>
        %not3A_230 = arith.constant dense<-1> : vector<16xi32>
        %not3A_231 = arith.xori %shift_right_arithmetic3A_229, %not3A_230 : vector<16xi32>
        %and3A_232 = arith.constant 2147483647 : i32
        %and3A_233 = vector.broadcast %and3A_232 : i32 to vector<16xi32>
        %and3A_234 = arith.andi %not3A_231, %and3A_233 : vector<16xi32>
        %or3A_235 = arith.constant -2147483648 : i32
        %or3A_236 = vector.broadcast %or3A_235 : i32 to vector<16xi32>
        %or3A_237 = arith.ori %and3A_234, %or3A_236 : vector<16xi32>
        %xor3A_238 = arith.xori %bitcast_convert_type3A_226, %or3A_237 : vector<16xi32>
        %sub3A_239 = vector.broadcast %reduce_min3A_31 : i32 to vector<16xi32>
        %sub3A_240 = arith.subi %xor3A_238, %sub3A_239 : vector<16xi32>
        %shift_right_logical3A_241 = arith.constant 0 : i32
        %shift_right_logical3A_242 = vector.broadcast %shift_right_logical3A_241 : i32 to vector<16xi32>
        %shift_right_logical3A_243 = arith.shrui %sub3A_240, %shift_right_logical3A_242 : vector<16xi32>
        %and3A_244 = arith.constant 255 : i32
        %and3A_245 = vector.broadcast %and3A_244 : i32 to vector<16xi32>
        %and3A_246 = arith.andi %shift_right_logical3A_243, %and3A_245 : vector<16xi32>
        %mul3A_247 = arith.constant 16 : i32
        %mul3A_248 = vector.broadcast %mul3A_247 : i32 to vector<16xi32>
        %mul3A_249 = arith.muli %and3A_246, %mul3A_248 : vector<16xi32>
        %add3A_250 = arith.addi %mul3A_249, %iota3A : vector<16xi32>
        tpu.vector_store_idx %arg12[%add3A_250], %broadcast_in_dim3A_1 {add = true} : memref<4096xi32, #tpu.memory_space<vmem>>[vector<16xi32>], vector<16xi32>,
        %scan3A_251 = arith.constant 0 : i32
        %scan3A_252 = arith.constant 1 : i32
        %scan3A_253 = arith.addi %scan3A_123, %scan3A_252 : i32
        %add3A_254 = arith.constant 0 : i32
        %add3A_255 = arith.addi %scan3A_253, %add3A_254 : i32
        %mul3A_256 = arith.constant 256 : i32
        %mul3A_257 = vector.broadcast %mul3A_256 : i32 to vector<16xi32>
        %mul3A_258 = arith.muli %iota3A, %mul3A_257 : vector<16xi32>
        %add3A_259 = vector.broadcast %add3A_255 : i32 to vector<16xi32>
        %add3A_260 = arith.addi %mul3A_258, %add3A_259 : vector<16xi32>
        %gather3A_261 = tpu.vector_load_idx %arg4[%add3A_260] : memref<4096xf32, #tpu.memory_space<vmem>>[vector<16xi32>], vector<16xf32>,
        %bitcast_convert_type3A_262 = tpu.bitcast %gather3A_261 : vector<16xf32> -> vector<16xi32>
        %shift_right_arithmetic3A_263 = arith.constant 31 : i32
        %shift_right_arithmetic3A_264 = vector.broadcast %shift_right_arithmetic3A_263 : i32 to vector<16xi32>
        %shift_right_arithmetic3A_265 = arith.shrsi %bitcast_convert_type3A_262, %shift_right_arithmetic3A_264 : vector<16xi32>
        %not3A_266 = arith.constant dense<-1> : vector<16xi32>
        %not3A_267 = arith.xori %shift_right_arithmetic3A_265, %not3A_266 : vector<16xi32>
        %and3A_268 = arith.constant 2147483647 : i32
        %and3A_269 = vector.broadcast %and3A_268 : i32 to vector<16xi32>
        %and3A_270 = arith.andi %not3A_267, %and3A_269 : vector<16xi32>
        %or3A_271 = arith.constant -2147483648 : i32
        %or3A_272 = vector.broadcast %or3A_271 : i32 to vector<16xi32>
        %or3A_273 = arith.ori %and3A_270, %or3A_272 : vector<16xi32>
        %xor3A_274 = arith.xori %bitcast_convert_type3A_262, %or3A_273 : vector<16xi32>
        %sub3A_275 = vector.broadcast %reduce_min3A_31 : i32 to vector<16xi32>
        %sub3A_276 = arith.subi %xor3A_274, %sub3A_275 : vector<16xi32>
        %shift_right_logical3A_277 = arith.constant 0 : i32
        %shift_right_logical3A_278 = vector.broadcast %shift_right_logical3A_277 : i32 to vector<16xi32>
        %shift_right_logical3A_279 = arith.shrui %sub3A_276, %shift_right_logical3A_278 : vector<16xi32>
        %and3A_280 = arith.constant 255 : i32
        %and3A_281 = vector.broadcast %and3A_280 : i32 to vector<16xi32>
        %and3A_282 = arith.andi %shift_right_logical3A_279, %and3A_281 : vector<16xi32>
        %mul3A_283 = arith.constant 16 : i32
        %mul3A_284 = vector.broadcast %mul3A_283 : i32 to vector<16xi32>
        %mul3A_285 = arith.muli %and3A_282, %mul3A_284 : vector<16xi32>
        %add3A_286 = arith.addi %mul3A_285, %iota3A : vector<16xi32>
        tpu.vector_store_idx %arg9[%add3A_286], %broadcast_in_dim3A_1 {add = true} : memref<4096xi32, #tpu.memory_space<vmem>>[vector<16xi32>], vector<16xi32>,
        %add3A_287 = arith.constant 64 : i32
        %add3A_288 = arith.addi %scan3A_253, %add3A_287 : i32
        %mul3A_289 = arith.constant 256 : i32
        %mul3A_290 = vector.broadcast %mul3A_289 : i32 to vector<16xi32>
        %mul3A_291 = arith.muli %iota3A, %mul3A_290 : vector<16xi32>
        %add3A_292 = vector.broadcast %add3A_288 : i32 to vector<16xi32>
        %add3A_293 = arith.addi %mul3A_291, %add3A_292 : vector<16xi32>
        %gather3A_294 = tpu.vector_load_idx %arg4[%add3A_293] : memref<4096xf32, #tpu.memory_space<vmem>>[vector<16xi32>], vector<16xf32>,
        %bitcast_convert_type3A_295 = tpu.bitcast %gather3A_294 : vector<16xf32> -> vector<16xi32>
        %shift_right_arithmetic3A_296 = arith.constant 31 : i32
        %shift_right_arithmetic3A_297 = vector.broadcast %shift_right_arithmetic3A_296 : i32 to vector<16xi32>
        %shift_right_arithmetic3A_298 = arith.shrsi %bitcast_convert_type3A_295, %shift_right_arithmetic3A_297 : vector<16xi32>
        %not3A_299 = arith.constant dense<-1> : vector<16xi32>
        %not3A_300 = arith.xori %shift_right_arithmetic3A_298, %not3A_299 : vector<16xi32>
        %and3A_301 = arith.constant 2147483647 : i32
        %and3A_302 = vector.broadcast %and3A_301 : i32 to vector<16xi32>
        %and3A_303 = arith.andi %not3A_300, %and3A_302 : vector<16xi32>
        %or3A_304 = arith.constant -2147483648 : i32
        %or3A_305 = vector.broadcast %or3A_304 : i32 to vector<16xi32>
        %or3A_306 = arith.ori %and3A_303, %or3A_305 : vector<16xi32>
        %xor3A_307 = arith.xori %bitcast_convert_type3A_295, %or3A_306 : vector<16xi32>
        %sub3A_308 = vector.broadcast %reduce_min3A_31 : i32 to vector<16xi32>
        %sub3A_309 = arith.subi %xor3A_307, %sub3A_308 : vector<16xi32>
        %shift_right_logical3A_310 = arith.constant 0 : i32
        %shift_right_logical3A_311 = vector.broadcast %shift_right_logical3A_310 : i32 to vector<16xi32>
        %shift_right_logical3A_312 = arith.shrui %sub3A_309, %shift_right_logical3A_311 : vector<16xi32>
        %and3A_313 = arith.constant 255 : i32
        %and3A_314 = vector.broadcast %and3A_313 : i32 to vector<16xi32>
        %and3A_315 = arith.andi %shift_right_logical3A_312, %and3A_314 : vector<16xi32>
        %mul3A_316 = arith.constant 16 : i32
        %mul3A_317 = vector.broadcast %mul3A_316 : i32 to vector<16xi32>
        %mul3A_318 = arith.muli %and3A_315, %mul3A_317 : vector<16xi32>
        %add3A_319 = arith.addi %mul3A_318, %iota3A : vector<16xi32>
        tpu.vector_store_idx %arg10[%add3A_319], %broadcast_in_dim3A_1 {add = true} : memref<4096xi32, #tpu.memory_space<vmem>>[vector<16xi32>], vector<16xi32>,
        %add3A_320 = arith.constant 128 : i32
        %add3A_321 = arith.addi %scan3A_253, %add3A_320 : i32
        %mul3A_322 = arith.constant 256 : i32
        %mul3A_323 = vector.broadcast %mul3A_322 : i32 to vector<16xi32>
        %mul3A_324 = arith.muli %iota3A, %mul3A_323 : vector<16xi32>
        %add3A_325 = vector.broadcast %add3A_321 : i32 to vector<16xi32>
        %add3A_326 = arith.addi %mul3A_324, %add3A_325 : vector<16xi32>
        %gather3A_327 = tpu.vector_load_idx %arg4[%add3A_326] : memref<4096xf32, #tpu.memory_space<vmem>>[vector<16xi32>], vector<16xf32>,
        %bitcast_convert_type3A_328 = tpu.bitcast %gather3A_327 : vector<16xf32> -> vector<16xi32>
        %shift_right_arithmetic3A_329 = arith.constant 31 : i32
        %shift_right_arithmetic3A_330 = vector.broadcast %shift_right_arithmetic3A_329 : i32 to vector<16xi32>
        %shift_right_arithmetic3A_331 = arith.shrsi %bitcast_convert_type3A_328, %shift_right_arithmetic3A_330 : vector<16xi32>
        %not3A_332 = arith.constant dense<-1> : vector<16xi32>
        %not3A_333 = arith.xori %shift_right_arithmetic3A_331, %not3A_332 : vector<16xi32>
        %and3A_334 = arith.constant 2147483647 : i32
        %and3A_335 = vector.broadcast %and3A_334 : i32 to vector<16xi32>
        %and3A_336 = arith.andi %not3A_333, %and3A_335 : vector<16xi32>
        %or3A_337 = arith.constant -2147483648 : i32
        %or3A_338 = vector.broadcast %or3A_337 : i32 to vector<16xi32>
        %or3A_339 = arith.ori %and3A_336, %or3A_338 : vector<16xi32>
        %xor3A_340 = arith.xori %bitcast_convert_type3A_328, %or3A_339 : vector<16xi32>
        %sub3A_341 = vector.broadcast %reduce_min3A_31 : i32 to vector<16xi32>
        %sub3A_342 = arith.subi %xor3A_340, %sub3A_341 : vector<16xi32>
        %shift_right_logical3A_343 = arith.constant 0 : i32
        %shift_right_logical3A_344 = vector.broadcast %shift_right_logical3A_343 : i32 to vector<16xi32>
        %shift_right_logical3A_345 = arith.shrui %sub3A_342, %shift_right_logical3A_344 : vector<16xi32>
        %and3A_346 = arith.constant 255 : i32
        %and3A_347 = vector.broadcast %and3A_346 : i32 to vector<16xi32>
        %and3A_348 = arith.andi %shift_right_logical3A_345, %and3A_347 : vector<16xi32>
        %mul3A_349 = arith.constant 16 : i32
        %mul3A_350 = vector.broadcast %mul3A_349 : i32 to vector<16xi32>
        %mul3A_351 = arith.muli %and3A_348, %mul3A_350 : vector<16xi32>
        %add3A_352 = arith.addi %mul3A_351, %iota3A : vector<16xi32>
        tpu.vector_store_idx %arg11[%add3A_352], %broadcast_in_dim3A_1 {add = true} : memref<4096xi32, #tpu.memory_space<vmem>>[vector<16xi32>], vector<16xi32>,
        %add3A_353 = arith.constant 192 : i32
        %add3A_354 = arith.addi %scan3A_253, %add3A_353 : i32
        %mul3A_355 = arith.constant 256 : i32
        %mul3A_356 = vector.broadcast %mul3A_355 : i32 to vector<16xi32>
        %mul3A_357 = arith.muli %iota3A, %mul3A_356 : vector<16xi32>
        %add3A_358 = vector.broadcast %add3A_354 : i32 to vector<16xi32>
        %add3A_359 = arith.addi %mul3A_357, %add3A_358 : vector<16xi32>
        %gather3A_360 = tpu.vector_load_idx %arg4[%add3A_359] : memref<4096xf32, #tpu.memory_space<vmem>>[vector<16xi32>], vector<16xf32>,
        %bitcast_convert_type3A_361 = tpu.bitcast %gather3A_360 : vector<16xf32> -> vector<16xi32>
        %shift_right_arithmetic3A_362 = arith.constant 31 : i32
        %shift_right_arithmetic3A_363 = vector.broadcast %shift_right_arithmetic3A_362 : i32 to vector<16xi32>
        %shift_right_arithmetic3A_364 = arith.shrsi %bitcast_convert_type3A_361, %shift_right_arithmetic3A_363 : vector<16xi32>
        %not3A_365 = arith.constant dense<-1> : vector<16xi32>
        %not3A_366 = arith.xori %shift_right_arithmetic3A_364, %not3A_365 : vector<16xi32>
        %and3A_367 = arith.constant 2147483647 : i32
        %and3A_368 = vector.broadcast %and3A_367 : i32 to vector<16xi32>
        %and3A_369 = arith.andi %not3A_366, %and3A_368 : vector<16xi32>
        %or3A_370 = arith.constant -2147483648 : i32
        %or3A_371 = vector.broadcast %or3A_370 : i32 to vector<16xi32>
        %or3A_372 = arith.ori %and3A_369, %or3A_371 : vector<16xi32>
        %xor3A_373 = arith.xori %bitcast_convert_type3A_361, %or3A_372 : vector<16xi32>
        %sub3A_374 = vector.broadcast %reduce_min3A_31 : i32 to vector<16xi32>
        %sub3A_375 = arith.subi %xor3A_373, %sub3A_374 : vector<16xi32>
        %shift_right_logical3A_376 = arith.constant 0 : i32
        %shift_right_logical3A_377 = vector.broadcast %shift_right_logical3A_376 : i32 to vector<16xi32>
        %shift_right_logical3A_378 = arith.shrui %sub3A_375, %shift_right_logical3A_377 : vector<16xi32>
        %and3A_379 = arith.constant 255 : i32
        %and3A_380 = vector.broadcast %and3A_379 : i32 to vector<16xi32>
        %and3A_381 = arith.andi %shift_right_logical3A_378, %and3A_380 : vector<16xi32>
        %mul3A_382 = arith.constant 16 : i32
        %mul3A_383 = vector.broadcast %mul3A_382 : i32 to vector<16xi32>
        %mul3A_384 = arith.muli %and3A_381, %mul3A_383 : vector<16xi32>
        %add3A_385 = arith.addi %mul3A_384, %iota3A : vector<16xi32>
        tpu.vector_store_idx %arg12[%add3A_385], %broadcast_in_dim3A_1 {add = true} : memref<4096xi32, #tpu.memory_space<vmem>>[vector<16xi32>], vector<16xi32>,
        %scan3A_386 = arith.constant 0 : i32
        scf.yield %scan3A_386 : i32
      }
      %scan3A_68 = arith.constant 64 : i32
      %scan3A_69 = arith.constant 0 : i32
      %scan3A_70 = arith.constant 0 : i32
      %scan3A_71 = arith.constant 256 : i32
      %scan3A_72 = arith.addi %scan3A_70, %scan3A_71 : i32
      %scan3A_73 = arith.constant 4 : i32
      %scan3A_74 = scf.for %scan3A_123 = %scan3A_70 to %scan3A_72 step %scan3A_73 iter_args(%scan3A_124 = %scan3A_69) -> (i32)  : i32 {
        %mul3A_125 = arith.constant 16 : i32
        %mul3A_126 = arith.muli %scan3A_123, %mul3A_125 : i32
        %get3A = arith.index_cast %mul3A_126 : i32 to index
        %get3A_127 = tpu.vector_load %arg9[%get3A] {strides = array<i32>} : memref<4096xi32, #tpu.memory_space<vmem>>, vector<16xi32>,
        %add3A_128 = arith.addi %broadcast_in_dim3A_3, %get3A_127 : vector<16xi32>
        %mul3A_129 = arith.constant 16 : i32
        %mul3A_130 = arith.muli %scan3A_123, %mul3A_129 : i32
        %get3A_131 = arith.index_cast %mul3A_130 : i32 to index
        %get3A_132 = tpu.vector_load %arg10[%get3A_131] {strides = array<i32>} : memref<4096xi32, #tpu.memory_space<vmem>>, vector<16xi32>,
        %add3A_133 = arith.addi %add3A_128, %get3A_132 : vector<16xi32>
        %mul3A_134 = arith.constant 16 : i32
        %mul3A_135 = arith.muli %scan3A_123, %mul3A_134 : i32
        %get3A_136 = arith.index_cast %mul3A_135 : i32 to index
        %get3A_137 = tpu.vector_load %arg11[%get3A_136] {strides = array<i32>} : memref<4096xi32, #tpu.memory_space<vmem>>, vector<16xi32>,
        %add3A_138 = arith.addi %add3A_133, %get3A_137 : vector<16xi32>
        %mul3A_139 = arith.constant 16 : i32
        %mul3A_140 = arith.muli %scan3A_123, %mul3A_139 : i32
        %get3A_141 = arith.index_cast %mul3A_140 : i32 to index
        %get3A_142 = tpu.vector_load %arg12[%get3A_141] {strides = array<i32>} : memref<4096xi32, #tpu.memory_space<vmem>>, vector<16xi32>,
        %add3A_143 = arith.addi %add3A_138, %get3A_142 : vector<16xi32>
        %broadcast_in_dim3A_144 = arith.constant true
        %broadcast_in_dim3A_145 = vector.broadcast %broadcast_in_dim3A_144 : i1 to vector<16xi1>
        %masked_cumsum3A = tpu.scan <sum>, %add3A_143 masked %broadcast_in_dim3A_145 : vector<16xi32>, vector<16xi1> -> vector<16xi32>
        %reduce_max3A_146 = arith.constant true
        %reduce_max3A_147 = vector.broadcast %reduce_max3A_146 : i1 to vector<16xi1>
        %reduce_max3A_148 = arith.constant -2147483648 : i32
        %reduce_max3A_149 = vector.broadcast %reduce_max3A_148 : i32 to vector<16xi32>
        %reduce_max3A_150 = arith.xori %masked_cumsum3A, %reduce_max3A_149 : vector<16xi32>
        %reduce_max3A_151 = tpu.scan <max>, %reduce_max3A_150 masked %reduce_max3A_147 : vector<16xi32>, vector<16xi1> -> vector<16xi32>
        %reduce_max3A_152 = arith.xori %reduce_max3A_151, %reduce_max3A_149 : vector<16xi32>
        %reduce_max3A_153 = vector.extract %reduce_max3A_152[15] : i32 from vector<16xi32>
        %add3A_154 = vector.broadcast %scan3A_123 : i32 to vector<16xi32>
        %add3A_155 = arith.addi %broadcast_in_dim3A_3, %add3A_154 : vector<16xi32>
        %add3A_156 = vector.broadcast %reduce_max3A_153 : i32 to vector<16xi32>
        %add3A_157 = arith.addi %broadcast_in_dim3A_3, %add3A_156 : vector<16xi32>
        %eq3A_158 = arith.constant 0 : i32
        %eq3A_159 = vector.broadcast %eq3A_158 : i32 to vector<16xi32>
        %eq3A_160 = arith.cmpi eq, %iota3A, %eq3A_159 : vector<16xi32>
        tpu.vector_store_idx %arg13[%add3A_155], %add3A_157 masked %eq3A_160 : memref<256xi32, #tpu.memory_space<vmem>>[vector<16xi32>], vector<16xi32>, vector<16xi1>
        %scan3A_161 = arith.constant 0 : i32
        %scan3A_162 = arith.constant 1 : i32
        %scan3A_163 = arith.addi %scan3A_123, %scan3A_162 : i32
        %mul3A_164 = arith.constant 16 : i32
        %mul3A_165 = arith.muli %scan3A_163, %mul3A_164 : i32
        %get3A_166 = arith.index_cast %mul3A_165 : i32 to index
        %get3A_167 = tpu.vector_load %arg9[%get3A_166] {strides = array<i32>} : memref<4096xi32, #tpu.memory_space<vmem>>, vector<16xi32>,
        %add3A_168 = arith.addi %broadcast_in_dim3A_3, %get3A_167 : vector<16xi32>
        %mul3A_169 = arith.constant 16 : i32
        %mul3A_170 = arith.muli %scan3A_163, %mul3A_169 : i32
        %get3A_171 = arith.index_cast %mul3A_170 : i32 to index
        %get3A_172 = tpu.vector_load %arg10[%get3A_171] {strides = array<i32>} : memref<4096xi32, #tpu.memory_space<vmem>>, vector<16xi32>,
        %add3A_173 = arith.addi %add3A_168, %get3A_172 : vector<16xi32>
        %mul3A_174 = arith.constant 16 : i32
        %mul3A_175 = arith.muli %scan3A_163, %mul3A_174 : i32
        %get3A_176 = arith.index_cast %mul3A_175 : i32 to index
        %get3A_177 = tpu.vector_load %arg11[%get3A_176] {strides = array<i32>} : memref<4096xi32, #tpu.memory_space<vmem>>, vector<16xi32>,
        %add3A_178 = arith.addi %add3A_173, %get3A_177 : vector<16xi32>
        %mul3A_179 = arith.constant 16 : i32
        %mul3A_180 = arith.muli %scan3A_163, %mul3A_179 : i32
        %get3A_181 = arith.index_cast %mul3A_180 : i32 to index
        %get3A_182 = tpu.vector_load %arg12[%get3A_181] {strides = array<i32>} : memref<4096xi32, #tpu.memory_space<vmem>>, vector<16xi32>,
        %add3A_183 = arith.addi %add3A_178, %get3A_182 : vector<16xi32>
        %broadcast_in_dim3A_184 = arith.constant true
        %broadcast_in_dim3A_185 = vector.broadcast %broadcast_in_dim3A_184 : i1 to vector<16xi1>
        %masked_cumsum3A_186 = tpu.scan <sum>, %add3A_183 masked %broadcast_in_dim3A_185 : vector<16xi32>, vector<16xi1> -> vector<16xi32>
        %reduce_max3A_187 = arith.constant true
        %reduce_max3A_188 = vector.broadcast %reduce_max3A_187 : i1 to vector<16xi1>
        %reduce_max3A_189 = arith.constant -2147483648 : i32
        %reduce_max3A_190 = vector.broadcast %reduce_max3A_189 : i32 to vector<16xi32>
        %reduce_max3A_191 = arith.xori %masked_cumsum3A_186, %reduce_max3A_190 : vector<16xi32>
        %reduce_max3A_192 = tpu.scan <max>, %reduce_max3A_191 masked %reduce_max3A_188 : vector<16xi32>, vector<16xi1> -> vector<16xi32>
        %reduce_max3A_193 = arith.xori %reduce_max3A_192, %reduce_max3A_190 : vector<16xi32>
        %reduce_max3A_194 = vector.extract %reduce_max3A_193[15] : i32 from vector<16xi32>
        %add3A_195 = vector.broadcast %scan3A_163 : i32 to vector<16xi32>
        %add3A_196 = arith.addi %broadcast_in_dim3A_3, %add3A_195 : vector<16xi32>
        %add3A_197 = vector.broadcast %reduce_max3A_194 : i32 to vector<16xi32>
        %add3A_198 = arith.addi %broadcast_in_dim3A_3, %add3A_197 : vector<16xi32>
        %eq3A_199 = arith.constant 0 : i32
        %eq3A_200 = vector.broadcast %eq3A_199 : i32 to vector<16xi32>
        %eq3A_201 = arith.cmpi eq, %iota3A, %eq3A_200 : vector<16xi32>
        tpu.vector_store_idx %arg13[%add3A_196], %add3A_198 masked %eq3A_201 : memref<256xi32, #tpu.memory_space<vmem>>[vector<16xi32>], vector<16xi32>, vector<16xi1>
        %scan3A_202 = arith.constant 0 : i32
        %scan3A_203 = arith.constant 2 : i32
        %scan3A_204 = arith.addi %scan3A_123, %scan3A_203 : i32
        %mul3A_205 = arith.constant 16 : i32
        %mul3A_206 = arith.muli %scan3A_204, %mul3A_205 : i32
        %get3A_207 = arith.index_cast %mul3A_206 : i32 to index
        %get3A_208 = tpu.vector_load %arg9[%get3A_207] {strides = array<i32>} : memref<4096xi32, #tpu.memory_space<vmem>>, vector<16xi32>,
        %add3A_209 = arith.addi %broadcast_in_dim3A_3, %get3A_208 : vector<16xi32>
        %mul3A_210 = arith.constant 16 : i32
        %mul3A_211 = arith.muli %scan3A_204, %mul3A_210 : i32
        %get3A_212 = arith.index_cast %mul3A_211 : i32 to index
        %get3A_213 = tpu.vector_load %arg10[%get3A_212] {strides = array<i32>} : memref<4096xi32, #tpu.memory_space<vmem>>, vector<16xi32>,
        %add3A_214 = arith.addi %add3A_209, %get3A_213 : vector<16xi32>
        %mul3A_215 = arith.constant 16 : i32
        %mul3A_216 = arith.muli %scan3A_204, %mul3A_215 : i32
        %get3A_217 = arith.index_cast %mul3A_216 : i32 to index
        %get3A_218 = tpu.vector_load %arg11[%get3A_217] {strides = array<i32>} : memref<4096xi32, #tpu.memory_space<vmem>>, vector<16xi32>,
        %add3A_219 = arith.addi %add3A_214, %get3A_218 : vector<16xi32>
        %mul3A_220 = arith.constant 16 : i32
        %mul3A_221 = arith.muli %scan3A_204, %mul3A_220 : i32
        %get3A_222 = arith.index_cast %mul3A_221 : i32 to index
        %get3A_223 = tpu.vector_load %arg12[%get3A_222] {strides = array<i32>} : memref<4096xi32, #tpu.memory_space<vmem>>, vector<16xi32>,
        %add3A_224 = arith.addi %add3A_219, %get3A_223 : vector<16xi32>
        %broadcast_in_dim3A_225 = arith.constant true
        %broadcast_in_dim3A_226 = vector.broadcast %broadcast_in_dim3A_225 : i1 to vector<16xi1>
        %masked_cumsum3A_227 = tpu.scan <sum>, %add3A_224 masked %broadcast_in_dim3A_226 : vector<16xi32>, vector<16xi1> -> vector<16xi32>
        %reduce_max3A_228 = arith.constant true
        %reduce_max3A_229 = vector.broadcast %reduce_max3A_228 : i1 to vector<16xi1>
        %reduce_max3A_230 = arith.constant -2147483648 : i32
        %reduce_max3A_231 = vector.broadcast %reduce_max3A_230 : i32 to vector<16xi32>
        %reduce_max3A_232 = arith.xori %masked_cumsum3A_227, %reduce_max3A_231 : vector<16xi32>
        %reduce_max3A_233 = tpu.scan <max>, %reduce_max3A_232 masked %reduce_max3A_229 : vector<16xi32>, vector<16xi1> -> vector<16xi32>
        %reduce_max3A_234 = arith.xori %reduce_max3A_233, %reduce_max3A_231 : vector<16xi32>
        %reduce_max3A_235 = vector.extract %reduce_max3A_234[15] : i32 from vector<16xi32>
        %add3A_236 = vector.broadcast %scan3A_204 : i32 to vector<16xi32>
        %add3A_237 = arith.addi %broadcast_in_dim3A_3, %add3A_236 : vector<16xi32>
        %add3A_238 = vector.broadcast %reduce_max3A_235 : i32 to vector<16xi32>
        %add3A_239 = arith.addi %broadcast_in_dim3A_3, %add3A_238 : vector<16xi32>
        %eq3A_240 = arith.constant 0 : i32
        %eq3A_241 = vector.broadcast %eq3A_240 : i32 to vector<16xi32>
        %eq3A_242 = arith.cmpi eq, %iota3A, %eq3A_241 : vector<16xi32>
        tpu.vector_store_idx %arg13[%add3A_237], %add3A_239 masked %eq3A_242 : memref<256xi32, #tpu.memory_space<vmem>>[vector<16xi32>], vector<16xi32>, vector<16xi1>
        %scan3A_243 = arith.constant 0 : i32
        %scan3A_244 = arith.constant 3 : i32
        %scan3A_245 = arith.addi %scan3A_123, %scan3A_244 : i32
        %mul3A_246 = arith.constant 16 : i32
        %mul3A_247 = arith.muli %scan3A_245, %mul3A_246 : i32
        %get3A_248 = arith.index_cast %mul3A_247 : i32 to index
        %get3A_249 = tpu.vector_load %arg9[%get3A_248] {strides = array<i32>} : memref<4096xi32, #tpu.memory_space<vmem>>, vector<16xi32>,
        %add3A_250 = arith.addi %broadcast_in_dim3A_3, %get3A_249 : vector<16xi32>
        %mul3A_251 = arith.constant 16 : i32
        %mul3A_252 = arith.muli %scan3A_245, %mul3A_251 : i32
        %get3A_253 = arith.index_cast %mul3A_252 : i32 to index
        %get3A_254 = tpu.vector_load %arg10[%get3A_253] {strides = array<i32>} : memref<4096xi32, #tpu.memory_space<vmem>>, vector<16xi32>,
        %add3A_255 = arith.addi %add3A_250, %get3A_254 : vector<16xi32>
        %mul3A_256 = arith.constant 16 : i32
        %mul3A_257 = arith.muli %scan3A_245, %mul3A_256 : i32
        %get3A_258 = arith.index_cast %mul3A_257 : i32 to index
        %get3A_259 = tpu.vector_load %arg11[%get3A_258] {strides = array<i32>} : memref<4096xi32, #tpu.memory_space<vmem>>, vector<16xi32>,
        %add3A_260 = arith.addi %add3A_255, %get3A_259 : vector<16xi32>
        %mul3A_261 = arith.constant 16 : i32
        %mul3A_262 = arith.muli %scan3A_245, %mul3A_261 : i32
        %get3A_263 = arith.index_cast %mul3A_262 : i32 to index
        %get3A_264 = tpu.vector_load %arg12[%get3A_263] {strides = array<i32>} : memref<4096xi32, #tpu.memory_space<vmem>>, vector<16xi32>,
        %add3A_265 = arith.addi %add3A_260, %get3A_264 : vector<16xi32>
        %broadcast_in_dim3A_266 = arith.constant true
        %broadcast_in_dim3A_267 = vector.broadcast %broadcast_in_dim3A_266 : i1 to vector<16xi1>
        %masked_cumsum3A_268 = tpu.scan <sum>, %add3A_265 masked %broadcast_in_dim3A_267 : vector<16xi32>, vector<16xi1> -> vector<16xi32>
        %reduce_max3A_269 = arith.constant true
        %reduce_max3A_270 = vector.broadcast %reduce_max3A_269 : i1 to vector<16xi1>
        %reduce_max3A_271 = arith.constant -2147483648 : i32
        %reduce_max3A_272 = vector.broadcast %reduce_max3A_271 : i32 to vector<16xi32>
        %reduce_max3A_273 = arith.xori %masked_cumsum3A_268, %reduce_max3A_272 : vector<16xi32>
        %reduce_max3A_274 = tpu.scan <max>, %reduce_max3A_273 masked %reduce_max3A_270 : vector<16xi32>, vector<16xi1> -> vector<16xi32>
        %reduce_max3A_275 = arith.xori %reduce_max3A_274, %reduce_max3A_272 : vector<16xi32>
        %reduce_max3A_276 = vector.extract %reduce_max3A_275[15] : i32 from vector<16xi32>
        %add3A_277 = vector.broadcast %scan3A_245 : i32 to vector<16xi32>
        %add3A_278 = arith.addi %broadcast_in_dim3A_3, %add3A_277 : vector<16xi32>
        %add3A_279 = vector.broadcast %reduce_max3A_276 : i32 to vector<16xi32>
        %add3A_280 = arith.addi %broadcast_in_dim3A_3, %add3A_279 : vector<16xi32>
        %eq3A_281 = arith.constant 0 : i32
        %eq3A_282 = vector.broadcast %eq3A_281 : i32 to vector<16xi32>
        %eq3A_283 = arith.cmpi eq, %iota3A, %eq3A_282 : vector<16xi32>
        tpu.vector_store_idx %arg13[%add3A_278], %add3A_280 masked %eq3A_283 : memref<256xi32, #tpu.memory_space<vmem>>[vector<16xi32>], vector<16xi32>, vector<16xi1>
        %scan3A_284 = arith.constant 0 : i32
        scf.yield %scan3A_284 : i32
      }
      %scan3A_75 = arith.constant 256 : i32
      %scan3A_76 = arith.constant 0 : i32
      %scan3A_77 = arith.constant 0 : i32
      %scan3A_78 = arith.constant 16 : i32
      %scan3A_79 = arith.addi %scan3A_77, %scan3A_78 : i32
      %scan3A_80 = arith.constant 1 : i32
      %scan3A_81 = scf.for %scan3A_123 = %scan3A_77 to %scan3A_79 step %scan3A_80 iter_args(%scan3A_124 = %scan3A_76) -> (i32)  : i32 {
        %mul3A_125 = arith.constant 16 : i32
        %mul3A_126 = arith.muli %scan3A_123, %mul3A_125 : i32
        %get3A = arith.index_cast %mul3A_126 : i32 to index
        %get3A_127 = tpu.vector_load %arg13[%get3A] {strides = array<i32>} : memref<256xi32, #tpu.memory_space<vmem>>, vector<16xi32>,
        %broadcast_in_dim3A_128 = arith.constant true
        %broadcast_in_dim3A_129 = vector.broadcast %broadcast_in_dim3A_128 : i1 to vector<16xi1>
        %masked_cumsum3A = tpu.scan <sum>, %get3A_127 masked %broadcast_in_dim3A_129 : vector<16xi32>, vector<16xi1> -> vector<16xi32>
        %sub3A_130 = arith.subi %masked_cumsum3A, %get3A_127 : vector<16xi32>
        %add3A_131 = vector.broadcast %scan3A_124 : i32 to vector<16xi32>
        %add3A_132 = arith.addi %sub3A_130, %add3A_131 : vector<16xi32>
        %mul3A_133 = arith.constant 16 : i32
        %mul3A_134 = arith.muli %scan3A_123, %mul3A_133 : i32
        %swap3A = arith.index_cast %mul3A_134 : i32 to index
        %swap3A_135 = tpu.vector_load %arg13[%swap3A] {strides = array<i32>} : memref<256xi32, #tpu.memory_space<vmem>>, vector<16xi32>,
        tpu.vector_store %arg13[%swap3A], %add3A_132 {strides = array<i32>} : memref<256xi32, #tpu.memory_space<vmem>>, vector<16xi32>,
        %reduce_max3A_136 = arith.constant true
        %reduce_max3A_137 = vector.broadcast %reduce_max3A_136 : i1 to vector<16xi1>
        %reduce_max3A_138 = arith.constant -2147483648 : i32
        %reduce_max3A_139 = vector.broadcast %reduce_max3A_138 : i32 to vector<16xi32>
        %reduce_max3A_140 = arith.xori %masked_cumsum3A, %reduce_max3A_139 : vector<16xi32>
        %reduce_max3A_141 = tpu.scan <max>, %reduce_max3A_140 masked %reduce_max3A_137 : vector<16xi32>, vector<16xi1> -> vector<16xi32>
        %reduce_max3A_142 = arith.xori %reduce_max3A_141, %reduce_max3A_139 : vector<16xi32>
        %reduce_max3A_143 = vector.extract %reduce_max3A_142[15] : i32 from vector<16xi32>
        %add3A_144 = arith.addi %scan3A_124, %reduce_max3A_143 : i32
        scf.yield %add3A_144 : i32
      }
      %scan3A_82 = arith.constant 16 : i32
      %scan3A_83 = arith.constant 0 : i32
      %scan3A_84 = arith.constant 0 : i32
      %scan3A_85 = arith.constant 256 : i32
      %scan3A_86 = arith.addi %scan3A_84, %scan3A_85 : i32
      %scan3A_87 = arith.constant 2 : i32
      %scan3A_88 = scf.for %scan3A_123 = %scan3A_84 to %scan3A_86 step %scan3A_87 iter_args(%scan3A_124 = %scan3A_83) -> (i32)  : i32 {
        %mul3A_125 = arith.constant 16 : i32
        %mul3A_126 = arith.muli %scan3A_123, %mul3A_125 : i32
        %get3A = arith.index_cast %mul3A_126 : i32 to index
        %get3A_127 = tpu.vector_load %arg9[%get3A] {strides = array<i32>} : memref<4096xi32, #tpu.memory_space<vmem>>, vector<16xi32>,
        %get3A_128 = arith.index_cast %mul3A_126 : i32 to index
        %get3A_129 = tpu.vector_load %arg10[%get3A_128] {strides = array<i32>} : memref<4096xi32, #tpu.memory_space<vmem>>, vector<16xi32>,
        %get3A_130 = arith.index_cast %mul3A_126 : i32 to index
        %get3A_131 = tpu.vector_load %arg11[%get3A_130] {strides = array<i32>} : memref<4096xi32, #tpu.memory_space<vmem>>, vector<16xi32>,
        %get3A_132 = arith.index_cast %mul3A_126 : i32 to index
        %get3A_133 = tpu.vector_load %arg12[%get3A_132] {strides = array<i32>} : memref<4096xi32, #tpu.memory_space<vmem>>, vector<16xi32>,
        %add3A_134 = arith.addi %get3A_127, %get3A_129 : vector<16xi32>
        %add3A_135 = arith.addi %add3A_134, %get3A_131 : vector<16xi32>
        %add3A_136 = arith.addi %add3A_135, %get3A_133 : vector<16xi32>
        %broadcast_in_dim3A_137 = arith.constant true
        %broadcast_in_dim3A_138 = vector.broadcast %broadcast_in_dim3A_137 : i1 to vector<16xi1>
        %masked_cumsum3A = tpu.scan <sum>, %add3A_136 masked %broadcast_in_dim3A_138 : vector<16xi32>, vector<16xi1> -> vector<16xi32>
        %add3A_139 = vector.broadcast %scan3A_123 : i32 to vector<16xi32>
        %add3A_140 = arith.addi %broadcast_in_dim3A_3, %add3A_139 : vector<16xi32>
        %gather3A = tpu.vector_load_idx %arg13[%add3A_140] : memref<256xi32, #tpu.memory_space<vmem>>[vector<16xi32>], vector<16xi32>,
        %sub3A_141 = arith.subi %masked_cumsum3A, %add3A_136 : vector<16xi32>
        %add3A_142 = arith.addi %sub3A_141, %gather3A : vector<16xi32>
        %swap3A = arith.index_cast %mul3A_126 : i32 to index
        %swap3A_143 = tpu.vector_load %arg9[%swap3A] {strides = array<i32>} : memref<4096xi32, #tpu.memory_space<vmem>>, vector<16xi32>,
        tpu.vector_store %arg9[%swap3A], %add3A_142 {strides = array<i32>} : memref<4096xi32, #tpu.memory_space<vmem>>, vector<16xi32>,
        %add3A_144 = arith.addi %add3A_142, %get3A_127 : vector<16xi32>
        %swap3A_145 = arith.index_cast %mul3A_126 : i32 to index
        %swap3A_146 = tpu.vector_load %arg10[%swap3A_145] {strides = array<i32>} : memref<4096xi32, #tpu.memory_space<vmem>>, vector<16xi32>,
        tpu.vector_store %arg10[%swap3A_145], %add3A_144 {strides = array<i32>} : memref<4096xi32, #tpu.memory_space<vmem>>, vector<16xi32>,
        %add3A_147 = arith.addi %add3A_144, %get3A_129 : vector<16xi32>
        %swap3A_148 = arith.index_cast %mul3A_126 : i32 to index
        %swap3A_149 = tpu.vector_load %arg11[%swap3A_148] {strides = array<i32>} : memref<4096xi32, #tpu.memory_space<vmem>>, vector<16xi32>,
        tpu.vector_store %arg11[%swap3A_148], %add3A_147 {strides = array<i32>} : memref<4096xi32, #tpu.memory_space<vmem>>, vector<16xi32>,
        %add3A_150 = arith.addi %add3A_147, %get3A_131 : vector<16xi32>
        %swap3A_151 = arith.index_cast %mul3A_126 : i32 to index
        %swap3A_152 = tpu.vector_load %arg12[%swap3A_151] {strides = array<i32>} : memref<4096xi32, #tpu.memory_space<vmem>>, vector<16xi32>,
        tpu.vector_store %arg12[%swap3A_151], %add3A_150 {strides = array<i32>} : memref<4096xi32, #tpu.memory_space<vmem>>, vector<16xi32>,
        %scan3A_153 = arith.constant 0 : i32
        %scan3A_154 = arith.constant 1 : i32
        %scan3A_155 = arith.addi %scan3A_123, %scan3A_154 : i32
        %mul3A_156 = arith.constant 16 : i32
        %mul3A_157 = arith.muli %scan3A_155, %mul3A_156 : i32
        %get3A_158 = arith.index_cast %mul3A_157 : i32 to index
        %get3A_159 = tpu.vector_load %arg9[%get3A_158] {strides = array<i32>} : memref<4096xi32, #tpu.memory_space<vmem>>, vector<16xi32>,
        %get3A_160 = arith.index_cast %mul3A_157 : i32 to index
        %get3A_161 = tpu.vector_load %arg10[%get3A_160] {strides = array<i32>} : memref<4096xi32, #tpu.memory_space<vmem>>, vector<16xi32>,
        %get3A_162 = arith.index_cast %mul3A_157 : i32 to index
        %get3A_163 = tpu.vector_load %arg11[%get3A_162] {strides = array<i32>} : memref<4096xi32, #tpu.memory_space<vmem>>, vector<16xi32>,
        %get3A_164 = arith.index_cast %mul3A_157 : i32 to index
        %get3A_165 = tpu.vector_load %arg12[%get3A_164] {strides = array<i32>} : memref<4096xi32, #tpu.memory_space<vmem>>, vector<16xi32>,
        %add3A_166 = arith.addi %get3A_159, %get3A_161 : vector<16xi32>
        %add3A_167 = arith.addi %add3A_166, %get3A_163 : vector<16xi32>
        %add3A_168 = arith.addi %add3A_167, %get3A_165 : vector<16xi32>
        %broadcast_in_dim3A_169 = arith.constant true
        %broadcast_in_dim3A_170 = vector.broadcast %broadcast_in_dim3A_169 : i1 to vector<16xi1>
        %masked_cumsum3A_171 = tpu.scan <sum>, %add3A_168 masked %broadcast_in_dim3A_170 : vector<16xi32>, vector<16xi1> -> vector<16xi32>
        %add3A_172 = vector.broadcast %scan3A_155 : i32 to vector<16xi32>
        %add3A_173 = arith.addi %broadcast_in_dim3A_3, %add3A_172 : vector<16xi32>
        %gather3A_174 = tpu.vector_load_idx %arg13[%add3A_173] : memref<256xi32, #tpu.memory_space<vmem>>[vector<16xi32>], vector<16xi32>,
        %sub3A_175 = arith.subi %masked_cumsum3A_171, %add3A_168 : vector<16xi32>
        %add3A_176 = arith.addi %sub3A_175, %gather3A_174 : vector<16xi32>
        %swap3A_177 = arith.index_cast %mul3A_157 : i32 to index
        %swap3A_178 = tpu.vector_load %arg9[%swap3A_177] {strides = array<i32>} : memref<4096xi32, #tpu.memory_space<vmem>>, vector<16xi32>,
        tpu.vector_store %arg9[%swap3A_177], %add3A_176 {strides = array<i32>} : memref<4096xi32, #tpu.memory_space<vmem>>, vector<16xi32>,
        %add3A_179 = arith.addi %add3A_176, %get3A_159 : vector<16xi32>
        %swap3A_180 = arith.index_cast %mul3A_157 : i32 to index
        %swap3A_181 = tpu.vector_load %arg10[%swap3A_180] {strides = array<i32>} : memref<4096xi32, #tpu.memory_space<vmem>>, vector<16xi32>,
        tpu.vector_store %arg10[%swap3A_180], %add3A_179 {strides = array<i32>} : memref<4096xi32, #tpu.memory_space<vmem>>, vector<16xi32>,
        %add3A_182 = arith.addi %add3A_179, %get3A_161 : vector<16xi32>
        %swap3A_183 = arith.index_cast %mul3A_157 : i32 to index
        %swap3A_184 = tpu.vector_load %arg11[%swap3A_183] {strides = array<i32>} : memref<4096xi32, #tpu.memory_space<vmem>>, vector<16xi32>,
        tpu.vector_store %arg11[%swap3A_183], %add3A_182 {strides = array<i32>} : memref<4096xi32, #tpu.memory_space<vmem>>, vector<16xi32>,
        %add3A_185 = arith.addi %add3A_182, %get3A_163 : vector<16xi32>
        %swap3A_186 = arith.index_cast %mul3A_157 : i32 to index
        %swap3A_187 = tpu.vector_load %arg12[%swap3A_186] {strides = array<i32>} : memref<4096xi32, #tpu.memory_space<vmem>>, vector<16xi32>,
        tpu.vector_store %arg12[%swap3A_186], %add3A_185 {strides = array<i32>} : memref<4096xi32, #tpu.memory_space<vmem>>, vector<16xi32>,
        %scan3A_188 = arith.constant 0 : i32
        scf.yield %scan3A_188 : i32
      }
      %scan3A_89 = arith.constant 256 : i32
      %scan3A_90 = arith.constant 0 : i32
      %scan3A_91 = arith.constant 0 : i32
      %scan3A_92 = arith.constant 64 : i32
      %scan3A_93 = arith.addi %scan3A_91, %scan3A_92 : i32
      %scan3A_94 = arith.constant 2 : i32
      %scan3A_95 = scf.for %scan3A_123 = %scan3A_91 to %scan3A_93 step %scan3A_94 iter_args(%scan3A_124 = %scan3A_90) -> (i32)  : i32 {
        %add3A_125 = arith.constant 0 : i32
        %add3A_126 = arith.addi %scan3A_123, %add3A_125 : i32
        %mul3A_127 = arith.constant 256 : i32
        %mul3A_128 = vector.broadcast %mul3A_127 : i32 to vector<16xi32>
        %mul3A_129 = arith.muli %iota3A, %mul3A_128 : vector<16xi32>
        %add3A_130 = vector.broadcast %add3A_126 : i32 to vector<16xi32>
        %add3A_131 = arith.addi %mul3A_129, %add3A_130 : vector<16xi32>
        %gather3A = tpu.vector_load_idx %arg4[%add3A_131] : memref<4096xf32, #tpu.memory_space<vmem>>[vector<16xi32>], vector<16xf32>,
        %bitcast_convert_type3A = tpu.bitcast %gather3A : vector<16xf32> -> vector<16xi32>
        %shift_right_arithmetic3A = arith.constant 31 : i32
        %shift_right_arithmetic3A_132 = vector.broadcast %shift_right_arithmetic3A : i32 to vector<16xi32>
        %shift_right_arithmetic3A_133 = arith.shrsi %bitcast_convert_type3A, %shift_right_arithmetic3A_132 : vector<16xi32>
        %not3A = arith.constant dense<-1> : vector<16xi32>
        %not3A_134 = arith.xori %shift_right_arithmetic3A_133, %not3A : vector<16xi32>
        %and3A_135 = arith.constant 2147483647 : i32
        %and3A_136 = vector.broadcast %and3A_135 : i32 to vector<16xi32>
        %and3A_137 = arith.andi %not3A_134, %and3A_136 : vector<16xi32>
        %or3A = arith.constant -2147483648 : i32
        %or3A_138 = vector.broadcast %or3A : i32 to vector<16xi32>
        %or3A_139 = arith.ori %and3A_137, %or3A_138 : vector<16xi32>
        %xor3A = arith.xori %bitcast_convert_type3A, %or3A_139 : vector<16xi32>
        %sub3A_140 = vector.broadcast %reduce_min3A_31 : i32 to vector<16xi32>
        %sub3A_141 = arith.subi %xor3A, %sub3A_140 : vector<16xi32>
        %shift_right_logical3A_142 = arith.constant 0 : i32
        %shift_right_logical3A_143 = vector.broadcast %shift_right_logical3A_142 : i32 to vector<16xi32>
        %shift_right_logical3A_144 = arith.shrui %sub3A_141, %shift_right_logical3A_143 : vector<16xi32>
        %and3A_145 = arith.constant 255 : i32
        %and3A_146 = vector.broadcast %and3A_145 : i32 to vector<16xi32>
        %and3A_147 = arith.andi %shift_right_logical3A_144, %and3A_146 : vector<16xi32>
        %mul3A_148 = arith.constant 16 : i32
        %mul3A_149 = vector.broadcast %mul3A_148 : i32 to vector<16xi32>
        %mul3A_150 = arith.muli %and3A_147, %mul3A_149 : vector<16xi32>
        %add3A_151 = arith.addi %mul3A_150, %iota3A : vector<16xi32>
        %gather3A_152 = tpu.vector_load_idx %arg9[%add3A_151] : memref<4096xi32, #tpu.memory_space<vmem>>[vector<16xi32>], vector<16xi32>,
        tpu.vector_store_idx %arg7[%gather3A_152], %sub3A_141 : memref<4096xi32, #tpu.memory_space<vmem>>[vector<16xi32>], vector<16xi32>,
        tpu.vector_store_idx %arg8[%gather3A_152], %add3A_131 : memref<4096xi32, #tpu.memory_space<vmem>>[vector<16xi32>], vector<16xi32>,
        tpu.vector_store_idx %arg9[%add3A_151], %broadcast_in_dim3A_1 {add = true} : memref<4096xi32, #tpu.memory_space<vmem>>[vector<16xi32>], vector<16xi32>,
        %add3A_153 = arith.constant 64 : i32
        %add3A_154 = arith.addi %scan3A_123, %add3A_153 : i32
        %mul3A_155 = arith.constant 256 : i32
        %mul3A_156 = vector.broadcast %mul3A_155 : i32 to vector<16xi32>
        %mul3A_157 = arith.muli %iota3A, %mul3A_156 : vector<16xi32>
        %add3A_158 = vector.broadcast %add3A_154 : i32 to vector<16xi32>
        %add3A_159 = arith.addi %mul3A_157, %add3A_158 : vector<16xi32>
        %gather3A_160 = tpu.vector_load_idx %arg4[%add3A_159] : memref<4096xf32, #tpu.memory_space<vmem>>[vector<16xi32>], vector<16xf32>,
        %bitcast_convert_type3A_161 = tpu.bitcast %gather3A_160 : vector<16xf32> -> vector<16xi32>
        %shift_right_arithmetic3A_162 = arith.constant 31 : i32
        %shift_right_arithmetic3A_163 = vector.broadcast %shift_right_arithmetic3A_162 : i32 to vector<16xi32>
        %shift_right_arithmetic3A_164 = arith.shrsi %bitcast_convert_type3A_161, %shift_right_arithmetic3A_163 : vector<16xi32>
        %not3A_165 = arith.constant dense<-1> : vector<16xi32>
        %not3A_166 = arith.xori %shift_right_arithmetic3A_164, %not3A_165 : vector<16xi32>
        %and3A_167 = arith.constant 2147483647 : i32
        %and3A_168 = vector.broadcast %and3A_167 : i32 to vector<16xi32>
        %and3A_169 = arith.andi %not3A_166, %and3A_168 : vector<16xi32>
        %or3A_170 = arith.constant -2147483648 : i32
        %or3A_171 = vector.broadcast %or3A_170 : i32 to vector<16xi32>
        %or3A_172 = arith.ori %and3A_169, %or3A_171 : vector<16xi32>
        %xor3A_173 = arith.xori %bitcast_convert_type3A_161, %or3A_172 : vector<16xi32>
        %sub3A_174 = vector.broadcast %reduce_min3A_31 : i32 to vector<16xi32>
        %sub3A_175 = arith.subi %xor3A_173, %sub3A_174 : vector<16xi32>
        %shift_right_logical3A_176 = arith.constant 0 : i32
        %shift_right_logical3A_177 = vector.broadcast %shift_right_logical3A_176 : i32 to vector<16xi32>
        %shift_right_logical3A_178 = arith.shrui %sub3A_175, %shift_right_logical3A_177 : vector<16xi32>
        %and3A_179 = arith.constant 255 : i32
        %and3A_180 = vector.broadcast %and3A_179 : i32 to vector<16xi32>
        %and3A_181 = arith.andi %shift_right_logical3A_178, %and3A_180 : vector<16xi32>
        %mul3A_182 = arith.constant 16 : i32
        %mul3A_183 = vector.broadcast %mul3A_182 : i32 to vector<16xi32>
        %mul3A_184 = arith.muli %and3A_181, %mul3A_183 : vector<16xi32>
        %add3A_185 = arith.addi %mul3A_184, %iota3A : vector<16xi32>
        %gather3A_186 = tpu.vector_load_idx %arg10[%add3A_185] : memref<4096xi32, #tpu.memory_space<vmem>>[vector<16xi32>], vector<16xi32>,
        tpu.vector_store_idx %arg7[%gather3A_186], %sub3A_175 : memref<4096xi32, #tpu.memory_space<vmem>>[vector<16xi32>], vector<16xi32>,
        tpu.vector_store_idx %arg8[%gather3A_186], %add3A_159 : memref<4096xi32, #tpu.memory_space<vmem>>[vector<16xi32>], vector<16xi32>,
        tpu.vector_store_idx %arg10[%add3A_185], %broadcast_in_dim3A_1 {add = true} : memref<4096xi32, #tpu.memory_space<vmem>>[vector<16xi32>], vector<16xi32>,
        %add3A_187 = arith.constant 128 : i32
        %add3A_188 = arith.addi %scan3A_123, %add3A_187 : i32
        %mul3A_189 = arith.constant 256 : i32
        %mul3A_190 = vector.broadcast %mul3A_189 : i32 to vector<16xi32>
        %mul3A_191 = arith.muli %iota3A, %mul3A_190 : vector<16xi32>
        %add3A_192 = vector.broadcast %add3A_188 : i32 to vector<16xi32>
        %add3A_193 = arith.addi %mul3A_191, %add3A_192 : vector<16xi32>
        %gather3A_194 = tpu.vector_load_idx %arg4[%add3A_193] : memref<4096xf32, #tpu.memory_space<vmem>>[vector<16xi32>], vector<16xf32>,
        %bitcast_convert_type3A_195 = tpu.bitcast %gather3A_194 : vector<16xf32> -> vector<16xi32>
        %shift_right_arithmetic3A_196 = arith.constant 31 : i32
        %shift_right_arithmetic3A_197 = vector.broadcast %shift_right_arithmetic3A_196 : i32 to vector<16xi32>
        %shift_right_arithmetic3A_198 = arith.shrsi %bitcast_convert_type3A_195, %shift_right_arithmetic3A_197 : vector<16xi32>
        %not3A_199 = arith.constant dense<-1> : vector<16xi32>
        %not3A_200 = arith.xori %shift_right_arithmetic3A_198, %not3A_199 : vector<16xi32>
        %and3A_201 = arith.constant 2147483647 : i32
        %and3A_202 = vector.broadcast %and3A_201 : i32 to vector<16xi32>
        %and3A_203 = arith.andi %not3A_200, %and3A_202 : vector<16xi32>
        %or3A_204 = arith.constant -2147483648 : i32
        %or3A_205 = vector.broadcast %or3A_204 : i32 to vector<16xi32>
        %or3A_206 = arith.ori %and3A_203, %or3A_205 : vector<16xi32>
        %xor3A_207 = arith.xori %bitcast_convert_type3A_195, %or3A_206 : vector<16xi32>
        %sub3A_208 = vector.broadcast %reduce_min3A_31 : i32 to vector<16xi32>
        %sub3A_209 = arith.subi %xor3A_207, %sub3A_208 : vector<16xi32>
        %shift_right_logical3A_210 = arith.constant 0 : i32
        %shift_right_logical3A_211 = vector.broadcast %shift_right_logical3A_210 : i32 to vector<16xi32>
        %shift_right_logical3A_212 = arith.shrui %sub3A_209, %shift_right_logical3A_211 : vector<16xi32>
        %and3A_213 = arith.constant 255 : i32
        %and3A_214 = vector.broadcast %and3A_213 : i32 to vector<16xi32>
        %and3A_215 = arith.andi %shift_right_logical3A_212, %and3A_214 : vector<16xi32>
        %mul3A_216 = arith.constant 16 : i32
        %mul3A_217 = vector.broadcast %mul3A_216 : i32 to vector<16xi32>
        %mul3A_218 = arith.muli %and3A_215, %mul3A_217 : vector<16xi32>
        %add3A_219 = arith.addi %mul3A_218, %iota3A : vector<16xi32>
        %gather3A_220 = tpu.vector_load_idx %arg11[%add3A_219] : memref<4096xi32, #tpu.memory_space<vmem>>[vector<16xi32>], vector<16xi32>,
        tpu.vector_store_idx %arg7[%gather3A_220], %sub3A_209 : memref<4096xi32, #tpu.memory_space<vmem>>[vector<16xi32>], vector<16xi32>,
        tpu.vector_store_idx %arg8[%gather3A_220], %add3A_193 : memref<4096xi32, #tpu.memory_space<vmem>>[vector<16xi32>], vector<16xi32>,
        tpu.vector_store_idx %arg11[%add3A_219], %broadcast_in_dim3A_1 {add = true} : memref<4096xi32, #tpu.memory_space<vmem>>[vector<16xi32>], vector<16xi32>,
        %add3A_221 = arith.constant 192 : i32
        %add3A_222 = arith.addi %scan3A_123, %add3A_221 : i32
        %mul3A_223 = arith.constant 256 : i32
        %mul3A_224 = vector.broadcast %mul3A_223 : i32 to vector<16xi32>
        %mul3A_225 = arith.muli %iota3A, %mul3A_224 : vector<16xi32>
        %add3A_226 = vector.broadcast %add3A_222 : i32 to vector<16xi32>
        %add3A_227 = arith.addi %mul3A_225, %add3A_226 : vector<16xi32>
        %gather3A_228 = tpu.vector_load_idx %arg4[%add3A_227] : memref<4096xf32, #tpu.memory_space<vmem>>[vector<16xi32>], vector<16xf32>,
        %bitcast_convert_type3A_229 = tpu.bitcast %gather3A_228 : vector<16xf32> -> vector<16xi32>
        %shift_right_arithmetic3A_230 = arith.constant 31 : i32
        %shift_right_arithmetic3A_231 = vector.broadcast %shift_right_arithmetic3A_230 : i32 to vector<16xi32>
        %shift_right_arithmetic3A_232 = arith.shrsi %bitcast_convert_type3A_229, %shift_right_arithmetic3A_231 : vector<16xi32>
        %not3A_233 = arith.constant dense<-1> : vector<16xi32>
        %not3A_234 = arith.xori %shift_right_arithmetic3A_232, %not3A_233 : vector<16xi32>
        %and3A_235 = arith.constant 2147483647 : i32
        %and3A_236 = vector.broadcast %and3A_235 : i32 to vector<16xi32>
        %and3A_237 = arith.andi %not3A_234, %and3A_236 : vector<16xi32>
        %or3A_238 = arith.constant -2147483648 : i32
        %or3A_239 = vector.broadcast %or3A_238 : i32 to vector<16xi32>
        %or3A_240 = arith.ori %and3A_237, %or3A_239 : vector<16xi32>
        %xor3A_241 = arith.xori %bitcast_convert_type3A_229, %or3A_240 : vector<16xi32>
        %sub3A_242 = vector.broadcast %reduce_min3A_31 : i32 to vector<16xi32>
        %sub3A_243 = arith.subi %xor3A_241, %sub3A_242 : vector<16xi32>
        %shift_right_logical3A_244 = arith.constant 0 : i32
        %shift_right_logical3A_245 = vector.broadcast %shift_right_logical3A_244 : i32 to vector<16xi32>
        %shift_right_logical3A_246 = arith.shrui %sub3A_243, %shift_right_logical3A_245 : vector<16xi32>
        %and3A_247 = arith.constant 255 : i32
        %and3A_248 = vector.broadcast %and3A_247 : i32 to vector<16xi32>
        %and3A_249 = arith.andi %shift_right_logical3A_246, %and3A_248 : vector<16xi32>
        %mul3A_250 = arith.constant 16 : i32
        %mul3A_251 = vector.broadcast %mul3A_250 : i32 to vector<16xi32>
        %mul3A_252 = arith.muli %and3A_249, %mul3A_251 : vector<16xi32>
        %add3A_253 = arith.addi %mul3A_252, %iota3A : vector<16xi32>
        %gather3A_254 = tpu.vector_load_idx %arg12[%add3A_253] : memref<4096xi32, #tpu.memory_space<vmem>>[vector<16xi32>], vector<16xi32>,
        tpu.vector_store_idx %arg7[%gather3A_254], %sub3A_243 : memref<4096xi32, #tpu.memory_space<vmem>>[vector<16xi32>], vector<16xi32>,
        tpu.vector_store_idx %arg8[%gather3A_254], %add3A_227 : memref<4096xi32, #tpu.memory_space<vmem>>[vector<16xi32>], vector<16xi32>,
        tpu.vector_store_idx %arg12[%add3A_253], %broadcast_in_dim3A_1 {add = true} : memref<4096xi32, #tpu.memory_space<vmem>>[vector<16xi32>], vector<16xi32>,
        %scan3A_255 = arith.constant 0 : i32
        %scan3A_256 = arith.constant 1 : i32
        %scan3A_257 = arith.addi %scan3A_123, %scan3A_256 : i32
        %add3A_258 = arith.constant 0 : i32
        %add3A_259 = arith.addi %scan3A_257, %add3A_258 : i32
        %mul3A_260 = arith.constant 256 : i32
        %mul3A_261 = vector.broadcast %mul3A_260 : i32 to vector<16xi32>
        %mul3A_262 = arith.muli %iota3A, %mul3A_261 : vector<16xi32>
        %add3A_263 = vector.broadcast %add3A_259 : i32 to vector<16xi32>
        %add3A_264 = arith.addi %mul3A_262, %add3A_263 : vector<16xi32>
        %gather3A_265 = tpu.vector_load_idx %arg4[%add3A_264] : memref<4096xf32, #tpu.memory_space<vmem>>[vector<16xi32>], vector<16xf32>,
        %bitcast_convert_type3A_266 = tpu.bitcast %gather3A_265 : vector<16xf32> -> vector<16xi32>
        %shift_right_arithmetic3A_267 = arith.constant 31 : i32
        %shift_right_arithmetic3A_268 = vector.broadcast %shift_right_arithmetic3A_267 : i32 to vector<16xi32>
        %shift_right_arithmetic3A_269 = arith.shrsi %bitcast_convert_type3A_266, %shift_right_arithmetic3A_268 : vector<16xi32>
        %not3A_270 = arith.constant dense<-1> : vector<16xi32>
        %not3A_271 = arith.xori %shift_right_arithmetic3A_269, %not3A_270 : vector<16xi32>
        %and3A_272 = arith.constant 2147483647 : i32
        %and3A_273 = vector.broadcast %and3A_272 : i32 to vector<16xi32>
        %and3A_274 = arith.andi %not3A_271, %and3A_273 : vector<16xi32>
        %or3A_275 = arith.constant -2147483648 : i32
        %or3A_276 = vector.broadcast %or3A_275 : i32 to vector<16xi32>
        %or3A_277 = arith.ori %and3A_274, %or3A_276 : vector<16xi32>
        %xor3A_278 = arith.xori %bitcast_convert_type3A_266, %or3A_277 : vector<16xi32>
        %sub3A_279 = vector.broadcast %reduce_min3A_31 : i32 to vector<16xi32>
        %sub3A_280 = arith.subi %xor3A_278, %sub3A_279 : vector<16xi32>
        %shift_right_logical3A_281 = arith.constant 0 : i32
        %shift_right_logical3A_282 = vector.broadcast %shift_right_logical3A_281 : i32 to vector<16xi32>
        %shift_right_logical3A_283 = arith.shrui %sub3A_280, %shift_right_logical3A_282 : vector<16xi32>
        %and3A_284 = arith.constant 255 : i32
        %and3A_285 = vector.broadcast %and3A_284 : i32 to vector<16xi32>
        %and3A_286 = arith.andi %shift_right_logical3A_283, %and3A_285 : vector<16xi32>
        %mul3A_287 = arith.constant 16 : i32
        %mul3A_288 = vector.broadcast %mul3A_287 : i32 to vector<16xi32>
        %mul3A_289 = arith.muli %and3A_286, %mul3A_288 : vector<16xi32>
        %add3A_290 = arith.addi %mul3A_289, %iota3A : vector<16xi32>
        %gather3A_291 = tpu.vector_load_idx %arg9[%add3A_290] : memref<4096xi32, #tpu.memory_space<vmem>>[vector<16xi32>], vector<16xi32>,
        tpu.vector_store_idx %arg7[%gather3A_291], %sub3A_280 : memref<4096xi32, #tpu.memory_space<vmem>>[vector<16xi32>], vector<16xi32>,
        tpu.vector_store_idx %arg8[%gather3A_291], %add3A_264 : memref<4096xi32, #tpu.memory_space<vmem>>[vector<16xi32>], vector<16xi32>,
        tpu.vector_store_idx %arg9[%add3A_290], %broadcast_in_dim3A_1 {add = true} : memref<4096xi32, #tpu.memory_space<vmem>>[vector<16xi32>], vector<16xi32>,
        %add3A_292 = arith.constant 64 : i32
        %add3A_293 = arith.addi %scan3A_257, %add3A_292 : i32
        %mul3A_294 = arith.constant 256 : i32
        %mul3A_295 = vector.broadcast %mul3A_294 : i32 to vector<16xi32>
        %mul3A_296 = arith.muli %iota3A, %mul3A_295 : vector<16xi32>
        %add3A_297 = vector.broadcast %add3A_293 : i32 to vector<16xi32>
        %add3A_298 = arith.addi %mul3A_296, %add3A_297 : vector<16xi32>
        %gather3A_299 = tpu.vector_load_idx %arg4[%add3A_298] : memref<4096xf32, #tpu.memory_space<vmem>>[vector<16xi32>], vector<16xf32>,
        %bitcast_convert_type3A_300 = tpu.bitcast %gather3A_299 : vector<16xf32> -> vector<16xi32>
        %shift_right_arithmetic3A_301 = arith.constant 31 : i32
        %shift_right_arithmetic3A_302 = vector.broadcast %shift_right_arithmetic3A_301 : i32 to vector<16xi32>
        %shift_right_arithmetic3A_303 = arith.shrsi %bitcast_convert_type3A_300, %shift_right_arithmetic3A_302 : vector<16xi32>
        %not3A_304 = arith.constant dense<-1> : vector<16xi32>
        %not3A_305 = arith.xori %shift_right_arithmetic3A_303, %not3A_304 : vector<16xi32>
        %and3A_306 = arith.constant 2147483647 : i32
        %and3A_307 = vector.broadcast %and3A_306 : i32 to vector<16xi32>
        %and3A_308 = arith.andi %not3A_305, %and3A_307 : vector<16xi32>
        %or3A_309 = arith.constant -2147483648 : i32
        %or3A_310 = vector.broadcast %or3A_309 : i32 to vector<16xi32>
        %or3A_311 = arith.ori %and3A_308, %or3A_310 : vector<16xi32>
        %xor3A_312 = arith.xori %bitcast_convert_type3A_300, %or3A_311 : vector<16xi32>
        %sub3A_313 = vector.broadcast %reduce_min3A_31 : i32 to vector<16xi32>
        %sub3A_314 = arith.subi %xor3A_312, %sub3A_313 : vector<16xi32>
        %shift_right_logical3A_315 = arith.constant 0 : i32
        %shift_right_logical3A_316 = vector.broadcast %shift_right_logical3A_315 : i32 to vector<16xi32>
        %shift_right_logical3A_317 = arith.shrui %sub3A_314, %shift_right_logical3A_316 : vector<16xi32>
        %and3A_318 = arith.constant 255 : i32
        %and3A_319 = vector.broadcast %and3A_318 : i32 to vector<16xi32>
        %and3A_320 = arith.andi %shift_right_logical3A_317, %and3A_319 : vector<16xi32>
        %mul3A_321 = arith.constant 16 : i32
        %mul3A_322 = vector.broadcast %mul3A_321 : i32 to vector<16xi32>
        %mul3A_323 = arith.muli %and3A_320, %mul3A_322 : vector<16xi32>
        %add3A_324 = arith.addi %mul3A_323, %iota3A : vector<16xi32>
        %gather3A_325 = tpu.vector_load_idx %arg10[%add3A_324] : memref<4096xi32, #tpu.memory_space<vmem>>[vector<16xi32>], vector<16xi32>,
        tpu.vector_store_idx %arg7[%gather3A_325], %sub3A_314 : memref<4096xi32, #tpu.memory_space<vmem>>[vector<16xi32>], vector<16xi32>,
        tpu.vector_store_idx %arg8[%gather3A_325], %add3A_298 : memref<4096xi32, #tpu.memory_space<vmem>>[vector<16xi32>], vector<16xi32>,
        tpu.vector_store_idx %arg10[%add3A_324], %broadcast_in_dim3A_1 {add = true} : memref<4096xi32, #tpu.memory_space<vmem>>[vector<16xi32>], vector<16xi32>,
        %add3A_326 = arith.constant 128 : i32
        %add3A_327 = arith.addi %scan3A_257, %add3A_326 : i32
        %mul3A_328 = arith.constant 256 : i32
        %mul3A_329 = vector.broadcast %mul3A_328 : i32 to vector<16xi32>
        %mul3A_330 = arith.muli %iota3A, %mul3A_329 : vector<16xi32>
        %add3A_331 = vector.broadcast %add3A_327 : i32 to vector<16xi32>
        %add3A_332 = arith.addi %mul3A_330, %add3A_331 : vector<16xi32>
        %gather3A_333 = tpu.vector_load_idx %arg4[%add3A_332] : memref<4096xf32, #tpu.memory_space<vmem>>[vector<16xi32>], vector<16xf32>,
        %bitcast_convert_type3A_334 = tpu.bitcast %gather3A_333 : vector<16xf32> -> vector<16xi32>
        %shift_right_arithmetic3A_335 = arith.constant 31 : i32
        %shift_right_arithmetic3A_336 = vector.broadcast %shift_right_arithmetic3A_335 : i32 to vector<16xi32>
        %shift_right_arithmetic3A_337 = arith.shrsi %bitcast_convert_type3A_334, %shift_right_arithmetic3A_336 : vector<16xi32>
        %not3A_338 = arith.constant dense<-1> : vector<16xi32>
        %not3A_339 = arith.xori %shift_right_arithmetic3A_337, %not3A_338 : vector<16xi32>
        %and3A_340 = arith.constant 2147483647 : i32
        %and3A_341 = vector.broadcast %and3A_340 : i32 to vector<16xi32>
        %and3A_342 = arith.andi %not3A_339, %and3A_341 : vector<16xi32>
        %or3A_343 = arith.constant -2147483648 : i32
        %or3A_344 = vector.broadcast %or3A_343 : i32 to vector<16xi32>
        %or3A_345 = arith.ori %and3A_342, %or3A_344 : vector<16xi32>
        %xor3A_346 = arith.xori %bitcast_convert_type3A_334, %or3A_345 : vector<16xi32>
        %sub3A_347 = vector.broadcast %reduce_min3A_31 : i32 to vector<16xi32>
        %sub3A_348 = arith.subi %xor3A_346, %sub3A_347 : vector<16xi32>
        %shift_right_logical3A_349 = arith.constant 0 : i32
        %shift_right_logical3A_350 = vector.broadcast %shift_right_logical3A_349 : i32 to vector<16xi32>
        %shift_right_logical3A_351 = arith.shrui %sub3A_348, %shift_right_logical3A_350 : vector<16xi32>
        %and3A_352 = arith.constant 255 : i32
        %and3A_353 = vector.broadcast %and3A_352 : i32 to vector<16xi32>
        %and3A_354 = arith.andi %shift_right_logical3A_351, %and3A_353 : vector<16xi32>
        %mul3A_355 = arith.constant 16 : i32
        %mul3A_356 = vector.broadcast %mul3A_355 : i32 to vector<16xi32>
        %mul3A_357 = arith.muli %and3A_354, %mul3A_356 : vector<16xi32>
        %add3A_358 = arith.addi %mul3A_357, %iota3A : vector<16xi32>
        %gather3A_359 = tpu.vector_load_idx %arg11[%add3A_358] : memref<4096xi32, #tpu.memory_space<vmem>>[vector<16xi32>], vector<16xi32>,
        tpu.vector_store_idx %arg7[%gather3A_359], %sub3A_348 : memref<4096xi32, #tpu.memory_space<vmem>>[vector<16xi32>], vector<16xi32>,
        tpu.vector_store_idx %arg8[%gather3A_359], %add3A_332 : memref<4096xi32, #tpu.memory_space<vmem>>[vector<16xi32>], vector<16xi32>,
        tpu.vector_store_idx %arg11[%add3A_358], %broadcast_in_dim3A_1 {add = true} : memref<4096xi32, #tpu.memory_space<vmem>>[vector<16xi32>], vector<16xi32>,
        %add3A_360 = arith.constant 192 : i32
        %add3A_361 = arith.addi %scan3A_257, %add3A_360 : i32
        %mul3A_362 = arith.constant 256 : i32
        %mul3A_363 = vector.broadcast %mul3A_362 : i32 to vector<16xi32>
        %mul3A_364 = arith.muli %iota3A, %mul3A_363 : vector<16xi32>
        %add3A_365 = vector.broadcast %add3A_361 : i32 to vector<16xi32>
        %add3A_366 = arith.addi %mul3A_364, %add3A_365 : vector<16xi32>
        %gather3A_367 = tpu.vector_load_idx %arg4[%add3A_366] : memref<4096xf32, #tpu.memory_space<vmem>>[vector<16xi32>], vector<16xf32>,
        %bitcast_convert_type3A_368 = tpu.bitcast %gather3A_367 : vector<16xf32> -> vector<16xi32>
        %shift_right_arithmetic3A_369 = arith.constant 31 : i32
        %shift_right_arithmetic3A_370 = vector.broadcast %shift_right_arithmetic3A_369 : i32 to vector<16xi32>
        %shift_right_arithmetic3A_371 = arith.shrsi %bitcast_convert_type3A_368, %shift_right_arithmetic3A_370 : vector<16xi32>
        %not3A_372 = arith.constant dense<-1> : vector<16xi32>
        %not3A_373 = arith.xori %shift_right_arithmetic3A_371, %not3A_372 : vector<16xi32>
        %and3A_374 = arith.constant 2147483647 : i32
        %and3A_375 = vector.broadcast %and3A_374 : i32 to vector<16xi32>
        %and3A_376 = arith.andi %not3A_373, %and3A_375 : vector<16xi32>
        %or3A_377 = arith.constant -2147483648 : i32
        %or3A_378 = vector.broadcast %or3A_377 : i32 to vector<16xi32>
        %or3A_379 = arith.ori %and3A_376, %or3A_378 : vector<16xi32>
        %xor3A_380 = arith.xori %bitcast_convert_type3A_368, %or3A_379 : vector<16xi32>
        %sub3A_381 = vector.broadcast %reduce_min3A_31 : i32 to vector<16xi32>
        %sub3A_382 = arith.subi %xor3A_380, %sub3A_381 : vector<16xi32>
        %shift_right_logical3A_383 = arith.constant 0 : i32
        %shift_right_logical3A_384 = vector.broadcast %shift_right_logical3A_383 : i32 to vector<16xi32>
        %shift_right_logical3A_385 = arith.shrui %sub3A_382, %shift_right_logical3A_384 : vector<16xi32>
        %and3A_386 = arith.constant 255 : i32
        %and3A_387 = vector.broadcast %and3A_386 : i32 to vector<16xi32>
        %and3A_388 = arith.andi %shift_right_logical3A_385, %and3A_387 : vector<16xi32>
        %mul3A_389 = arith.constant 16 : i32
        %mul3A_390 = vector.broadcast %mul3A_389 : i32 to vector<16xi32>
        %mul3A_391 = arith.muli %and3A_388, %mul3A_390 : vector<16xi32>
        %add3A_392 = arith.addi %mul3A_391, %iota3A : vector<16xi32>
        %gather3A_393 = tpu.vector_load_idx %arg12[%add3A_392] : memref<4096xi32, #tpu.memory_space<vmem>>[vector<16xi32>], vector<16xi32>,
        tpu.vector_store_idx %arg7[%gather3A_393], %sub3A_382 : memref<4096xi32, #tpu.memory_space<vmem>>[vector<16xi32>], vector<16xi32>,
        tpu.vector_store_idx %arg8[%gather3A_393], %add3A_366 : memref<4096xi32, #tpu.memory_space<vmem>>[vector<16xi32>], vector<16xi32>,
        tpu.vector_store_idx %arg12[%add3A_392], %broadcast_in_dim3A_1 {add = true} : memref<4096xi32, #tpu.memory_space<vmem>>[vector<16xi32>], vector<16xi32>,
        %scan3A_394 = arith.constant 0 : i32
        scf.yield %scan3A_394 : i32
      }
      %scan3A_96 = arith.constant 64 : i32
      %ge3A = arith.constant 2 : i32
      %ge3A_97 = arith.cmpi sge, %add3A_54, %ge3A : i32
      %convert_element_type3A_98 = arith.extui %ge3A_97 : i1 to i32
      %cond3A = arith.constant 0 : i32
      %cond3A_99 = arith.cmpi ne, %convert_element_type3A_98, %cond3A : i32
      scf.if %cond3A_99 {
        %scan3A_123 = arith.constant 0 : i32
        %scan3A_124 = arith.constant 0 : i32
        %scan3A_125 = arith.constant 256 : i32
        %scan3A_126 = arith.addi %scan3A_124, %scan3A_125 : i32
        %scan3A_127 = arith.constant 4 : i32
        %scan3A_128 = scf.for %scan3A_165 = %scan3A_124 to %scan3A_126 step %scan3A_127 iter_args(%scan3A_166 = %scan3A_123) -> (i32)  : i32 {
          %mul3A_167 = arith.constant 16 : i32
          %mul3A_168 = arith.muli %scan3A_165, %mul3A_167 : i32
          %swap3A = arith.index_cast %mul3A_168 : i32 to index
          %swap3A_169 = tpu.vector_load %arg9[%swap3A] {strides = array<i32>} : memref<4096xi32, #tpu.memory_space<vmem>>, vector<16xi32>,
          tpu.vector_store %arg9[%swap3A], %broadcast_in_dim3A_3 {strides = array<i32>} : memref<4096xi32, #tpu.memory_space<vmem>>, vector<16xi32>,
          %mul3A_170 = arith.constant 16 : i32
          %mul3A_171 = arith.muli %scan3A_165, %mul3A_170 : i32
          %swap3A_172 = arith.index_cast %mul3A_171 : i32 to index
          %swap3A_173 = tpu.vector_load %arg10[%swap3A_172] {strides = array<i32>} : memref<4096xi32, #tpu.memory_space<vmem>>, vector<16xi32>,
          tpu.vector_store %arg10[%swap3A_172], %broadcast_in_dim3A_3 {strides = array<i32>} : memref<4096xi32, #tpu.memory_space<vmem>>, vector<16xi32>,
          %mul3A_174 = arith.constant 16 : i32
          %mul3A_175 = arith.muli %scan3A_165, %mul3A_174 : i32
          %swap3A_176 = arith.index_cast %mul3A_175 : i32 to index
          %swap3A_177 = tpu.vector_load %arg11[%swap3A_176] {strides = array<i32>} : memref<4096xi32, #tpu.memory_space<vmem>>, vector<16xi32>,
          tpu.vector_store %arg11[%swap3A_176], %broadcast_in_dim3A_3 {strides = array<i32>} : memref<4096xi32, #tpu.memory_space<vmem>>, vector<16xi32>,
          %mul3A_178 = arith.constant 16 : i32
          %mul3A_179 = arith.muli %scan3A_165, %mul3A_178 : i32
          %swap3A_180 = arith.index_cast %mul3A_179 : i32 to index
          %swap3A_181 = tpu.vector_load %arg12[%swap3A_180] {strides = array<i32>} : memref<4096xi32, #tpu.memory_space<vmem>>, vector<16xi32>,
          tpu.vector_store %arg12[%swap3A_180], %broadcast_in_dim3A_3 {strides = array<i32>} : memref<4096xi32, #tpu.memory_space<vmem>>, vector<16xi32>,
          %scan3A_182 = arith.constant 0 : i32
          %scan3A_183 = arith.constant 1 : i32
          %scan3A_184 = arith.addi %scan3A_165, %scan3A_183 : i32
          %mul3A_185 = arith.constant 16 : i32
          %mul3A_186 = arith.muli %scan3A_184, %mul3A_185 : i32
          %swap3A_187 = arith.index_cast %mul3A_186 : i32 to index
          %swap3A_188 = tpu.vector_load %arg9[%swap3A_187] {strides = array<i32>} : memref<4096xi32, #tpu.memory_space<vmem>>, vector<16xi32>,
          tpu.vector_store %arg9[%swap3A_187], %broadcast_in_dim3A_3 {strides = array<i32>} : memref<4096xi32, #tpu.memory_space<vmem>>, vector<16xi32>,
          %mul3A_189 = arith.constant 16 : i32
          %mul3A_190 = arith.muli %scan3A_184, %mul3A_189 : i32
          %swap3A_191 = arith.index_cast %mul3A_190 : i32 to index
          %swap3A_192 = tpu.vector_load %arg10[%swap3A_191] {strides = array<i32>} : memref<4096xi32, #tpu.memory_space<vmem>>, vector<16xi32>,
          tpu.vector_store %arg10[%swap3A_191], %broadcast_in_dim3A_3 {strides = array<i32>} : memref<4096xi32, #tpu.memory_space<vmem>>, vector<16xi32>,
          %mul3A_193 = arith.constant 16 : i32
          %mul3A_194 = arith.muli %scan3A_184, %mul3A_193 : i32
          %swap3A_195 = arith.index_cast %mul3A_194 : i32 to index
          %swap3A_196 = tpu.vector_load %arg11[%swap3A_195] {strides = array<i32>} : memref<4096xi32, #tpu.memory_space<vmem>>, vector<16xi32>,
          tpu.vector_store %arg11[%swap3A_195], %broadcast_in_dim3A_3 {strides = array<i32>} : memref<4096xi32, #tpu.memory_space<vmem>>, vector<16xi32>,
          %mul3A_197 = arith.constant 16 : i32
          %mul3A_198 = arith.muli %scan3A_184, %mul3A_197 : i32
          %swap3A_199 = arith.index_cast %mul3A_198 : i32 to index
          %swap3A_200 = tpu.vector_load %arg12[%swap3A_199] {strides = array<i32>} : memref<4096xi32, #tpu.memory_space<vmem>>, vector<16xi32>,
          tpu.vector_store %arg12[%swap3A_199], %broadcast_in_dim3A_3 {strides = array<i32>} : memref<4096xi32, #tpu.memory_space<vmem>>, vector<16xi32>,
          %scan3A_201 = arith.constant 0 : i32
          %scan3A_202 = arith.constant 2 : i32
          %scan3A_203 = arith.addi %scan3A_165, %scan3A_202 : i32
          %mul3A_204 = arith.constant 16 : i32
          %mul3A_205 = arith.muli %scan3A_203, %mul3A_204 : i32
          %swap3A_206 = arith.index_cast %mul3A_205 : i32 to index
          %swap3A_207 = tpu.vector_load %arg9[%swap3A_206] {strides = array<i32>} : memref<4096xi32, #tpu.memory_space<vmem>>, vector<16xi32>,
          tpu.vector_store %arg9[%swap3A_206], %broadcast_in_dim3A_3 {strides = array<i32>} : memref<4096xi32, #tpu.memory_space<vmem>>, vector<16xi32>,
          %mul3A_208 = arith.constant 16 : i32
          %mul3A_209 = arith.muli %scan3A_203, %mul3A_208 : i32
          %swap3A_210 = arith.index_cast %mul3A_209 : i32 to index
          %swap3A_211 = tpu.vector_load %arg10[%swap3A_210] {strides = array<i32>} : memref<4096xi32, #tpu.memory_space<vmem>>, vector<16xi32>,
          tpu.vector_store %arg10[%swap3A_210], %broadcast_in_dim3A_3 {strides = array<i32>} : memref<4096xi32, #tpu.memory_space<vmem>>, vector<16xi32>,
          %mul3A_212 = arith.constant 16 : i32
          %mul3A_213 = arith.muli %scan3A_203, %mul3A_212 : i32
          %swap3A_214 = arith.index_cast %mul3A_213 : i32 to index
          %swap3A_215 = tpu.vector_load %arg11[%swap3A_214] {strides = array<i32>} : memref<4096xi32, #tpu.memory_space<vmem>>, vector<16xi32>,
          tpu.vector_store %arg11[%swap3A_214], %broadcast_in_dim3A_3 {strides = array<i32>} : memref<4096xi32, #tpu.memory_space<vmem>>, vector<16xi32>,
          %mul3A_216 = arith.constant 16 : i32
          %mul3A_217 = arith.muli %scan3A_203, %mul3A_216 : i32
          %swap3A_218 = arith.index_cast %mul3A_217 : i32 to index
          %swap3A_219 = tpu.vector_load %arg12[%swap3A_218] {strides = array<i32>} : memref<4096xi32, #tpu.memory_space<vmem>>, vector<16xi32>,
          tpu.vector_store %arg12[%swap3A_218], %broadcast_in_dim3A_3 {strides = array<i32>} : memref<4096xi32, #tpu.memory_space<vmem>>, vector<16xi32>,
          %scan3A_220 = arith.constant 0 : i32
          %scan3A_221 = arith.constant 3 : i32
          %scan3A_222 = arith.addi %scan3A_165, %scan3A_221 : i32
          %mul3A_223 = arith.constant 16 : i32
          %mul3A_224 = arith.muli %scan3A_222, %mul3A_223 : i32
          %swap3A_225 = arith.index_cast %mul3A_224 : i32 to index
          %swap3A_226 = tpu.vector_load %arg9[%swap3A_225] {strides = array<i32>} : memref<4096xi32, #tpu.memory_space<vmem>>, vector<16xi32>,
          tpu.vector_store %arg9[%swap3A_225], %broadcast_in_dim3A_3 {strides = array<i32>} : memref<4096xi32, #tpu.memory_space<vmem>>, vector<16xi32>,
          %mul3A_227 = arith.constant 16 : i32
          %mul3A_228 = arith.muli %scan3A_222, %mul3A_227 : i32
          %swap3A_229 = arith.index_cast %mul3A_228 : i32 to index
          %swap3A_230 = tpu.vector_load %arg10[%swap3A_229] {strides = array<i32>} : memref<4096xi32, #tpu.memory_space<vmem>>, vector<16xi32>,
          tpu.vector_store %arg10[%swap3A_229], %broadcast_in_dim3A_3 {strides = array<i32>} : memref<4096xi32, #tpu.memory_space<vmem>>, vector<16xi32>,
          %mul3A_231 = arith.constant 16 : i32
          %mul3A_232 = arith.muli %scan3A_222, %mul3A_231 : i32
          %swap3A_233 = arith.index_cast %mul3A_232 : i32 to index
          %swap3A_234 = tpu.vector_load %arg11[%swap3A_233] {strides = array<i32>} : memref<4096xi32, #tpu.memory_space<vmem>>, vector<16xi32>,
          tpu.vector_store %arg11[%swap3A_233], %broadcast_in_dim3A_3 {strides = array<i32>} : memref<4096xi32, #tpu.memory_space<vmem>>, vector<16xi32>,
          %mul3A_235 = arith.constant 16 : i32
          %mul3A_236 = arith.muli %scan3A_222, %mul3A_235 : i32
          %swap3A_237 = arith.index_cast %mul3A_236 : i32 to index
          %swap3A_238 = tpu.vector_load %arg12[%swap3A_237] {strides = array<i32>} : memref<4096xi32, #tpu.memory_space<vmem>>, vector<16xi32>,
          tpu.vector_store %arg12[%swap3A_237], %broadcast_in_dim3A_3 {strides = array<i32>} : memref<4096xi32, #tpu.memory_space<vmem>>, vector<16xi32>,
          %scan3A_239 = arith.constant 0 : i32
          scf.yield %scan3A_239 : i32
        }
        %scan3A_129 = arith.constant 256 : i32
        %scan3A_130 = arith.constant 0 : i32
        %scan3A_131 = arith.constant 0 : i32
        %scan3A_132 = arith.constant 64 : i32
        %scan3A_133 = arith.addi %scan3A_131, %scan3A_132 : i32
        %scan3A_134 = arith.constant 2 : i32
        %scan3A_135 = scf.for %scan3A_165 = %scan3A_131 to %scan3A_133 step %scan3A_134 iter_args(%scan3A_166 = %scan3A_130) -> (i32)  : i32 {
          %add3A_167 = arith.constant 0 : i32
          %add3A_168 = arith.addi %scan3A_165, %add3A_167 : i32
          %mul3A_169 = arith.constant 256 : i32
          %mul3A_170 = vector.broadcast %mul3A_169 : i32 to vector<16xi32>
          %mul3A_171 = arith.muli %iota3A, %mul3A_170 : vector<16xi32>
          %add3A_172 = vector.broadcast %add3A_168 : i32 to vector<16xi32>
          %add3A_173 = arith.addi %mul3A_171, %add3A_172 : vector<16xi32>
          %gather3A = tpu.vector_load_idx %arg7[%add3A_173] : memref<4096xi32, #tpu.memory_space<vmem>>[vector<16xi32>], vector<16xi32>,
          %shift_right_logical3A_174 = arith.constant 8 : i32
          %shift_right_logical3A_175 = vector.broadcast %shift_right_logical3A_174 : i32 to vector<16xi32>
          %shift_right_logical3A_176 = arith.shrui %gather3A, %shift_right_logical3A_175 : vector<16xi32>
          %and3A_177 = arith.constant 255 : i32
          %and3A_178 = vector.broadcast %and3A_177 : i32 to vector<16xi32>
          %and3A_179 = arith.andi %shift_right_logical3A_176, %and3A_178 : vector<16xi32>
          %mul3A_180 = arith.constant 16 : i32
          %mul3A_181 = vector.broadcast %mul3A_180 : i32 to vector<16xi32>
          %mul3A_182 = arith.muli %and3A_179, %mul3A_181 : vector<16xi32>
          %add3A_183 = arith.addi %mul3A_182, %iota3A : vector<16xi32>
          tpu.vector_store_idx %arg9[%add3A_183], %broadcast_in_dim3A_1 {add = true} : memref<4096xi32, #tpu.memory_space<vmem>>[vector<16xi32>], vector<16xi32>,
          %add3A_184 = arith.constant 64 : i32
          %add3A_185 = arith.addi %scan3A_165, %add3A_184 : i32
          %mul3A_186 = arith.constant 256 : i32
          %mul3A_187 = vector.broadcast %mul3A_186 : i32 to vector<16xi32>
          %mul3A_188 = arith.muli %iota3A, %mul3A_187 : vector<16xi32>
          %add3A_189 = vector.broadcast %add3A_185 : i32 to vector<16xi32>
          %add3A_190 = arith.addi %mul3A_188, %add3A_189 : vector<16xi32>
          %gather3A_191 = tpu.vector_load_idx %arg7[%add3A_190] : memref<4096xi32, #tpu.memory_space<vmem>>[vector<16xi32>], vector<16xi32>,
          %shift_right_logical3A_192 = arith.constant 8 : i32
          %shift_right_logical3A_193 = vector.broadcast %shift_right_logical3A_192 : i32 to vector<16xi32>
          %shift_right_logical3A_194 = arith.shrui %gather3A_191, %shift_right_logical3A_193 : vector<16xi32>
          %and3A_195 = arith.constant 255 : i32
          %and3A_196 = vector.broadcast %and3A_195 : i32 to vector<16xi32>
          %and3A_197 = arith.andi %shift_right_logical3A_194, %and3A_196 : vector<16xi32>
          %mul3A_198 = arith.constant 16 : i32
          %mul3A_199 = vector.broadcast %mul3A_198 : i32 to vector<16xi32>
          %mul3A_200 = arith.muli %and3A_197, %mul3A_199 : vector<16xi32>
          %add3A_201 = arith.addi %mul3A_200, %iota3A : vector<16xi32>
          tpu.vector_store_idx %arg10[%add3A_201], %broadcast_in_dim3A_1 {add = true} : memref<4096xi32, #tpu.memory_space<vmem>>[vector<16xi32>], vector<16xi32>,
          %add3A_202 = arith.constant 128 : i32
          %add3A_203 = arith.addi %scan3A_165, %add3A_202 : i32
          %mul3A_204 = arith.constant 256 : i32
          %mul3A_205 = vector.broadcast %mul3A_204 : i32 to vector<16xi32>
          %mul3A_206 = arith.muli %iota3A, %mul3A_205 : vector<16xi32>
          %add3A_207 = vector.broadcast %add3A_203 : i32 to vector<16xi32>
          %add3A_208 = arith.addi %mul3A_206, %add3A_207 : vector<16xi32>
          %gather3A_209 = tpu.vector_load_idx %arg7[%add3A_208] : memref<4096xi32, #tpu.memory_space<vmem>>[vector<16xi32>], vector<16xi32>,
          %shift_right_logical3A_210 = arith.constant 8 : i32
          %shift_right_logical3A_211 = vector.broadcast %shift_right_logical3A_210 : i32 to vector<16xi32>
          %shift_right_logical3A_212 = arith.shrui %gather3A_209, %shift_right_logical3A_211 : vector<16xi32>
          %and3A_213 = arith.constant 255 : i32
          %and3A_214 = vector.broadcast %and3A_213 : i32 to vector<16xi32>
          %and3A_215 = arith.andi %shift_right_logical3A_212, %and3A_214 : vector<16xi32>
          %mul3A_216 = arith.constant 16 : i32
          %mul3A_217 = vector.broadcast %mul3A_216 : i32 to vector<16xi32>
          %mul3A_218 = arith.muli %and3A_215, %mul3A_217 : vector<16xi32>
          %add3A_219 = arith.addi %mul3A_218, %iota3A : vector<16xi32>
          tpu.vector_store_idx %arg11[%add3A_219], %broadcast_in_dim3A_1 {add = true} : memref<4096xi32, #tpu.memory_space<vmem>>[vector<16xi32>], vector<16xi32>,
          %add3A_220 = arith.constant 192 : i32
          %add3A_221 = arith.addi %scan3A_165, %add3A_220 : i32
          %mul3A_222 = arith.constant 256 : i32
          %mul3A_223 = vector.broadcast %mul3A_222 : i32 to vector<16xi32>
          %mul3A_224 = arith.muli %iota3A, %mul3A_223 : vector<16xi32>
          %add3A_225 = vector.broadcast %add3A_221 : i32 to vector<16xi32>
          %add3A_226 = arith.addi %mul3A_224, %add3A_225 : vector<16xi32>
          %gather3A_227 = tpu.vector_load_idx %arg7[%add3A_226] : memref<4096xi32, #tpu.memory_space<vmem>>[vector<16xi32>], vector<16xi32>,
          %shift_right_logical3A_228 = arith.constant 8 : i32
          %shift_right_logical3A_229 = vector.broadcast %shift_right_logical3A_228 : i32 to vector<16xi32>
          %shift_right_logical3A_230 = arith.shrui %gather3A_227, %shift_right_logical3A_229 : vector<16xi32>
          %and3A_231 = arith.constant 255 : i32
          %and3A_232 = vector.broadcast %and3A_231 : i32 to vector<16xi32>
          %and3A_233 = arith.andi %shift_right_logical3A_230, %and3A_232 : vector<16xi32>
          %mul3A_234 = arith.constant 16 : i32
          %mul3A_235 = vector.broadcast %mul3A_234 : i32 to vector<16xi32>
          %mul3A_236 = arith.muli %and3A_233, %mul3A_235 : vector<16xi32>
          %add3A_237 = arith.addi %mul3A_236, %iota3A : vector<16xi32>
          tpu.vector_store_idx %arg12[%add3A_237], %broadcast_in_dim3A_1 {add = true} : memref<4096xi32, #tpu.memory_space<vmem>>[vector<16xi32>], vector<16xi32>,
          %scan3A_238 = arith.constant 0 : i32
          %scan3A_239 = arith.constant 1 : i32
          %scan3A_240 = arith.addi %scan3A_165, %scan3A_239 : i32
          %add3A_241 = arith.constant 0 : i32
          %add3A_242 = arith.addi %scan3A_240, %add3A_241 : i32
          %mul3A_243 = arith.constant 256 : i32
          %mul3A_244 = vector.broadcast %mul3A_243 : i32 to vector<16xi32>
          %mul3A_245 = arith.muli %iota3A, %mul3A_244 : vector<16xi32>
          %add3A_246 = vector.broadcast %add3A_242 : i32 to vector<16xi32>
          %add3A_247 = arith.addi %mul3A_245, %add3A_246 : vector<16xi32>
          %gather3A_248 = tpu.vector_load_idx %arg7[%add3A_247] : memref<4096xi32, #tpu.memory_space<vmem>>[vector<16xi32>], vector<16xi32>,
          %shift_right_logical3A_249 = arith.constant 8 : i32
          %shift_right_logical3A_250 = vector.broadcast %shift_right_logical3A_249 : i32 to vector<16xi32>
          %shift_right_logical3A_251 = arith.shrui %gather3A_248, %shift_right_logical3A_250 : vector<16xi32>
          %and3A_252 = arith.constant 255 : i32
          %and3A_253 = vector.broadcast %and3A_252 : i32 to vector<16xi32>
          %and3A_254 = arith.andi %shift_right_logical3A_251, %and3A_253 : vector<16xi32>
          %mul3A_255 = arith.constant 16 : i32
          %mul3A_256 = vector.broadcast %mul3A_255 : i32 to vector<16xi32>
          %mul3A_257 = arith.muli %and3A_254, %mul3A_256 : vector<16xi32>
          %add3A_258 = arith.addi %mul3A_257, %iota3A : vector<16xi32>
          tpu.vector_store_idx %arg9[%add3A_258], %broadcast_in_dim3A_1 {add = true} : memref<4096xi32, #tpu.memory_space<vmem>>[vector<16xi32>], vector<16xi32>,
          %add3A_259 = arith.constant 64 : i32
          %add3A_260 = arith.addi %scan3A_240, %add3A_259 : i32
          %mul3A_261 = arith.constant 256 : i32
          %mul3A_262 = vector.broadcast %mul3A_261 : i32 to vector<16xi32>
          %mul3A_263 = arith.muli %iota3A, %mul3A_262 : vector<16xi32>
          %add3A_264 = vector.broadcast %add3A_260 : i32 to vector<16xi32>
          %add3A_265 = arith.addi %mul3A_263, %add3A_264 : vector<16xi32>
          %gather3A_266 = tpu.vector_load_idx %arg7[%add3A_265] : memref<4096xi32, #tpu.memory_space<vmem>>[vector<16xi32>], vector<16xi32>,
          %shift_right_logical3A_267 = arith.constant 8 : i32
          %shift_right_logical3A_268 = vector.broadcast %shift_right_logical3A_267 : i32 to vector<16xi32>
          %shift_right_logical3A_269 = arith.shrui %gather3A_266, %shift_right_logical3A_268 : vector<16xi32>
          %and3A_270 = arith.constant 255 : i32
          %and3A_271 = vector.broadcast %and3A_270 : i32 to vector<16xi32>
          %and3A_272 = arith.andi %shift_right_logical3A_269, %and3A_271 : vector<16xi32>
          %mul3A_273 = arith.constant 16 : i32
          %mul3A_274 = vector.broadcast %mul3A_273 : i32 to vector<16xi32>
          %mul3A_275 = arith.muli %and3A_272, %mul3A_274 : vector<16xi32>
          %add3A_276 = arith.addi %mul3A_275, %iota3A : vector<16xi32>
          tpu.vector_store_idx %arg10[%add3A_276], %broadcast_in_dim3A_1 {add = true} : memref<4096xi32, #tpu.memory_space<vmem>>[vector<16xi32>], vector<16xi32>,
          %add3A_277 = arith.constant 128 : i32
          %add3A_278 = arith.addi %scan3A_240, %add3A_277 : i32
          %mul3A_279 = arith.constant 256 : i32
          %mul3A_280 = vector.broadcast %mul3A_279 : i32 to vector<16xi32>
          %mul3A_281 = arith.muli %iota3A, %mul3A_280 : vector<16xi32>
          %add3A_282 = vector.broadcast %add3A_278 : i32 to vector<16xi32>
          %add3A_283 = arith.addi %mul3A_281, %add3A_282 : vector<16xi32>
          %gather3A_284 = tpu.vector_load_idx %arg7[%add3A_283] : memref<4096xi32, #tpu.memory_space<vmem>>[vector<16xi32>], vector<16xi32>,
          %shift_right_logical3A_285 = arith.constant 8 : i32
          %shift_right_logical3A_286 = vector.broadcast %shift_right_logical3A_285 : i32 to vector<16xi32>
          %shift_right_logical3A_287 = arith.shrui %gather3A_284, %shift_right_logical3A_286 : vector<16xi32>
          %and3A_288 = arith.constant 255 : i32
          %and3A_289 = vector.broadcast %and3A_288 : i32 to vector<16xi32>
          %and3A_290 = arith.andi %shift_right_logical3A_287, %and3A_289 : vector<16xi32>
          %mul3A_291 = arith.constant 16 : i32
          %mul3A_292 = vector.broadcast %mul3A_291 : i32 to vector<16xi32>
          %mul3A_293 = arith.muli %and3A_290, %mul3A_292 : vector<16xi32>
          %add3A_294 = arith.addi %mul3A_293, %iota3A : vector<16xi32>
          tpu.vector_store_idx %arg11[%add3A_294], %broadcast_in_dim3A_1 {add = true} : memref<4096xi32, #tpu.memory_space<vmem>>[vector<16xi32>], vector<16xi32>,
          %add3A_295 = arith.constant 192 : i32
          %add3A_296 = arith.addi %scan3A_240, %add3A_295 : i32
          %mul3A_297 = arith.constant 256 : i32
          %mul3A_298 = vector.broadcast %mul3A_297 : i32 to vector<16xi32>
          %mul3A_299 = arith.muli %iota3A, %mul3A_298 : vector<16xi32>
          %add3A_300 = vector.broadcast %add3A_296 : i32 to vector<16xi32>
          %add3A_301 = arith.addi %mul3A_299, %add3A_300 : vector<16xi32>
          %gather3A_302 = tpu.vector_load_idx %arg7[%add3A_301] : memref<4096xi32, #tpu.memory_space<vmem>>[vector<16xi32>], vector<16xi32>,
          %shift_right_logical3A_303 = arith.constant 8 : i32
          %shift_right_logical3A_304 = vector.broadcast %shift_right_logical3A_303 : i32 to vector<16xi32>
          %shift_right_logical3A_305 = arith.shrui %gather3A_302, %shift_right_logical3A_304 : vector<16xi32>
          %and3A_306 = arith.constant 255 : i32
          %and3A_307 = vector.broadcast %and3A_306 : i32 to vector<16xi32>
          %and3A_308 = arith.andi %shift_right_logical3A_305, %and3A_307 : vector<16xi32>
          %mul3A_309 = arith.constant 16 : i32
          %mul3A_310 = vector.broadcast %mul3A_309 : i32 to vector<16xi32>
          %mul3A_311 = arith.muli %and3A_308, %mul3A_310 : vector<16xi32>
          %add3A_312 = arith.addi %mul3A_311, %iota3A : vector<16xi32>
          tpu.vector_store_idx %arg12[%add3A_312], %broadcast_in_dim3A_1 {add = true} : memref<4096xi32, #tpu.memory_space<vmem>>[vector<16xi32>], vector<16xi32>,
          %scan3A_313 = arith.constant 0 : i32
          scf.yield %scan3A_313 : i32
        }
        %scan3A_136 = arith.constant 64 : i32
        %scan3A_137 = arith.constant 0 : i32
        %scan3A_138 = arith.constant 0 : i32
        %scan3A_139 = arith.constant 256 : i32
        %scan3A_140 = arith.addi %scan3A_138, %scan3A_139 : i32
        %scan3A_141 = arith.constant 4 : i32
        %scan3A_142 = scf.for %scan3A_165 = %scan3A_138 to %scan3A_140 step %scan3A_141 iter_args(%scan3A_166 = %scan3A_137) -> (i32)  : i32 {
          %mul3A_167 = arith.constant 16 : i32
          %mul3A_168 = arith.muli %scan3A_165, %mul3A_167 : i32
          %get3A = arith.index_cast %mul3A_168 : i32 to index
          %get3A_169 = tpu.vector_load %arg9[%get3A] {strides = array<i32>} : memref<4096xi32, #tpu.memory_space<vmem>>, vector<16xi32>,
          %add3A_170 = arith.addi %broadcast_in_dim3A_3, %get3A_169 : vector<16xi32>
          %mul3A_171 = arith.constant 16 : i32
          %mul3A_172 = arith.muli %scan3A_165, %mul3A_171 : i32
          %get3A_173 = arith.index_cast %mul3A_172 : i32 to index
          %get3A_174 = tpu.vector_load %arg10[%get3A_173] {strides = array<i32>} : memref<4096xi32, #tpu.memory_space<vmem>>, vector<16xi32>,
          %add3A_175 = arith.addi %add3A_170, %get3A_174 : vector<16xi32>
          %mul3A_176 = arith.constant 16 : i32
          %mul3A_177 = arith.muli %scan3A_165, %mul3A_176 : i32
          %get3A_178 = arith.index_cast %mul3A_177 : i32 to index
          %get3A_179 = tpu.vector_load %arg11[%get3A_178] {strides = array<i32>} : memref<4096xi32, #tpu.memory_space<vmem>>, vector<16xi32>,
          %add3A_180 = arith.addi %add3A_175, %get3A_179 : vector<16xi32>
          %mul3A_181 = arith.constant 16 : i32
          %mul3A_182 = arith.muli %scan3A_165, %mul3A_181 : i32
          %get3A_183 = arith.index_cast %mul3A_182 : i32 to index
          %get3A_184 = tpu.vector_load %arg12[%get3A_183] {strides = array<i32>} : memref<4096xi32, #tpu.memory_space<vmem>>, vector<16xi32>,
          %add3A_185 = arith.addi %add3A_180, %get3A_184 : vector<16xi32>
          %broadcast_in_dim3A_186 = arith.constant true
          %broadcast_in_dim3A_187 = vector.broadcast %broadcast_in_dim3A_186 : i1 to vector<16xi1>
          %masked_cumsum3A = tpu.scan <sum>, %add3A_185 masked %broadcast_in_dim3A_187 : vector<16xi32>, vector<16xi1> -> vector<16xi32>
          %reduce_max3A_188 = arith.constant true
          %reduce_max3A_189 = vector.broadcast %reduce_max3A_188 : i1 to vector<16xi1>
          %reduce_max3A_190 = arith.constant -2147483648 : i32
          %reduce_max3A_191 = vector.broadcast %reduce_max3A_190 : i32 to vector<16xi32>
          %reduce_max3A_192 = arith.xori %masked_cumsum3A, %reduce_max3A_191 : vector<16xi32>
          %reduce_max3A_193 = tpu.scan <max>, %reduce_max3A_192 masked %reduce_max3A_189 : vector<16xi32>, vector<16xi1> -> vector<16xi32>
          %reduce_max3A_194 = arith.xori %reduce_max3A_193, %reduce_max3A_191 : vector<16xi32>
          %reduce_max3A_195 = vector.extract %reduce_max3A_194[15] : i32 from vector<16xi32>
          %add3A_196 = vector.broadcast %scan3A_165 : i32 to vector<16xi32>
          %add3A_197 = arith.addi %broadcast_in_dim3A_3, %add3A_196 : vector<16xi32>
          %add3A_198 = vector.broadcast %reduce_max3A_195 : i32 to vector<16xi32>
          %add3A_199 = arith.addi %broadcast_in_dim3A_3, %add3A_198 : vector<16xi32>
          %eq3A_200 = arith.constant 0 : i32
          %eq3A_201 = vector.broadcast %eq3A_200 : i32 to vector<16xi32>
          %eq3A_202 = arith.cmpi eq, %iota3A, %eq3A_201 : vector<16xi32>
          tpu.vector_store_idx %arg13[%add3A_197], %add3A_199 masked %eq3A_202 : memref<256xi32, #tpu.memory_space<vmem>>[vector<16xi32>], vector<16xi32>, vector<16xi1>
          %scan3A_203 = arith.constant 0 : i32
          %scan3A_204 = arith.constant 1 : i32
          %scan3A_205 = arith.addi %scan3A_165, %scan3A_204 : i32
          %mul3A_206 = arith.constant 16 : i32
          %mul3A_207 = arith.muli %scan3A_205, %mul3A_206 : i32
          %get3A_208 = arith.index_cast %mul3A_207 : i32 to index
          %get3A_209 = tpu.vector_load %arg9[%get3A_208] {strides = array<i32>} : memref<4096xi32, #tpu.memory_space<vmem>>, vector<16xi32>,
          %add3A_210 = arith.addi %broadcast_in_dim3A_3, %get3A_209 : vector<16xi32>
          %mul3A_211 = arith.constant 16 : i32
          %mul3A_212 = arith.muli %scan3A_205, %mul3A_211 : i32
          %get3A_213 = arith.index_cast %mul3A_212 : i32 to index
          %get3A_214 = tpu.vector_load %arg10[%get3A_213] {strides = array<i32>} : memref<4096xi32, #tpu.memory_space<vmem>>, vector<16xi32>,
          %add3A_215 = arith.addi %add3A_210, %get3A_214 : vector<16xi32>
          %mul3A_216 = arith.constant 16 : i32
          %mul3A_217 = arith.muli %scan3A_205, %mul3A_216 : i32
          %get3A_218 = arith.index_cast %mul3A_217 : i32 to index
          %get3A_219 = tpu.vector_load %arg11[%get3A_218] {strides = array<i32>} : memref<4096xi32, #tpu.memory_space<vmem>>, vector<16xi32>,
          %add3A_220 = arith.addi %add3A_215, %get3A_219 : vector<16xi32>
          %mul3A_221 = arith.constant 16 : i32
          %mul3A_222 = arith.muli %scan3A_205, %mul3A_221 : i32
          %get3A_223 = arith.index_cast %mul3A_222 : i32 to index
          %get3A_224 = tpu.vector_load %arg12[%get3A_223] {strides = array<i32>} : memref<4096xi32, #tpu.memory_space<vmem>>, vector<16xi32>,
          %add3A_225 = arith.addi %add3A_220, %get3A_224 : vector<16xi32>
          %broadcast_in_dim3A_226 = arith.constant true
          %broadcast_in_dim3A_227 = vector.broadcast %broadcast_in_dim3A_226 : i1 to vector<16xi1>
          %masked_cumsum3A_228 = tpu.scan <sum>, %add3A_225 masked %broadcast_in_dim3A_227 : vector<16xi32>, vector<16xi1> -> vector<16xi32>
          %reduce_max3A_229 = arith.constant true
          %reduce_max3A_230 = vector.broadcast %reduce_max3A_229 : i1 to vector<16xi1>
          %reduce_max3A_231 = arith.constant -2147483648 : i32
          %reduce_max3A_232 = vector.broadcast %reduce_max3A_231 : i32 to vector<16xi32>
          %reduce_max3A_233 = arith.xori %masked_cumsum3A_228, %reduce_max3A_232 : vector<16xi32>
          %reduce_max3A_234 = tpu.scan <max>, %reduce_max3A_233 masked %reduce_max3A_230 : vector<16xi32>, vector<16xi1> -> vector<16xi32>
          %reduce_max3A_235 = arith.xori %reduce_max3A_234, %reduce_max3A_232 : vector<16xi32>
          %reduce_max3A_236 = vector.extract %reduce_max3A_235[15] : i32 from vector<16xi32>
          %add3A_237 = vector.broadcast %scan3A_205 : i32 to vector<16xi32>
          %add3A_238 = arith.addi %broadcast_in_dim3A_3, %add3A_237 : vector<16xi32>
          %add3A_239 = vector.broadcast %reduce_max3A_236 : i32 to vector<16xi32>
          %add3A_240 = arith.addi %broadcast_in_dim3A_3, %add3A_239 : vector<16xi32>
          %eq3A_241 = arith.constant 0 : i32
          %eq3A_242 = vector.broadcast %eq3A_241 : i32 to vector<16xi32>
          %eq3A_243 = arith.cmpi eq, %iota3A, %eq3A_242 : vector<16xi32>
          tpu.vector_store_idx %arg13[%add3A_238], %add3A_240 masked %eq3A_243 : memref<256xi32, #tpu.memory_space<vmem>>[vector<16xi32>], vector<16xi32>, vector<16xi1>
          %scan3A_244 = arith.constant 0 : i32
          %scan3A_245 = arith.constant 2 : i32
          %scan3A_246 = arith.addi %scan3A_165, %scan3A_245 : i32
          %mul3A_247 = arith.constant 16 : i32
          %mul3A_248 = arith.muli %scan3A_246, %mul3A_247 : i32
          %get3A_249 = arith.index_cast %mul3A_248 : i32 to index
          %get3A_250 = tpu.vector_load %arg9[%get3A_249] {strides = array<i32>} : memref<4096xi32, #tpu.memory_space<vmem>>, vector<16xi32>,
          %add3A_251 = arith.addi %broadcast_in_dim3A_3, %get3A_250 : vector<16xi32>
          %mul3A_252 = arith.constant 16 : i32
          %mul3A_253 = arith.muli %scan3A_246, %mul3A_252 : i32
          %get3A_254 = arith.index_cast %mul3A_253 : i32 to index
          %get3A_255 = tpu.vector_load %arg10[%get3A_254] {strides = array<i32>} : memref<4096xi32, #tpu.memory_space<vmem>>, vector<16xi32>,
          %add3A_256 = arith.addi %add3A_251, %get3A_255 : vector<16xi32>
          %mul3A_257 = arith.constant 16 : i32
          %mul3A_258 = arith.muli %scan3A_246, %mul3A_257 : i32
          %get3A_259 = arith.index_cast %mul3A_258 : i32 to index
          %get3A_260 = tpu.vector_load %arg11[%get3A_259] {strides = array<i32>} : memref<4096xi32, #tpu.memory_space<vmem>>, vector<16xi32>,
          %add3A_261 = arith.addi %add3A_256, %get3A_260 : vector<16xi32>
          %mul3A_262 = arith.constant 16 : i32
          %mul3A_263 = arith.muli %scan3A_246, %mul3A_262 : i32
          %get3A_264 = arith.index_cast %mul3A_263 : i32 to index
          %get3A_265 = tpu.vector_load %arg12[%get3A_264] {strides = array<i32>} : memref<4096xi32, #tpu.memory_space<vmem>>, vector<16xi32>,
          %add3A_266 = arith.addi %add3A_261, %get3A_265 : vector<16xi32>
          %broadcast_in_dim3A_267 = arith.constant true
          %broadcast_in_dim3A_268 = vector.broadcast %broadcast_in_dim3A_267 : i1 to vector<16xi1>
          %masked_cumsum3A_269 = tpu.scan <sum>, %add3A_266 masked %broadcast_in_dim3A_268 : vector<16xi32>, vector<16xi1> -> vector<16xi32>
          %reduce_max3A_270 = arith.constant true
          %reduce_max3A_271 = vector.broadcast %reduce_max3A_270 : i1 to vector<16xi1>
          %reduce_max3A_272 = arith.constant -2147483648 : i32
          %reduce_max3A_273 = vector.broadcast %reduce_max3A_272 : i32 to vector<16xi32>
          %reduce_max3A_274 = arith.xori %masked_cumsum3A_269, %reduce_max3A_273 : vector<16xi32>
          %reduce_max3A_275 = tpu.scan <max>, %reduce_max3A_274 masked %reduce_max3A_271 : vector<16xi32>, vector<16xi1> -> vector<16xi32>
          %reduce_max3A_276 = arith.xori %reduce_max3A_275, %reduce_max3A_273 : vector<16xi32>
          %reduce_max3A_277 = vector.extract %reduce_max3A_276[15] : i32 from vector<16xi32>
          %add3A_278 = vector.broadcast %scan3A_246 : i32 to vector<16xi32>
          %add3A_279 = arith.addi %broadcast_in_dim3A_3, %add3A_278 : vector<16xi32>
          %add3A_280 = vector.broadcast %reduce_max3A_277 : i32 to vector<16xi32>
          %add3A_281 = arith.addi %broadcast_in_dim3A_3, %add3A_280 : vector<16xi32>
          %eq3A_282 = arith.constant 0 : i32
          %eq3A_283 = vector.broadcast %eq3A_282 : i32 to vector<16xi32>
          %eq3A_284 = arith.cmpi eq, %iota3A, %eq3A_283 : vector<16xi32>
          tpu.vector_store_idx %arg13[%add3A_279], %add3A_281 masked %eq3A_284 : memref<256xi32, #tpu.memory_space<vmem>>[vector<16xi32>], vector<16xi32>, vector<16xi1>
          %scan3A_285 = arith.constant 0 : i32
          %scan3A_286 = arith.constant 3 : i32
          %scan3A_287 = arith.addi %scan3A_165, %scan3A_286 : i32
          %mul3A_288 = arith.constant 16 : i32
          %mul3A_289 = arith.muli %scan3A_287, %mul3A_288 : i32
          %get3A_290 = arith.index_cast %mul3A_289 : i32 to index
          %get3A_291 = tpu.vector_load %arg9[%get3A_290] {strides = array<i32>} : memref<4096xi32, #tpu.memory_space<vmem>>, vector<16xi32>,
          %add3A_292 = arith.addi %broadcast_in_dim3A_3, %get3A_291 : vector<16xi32>
          %mul3A_293 = arith.constant 16 : i32
          %mul3A_294 = arith.muli %scan3A_287, %mul3A_293 : i32
          %get3A_295 = arith.index_cast %mul3A_294 : i32 to index
          %get3A_296 = tpu.vector_load %arg10[%get3A_295] {strides = array<i32>} : memref<4096xi32, #tpu.memory_space<vmem>>, vector<16xi32>,
          %add3A_297 = arith.addi %add3A_292, %get3A_296 : vector<16xi32>
          %mul3A_298 = arith.constant 16 : i32
          %mul3A_299 = arith.muli %scan3A_287, %mul3A_298 : i32
          %get3A_300 = arith.index_cast %mul3A_299 : i32 to index
          %get3A_301 = tpu.vector_load %arg11[%get3A_300] {strides = array<i32>} : memref<4096xi32, #tpu.memory_space<vmem>>, vector<16xi32>,
          %add3A_302 = arith.addi %add3A_297, %get3A_301 : vector<16xi32>
          %mul3A_303 = arith.constant 16 : i32
          %mul3A_304 = arith.muli %scan3A_287, %mul3A_303 : i32
          %get3A_305 = arith.index_cast %mul3A_304 : i32 to index
          %get3A_306 = tpu.vector_load %arg12[%get3A_305] {strides = array<i32>} : memref<4096xi32, #tpu.memory_space<vmem>>, vector<16xi32>,
          %add3A_307 = arith.addi %add3A_302, %get3A_306 : vector<16xi32>
          %broadcast_in_dim3A_308 = arith.constant true
          %broadcast_in_dim3A_309 = vector.broadcast %broadcast_in_dim3A_308 : i1 to vector<16xi1>
          %masked_cumsum3A_310 = tpu.scan <sum>, %add3A_307 masked %broadcast_in_dim3A_309 : vector<16xi32>, vector<16xi1> -> vector<16xi32>
          %reduce_max3A_311 = arith.constant true
          %reduce_max3A_312 = vector.broadcast %reduce_max3A_311 : i1 to vector<16xi1>
          %reduce_max3A_313 = arith.constant -2147483648 : i32
          %reduce_max3A_314 = vector.broadcast %reduce_max3A_313 : i32 to vector<16xi32>
          %reduce_max3A_315 = arith.xori %masked_cumsum3A_310, %reduce_max3A_314 : vector<16xi32>
          %reduce_max3A_316 = tpu.scan <max>, %reduce_max3A_315 masked %reduce_max3A_312 : vector<16xi32>, vector<16xi1> -> vector<16xi32>
          %reduce_max3A_317 = arith.xori %reduce_max3A_316, %reduce_max3A_314 : vector<16xi32>
          %reduce_max3A_318 = vector.extract %reduce_max3A_317[15] : i32 from vector<16xi32>
          %add3A_319 = vector.broadcast %scan3A_287 : i32 to vector<16xi32>
          %add3A_320 = arith.addi %broadcast_in_dim3A_3, %add3A_319 : vector<16xi32>
          %add3A_321 = vector.broadcast %reduce_max3A_318 : i32 to vector<16xi32>
          %add3A_322 = arith.addi %broadcast_in_dim3A_3, %add3A_321 : vector<16xi32>
          %eq3A_323 = arith.constant 0 : i32
          %eq3A_324 = vector.broadcast %eq3A_323 : i32 to vector<16xi32>
          %eq3A_325 = arith.cmpi eq, %iota3A, %eq3A_324 : vector<16xi32>
          tpu.vector_store_idx %arg13[%add3A_320], %add3A_322 masked %eq3A_325 : memref<256xi32, #tpu.memory_space<vmem>>[vector<16xi32>], vector<16xi32>, vector<16xi1>
          %scan3A_326 = arith.constant 0 : i32
          scf.yield %scan3A_326 : i32
        }
        %scan3A_143 = arith.constant 256 : i32
        %scan3A_144 = arith.constant 0 : i32
        %scan3A_145 = arith.constant 0 : i32
        %scan3A_146 = arith.constant 16 : i32
        %scan3A_147 = arith.addi %scan3A_145, %scan3A_146 : i32
        %scan3A_148 = arith.constant 1 : i32
        %scan3A_149 = scf.for %scan3A_165 = %scan3A_145 to %scan3A_147 step %scan3A_148 iter_args(%scan3A_166 = %scan3A_144) -> (i32)  : i32 {
          %mul3A_167 = arith.constant 16 : i32
          %mul3A_168 = arith.muli %scan3A_165, %mul3A_167 : i32
          %get3A = arith.index_cast %mul3A_168 : i32 to index
          %get3A_169 = tpu.vector_load %arg13[%get3A] {strides = array<i32>} : memref<256xi32, #tpu.memory_space<vmem>>, vector<16xi32>,
          %broadcast_in_dim3A_170 = arith.constant true
          %broadcast_in_dim3A_171 = vector.broadcast %broadcast_in_dim3A_170 : i1 to vector<16xi1>
          %masked_cumsum3A = tpu.scan <sum>, %get3A_169 masked %broadcast_in_dim3A_171 : vector<16xi32>, vector<16xi1> -> vector<16xi32>
          %sub3A_172 = arith.subi %masked_cumsum3A, %get3A_169 : vector<16xi32>
          %add3A_173 = vector.broadcast %scan3A_166 : i32 to vector<16xi32>
          %add3A_174 = arith.addi %sub3A_172, %add3A_173 : vector<16xi32>
          %mul3A_175 = arith.constant 16 : i32
          %mul3A_176 = arith.muli %scan3A_165, %mul3A_175 : i32
          %swap3A = arith.index_cast %mul3A_176 : i32 to index
          %swap3A_177 = tpu.vector_load %arg13[%swap3A] {strides = array<i32>} : memref<256xi32, #tpu.memory_space<vmem>>, vector<16xi32>,
          tpu.vector_store %arg13[%swap3A], %add3A_174 {strides = array<i32>} : memref<256xi32, #tpu.memory_space<vmem>>, vector<16xi32>,
          %reduce_max3A_178 = arith.constant true
          %reduce_max3A_179 = vector.broadcast %reduce_max3A_178 : i1 to vector<16xi1>
          %reduce_max3A_180 = arith.constant -2147483648 : i32
          %reduce_max3A_181 = vector.broadcast %reduce_max3A_180 : i32 to vector<16xi32>
          %reduce_max3A_182 = arith.xori %masked_cumsum3A, %reduce_max3A_181 : vector<16xi32>
          %reduce_max3A_183 = tpu.scan <max>, %reduce_max3A_182 masked %reduce_max3A_179 : vector<16xi32>, vector<16xi1> -> vector<16xi32>
          %reduce_max3A_184 = arith.xori %reduce_max3A_183, %reduce_max3A_181 : vector<16xi32>
          %reduce_max3A_185 = vector.extract %reduce_max3A_184[15] : i32 from vector<16xi32>
          %add3A_186 = arith.addi %scan3A_166, %reduce_max3A_185 : i32
          scf.yield %add3A_186 : i32
        }
        %scan3A_150 = arith.constant 16 : i32
        %scan3A_151 = arith.constant 0 : i32
        %scan3A_152 = arith.constant 0 : i32
        %scan3A_153 = arith.constant 256 : i32
        %scan3A_154 = arith.addi %scan3A_152, %scan3A_153 : i32
        %scan3A_155 = arith.constant 2 : i32
        %scan3A_156 = scf.for %scan3A_165 = %scan3A_152 to %scan3A_154 step %scan3A_155 iter_args(%scan3A_166 = %scan3A_151) -> (i32)  : i32 {
          %mul3A_167 = arith.constant 16 : i32
          %mul3A_168 = arith.muli %scan3A_165, %mul3A_167 : i32
          %get3A = arith.index_cast %mul3A_168 : i32 to index
          %get3A_169 = tpu.vector_load %arg9[%get3A] {strides = array<i32>} : memref<4096xi32, #tpu.memory_space<vmem>>, vector<16xi32>,
          %get3A_170 = arith.index_cast %mul3A_168 : i32 to index
          %get3A_171 = tpu.vector_load %arg10[%get3A_170] {strides = array<i32>} : memref<4096xi32, #tpu.memory_space<vmem>>, vector<16xi32>,
          %get3A_172 = arith.index_cast %mul3A_168 : i32 to index
          %get3A_173 = tpu.vector_load %arg11[%get3A_172] {strides = array<i32>} : memref<4096xi32, #tpu.memory_space<vmem>>, vector<16xi32>,
          %get3A_174 = arith.index_cast %mul3A_168 : i32 to index
          %get3A_175 = tpu.vector_load %arg12[%get3A_174] {strides = array<i32>} : memref<4096xi32, #tpu.memory_space<vmem>>, vector<16xi32>,
          %add3A_176 = arith.addi %get3A_169, %get3A_171 : vector<16xi32>
          %add3A_177 = arith.addi %add3A_176, %get3A_173 : vector<16xi32>
          %add3A_178 = arith.addi %add3A_177, %get3A_175 : vector<16xi32>
          %broadcast_in_dim3A_179 = arith.constant true
          %broadcast_in_dim3A_180 = vector.broadcast %broadcast_in_dim3A_179 : i1 to vector<16xi1>
          %masked_cumsum3A = tpu.scan <sum>, %add3A_178 masked %broadcast_in_dim3A_180 : vector<16xi32>, vector<16xi1> -> vector<16xi32>
          %add3A_181 = vector.broadcast %scan3A_165 : i32 to vector<16xi32>
          %add3A_182 = arith.addi %broadcast_in_dim3A_3, %add3A_181 : vector<16xi32>
          %gather3A = tpu.vector_load_idx %arg13[%add3A_182] : memref<256xi32, #tpu.memory_space<vmem>>[vector<16xi32>], vector<16xi32>,
          %sub3A_183 = arith.subi %masked_cumsum3A, %add3A_178 : vector<16xi32>
          %add3A_184 = arith.addi %sub3A_183, %gather3A : vector<16xi32>
          %swap3A = arith.index_cast %mul3A_168 : i32 to index
          %swap3A_185 = tpu.vector_load %arg9[%swap3A] {strides = array<i32>} : memref<4096xi32, #tpu.memory_space<vmem>>, vector<16xi32>,
          tpu.vector_store %arg9[%swap3A], %add3A_184 {strides = array<i32>} : memref<4096xi32, #tpu.memory_space<vmem>>, vector<16xi32>,
          %add3A_186 = arith.addi %add3A_184, %get3A_169 : vector<16xi32>
          %swap3A_187 = arith.index_cast %mul3A_168 : i32 to index
          %swap3A_188 = tpu.vector_load %arg10[%swap3A_187] {strides = array<i32>} : memref<4096xi32, #tpu.memory_space<vmem>>, vector<16xi32>,
          tpu.vector_store %arg10[%swap3A_187], %add3A_186 {strides = array<i32>} : memref<4096xi32, #tpu.memory_space<vmem>>, vector<16xi32>,
          %add3A_189 = arith.addi %add3A_186, %get3A_171 : vector<16xi32>
          %swap3A_190 = arith.index_cast %mul3A_168 : i32 to index
          %swap3A_191 = tpu.vector_load %arg11[%swap3A_190] {strides = array<i32>} : memref<4096xi32, #tpu.memory_space<vmem>>, vector<16xi32>,
          tpu.vector_store %arg11[%swap3A_190], %add3A_189 {strides = array<i32>} : memref<4096xi32, #tpu.memory_space<vmem>>, vector<16xi32>,
          %add3A_192 = arith.addi %add3A_189, %get3A_173 : vector<16xi32>
          %swap3A_193 = arith.index_cast %mul3A_168 : i32 to index
          %swap3A_194 = tpu.vector_load %arg12[%swap3A_193] {strides = array<i32>} : memref<4096xi32, #tpu.memory_space<vmem>>, vector<16xi32>,
          tpu.vector_store %arg12[%swap3A_193], %add3A_192 {strides = array<i32>} : memref<4096xi32, #tpu.memory_space<vmem>>, vector<16xi32>,
          %scan3A_195 = arith.constant 0 : i32
          %scan3A_196 = arith.constant 1 : i32
          %scan3A_197 = arith.addi %scan3A_165, %scan3A_196 : i32
          %mul3A_198 = arith.constant 16 : i32
          %mul3A_199 = arith.muli %scan3A_197, %mul3A_198 : i32
          %get3A_200 = arith.index_cast %mul3A_199 : i32 to index
          %get3A_201 = tpu.vector_load %arg9[%get3A_200] {strides = array<i32>} : memref<4096xi32, #tpu.memory_space<vmem>>, vector<16xi32>,
          %get3A_202 = arith.index_cast %mul3A_199 : i32 to index
          %get3A_203 = tpu.vector_load %arg10[%get3A_202] {strides = array<i32>} : memref<4096xi32, #tpu.memory_space<vmem>>, vector<16xi32>,
          %get3A_204 = arith.index_cast %mul3A_199 : i32 to index
          %get3A_205 = tpu.vector_load %arg11[%get3A_204] {strides = array<i32>} : memref<4096xi32, #tpu.memory_space<vmem>>, vector<16xi32>,
          %get3A_206 = arith.index_cast %mul3A_199 : i32 to index
          %get3A_207 = tpu.vector_load %arg12[%get3A_206] {strides = array<i32>} : memref<4096xi32, #tpu.memory_space<vmem>>, vector<16xi32>,
          %add3A_208 = arith.addi %get3A_201, %get3A_203 : vector<16xi32>
          %add3A_209 = arith.addi %add3A_208, %get3A_205 : vector<16xi32>
          %add3A_210 = arith.addi %add3A_209, %get3A_207 : vector<16xi32>
          %broadcast_in_dim3A_211 = arith.constant true
          %broadcast_in_dim3A_212 = vector.broadcast %broadcast_in_dim3A_211 : i1 to vector<16xi1>
          %masked_cumsum3A_213 = tpu.scan <sum>, %add3A_210 masked %broadcast_in_dim3A_212 : vector<16xi32>, vector<16xi1> -> vector<16xi32>
          %add3A_214 = vector.broadcast %scan3A_197 : i32 to vector<16xi32>
          %add3A_215 = arith.addi %broadcast_in_dim3A_3, %add3A_214 : vector<16xi32>
          %gather3A_216 = tpu.vector_load_idx %arg13[%add3A_215] : memref<256xi32, #tpu.memory_space<vmem>>[vector<16xi32>], vector<16xi32>,
          %sub3A_217 = arith.subi %masked_cumsum3A_213, %add3A_210 : vector<16xi32>
          %add3A_218 = arith.addi %sub3A_217, %gather3A_216 : vector<16xi32>
          %swap3A_219 = arith.index_cast %mul3A_199 : i32 to index
          %swap3A_220 = tpu.vector_load %arg9[%swap3A_219] {strides = array<i32>} : memref<4096xi32, #tpu.memory_space<vmem>>, vector<16xi32>,
          tpu.vector_store %arg9[%swap3A_219], %add3A_218 {strides = array<i32>} : memref<4096xi32, #tpu.memory_space<vmem>>, vector<16xi32>,
          %add3A_221 = arith.addi %add3A_218, %get3A_201 : vector<16xi32>
          %swap3A_222 = arith.index_cast %mul3A_199 : i32 to index
          %swap3A_223 = tpu.vector_load %arg10[%swap3A_222] {strides = array<i32>} : memref<4096xi32, #tpu.memory_space<vmem>>, vector<16xi32>,
          tpu.vector_store %arg10[%swap3A_222], %add3A_221 {strides = array<i32>} : memref<4096xi32, #tpu.memory_space<vmem>>, vector<16xi32>,
          %add3A_224 = arith.addi %add3A_221, %get3A_203 : vector<16xi32>
          %swap3A_225 = arith.index_cast %mul3A_199 : i32 to index
          %swap3A_226 = tpu.vector_load %arg11[%swap3A_225] {strides = array<i32>} : memref<4096xi32, #tpu.memory_space<vmem>>, vector<16xi32>,
          tpu.vector_store %arg11[%swap3A_225], %add3A_224 {strides = array<i32>} : memref<4096xi32, #tpu.memory_space<vmem>>, vector<16xi32>,
          %add3A_227 = arith.addi %add3A_224, %get3A_205 : vector<16xi32>
          %swap3A_228 = arith.index_cast %mul3A_199 : i32 to index
          %swap3A_229 = tpu.vector_load %arg12[%swap3A_228] {strides = array<i32>} : memref<4096xi32, #tpu.memory_space<vmem>>, vector<16xi32>,
          tpu.vector_store %arg12[%swap3A_228], %add3A_227 {strides = array<i32>} : memref<4096xi32, #tpu.memory_space<vmem>>, vector<16xi32>,
          %scan3A_230 = arith.constant 0 : i32
          scf.yield %scan3A_230 : i32
        }
        %scan3A_157 = arith.constant 256 : i32
        %scan3A_158 = arith.constant 0 : i32
        %scan3A_159 = arith.constant 0 : i32
        %scan3A_160 = arith.constant 64 : i32
        %scan3A_161 = arith.addi %scan3A_159, %scan3A_160 : i32
        %scan3A_162 = arith.constant 2 : i32
        %scan3A_163 = scf.for %scan3A_165 = %scan3A_159 to %scan3A_161 step %scan3A_162 iter_args(%scan3A_166 = %scan3A_158) -> (i32)  : i32 {
          %add3A_167 = arith.constant 0 : i32
          %add3A_168 = arith.addi %scan3A_165, %add3A_167 : i32
          %mul3A_169 = arith.constant 256 : i32
          %mul3A_170 = vector.broadcast %mul3A_169 : i32 to vector<16xi32>
          %mul3A_171 = arith.muli %iota3A, %mul3A_170 : vector<16xi32>
          %add3A_172 = vector.broadcast %add3A_168 : i32 to vector<16xi32>
          %add3A_173 = arith.addi %mul3A_171, %add3A_172 : vector<16xi32>
          %gather3A = tpu.vector_load_idx %arg7[%add3A_173] : memref<4096xi32, #tpu.memory_space<vmem>>[vector<16xi32>], vector<16xi32>,
          %gather3A_174 = tpu.vector_load_idx %arg8[%add3A_173] : memref<4096xi32, #tpu.memory_space<vmem>>[vector<16xi32>], vector<16xi32>,
          %shift_right_logical3A_175 = arith.constant 8 : i32
          %shift_right_logical3A_176 = vector.broadcast %shift_right_logical3A_175 : i32 to vector<16xi32>
          %shift_right_logical3A_177 = arith.shrui %gather3A, %shift_right_logical3A_176 : vector<16xi32>
          %and3A_178 = arith.constant 255 : i32
          %and3A_179 = vector.broadcast %and3A_178 : i32 to vector<16xi32>
          %and3A_180 = arith.andi %shift_right_logical3A_177, %and3A_179 : vector<16xi32>
          %mul3A_181 = arith.constant 16 : i32
          %mul3A_182 = vector.broadcast %mul3A_181 : i32 to vector<16xi32>
          %mul3A_183 = arith.muli %and3A_180, %mul3A_182 : vector<16xi32>
          %add3A_184 = arith.addi %mul3A_183, %iota3A : vector<16xi32>
          %gather3A_185 = tpu.vector_load_idx %arg9[%add3A_184] : memref<4096xi32, #tpu.memory_space<vmem>>[vector<16xi32>], vector<16xi32>,
          tpu.vector_store_idx %arg5[%gather3A_185], %gather3A : memref<4096xi32, #tpu.memory_space<vmem>>[vector<16xi32>], vector<16xi32>,
          tpu.vector_store_idx %arg6[%gather3A_185], %gather3A_174 : memref<4096xi32, #tpu.memory_space<vmem>>[vector<16xi32>], vector<16xi32>,
          tpu.vector_store_idx %arg9[%add3A_184], %broadcast_in_dim3A_1 {add = true} : memref<4096xi32, #tpu.memory_space<vmem>>[vector<16xi32>], vector<16xi32>,
          %add3A_186 = arith.constant 64 : i32
          %add3A_187 = arith.addi %scan3A_165, %add3A_186 : i32
          %mul3A_188 = arith.constant 256 : i32
          %mul3A_189 = vector.broadcast %mul3A_188 : i32 to vector<16xi32>
          %mul3A_190 = arith.muli %iota3A, %mul3A_189 : vector<16xi32>
          %add3A_191 = vector.broadcast %add3A_187 : i32 to vector<16xi32>
          %add3A_192 = arith.addi %mul3A_190, %add3A_191 : vector<16xi32>
          %gather3A_193 = tpu.vector_load_idx %arg7[%add3A_192] : memref<4096xi32, #tpu.memory_space<vmem>>[vector<16xi32>], vector<16xi32>,
          %gather3A_194 = tpu.vector_load_idx %arg8[%add3A_192] : memref<4096xi32, #tpu.memory_space<vmem>>[vector<16xi32>], vector<16xi32>,
          %shift_right_logical3A_195 = arith.constant 8 : i32
          %shift_right_logical3A_196 = vector.broadcast %shift_right_logical3A_195 : i32 to vector<16xi32>
          %shift_right_logical3A_197 = arith.shrui %gather3A_193, %shift_right_logical3A_196 : vector<16xi32>
          %and3A_198 = arith.constant 255 : i32
          %and3A_199 = vector.broadcast %and3A_198 : i32 to vector<16xi32>
          %and3A_200 = arith.andi %shift_right_logical3A_197, %and3A_199 : vector<16xi32>
          %mul3A_201 = arith.constant 16 : i32
          %mul3A_202 = vector.broadcast %mul3A_201 : i32 to vector<16xi32>
          %mul3A_203 = arith.muli %and3A_200, %mul3A_202 : vector<16xi32>
          %add3A_204 = arith.addi %mul3A_203, %iota3A : vector<16xi32>
          %gather3A_205 = tpu.vector_load_idx %arg10[%add3A_204] : memref<4096xi32, #tpu.memory_space<vmem>>[vector<16xi32>], vector<16xi32>,
          tpu.vector_store_idx %arg5[%gather3A_205], %gather3A_193 : memref<4096xi32, #tpu.memory_space<vmem>>[vector<16xi32>], vector<16xi32>,
          tpu.vector_store_idx %arg6[%gather3A_205], %gather3A_194 : memref<4096xi32, #tpu.memory_space<vmem>>[vector<16xi32>], vector<16xi32>,
          tpu.vector_store_idx %arg10[%add3A_204], %broadcast_in_dim3A_1 {add = true} : memref<4096xi32, #tpu.memory_space<vmem>>[vector<16xi32>], vector<16xi32>,
          %add3A_206 = arith.constant 128 : i32
          %add3A_207 = arith.addi %scan3A_165, %add3A_206 : i32
          %mul3A_208 = arith.constant 256 : i32
          %mul3A_209 = vector.broadcast %mul3A_208 : i32 to vector<16xi32>
          %mul3A_210 = arith.muli %iota3A, %mul3A_209 : vector<16xi32>
          %add3A_211 = vector.broadcast %add3A_207 : i32 to vector<16xi32>
          %add3A_212 = arith.addi %mul3A_210, %add3A_211 : vector<16xi32>
          %gather3A_213 = tpu.vector_load_idx %arg7[%add3A_212] : memref<4096xi32, #tpu.memory_space<vmem>>[vector<16xi32>], vector<16xi32>,
          %gather3A_214 = tpu.vector_load_idx %arg8[%add3A_212] : memref<4096xi32, #tpu.memory_space<vmem>>[vector<16xi32>], vector<16xi32>,
          %shift_right_logical3A_215 = arith.constant 8 : i32
          %shift_right_logical3A_216 = vector.broadcast %shift_right_logical3A_215 : i32 to vector<16xi32>
          %shift_right_logical3A_217 = arith.shrui %gather3A_213, %shift_right_logical3A_216 : vector<16xi32>
          %and3A_218 = arith.constant 255 : i32
          %and3A_219 = vector.broadcast %and3A_218 : i32 to vector<16xi32>
          %and3A_220 = arith.andi %shift_right_logical3A_217, %and3A_219 : vector<16xi32>
          %mul3A_221 = arith.constant 16 : i32
          %mul3A_222 = vector.broadcast %mul3A_221 : i32 to vector<16xi32>
          %mul3A_223 = arith.muli %and3A_220, %mul3A_222 : vector<16xi32>
          %add3A_224 = arith.addi %mul3A_223, %iota3A : vector<16xi32>
          %gather3A_225 = tpu.vector_load_idx %arg11[%add3A_224] : memref<4096xi32, #tpu.memory_space<vmem>>[vector<16xi32>], vector<16xi32>,
          tpu.vector_store_idx %arg5[%gather3A_225], %gather3A_213 : memref<4096xi32, #tpu.memory_space<vmem>>[vector<16xi32>], vector<16xi32>,
          tpu.vector_store_idx %arg6[%gather3A_225], %gather3A_214 : memref<4096xi32, #tpu.memory_space<vmem>>[vector<16xi32>], vector<16xi32>,
          tpu.vector_store_idx %arg11[%add3A_224], %broadcast_in_dim3A_1 {add = true} : memref<4096xi32, #tpu.memory_space<vmem>>[vector<16xi32>], vector<16xi32>,
          %add3A_226 = arith.constant 192 : i32
          %add3A_227 = arith.addi %scan3A_165, %add3A_226 : i32
          %mul3A_228 = arith.constant 256 : i32
          %mul3A_229 = vector.broadcast %mul3A_228 : i32 to vector<16xi32>
          %mul3A_230 = arith.muli %iota3A, %mul3A_229 : vector<16xi32>
          %add3A_231 = vector.broadcast %add3A_227 : i32 to vector<16xi32>
          %add3A_232 = arith.addi %mul3A_230, %add3A_231 : vector<16xi32>
          %gather3A_233 = tpu.vector_load_idx %arg7[%add3A_232] : memref<4096xi32, #tpu.memory_space<vmem>>[vector<16xi32>], vector<16xi32>,
          %gather3A_234 = tpu.vector_load_idx %arg8[%add3A_232] : memref<4096xi32, #tpu.memory_space<vmem>>[vector<16xi32>], vector<16xi32>,
          %shift_right_logical3A_235 = arith.constant 8 : i32
          %shift_right_logical3A_236 = vector.broadcast %shift_right_logical3A_235 : i32 to vector<16xi32>
          %shift_right_logical3A_237 = arith.shrui %gather3A_233, %shift_right_logical3A_236 : vector<16xi32>
          %and3A_238 = arith.constant 255 : i32
          %and3A_239 = vector.broadcast %and3A_238 : i32 to vector<16xi32>
          %and3A_240 = arith.andi %shift_right_logical3A_237, %and3A_239 : vector<16xi32>
          %mul3A_241 = arith.constant 16 : i32
          %mul3A_242 = vector.broadcast %mul3A_241 : i32 to vector<16xi32>
          %mul3A_243 = arith.muli %and3A_240, %mul3A_242 : vector<16xi32>
          %add3A_244 = arith.addi %mul3A_243, %iota3A : vector<16xi32>
          %gather3A_245 = tpu.vector_load_idx %arg12[%add3A_244] : memref<4096xi32, #tpu.memory_space<vmem>>[vector<16xi32>], vector<16xi32>,
          tpu.vector_store_idx %arg5[%gather3A_245], %gather3A_233 : memref<4096xi32, #tpu.memory_space<vmem>>[vector<16xi32>], vector<16xi32>,
          tpu.vector_store_idx %arg6[%gather3A_245], %gather3A_234 : memref<4096xi32, #tpu.memory_space<vmem>>[vector<16xi32>], vector<16xi32>,
          tpu.vector_store_idx %arg12[%add3A_244], %broadcast_in_dim3A_1 {add = true} : memref<4096xi32, #tpu.memory_space<vmem>>[vector<16xi32>], vector<16xi32>,
          %scan3A_246 = arith.constant 0 : i32
          %scan3A_247 = arith.constant 1 : i32
          %scan3A_248 = arith.addi %scan3A_165, %scan3A_247 : i32
          %add3A_249 = arith.constant 0 : i32
          %add3A_250 = arith.addi %scan3A_248, %add3A_249 : i32
          %mul3A_251 = arith.constant 256 : i32
          %mul3A_252 = vector.broadcast %mul3A_251 : i32 to vector<16xi32>
          %mul3A_253 = arith.muli %iota3A, %mul3A_252 : vector<16xi32>
          %add3A_254 = vector.broadcast %add3A_250 : i32 to vector<16xi32>
          %add3A_255 = arith.addi %mul3A_253, %add3A_254 : vector<16xi32>
          %gather3A_256 = tpu.vector_load_idx %arg7[%add3A_255] : memref<4096xi32, #tpu.memory_space<vmem>>[vector<16xi32>], vector<16xi32>,
          %gather3A_257 = tpu.vector_load_idx %arg8[%add3A_255] : memref<4096xi32, #tpu.memory_space<vmem>>[vector<16xi32>], vector<16xi32>,
          %shift_right_logical3A_258 = arith.constant 8 : i32
          %shift_right_logical3A_259 = vector.broadcast %shift_right_logical3A_258 : i32 to vector<16xi32>
          %shift_right_logical3A_260 = arith.shrui %gather3A_256, %shift_right_logical3A_259 : vector<16xi32>
          %and3A_261 = arith.constant 255 : i32
          %and3A_262 = vector.broadcast %and3A_261 : i32 to vector<16xi32>
          %and3A_263 = arith.andi %shift_right_logical3A_260, %and3A_262 : vector<16xi32>
          %mul3A_264 = arith.constant 16 : i32
          %mul3A_265 = vector.broadcast %mul3A_264 : i32 to vector<16xi32>
          %mul3A_266 = arith.muli %and3A_263, %mul3A_265 : vector<16xi32>
          %add3A_267 = arith.addi %mul3A_266, %iota3A : vector<16xi32>
          %gather3A_268 = tpu.vector_load_idx %arg9[%add3A_267] : memref<4096xi32, #tpu.memory_space<vmem>>[vector<16xi32>], vector<16xi32>,
          tpu.vector_store_idx %arg5[%gather3A_268], %gather3A_256 : memref<4096xi32, #tpu.memory_space<vmem>>[vector<16xi32>], vector<16xi32>,
          tpu.vector_store_idx %arg6[%gather3A_268], %gather3A_257 : memref<4096xi32, #tpu.memory_space<vmem>>[vector<16xi32>], vector<16xi32>,
          tpu.vector_store_idx %arg9[%add3A_267], %broadcast_in_dim3A_1 {add = true} : memref<4096xi32, #tpu.memory_space<vmem>>[vector<16xi32>], vector<16xi32>,
          %add3A_269 = arith.constant 64 : i32
          %add3A_270 = arith.addi %scan3A_248, %add3A_269 : i32
          %mul3A_271 = arith.constant 256 : i32
          %mul3A_272 = vector.broadcast %mul3A_271 : i32 to vector<16xi32>
          %mul3A_273 = arith.muli %iota3A, %mul3A_272 : vector<16xi32>
          %add3A_274 = vector.broadcast %add3A_270 : i32 to vector<16xi32>
          %add3A_275 = arith.addi %mul3A_273, %add3A_274 : vector<16xi32>
          %gather3A_276 = tpu.vector_load_idx %arg7[%add3A_275] : memref<4096xi32, #tpu.memory_space<vmem>>[vector<16xi32>], vector<16xi32>,
          %gather3A_277 = tpu.vector_load_idx %arg8[%add3A_275] : memref<4096xi32, #tpu.memory_space<vmem>>[vector<16xi32>], vector<16xi32>,
          %shift_right_logical3A_278 = arith.constant 8 : i32
          %shift_right_logical3A_279 = vector.broadcast %shift_right_logical3A_278 : i32 to vector<16xi32>
          %shift_right_logical3A_280 = arith.shrui %gather3A_276, %shift_right_logical3A_279 : vector<16xi32>
          %and3A_281 = arith.constant 255 : i32
          %and3A_282 = vector.broadcast %and3A_281 : i32 to vector<16xi32>
          %and3A_283 = arith.andi %shift_right_logical3A_280, %and3A_282 : vector<16xi32>
          %mul3A_284 = arith.constant 16 : i32
          %mul3A_285 = vector.broadcast %mul3A_284 : i32 to vector<16xi32>
          %mul3A_286 = arith.muli %and3A_283, %mul3A_285 : vector<16xi32>
          %add3A_287 = arith.addi %mul3A_286, %iota3A : vector<16xi32>
          %gather3A_288 = tpu.vector_load_idx %arg10[%add3A_287] : memref<4096xi32, #tpu.memory_space<vmem>>[vector<16xi32>], vector<16xi32>,
          tpu.vector_store_idx %arg5[%gather3A_288], %gather3A_276 : memref<4096xi32, #tpu.memory_space<vmem>>[vector<16xi32>], vector<16xi32>,
          tpu.vector_store_idx %arg6[%gather3A_288], %gather3A_277 : memref<4096xi32, #tpu.memory_space<vmem>>[vector<16xi32>], vector<16xi32>,
          tpu.vector_store_idx %arg10[%add3A_287], %broadcast_in_dim3A_1 {add = true} : memref<4096xi32, #tpu.memory_space<vmem>>[vector<16xi32>], vector<16xi32>,
          %add3A_289 = arith.constant 128 : i32
          %add3A_290 = arith.addi %scan3A_248, %add3A_289 : i32
          %mul3A_291 = arith.constant 256 : i32
          %mul3A_292 = vector.broadcast %mul3A_291 : i32 to vector<16xi32>
          %mul3A_293 = arith.muli %iota3A, %mul3A_292 : vector<16xi32>
          %add3A_294 = vector.broadcast %add3A_290 : i32 to vector<16xi32>
          %add3A_295 = arith.addi %mul3A_293, %add3A_294 : vector<16xi32>
          %gather3A_296 = tpu.vector_load_idx %arg7[%add3A_295] : memref<4096xi32, #tpu.memory_space<vmem>>[vector<16xi32>], vector<16xi32>,
          %gather3A_297 = tpu.vector_load_idx %arg8[%add3A_295] : memref<4096xi32, #tpu.memory_space<vmem>>[vector<16xi32>], vector<16xi32>,
          %shift_right_logical3A_298 = arith.constant 8 : i32
          %shift_right_logical3A_299 = vector.broadcast %shift_right_logical3A_298 : i32 to vector<16xi32>
          %shift_right_logical3A_300 = arith.shrui %gather3A_296, %shift_right_logical3A_299 : vector<16xi32>
          %and3A_301 = arith.constant 255 : i32
          %and3A_302 = vector.broadcast %and3A_301 : i32 to vector<16xi32>
          %and3A_303 = arith.andi %shift_right_logical3A_300, %and3A_302 : vector<16xi32>
          %mul3A_304 = arith.constant 16 : i32
          %mul3A_305 = vector.broadcast %mul3A_304 : i32 to vector<16xi32>
          %mul3A_306 = arith.muli %and3A_303, %mul3A_305 : vector<16xi32>
          %add3A_307 = arith.addi %mul3A_306, %iota3A : vector<16xi32>
          %gather3A_308 = tpu.vector_load_idx %arg11[%add3A_307] : memref<4096xi32, #tpu.memory_space<vmem>>[vector<16xi32>], vector<16xi32>,
          tpu.vector_store_idx %arg5[%gather3A_308], %gather3A_296 : memref<4096xi32, #tpu.memory_space<vmem>>[vector<16xi32>], vector<16xi32>,
          tpu.vector_store_idx %arg6[%gather3A_308], %gather3A_297 : memref<4096xi32, #tpu.memory_space<vmem>>[vector<16xi32>], vector<16xi32>,
          tpu.vector_store_idx %arg11[%add3A_307], %broadcast_in_dim3A_1 {add = true} : memref<4096xi32, #tpu.memory_space<vmem>>[vector<16xi32>], vector<16xi32>,
          %add3A_309 = arith.constant 192 : i32
          %add3A_310 = arith.addi %scan3A_248, %add3A_309 : i32
          %mul3A_311 = arith.constant 256 : i32
          %mul3A_312 = vector.broadcast %mul3A_311 : i32 to vector<16xi32>
          %mul3A_313 = arith.muli %iota3A, %mul3A_312 : vector<16xi32>
          %add3A_314 = vector.broadcast %add3A_310 : i32 to vector<16xi32>
          %add3A_315 = arith.addi %mul3A_313, %add3A_314 : vector<16xi32>
          %gather3A_316 = tpu.vector_load_idx %arg7[%add3A_315] : memref<4096xi32, #tpu.memory_space<vmem>>[vector<16xi32>], vector<16xi32>,
          %gather3A_317 = tpu.vector_load_idx %arg8[%add3A_315] : memref<4096xi32, #tpu.memory_space<vmem>>[vector<16xi32>], vector<16xi32>,
          %shift_right_logical3A_318 = arith.constant 8 : i32
          %shift_right_logical3A_319 = vector.broadcast %shift_right_logical3A_318 : i32 to vector<16xi32>
          %shift_right_logical3A_320 = arith.shrui %gather3A_316, %shift_right_logical3A_319 : vector<16xi32>
          %and3A_321 = arith.constant 255 : i32
          %and3A_322 = vector.broadcast %and3A_321 : i32 to vector<16xi32>
          %and3A_323 = arith.andi %shift_right_logical3A_320, %and3A_322 : vector<16xi32>
          %mul3A_324 = arith.constant 16 : i32
          %mul3A_325 = vector.broadcast %mul3A_324 : i32 to vector<16xi32>
          %mul3A_326 = arith.muli %and3A_323, %mul3A_325 : vector<16xi32>
          %add3A_327 = arith.addi %mul3A_326, %iota3A : vector<16xi32>
          %gather3A_328 = tpu.vector_load_idx %arg12[%add3A_327] : memref<4096xi32, #tpu.memory_space<vmem>>[vector<16xi32>], vector<16xi32>,
          tpu.vector_store_idx %arg5[%gather3A_328], %gather3A_316 : memref<4096xi32, #tpu.memory_space<vmem>>[vector<16xi32>], vector<16xi32>,
          tpu.vector_store_idx %arg6[%gather3A_328], %gather3A_317 : memref<4096xi32, #tpu.memory_space<vmem>>[vector<16xi32>], vector<16xi32>,
          tpu.vector_store_idx %arg12[%add3A_327], %broadcast_in_dim3A_1 {add = true} : memref<4096xi32, #tpu.memory_space<vmem>>[vector<16xi32>], vector<16xi32>,
          %scan3A_329 = arith.constant 0 : i32
          scf.yield %scan3A_329 : i32
        }
        %scan3A_164 = arith.constant 64 : i32
      } else {
      }
      %ge3A_100 = arith.constant 3 : i32
      %ge3A_101 = arith.cmpi sge, %add3A_54, %ge3A_100 : i32
      %convert_element_type3A_102 = arith.extui %ge3A_101 : i1 to i32
      %cond3A_103 = arith.constant 0 : i32
      %cond3A_104 = arith.cmpi ne, %convert_element_type3A_102, %cond3A_103 : i32
      scf.if %cond3A_104 {
        %scan3A_123 = arith.constant 0 : i32
        %scan3A_124 = arith.constant 0 : i32
        %scan3A_125 = arith.constant 256 : i32
        %scan3A_126 = arith.addi %scan3A_124, %scan3A_125 : i32
        %scan3A_127 = arith.constant 4 : i32
        %scan3A_128 = scf.for %scan3A_165 = %scan3A_124 to %scan3A_126 step %scan3A_127 iter_args(%scan3A_166 = %scan3A_123) -> (i32)  : i32 {
          %mul3A_167 = arith.constant 16 : i32
          %mul3A_168 = arith.muli %scan3A_165, %mul3A_167 : i32
          %swap3A = arith.index_cast %mul3A_168 : i32 to index
          %swap3A_169 = tpu.vector_load %arg9[%swap3A] {strides = array<i32>} : memref<4096xi32, #tpu.memory_space<vmem>>, vector<16xi32>,
          tpu.vector_store %arg9[%swap3A], %broadcast_in_dim3A_3 {strides = array<i32>} : memref<4096xi32, #tpu.memory_space<vmem>>, vector<16xi32>,
          %mul3A_170 = arith.constant 16 : i32
          %mul3A_171 = arith.muli %scan3A_165, %mul3A_170 : i32
          %swap3A_172 = arith.index_cast %mul3A_171 : i32 to index
          %swap3A_173 = tpu.vector_load %arg10[%swap3A_172] {strides = array<i32>} : memref<4096xi32, #tpu.memory_space<vmem>>, vector<16xi32>,
          tpu.vector_store %arg10[%swap3A_172], %broadcast_in_dim3A_3 {strides = array<i32>} : memref<4096xi32, #tpu.memory_space<vmem>>, vector<16xi32>,
          %mul3A_174 = arith.constant 16 : i32
          %mul3A_175 = arith.muli %scan3A_165, %mul3A_174 : i32
          %swap3A_176 = arith.index_cast %mul3A_175 : i32 to index
          %swap3A_177 = tpu.vector_load %arg11[%swap3A_176] {strides = array<i32>} : memref<4096xi32, #tpu.memory_space<vmem>>, vector<16xi32>,
          tpu.vector_store %arg11[%swap3A_176], %broadcast_in_dim3A_3 {strides = array<i32>} : memref<4096xi32, #tpu.memory_space<vmem>>, vector<16xi32>,
          %mul3A_178 = arith.constant 16 : i32
          %mul3A_179 = arith.muli %scan3A_165, %mul3A_178 : i32
          %swap3A_180 = arith.index_cast %mul3A_179 : i32 to index
          %swap3A_181 = tpu.vector_load %arg12[%swap3A_180] {strides = array<i32>} : memref<4096xi32, #tpu.memory_space<vmem>>, vector<16xi32>,
          tpu.vector_store %arg12[%swap3A_180], %broadcast_in_dim3A_3 {strides = array<i32>} : memref<4096xi32, #tpu.memory_space<vmem>>, vector<16xi32>,
          %scan3A_182 = arith.constant 0 : i32
          %scan3A_183 = arith.constant 1 : i32
          %scan3A_184 = arith.addi %scan3A_165, %scan3A_183 : i32
          %mul3A_185 = arith.constant 16 : i32
          %mul3A_186 = arith.muli %scan3A_184, %mul3A_185 : i32
          %swap3A_187 = arith.index_cast %mul3A_186 : i32 to index
          %swap3A_188 = tpu.vector_load %arg9[%swap3A_187] {strides = array<i32>} : memref<4096xi32, #tpu.memory_space<vmem>>, vector<16xi32>,
          tpu.vector_store %arg9[%swap3A_187], %broadcast_in_dim3A_3 {strides = array<i32>} : memref<4096xi32, #tpu.memory_space<vmem>>, vector<16xi32>,
          %mul3A_189 = arith.constant 16 : i32
          %mul3A_190 = arith.muli %scan3A_184, %mul3A_189 : i32
          %swap3A_191 = arith.index_cast %mul3A_190 : i32 to index
          %swap3A_192 = tpu.vector_load %arg10[%swap3A_191] {strides = array<i32>} : memref<4096xi32, #tpu.memory_space<vmem>>, vector<16xi32>,
          tpu.vector_store %arg10[%swap3A_191], %broadcast_in_dim3A_3 {strides = array<i32>} : memref<4096xi32, #tpu.memory_space<vmem>>, vector<16xi32>,
          %mul3A_193 = arith.constant 16 : i32
          %mul3A_194 = arith.muli %scan3A_184, %mul3A_193 : i32
          %swap3A_195 = arith.index_cast %mul3A_194 : i32 to index
          %swap3A_196 = tpu.vector_load %arg11[%swap3A_195] {strides = array<i32>} : memref<4096xi32, #tpu.memory_space<vmem>>, vector<16xi32>,
          tpu.vector_store %arg11[%swap3A_195], %broadcast_in_dim3A_3 {strides = array<i32>} : memref<4096xi32, #tpu.memory_space<vmem>>, vector<16xi32>,
          %mul3A_197 = arith.constant 16 : i32
          %mul3A_198 = arith.muli %scan3A_184, %mul3A_197 : i32
          %swap3A_199 = arith.index_cast %mul3A_198 : i32 to index
          %swap3A_200 = tpu.vector_load %arg12[%swap3A_199] {strides = array<i32>} : memref<4096xi32, #tpu.memory_space<vmem>>, vector<16xi32>,
          tpu.vector_store %arg12[%swap3A_199], %broadcast_in_dim3A_3 {strides = array<i32>} : memref<4096xi32, #tpu.memory_space<vmem>>, vector<16xi32>,
          %scan3A_201 = arith.constant 0 : i32
          %scan3A_202 = arith.constant 2 : i32
          %scan3A_203 = arith.addi %scan3A_165, %scan3A_202 : i32
          %mul3A_204 = arith.constant 16 : i32
          %mul3A_205 = arith.muli %scan3A_203, %mul3A_204 : i32
          %swap3A_206 = arith.index_cast %mul3A_205 : i32 to index
          %swap3A_207 = tpu.vector_load %arg9[%swap3A_206] {strides = array<i32>} : memref<4096xi32, #tpu.memory_space<vmem>>, vector<16xi32>,
          tpu.vector_store %arg9[%swap3A_206], %broadcast_in_dim3A_3 {strides = array<i32>} : memref<4096xi32, #tpu.memory_space<vmem>>, vector<16xi32>,
          %mul3A_208 = arith.constant 16 : i32
          %mul3A_209 = arith.muli %scan3A_203, %mul3A_208 : i32
          %swap3A_210 = arith.index_cast %mul3A_209 : i32 to index
          %swap3A_211 = tpu.vector_load %arg10[%swap3A_210] {strides = array<i32>} : memref<4096xi32, #tpu.memory_space<vmem>>, vector<16xi32>,
          tpu.vector_store %arg10[%swap3A_210], %broadcast_in_dim3A_3 {strides = array<i32>} : memref<4096xi32, #tpu.memory_space<vmem>>, vector<16xi32>,
          %mul3A_212 = arith.constant 16 : i32
          %mul3A_213 = arith.muli %scan3A_203, %mul3A_212 : i32
          %swap3A_214 = arith.index_cast %mul3A_213 : i32 to index
          %swap3A_215 = tpu.vector_load %arg11[%swap3A_214] {strides = array<i32>} : memref<4096xi32, #tpu.memory_space<vmem>>, vector<16xi32>,
          tpu.vector_store %arg11[%swap3A_214], %broadcast_in_dim3A_3 {strides = array<i32>} : memref<4096xi32, #tpu.memory_space<vmem>>, vector<16xi32>,
          %mul3A_216 = arith.constant 16 : i32
          %mul3A_217 = arith.muli %scan3A_203, %mul3A_216 : i32
          %swap3A_218 = arith.index_cast %mul3A_217 : i32 to index
          %swap3A_219 = tpu.vector_load %arg12[%swap3A_218] {strides = array<i32>} : memref<4096xi32, #tpu.memory_space<vmem>>, vector<16xi32>,
          tpu.vector_store %arg12[%swap3A_218], %broadcast_in_dim3A_3 {strides = array<i32>} : memref<4096xi32, #tpu.memory_space<vmem>>, vector<16xi32>,
          %scan3A_220 = arith.constant 0 : i32
          %scan3A_221 = arith.constant 3 : i32
          %scan3A_222 = arith.addi %scan3A_165, %scan3A_221 : i32
          %mul3A_223 = arith.constant 16 : i32
          %mul3A_224 = arith.muli %scan3A_222, %mul3A_223 : i32
          %swap3A_225 = arith.index_cast %mul3A_224 : i32 to index
          %swap3A_226 = tpu.vector_load %arg9[%swap3A_225] {strides = array<i32>} : memref<4096xi32, #tpu.memory_space<vmem>>, vector<16xi32>,
          tpu.vector_store %arg9[%swap3A_225], %broadcast_in_dim3A_3 {strides = array<i32>} : memref<4096xi32, #tpu.memory_space<vmem>>, vector<16xi32>,
          %mul3A_227 = arith.constant 16 : i32
          %mul3A_228 = arith.muli %scan3A_222, %mul3A_227 : i32
          %swap3A_229 = arith.index_cast %mul3A_228 : i32 to index
          %swap3A_230 = tpu.vector_load %arg10[%swap3A_229] {strides = array<i32>} : memref<4096xi32, #tpu.memory_space<vmem>>, vector<16xi32>,
          tpu.vector_store %arg10[%swap3A_229], %broadcast_in_dim3A_3 {strides = array<i32>} : memref<4096xi32, #tpu.memory_space<vmem>>, vector<16xi32>,
          %mul3A_231 = arith.constant 16 : i32
          %mul3A_232 = arith.muli %scan3A_222, %mul3A_231 : i32
          %swap3A_233 = arith.index_cast %mul3A_232 : i32 to index
          %swap3A_234 = tpu.vector_load %arg11[%swap3A_233] {strides = array<i32>} : memref<4096xi32, #tpu.memory_space<vmem>>, vector<16xi32>,
          tpu.vector_store %arg11[%swap3A_233], %broadcast_in_dim3A_3 {strides = array<i32>} : memref<4096xi32, #tpu.memory_space<vmem>>, vector<16xi32>,
          %mul3A_235 = arith.constant 16 : i32
          %mul3A_236 = arith.muli %scan3A_222, %mul3A_235 : i32
          %swap3A_237 = arith.index_cast %mul3A_236 : i32 to index
          %swap3A_238 = tpu.vector_load %arg12[%swap3A_237] {strides = array<i32>} : memref<4096xi32, #tpu.memory_space<vmem>>, vector<16xi32>,
          tpu.vector_store %arg12[%swap3A_237], %broadcast_in_dim3A_3 {strides = array<i32>} : memref<4096xi32, #tpu.memory_space<vmem>>, vector<16xi32>,
          %scan3A_239 = arith.constant 0 : i32
          scf.yield %scan3A_239 : i32
        }
        %scan3A_129 = arith.constant 256 : i32
        %scan3A_130 = arith.constant 0 : i32
        %scan3A_131 = arith.constant 0 : i32
        %scan3A_132 = arith.constant 64 : i32
        %scan3A_133 = arith.addi %scan3A_131, %scan3A_132 : i32
        %scan3A_134 = arith.constant 2 : i32
        %scan3A_135 = scf.for %scan3A_165 = %scan3A_131 to %scan3A_133 step %scan3A_134 iter_args(%scan3A_166 = %scan3A_130) -> (i32)  : i32 {
          %add3A_167 = arith.constant 0 : i32
          %add3A_168 = arith.addi %scan3A_165, %add3A_167 : i32
          %mul3A_169 = arith.constant 256 : i32
          %mul3A_170 = vector.broadcast %mul3A_169 : i32 to vector<16xi32>
          %mul3A_171 = arith.muli %iota3A, %mul3A_170 : vector<16xi32>
          %add3A_172 = vector.broadcast %add3A_168 : i32 to vector<16xi32>
          %add3A_173 = arith.addi %mul3A_171, %add3A_172 : vector<16xi32>
          %gather3A = tpu.vector_load_idx %arg5[%add3A_173] : memref<4096xi32, #tpu.memory_space<vmem>>[vector<16xi32>], vector<16xi32>,
          %shift_right_logical3A_174 = arith.constant 16 : i32
          %shift_right_logical3A_175 = vector.broadcast %shift_right_logical3A_174 : i32 to vector<16xi32>
          %shift_right_logical3A_176 = arith.shrui %gather3A, %shift_right_logical3A_175 : vector<16xi32>
          %and3A_177 = arith.constant 255 : i32
          %and3A_178 = vector.broadcast %and3A_177 : i32 to vector<16xi32>
          %and3A_179 = arith.andi %shift_right_logical3A_176, %and3A_178 : vector<16xi32>
          %mul3A_180 = arith.constant 16 : i32
          %mul3A_181 = vector.broadcast %mul3A_180 : i32 to vector<16xi32>
          %mul3A_182 = arith.muli %and3A_179, %mul3A_181 : vector<16xi32>
          %add3A_183 = arith.addi %mul3A_182, %iota3A : vector<16xi32>
          tpu.vector_store_idx %arg9[%add3A_183], %broadcast_in_dim3A_1 {add = true} : memref<4096xi32, #tpu.memory_space<vmem>>[vector<16xi32>], vector<16xi32>,
          %add3A_184 = arith.constant 64 : i32
          %add3A_185 = arith.addi %scan3A_165, %add3A_184 : i32
          %mul3A_186 = arith.constant 256 : i32
          %mul3A_187 = vector.broadcast %mul3A_186 : i32 to vector<16xi32>
          %mul3A_188 = arith.muli %iota3A, %mul3A_187 : vector<16xi32>
          %add3A_189 = vector.broadcast %add3A_185 : i32 to vector<16xi32>
          %add3A_190 = arith.addi %mul3A_188, %add3A_189 : vector<16xi32>
          %gather3A_191 = tpu.vector_load_idx %arg5[%add3A_190] : memref<4096xi32, #tpu.memory_space<vmem>>[vector<16xi32>], vector<16xi32>,
          %shift_right_logical3A_192 = arith.constant 16 : i32
          %shift_right_logical3A_193 = vector.broadcast %shift_right_logical3A_192 : i32 to vector<16xi32>
          %shift_right_logical3A_194 = arith.shrui %gather3A_191, %shift_right_logical3A_193 : vector<16xi32>
          %and3A_195 = arith.constant 255 : i32
          %and3A_196 = vector.broadcast %and3A_195 : i32 to vector<16xi32>
          %and3A_197 = arith.andi %shift_right_logical3A_194, %and3A_196 : vector<16xi32>
          %mul3A_198 = arith.constant 16 : i32
          %mul3A_199 = vector.broadcast %mul3A_198 : i32 to vector<16xi32>
          %mul3A_200 = arith.muli %and3A_197, %mul3A_199 : vector<16xi32>
          %add3A_201 = arith.addi %mul3A_200, %iota3A : vector<16xi32>
          tpu.vector_store_idx %arg10[%add3A_201], %broadcast_in_dim3A_1 {add = true} : memref<4096xi32, #tpu.memory_space<vmem>>[vector<16xi32>], vector<16xi32>,
          %add3A_202 = arith.constant 128 : i32
          %add3A_203 = arith.addi %scan3A_165, %add3A_202 : i32
          %mul3A_204 = arith.constant 256 : i32
          %mul3A_205 = vector.broadcast %mul3A_204 : i32 to vector<16xi32>
          %mul3A_206 = arith.muli %iota3A, %mul3A_205 : vector<16xi32>
          %add3A_207 = vector.broadcast %add3A_203 : i32 to vector<16xi32>
          %add3A_208 = arith.addi %mul3A_206, %add3A_207 : vector<16xi32>
          %gather3A_209 = tpu.vector_load_idx %arg5[%add3A_208] : memref<4096xi32, #tpu.memory_space<vmem>>[vector<16xi32>], vector<16xi32>,
          %shift_right_logical3A_210 = arith.constant 16 : i32
          %shift_right_logical3A_211 = vector.broadcast %shift_right_logical3A_210 : i32 to vector<16xi32>
          %shift_right_logical3A_212 = arith.shrui %gather3A_209, %shift_right_logical3A_211 : vector<16xi32>
          %and3A_213 = arith.constant 255 : i32
          %and3A_214 = vector.broadcast %and3A_213 : i32 to vector<16xi32>
          %and3A_215 = arith.andi %shift_right_logical3A_212, %and3A_214 : vector<16xi32>
          %mul3A_216 = arith.constant 16 : i32
          %mul3A_217 = vector.broadcast %mul3A_216 : i32 to vector<16xi32>
          %mul3A_218 = arith.muli %and3A_215, %mul3A_217 : vector<16xi32>
          %add3A_219 = arith.addi %mul3A_218, %iota3A : vector<16xi32>
          tpu.vector_store_idx %arg11[%add3A_219], %broadcast_in_dim3A_1 {add = true} : memref<4096xi32, #tpu.memory_space<vmem>>[vector<16xi32>], vector<16xi32>,
          %add3A_220 = arith.constant 192 : i32
          %add3A_221 = arith.addi %scan3A_165, %add3A_220 : i32
          %mul3A_222 = arith.constant 256 : i32
          %mul3A_223 = vector.broadcast %mul3A_222 : i32 to vector<16xi32>
          %mul3A_224 = arith.muli %iota3A, %mul3A_223 : vector<16xi32>
          %add3A_225 = vector.broadcast %add3A_221 : i32 to vector<16xi32>
          %add3A_226 = arith.addi %mul3A_224, %add3A_225 : vector<16xi32>
          %gather3A_227 = tpu.vector_load_idx %arg5[%add3A_226] : memref<4096xi32, #tpu.memory_space<vmem>>[vector<16xi32>], vector<16xi32>,
          %shift_right_logical3A_228 = arith.constant 16 : i32
          %shift_right_logical3A_229 = vector.broadcast %shift_right_logical3A_228 : i32 to vector<16xi32>
          %shift_right_logical3A_230 = arith.shrui %gather3A_227, %shift_right_logical3A_229 : vector<16xi32>
          %and3A_231 = arith.constant 255 : i32
          %and3A_232 = vector.broadcast %and3A_231 : i32 to vector<16xi32>
          %and3A_233 = arith.andi %shift_right_logical3A_230, %and3A_232 : vector<16xi32>
          %mul3A_234 = arith.constant 16 : i32
          %mul3A_235 = vector.broadcast %mul3A_234 : i32 to vector<16xi32>
          %mul3A_236 = arith.muli %and3A_233, %mul3A_235 : vector<16xi32>
          %add3A_237 = arith.addi %mul3A_236, %iota3A : vector<16xi32>
          tpu.vector_store_idx %arg12[%add3A_237], %broadcast_in_dim3A_1 {add = true} : memref<4096xi32, #tpu.memory_space<vmem>>[vector<16xi32>], vector<16xi32>,
          %scan3A_238 = arith.constant 0 : i32
          %scan3A_239 = arith.constant 1 : i32
          %scan3A_240 = arith.addi %scan3A_165, %scan3A_239 : i32
          %add3A_241 = arith.constant 0 : i32
          %add3A_242 = arith.addi %scan3A_240, %add3A_241 : i32
          %mul3A_243 = arith.constant 256 : i32
          %mul3A_244 = vector.broadcast %mul3A_243 : i32 to vector<16xi32>
          %mul3A_245 = arith.muli %iota3A, %mul3A_244 : vector<16xi32>
          %add3A_246 = vector.broadcast %add3A_242 : i32 to vector<16xi32>
          %add3A_247 = arith.addi %mul3A_245, %add3A_246 : vector<16xi32>
          %gather3A_248 = tpu.vector_load_idx %arg5[%add3A_247] : memref<4096xi32, #tpu.memory_space<vmem>>[vector<16xi32>], vector<16xi32>,
          %shift_right_logical3A_249 = arith.constant 16 : i32
          %shift_right_logical3A_250 = vector.broadcast %shift_right_logical3A_249 : i32 to vector<16xi32>
          %shift_right_logical3A_251 = arith.shrui %gather3A_248, %shift_right_logical3A_250 : vector<16xi32>
          %and3A_252 = arith.constant 255 : i32
          %and3A_253 = vector.broadcast %and3A_252 : i32 to vector<16xi32>
          %and3A_254 = arith.andi %shift_right_logical3A_251, %and3A_253 : vector<16xi32>
          %mul3A_255 = arith.constant 16 : i32
          %mul3A_256 = vector.broadcast %mul3A_255 : i32 to vector<16xi32>
          %mul3A_257 = arith.muli %and3A_254, %mul3A_256 : vector<16xi32>
          %add3A_258 = arith.addi %mul3A_257, %iota3A : vector<16xi32>
          tpu.vector_store_idx %arg9[%add3A_258], %broadcast_in_dim3A_1 {add = true} : memref<4096xi32, #tpu.memory_space<vmem>>[vector<16xi32>], vector<16xi32>,
          %add3A_259 = arith.constant 64 : i32
          %add3A_260 = arith.addi %scan3A_240, %add3A_259 : i32
          %mul3A_261 = arith.constant 256 : i32
          %mul3A_262 = vector.broadcast %mul3A_261 : i32 to vector<16xi32>
          %mul3A_263 = arith.muli %iota3A, %mul3A_262 : vector<16xi32>
          %add3A_264 = vector.broadcast %add3A_260 : i32 to vector<16xi32>
          %add3A_265 = arith.addi %mul3A_263, %add3A_264 : vector<16xi32>
          %gather3A_266 = tpu.vector_load_idx %arg5[%add3A_265] : memref<4096xi32, #tpu.memory_space<vmem>>[vector<16xi32>], vector<16xi32>,
          %shift_right_logical3A_267 = arith.constant 16 : i32
          %shift_right_logical3A_268 = vector.broadcast %shift_right_logical3A_267 : i32 to vector<16xi32>
          %shift_right_logical3A_269 = arith.shrui %gather3A_266, %shift_right_logical3A_268 : vector<16xi32>
          %and3A_270 = arith.constant 255 : i32
          %and3A_271 = vector.broadcast %and3A_270 : i32 to vector<16xi32>
          %and3A_272 = arith.andi %shift_right_logical3A_269, %and3A_271 : vector<16xi32>
          %mul3A_273 = arith.constant 16 : i32
          %mul3A_274 = vector.broadcast %mul3A_273 : i32 to vector<16xi32>
          %mul3A_275 = arith.muli %and3A_272, %mul3A_274 : vector<16xi32>
          %add3A_276 = arith.addi %mul3A_275, %iota3A : vector<16xi32>
          tpu.vector_store_idx %arg10[%add3A_276], %broadcast_in_dim3A_1 {add = true} : memref<4096xi32, #tpu.memory_space<vmem>>[vector<16xi32>], vector<16xi32>,
          %add3A_277 = arith.constant 128 : i32
          %add3A_278 = arith.addi %scan3A_240, %add3A_277 : i32
          %mul3A_279 = arith.constant 256 : i32
          %mul3A_280 = vector.broadcast %mul3A_279 : i32 to vector<16xi32>
          %mul3A_281 = arith.muli %iota3A, %mul3A_280 : vector<16xi32>
          %add3A_282 = vector.broadcast %add3A_278 : i32 to vector<16xi32>
          %add3A_283 = arith.addi %mul3A_281, %add3A_282 : vector<16xi32>
          %gather3A_284 = tpu.vector_load_idx %arg5[%add3A_283] : memref<4096xi32, #tpu.memory_space<vmem>>[vector<16xi32>], vector<16xi32>,
          %shift_right_logical3A_285 = arith.constant 16 : i32
          %shift_right_logical3A_286 = vector.broadcast %shift_right_logical3A_285 : i32 to vector<16xi32>
          %shift_right_logical3A_287 = arith.shrui %gather3A_284, %shift_right_logical3A_286 : vector<16xi32>
          %and3A_288 = arith.constant 255 : i32
          %and3A_289 = vector.broadcast %and3A_288 : i32 to vector<16xi32>
          %and3A_290 = arith.andi %shift_right_logical3A_287, %and3A_289 : vector<16xi32>
          %mul3A_291 = arith.constant 16 : i32
          %mul3A_292 = vector.broadcast %mul3A_291 : i32 to vector<16xi32>
          %mul3A_293 = arith.muli %and3A_290, %mul3A_292 : vector<16xi32>
          %add3A_294 = arith.addi %mul3A_293, %iota3A : vector<16xi32>
          tpu.vector_store_idx %arg11[%add3A_294], %broadcast_in_dim3A_1 {add = true} : memref<4096xi32, #tpu.memory_space<vmem>>[vector<16xi32>], vector<16xi32>,
          %add3A_295 = arith.constant 192 : i32
          %add3A_296 = arith.addi %scan3A_240, %add3A_295 : i32
          %mul3A_297 = arith.constant 256 : i32
          %mul3A_298 = vector.broadcast %mul3A_297 : i32 to vector<16xi32>
          %mul3A_299 = arith.muli %iota3A, %mul3A_298 : vector<16xi32>
          %add3A_300 = vector.broadcast %add3A_296 : i32 to vector<16xi32>
          %add3A_301 = arith.addi %mul3A_299, %add3A_300 : vector<16xi32>
          %gather3A_302 = tpu.vector_load_idx %arg5[%add3A_301] : memref<4096xi32, #tpu.memory_space<vmem>>[vector<16xi32>], vector<16xi32>,
          %shift_right_logical3A_303 = arith.constant 16 : i32
          %shift_right_logical3A_304 = vector.broadcast %shift_right_logical3A_303 : i32 to vector<16xi32>
          %shift_right_logical3A_305 = arith.shrui %gather3A_302, %shift_right_logical3A_304 : vector<16xi32>
          %and3A_306 = arith.constant 255 : i32
          %and3A_307 = vector.broadcast %and3A_306 : i32 to vector<16xi32>
          %and3A_308 = arith.andi %shift_right_logical3A_305, %and3A_307 : vector<16xi32>
          %mul3A_309 = arith.constant 16 : i32
          %mul3A_310 = vector.broadcast %mul3A_309 : i32 to vector<16xi32>
          %mul3A_311 = arith.muli %and3A_308, %mul3A_310 : vector<16xi32>
          %add3A_312 = arith.addi %mul3A_311, %iota3A : vector<16xi32>
          tpu.vector_store_idx %arg12[%add3A_312], %broadcast_in_dim3A_1 {add = true} : memref<4096xi32, #tpu.memory_space<vmem>>[vector<16xi32>], vector<16xi32>,
          %scan3A_313 = arith.constant 0 : i32
          scf.yield %scan3A_313 : i32
        }
        %scan3A_136 = arith.constant 64 : i32
        %scan3A_137 = arith.constant 0 : i32
        %scan3A_138 = arith.constant 0 : i32
        %scan3A_139 = arith.constant 256 : i32
        %scan3A_140 = arith.addi %scan3A_138, %scan3A_139 : i32
        %scan3A_141 = arith.constant 4 : i32
        %scan3A_142 = scf.for %scan3A_165 = %scan3A_138 to %scan3A_140 step %scan3A_141 iter_args(%scan3A_166 = %scan3A_137) -> (i32)  : i32 {
          %mul3A_167 = arith.constant 16 : i32
          %mul3A_168 = arith.muli %scan3A_165, %mul3A_167 : i32
          %get3A = arith.index_cast %mul3A_168 : i32 to index
          %get3A_169 = tpu.vector_load %arg9[%get3A] {strides = array<i32>} : memref<4096xi32, #tpu.memory_space<vmem>>, vector<16xi32>,
          %add3A_170 = arith.addi %broadcast_in_dim3A_3, %get3A_169 : vector<16xi32>
          %mul3A_171 = arith.constant 16 : i32
          %mul3A_172 = arith.muli %scan3A_165, %mul3A_171 : i32
          %get3A_173 = arith.index_cast %mul3A_172 : i32 to index
          %get3A_174 = tpu.vector_load %arg10[%get3A_173] {strides = array<i32>} : memref<4096xi32, #tpu.memory_space<vmem>>, vector<16xi32>,
          %add3A_175 = arith.addi %add3A_170, %get3A_174 : vector<16xi32>
          %mul3A_176 = arith.constant 16 : i32
          %mul3A_177 = arith.muli %scan3A_165, %mul3A_176 : i32
          %get3A_178 = arith.index_cast %mul3A_177 : i32 to index
          %get3A_179 = tpu.vector_load %arg11[%get3A_178] {strides = array<i32>} : memref<4096xi32, #tpu.memory_space<vmem>>, vector<16xi32>,
          %add3A_180 = arith.addi %add3A_175, %get3A_179 : vector<16xi32>
          %mul3A_181 = arith.constant 16 : i32
          %mul3A_182 = arith.muli %scan3A_165, %mul3A_181 : i32
          %get3A_183 = arith.index_cast %mul3A_182 : i32 to index
          %get3A_184 = tpu.vector_load %arg12[%get3A_183] {strides = array<i32>} : memref<4096xi32, #tpu.memory_space<vmem>>, vector<16xi32>,
          %add3A_185 = arith.addi %add3A_180, %get3A_184 : vector<16xi32>
          %broadcast_in_dim3A_186 = arith.constant true
          %broadcast_in_dim3A_187 = vector.broadcast %broadcast_in_dim3A_186 : i1 to vector<16xi1>
          %masked_cumsum3A = tpu.scan <sum>, %add3A_185 masked %broadcast_in_dim3A_187 : vector<16xi32>, vector<16xi1> -> vector<16xi32>
          %reduce_max3A_188 = arith.constant true
          %reduce_max3A_189 = vector.broadcast %reduce_max3A_188 : i1 to vector<16xi1>
          %reduce_max3A_190 = arith.constant -2147483648 : i32
          %reduce_max3A_191 = vector.broadcast %reduce_max3A_190 : i32 to vector<16xi32>
          %reduce_max3A_192 = arith.xori %masked_cumsum3A, %reduce_max3A_191 : vector<16xi32>
          %reduce_max3A_193 = tpu.scan <max>, %reduce_max3A_192 masked %reduce_max3A_189 : vector<16xi32>, vector<16xi1> -> vector<16xi32>
          %reduce_max3A_194 = arith.xori %reduce_max3A_193, %reduce_max3A_191 : vector<16xi32>
          %reduce_max3A_195 = vector.extract %reduce_max3A_194[15] : i32 from vector<16xi32>
          %add3A_196 = vector.broadcast %scan3A_165 : i32 to vector<16xi32>
          %add3A_197 = arith.addi %broadcast_in_dim3A_3, %add3A_196 : vector<16xi32>
          %add3A_198 = vector.broadcast %reduce_max3A_195 : i32 to vector<16xi32>
          %add3A_199 = arith.addi %broadcast_in_dim3A_3, %add3A_198 : vector<16xi32>
          %eq3A_200 = arith.constant 0 : i32
          %eq3A_201 = vector.broadcast %eq3A_200 : i32 to vector<16xi32>
          %eq3A_202 = arith.cmpi eq, %iota3A, %eq3A_201 : vector<16xi32>
          tpu.vector_store_idx %arg13[%add3A_197], %add3A_199 masked %eq3A_202 : memref<256xi32, #tpu.memory_space<vmem>>[vector<16xi32>], vector<16xi32>, vector<16xi1>
          %scan3A_203 = arith.constant 0 : i32
          %scan3A_204 = arith.constant 1 : i32
          %scan3A_205 = arith.addi %scan3A_165, %scan3A_204 : i32
          %mul3A_206 = arith.constant 16 : i32
          %mul3A_207 = arith.muli %scan3A_205, %mul3A_206 : i32
          %get3A_208 = arith.index_cast %mul3A_207 : i32 to index
          %get3A_209 = tpu.vector_load %arg9[%get3A_208] {strides = array<i32>} : memref<4096xi32, #tpu.memory_space<vmem>>, vector<16xi32>,
          %add3A_210 = arith.addi %broadcast_in_dim3A_3, %get3A_209 : vector<16xi32>
          %mul3A_211 = arith.constant 16 : i32
          %mul3A_212 = arith.muli %scan3A_205, %mul3A_211 : i32
          %get3A_213 = arith.index_cast %mul3A_212 : i32 to index
          %get3A_214 = tpu.vector_load %arg10[%get3A_213] {strides = array<i32>} : memref<4096xi32, #tpu.memory_space<vmem>>, vector<16xi32>,
          %add3A_215 = arith.addi %add3A_210, %get3A_214 : vector<16xi32>
          %mul3A_216 = arith.constant 16 : i32
          %mul3A_217 = arith.muli %scan3A_205, %mul3A_216 : i32
          %get3A_218 = arith.index_cast %mul3A_217 : i32 to index
          %get3A_219 = tpu.vector_load %arg11[%get3A_218] {strides = array<i32>} : memref<4096xi32, #tpu.memory_space<vmem>>, vector<16xi32>,
          %add3A_220 = arith.addi %add3A_215, %get3A_219 : vector<16xi32>
          %mul3A_221 = arith.constant 16 : i32
          %mul3A_222 = arith.muli %scan3A_205, %mul3A_221 : i32
          %get3A_223 = arith.index_cast %mul3A_222 : i32 to index
          %get3A_224 = tpu.vector_load %arg12[%get3A_223] {strides = array<i32>} : memref<4096xi32, #tpu.memory_space<vmem>>, vector<16xi32>,
          %add3A_225 = arith.addi %add3A_220, %get3A_224 : vector<16xi32>
          %broadcast_in_dim3A_226 = arith.constant true
          %broadcast_in_dim3A_227 = vector.broadcast %broadcast_in_dim3A_226 : i1 to vector<16xi1>
          %masked_cumsum3A_228 = tpu.scan <sum>, %add3A_225 masked %broadcast_in_dim3A_227 : vector<16xi32>, vector<16xi1> -> vector<16xi32>
          %reduce_max3A_229 = arith.constant true
          %reduce_max3A_230 = vector.broadcast %reduce_max3A_229 : i1 to vector<16xi1>
          %reduce_max3A_231 = arith.constant -2147483648 : i32
          %reduce_max3A_232 = vector.broadcast %reduce_max3A_231 : i32 to vector<16xi32>
          %reduce_max3A_233 = arith.xori %masked_cumsum3A_228, %reduce_max3A_232 : vector<16xi32>
          %reduce_max3A_234 = tpu.scan <max>, %reduce_max3A_233 masked %reduce_max3A_230 : vector<16xi32>, vector<16xi1> -> vector<16xi32>
          %reduce_max3A_235 = arith.xori %reduce_max3A_234, %reduce_max3A_232 : vector<16xi32>
          %reduce_max3A_236 = vector.extract %reduce_max3A_235[15] : i32 from vector<16xi32>
          %add3A_237 = vector.broadcast %scan3A_205 : i32 to vector<16xi32>
          %add3A_238 = arith.addi %broadcast_in_dim3A_3, %add3A_237 : vector<16xi32>
          %add3A_239 = vector.broadcast %reduce_max3A_236 : i32 to vector<16xi32>
          %add3A_240 = arith.addi %broadcast_in_dim3A_3, %add3A_239 : vector<16xi32>
          %eq3A_241 = arith.constant 0 : i32
          %eq3A_242 = vector.broadcast %eq3A_241 : i32 to vector<16xi32>
          %eq3A_243 = arith.cmpi eq, %iota3A, %eq3A_242 : vector<16xi32>
          tpu.vector_store_idx %arg13[%add3A_238], %add3A_240 masked %eq3A_243 : memref<256xi32, #tpu.memory_space<vmem>>[vector<16xi32>], vector<16xi32>, vector<16xi1>
          %scan3A_244 = arith.constant 0 : i32
          %scan3A_245 = arith.constant 2 : i32
          %scan3A_246 = arith.addi %scan3A_165, %scan3A_245 : i32
          %mul3A_247 = arith.constant 16 : i32
          %mul3A_248 = arith.muli %scan3A_246, %mul3A_247 : i32
          %get3A_249 = arith.index_cast %mul3A_248 : i32 to index
          %get3A_250 = tpu.vector_load %arg9[%get3A_249] {strides = array<i32>} : memref<4096xi32, #tpu.memory_space<vmem>>, vector<16xi32>,
          %add3A_251 = arith.addi %broadcast_in_dim3A_3, %get3A_250 : vector<16xi32>
          %mul3A_252 = arith.constant 16 : i32
          %mul3A_253 = arith.muli %scan3A_246, %mul3A_252 : i32
          %get3A_254 = arith.index_cast %mul3A_253 : i32 to index
          %get3A_255 = tpu.vector_load %arg10[%get3A_254] {strides = array<i32>} : memref<4096xi32, #tpu.memory_space<vmem>>, vector<16xi32>,
          %add3A_256 = arith.addi %add3A_251, %get3A_255 : vector<16xi32>
          %mul3A_257 = arith.constant 16 : i32
          %mul3A_258 = arith.muli %scan3A_246, %mul3A_257 : i32
          %get3A_259 = arith.index_cast %mul3A_258 : i32 to index
          %get3A_260 = tpu.vector_load %arg11[%get3A_259] {strides = array<i32>} : memref<4096xi32, #tpu.memory_space<vmem>>, vector<16xi32>,
          %add3A_261 = arith.addi %add3A_256, %get3A_260 : vector<16xi32>
          %mul3A_262 = arith.constant 16 : i32
          %mul3A_263 = arith.muli %scan3A_246, %mul3A_262 : i32
          %get3A_264 = arith.index_cast %mul3A_263 : i32 to index
          %get3A_265 = tpu.vector_load %arg12[%get3A_264] {strides = array<i32>} : memref<4096xi32, #tpu.memory_space<vmem>>, vector<16xi32>,
          %add3A_266 = arith.addi %add3A_261, %get3A_265 : vector<16xi32>
          %broadcast_in_dim3A_267 = arith.constant true
          %broadcast_in_dim3A_268 = vector.broadcast %broadcast_in_dim3A_267 : i1 to vector<16xi1>
          %masked_cumsum3A_269 = tpu.scan <sum>, %add3A_266 masked %broadcast_in_dim3A_268 : vector<16xi32>, vector<16xi1> -> vector<16xi32>
          %reduce_max3A_270 = arith.constant true
          %reduce_max3A_271 = vector.broadcast %reduce_max3A_270 : i1 to vector<16xi1>
          %reduce_max3A_272 = arith.constant -2147483648 : i32
          %reduce_max3A_273 = vector.broadcast %reduce_max3A_272 : i32 to vector<16xi32>
          %reduce_max3A_274 = arith.xori %masked_cumsum3A_269, %reduce_max3A_273 : vector<16xi32>
          %reduce_max3A_275 = tpu.scan <max>, %reduce_max3A_274 masked %reduce_max3A_271 : vector<16xi32>, vector<16xi1> -> vector<16xi32>
          %reduce_max3A_276 = arith.xori %reduce_max3A_275, %reduce_max3A_273 : vector<16xi32>
          %reduce_max3A_277 = vector.extract %reduce_max3A_276[15] : i32 from vector<16xi32>
          %add3A_278 = vector.broadcast %scan3A_246 : i32 to vector<16xi32>
          %add3A_279 = arith.addi %broadcast_in_dim3A_3, %add3A_278 : vector<16xi32>
          %add3A_280 = vector.broadcast %reduce_max3A_277 : i32 to vector<16xi32>
          %add3A_281 = arith.addi %broadcast_in_dim3A_3, %add3A_280 : vector<16xi32>
          %eq3A_282 = arith.constant 0 : i32
          %eq3A_283 = vector.broadcast %eq3A_282 : i32 to vector<16xi32>
          %eq3A_284 = arith.cmpi eq, %iota3A, %eq3A_283 : vector<16xi32>
          tpu.vector_store_idx %arg13[%add3A_279], %add3A_281 masked %eq3A_284 : memref<256xi32, #tpu.memory_space<vmem>>[vector<16xi32>], vector<16xi32>, vector<16xi1>
          %scan3A_285 = arith.constant 0 : i32
          %scan3A_286 = arith.constant 3 : i32
          %scan3A_287 = arith.addi %scan3A_165, %scan3A_286 : i32
          %mul3A_288 = arith.constant 16 : i32
          %mul3A_289 = arith.muli %scan3A_287, %mul3A_288 : i32
          %get3A_290 = arith.index_cast %mul3A_289 : i32 to index
          %get3A_291 = tpu.vector_load %arg9[%get3A_290] {strides = array<i32>} : memref<4096xi32, #tpu.memory_space<vmem>>, vector<16xi32>,
          %add3A_292 = arith.addi %broadcast_in_dim3A_3, %get3A_291 : vector<16xi32>
          %mul3A_293 = arith.constant 16 : i32
          %mul3A_294 = arith.muli %scan3A_287, %mul3A_293 : i32
          %get3A_295 = arith.index_cast %mul3A_294 : i32 to index
          %get3A_296 = tpu.vector_load %arg10[%get3A_295] {strides = array<i32>} : memref<4096xi32, #tpu.memory_space<vmem>>, vector<16xi32>,
          %add3A_297 = arith.addi %add3A_292, %get3A_296 : vector<16xi32>
          %mul3A_298 = arith.constant 16 : i32
          %mul3A_299 = arith.muli %scan3A_287, %mul3A_298 : i32
          %get3A_300 = arith.index_cast %mul3A_299 : i32 to index
          %get3A_301 = tpu.vector_load %arg11[%get3A_300] {strides = array<i32>} : memref<4096xi32, #tpu.memory_space<vmem>>, vector<16xi32>,
          %add3A_302 = arith.addi %add3A_297, %get3A_301 : vector<16xi32>
          %mul3A_303 = arith.constant 16 : i32
          %mul3A_304 = arith.muli %scan3A_287, %mul3A_303 : i32
          %get3A_305 = arith.index_cast %mul3A_304 : i32 to index
          %get3A_306 = tpu.vector_load %arg12[%get3A_305] {strides = array<i32>} : memref<4096xi32, #tpu.memory_space<vmem>>, vector<16xi32>,
          %add3A_307 = arith.addi %add3A_302, %get3A_306 : vector<16xi32>
          %broadcast_in_dim3A_308 = arith.constant true
          %broadcast_in_dim3A_309 = vector.broadcast %broadcast_in_dim3A_308 : i1 to vector<16xi1>
          %masked_cumsum3A_310 = tpu.scan <sum>, %add3A_307 masked %broadcast_in_dim3A_309 : vector<16xi32>, vector<16xi1> -> vector<16xi32>
          %reduce_max3A_311 = arith.constant true
          %reduce_max3A_312 = vector.broadcast %reduce_max3A_311 : i1 to vector<16xi1>
          %reduce_max3A_313 = arith.constant -2147483648 : i32
          %reduce_max3A_314 = vector.broadcast %reduce_max3A_313 : i32 to vector<16xi32>
          %reduce_max3A_315 = arith.xori %masked_cumsum3A_310, %reduce_max3A_314 : vector<16xi32>
          %reduce_max3A_316 = tpu.scan <max>, %reduce_max3A_315 masked %reduce_max3A_312 : vector<16xi32>, vector<16xi1> -> vector<16xi32>
          %reduce_max3A_317 = arith.xori %reduce_max3A_316, %reduce_max3A_314 : vector<16xi32>
          %reduce_max3A_318 = vector.extract %reduce_max3A_317[15] : i32 from vector<16xi32>
          %add3A_319 = vector.broadcast %scan3A_287 : i32 to vector<16xi32>
          %add3A_320 = arith.addi %broadcast_in_dim3A_3, %add3A_319 : vector<16xi32>
          %add3A_321 = vector.broadcast %reduce_max3A_318 : i32 to vector<16xi32>
          %add3A_322 = arith.addi %broadcast_in_dim3A_3, %add3A_321 : vector<16xi32>
          %eq3A_323 = arith.constant 0 : i32
          %eq3A_324 = vector.broadcast %eq3A_323 : i32 to vector<16xi32>
          %eq3A_325 = arith.cmpi eq, %iota3A, %eq3A_324 : vector<16xi32>
          tpu.vector_store_idx %arg13[%add3A_320], %add3A_322 masked %eq3A_325 : memref<256xi32, #tpu.memory_space<vmem>>[vector<16xi32>], vector<16xi32>, vector<16xi1>
          %scan3A_326 = arith.constant 0 : i32
          scf.yield %scan3A_326 : i32
        }
        %scan3A_143 = arith.constant 256 : i32
        %scan3A_144 = arith.constant 0 : i32
        %scan3A_145 = arith.constant 0 : i32
        %scan3A_146 = arith.constant 16 : i32
        %scan3A_147 = arith.addi %scan3A_145, %scan3A_146 : i32
        %scan3A_148 = arith.constant 1 : i32
        %scan3A_149 = scf.for %scan3A_165 = %scan3A_145 to %scan3A_147 step %scan3A_148 iter_args(%scan3A_166 = %scan3A_144) -> (i32)  : i32 {
          %mul3A_167 = arith.constant 16 : i32
          %mul3A_168 = arith.muli %scan3A_165, %mul3A_167 : i32
          %get3A = arith.index_cast %mul3A_168 : i32 to index
          %get3A_169 = tpu.vector_load %arg13[%get3A] {strides = array<i32>} : memref<256xi32, #tpu.memory_space<vmem>>, vector<16xi32>,
          %broadcast_in_dim3A_170 = arith.constant true
          %broadcast_in_dim3A_171 = vector.broadcast %broadcast_in_dim3A_170 : i1 to vector<16xi1>
          %masked_cumsum3A = tpu.scan <sum>, %get3A_169 masked %broadcast_in_dim3A_171 : vector<16xi32>, vector<16xi1> -> vector<16xi32>
          %sub3A_172 = arith.subi %masked_cumsum3A, %get3A_169 : vector<16xi32>
          %add3A_173 = vector.broadcast %scan3A_166 : i32 to vector<16xi32>
          %add3A_174 = arith.addi %sub3A_172, %add3A_173 : vector<16xi32>
          %mul3A_175 = arith.constant 16 : i32
          %mul3A_176 = arith.muli %scan3A_165, %mul3A_175 : i32
          %swap3A = arith.index_cast %mul3A_176 : i32 to index
          %swap3A_177 = tpu.vector_load %arg13[%swap3A] {strides = array<i32>} : memref<256xi32, #tpu.memory_space<vmem>>, vector<16xi32>,
          tpu.vector_store %arg13[%swap3A], %add3A_174 {strides = array<i32>} : memref<256xi32, #tpu.memory_space<vmem>>, vector<16xi32>,
          %reduce_max3A_178 = arith.constant true
          %reduce_max3A_179 = vector.broadcast %reduce_max3A_178 : i1 to vector<16xi1>
          %reduce_max3A_180 = arith.constant -2147483648 : i32
          %reduce_max3A_181 = vector.broadcast %reduce_max3A_180 : i32 to vector<16xi32>
          %reduce_max3A_182 = arith.xori %masked_cumsum3A, %reduce_max3A_181 : vector<16xi32>
          %reduce_max3A_183 = tpu.scan <max>, %reduce_max3A_182 masked %reduce_max3A_179 : vector<16xi32>, vector<16xi1> -> vector<16xi32>
          %reduce_max3A_184 = arith.xori %reduce_max3A_183, %reduce_max3A_181 : vector<16xi32>
          %reduce_max3A_185 = vector.extract %reduce_max3A_184[15] : i32 from vector<16xi32>
          %add3A_186 = arith.addi %scan3A_166, %reduce_max3A_185 : i32
          scf.yield %add3A_186 : i32
        }
        %scan3A_150 = arith.constant 16 : i32
        %scan3A_151 = arith.constant 0 : i32
        %scan3A_152 = arith.constant 0 : i32
        %scan3A_153 = arith.constant 256 : i32
        %scan3A_154 = arith.addi %scan3A_152, %scan3A_153 : i32
        %scan3A_155 = arith.constant 2 : i32
        %scan3A_156 = scf.for %scan3A_165 = %scan3A_152 to %scan3A_154 step %scan3A_155 iter_args(%scan3A_166 = %scan3A_151) -> (i32)  : i32 {
          %mul3A_167 = arith.constant 16 : i32
          %mul3A_168 = arith.muli %scan3A_165, %mul3A_167 : i32
          %get3A = arith.index_cast %mul3A_168 : i32 to index
          %get3A_169 = tpu.vector_load %arg9[%get3A] {strides = array<i32>} : memref<4096xi32, #tpu.memory_space<vmem>>, vector<16xi32>,
          %get3A_170 = arith.index_cast %mul3A_168 : i32 to index
          %get3A_171 = tpu.vector_load %arg10[%get3A_170] {strides = array<i32>} : memref<4096xi32, #tpu.memory_space<vmem>>, vector<16xi32>,
          %get3A_172 = arith.index_cast %mul3A_168 : i32 to index
          %get3A_173 = tpu.vector_load %arg11[%get3A_172] {strides = array<i32>} : memref<4096xi32, #tpu.memory_space<vmem>>, vector<16xi32>,
          %get3A_174 = arith.index_cast %mul3A_168 : i32 to index
          %get3A_175 = tpu.vector_load %arg12[%get3A_174] {strides = array<i32>} : memref<4096xi32, #tpu.memory_space<vmem>>, vector<16xi32>,
          %add3A_176 = arith.addi %get3A_169, %get3A_171 : vector<16xi32>
          %add3A_177 = arith.addi %add3A_176, %get3A_173 : vector<16xi32>
          %add3A_178 = arith.addi %add3A_177, %get3A_175 : vector<16xi32>
          %broadcast_in_dim3A_179 = arith.constant true
          %broadcast_in_dim3A_180 = vector.broadcast %broadcast_in_dim3A_179 : i1 to vector<16xi1>
          %masked_cumsum3A = tpu.scan <sum>, %add3A_178 masked %broadcast_in_dim3A_180 : vector<16xi32>, vector<16xi1> -> vector<16xi32>
          %add3A_181 = vector.broadcast %scan3A_165 : i32 to vector<16xi32>
          %add3A_182 = arith.addi %broadcast_in_dim3A_3, %add3A_181 : vector<16xi32>
          %gather3A = tpu.vector_load_idx %arg13[%add3A_182] : memref<256xi32, #tpu.memory_space<vmem>>[vector<16xi32>], vector<16xi32>,
          %sub3A_183 = arith.subi %masked_cumsum3A, %add3A_178 : vector<16xi32>
          %add3A_184 = arith.addi %sub3A_183, %gather3A : vector<16xi32>
          %swap3A = arith.index_cast %mul3A_168 : i32 to index
          %swap3A_185 = tpu.vector_load %arg9[%swap3A] {strides = array<i32>} : memref<4096xi32, #tpu.memory_space<vmem>>, vector<16xi32>,
          tpu.vector_store %arg9[%swap3A], %add3A_184 {strides = array<i32>} : memref<4096xi32, #tpu.memory_space<vmem>>, vector<16xi32>,
          %add3A_186 = arith.addi %add3A_184, %get3A_169 : vector<16xi32>
          %swap3A_187 = arith.index_cast %mul3A_168 : i32 to index
          %swap3A_188 = tpu.vector_load %arg10[%swap3A_187] {strides = array<i32>} : memref<4096xi32, #tpu.memory_space<vmem>>, vector<16xi32>,
          tpu.vector_store %arg10[%swap3A_187], %add3A_186 {strides = array<i32>} : memref<4096xi32, #tpu.memory_space<vmem>>, vector<16xi32>,
          %add3A_189 = arith.addi %add3A_186, %get3A_171 : vector<16xi32>
          %swap3A_190 = arith.index_cast %mul3A_168 : i32 to index
          %swap3A_191 = tpu.vector_load %arg11[%swap3A_190] {strides = array<i32>} : memref<4096xi32, #tpu.memory_space<vmem>>, vector<16xi32>,
          tpu.vector_store %arg11[%swap3A_190], %add3A_189 {strides = array<i32>} : memref<4096xi32, #tpu.memory_space<vmem>>, vector<16xi32>,
          %add3A_192 = arith.addi %add3A_189, %get3A_173 : vector<16xi32>
          %swap3A_193 = arith.index_cast %mul3A_168 : i32 to index
          %swap3A_194 = tpu.vector_load %arg12[%swap3A_193] {strides = array<i32>} : memref<4096xi32, #tpu.memory_space<vmem>>, vector<16xi32>,
          tpu.vector_store %arg12[%swap3A_193], %add3A_192 {strides = array<i32>} : memref<4096xi32, #tpu.memory_space<vmem>>, vector<16xi32>,
          %scan3A_195 = arith.constant 0 : i32
          %scan3A_196 = arith.constant 1 : i32
          %scan3A_197 = arith.addi %scan3A_165, %scan3A_196 : i32
          %mul3A_198 = arith.constant 16 : i32
          %mul3A_199 = arith.muli %scan3A_197, %mul3A_198 : i32
          %get3A_200 = arith.index_cast %mul3A_199 : i32 to index
          %get3A_201 = tpu.vector_load %arg9[%get3A_200] {strides = array<i32>} : memref<4096xi32, #tpu.memory_space<vmem>>, vector<16xi32>,
          %get3A_202 = arith.index_cast %mul3A_199 : i32 to index
          %get3A_203 = tpu.vector_load %arg10[%get3A_202] {strides = array<i32>} : memref<4096xi32, #tpu.memory_space<vmem>>, vector<16xi32>,
          %get3A_204 = arith.index_cast %mul3A_199 : i32 to index
          %get3A_205 = tpu.vector_load %arg11[%get3A_204] {strides = array<i32>} : memref<4096xi32, #tpu.memory_space<vmem>>, vector<16xi32>,
          %get3A_206 = arith.index_cast %mul3A_199 : i32 to index
          %get3A_207 = tpu.vector_load %arg12[%get3A_206] {strides = array<i32>} : memref<4096xi32, #tpu.memory_space<vmem>>, vector<16xi32>,
          %add3A_208 = arith.addi %get3A_201, %get3A_203 : vector<16xi32>
          %add3A_209 = arith.addi %add3A_208, %get3A_205 : vector<16xi32>
          %add3A_210 = arith.addi %add3A_209, %get3A_207 : vector<16xi32>
          %broadcast_in_dim3A_211 = arith.constant true
          %broadcast_in_dim3A_212 = vector.broadcast %broadcast_in_dim3A_211 : i1 to vector<16xi1>
          %masked_cumsum3A_213 = tpu.scan <sum>, %add3A_210 masked %broadcast_in_dim3A_212 : vector<16xi32>, vector<16xi1> -> vector<16xi32>
          %add3A_214 = vector.broadcast %scan3A_197 : i32 to vector<16xi32>
          %add3A_215 = arith.addi %broadcast_in_dim3A_3, %add3A_214 : vector<16xi32>
          %gather3A_216 = tpu.vector_load_idx %arg13[%add3A_215] : memref<256xi32, #tpu.memory_space<vmem>>[vector<16xi32>], vector<16xi32>,
          %sub3A_217 = arith.subi %masked_cumsum3A_213, %add3A_210 : vector<16xi32>
          %add3A_218 = arith.addi %sub3A_217, %gather3A_216 : vector<16xi32>
          %swap3A_219 = arith.index_cast %mul3A_199 : i32 to index
          %swap3A_220 = tpu.vector_load %arg9[%swap3A_219] {strides = array<i32>} : memref<4096xi32, #tpu.memory_space<vmem>>, vector<16xi32>,
          tpu.vector_store %arg9[%swap3A_219], %add3A_218 {strides = array<i32>} : memref<4096xi32, #tpu.memory_space<vmem>>, vector<16xi32>,
          %add3A_221 = arith.addi %add3A_218, %get3A_201 : vector<16xi32>
          %swap3A_222 = arith.index_cast %mul3A_199 : i32 to index
          %swap3A_223 = tpu.vector_load %arg10[%swap3A_222] {strides = array<i32>} : memref<4096xi32, #tpu.memory_space<vmem>>, vector<16xi32>,
          tpu.vector_store %arg10[%swap3A_222], %add3A_221 {strides = array<i32>} : memref<4096xi32, #tpu.memory_space<vmem>>, vector<16xi32>,
          %add3A_224 = arith.addi %add3A_221, %get3A_203 : vector<16xi32>
          %swap3A_225 = arith.index_cast %mul3A_199 : i32 to index
          %swap3A_226 = tpu.vector_load %arg11[%swap3A_225] {strides = array<i32>} : memref<4096xi32, #tpu.memory_space<vmem>>, vector<16xi32>,
          tpu.vector_store %arg11[%swap3A_225], %add3A_224 {strides = array<i32>} : memref<4096xi32, #tpu.memory_space<vmem>>, vector<16xi32>,
          %add3A_227 = arith.addi %add3A_224, %get3A_205 : vector<16xi32>
          %swap3A_228 = arith.index_cast %mul3A_199 : i32 to index
          %swap3A_229 = tpu.vector_load %arg12[%swap3A_228] {strides = array<i32>} : memref<4096xi32, #tpu.memory_space<vmem>>, vector<16xi32>,
          tpu.vector_store %arg12[%swap3A_228], %add3A_227 {strides = array<i32>} : memref<4096xi32, #tpu.memory_space<vmem>>, vector<16xi32>,
          %scan3A_230 = arith.constant 0 : i32
          scf.yield %scan3A_230 : i32
        }
        %scan3A_157 = arith.constant 256 : i32
        %scan3A_158 = arith.constant 0 : i32
        %scan3A_159 = arith.constant 0 : i32
        %scan3A_160 = arith.constant 64 : i32
        %scan3A_161 = arith.addi %scan3A_159, %scan3A_160 : i32
        %scan3A_162 = arith.constant 2 : i32
        %scan3A_163 = scf.for %scan3A_165 = %scan3A_159 to %scan3A_161 step %scan3A_162 iter_args(%scan3A_166 = %scan3A_158) -> (i32)  : i32 {
          %add3A_167 = arith.constant 0 : i32
          %add3A_168 = arith.addi %scan3A_165, %add3A_167 : i32
          %mul3A_169 = arith.constant 256 : i32
          %mul3A_170 = vector.broadcast %mul3A_169 : i32 to vector<16xi32>
          %mul3A_171 = arith.muli %iota3A, %mul3A_170 : vector<16xi32>
          %add3A_172 = vector.broadcast %add3A_168 : i32 to vector<16xi32>
          %add3A_173 = arith.addi %mul3A_171, %add3A_172 : vector<16xi32>
          %gather3A = tpu.vector_load_idx %arg5[%add3A_173] : memref<4096xi32, #tpu.memory_space<vmem>>[vector<16xi32>], vector<16xi32>,
          %gather3A_174 = tpu.vector_load_idx %arg6[%add3A_173] : memref<4096xi32, #tpu.memory_space<vmem>>[vector<16xi32>], vector<16xi32>,
          %shift_right_logical3A_175 = arith.constant 16 : i32
          %shift_right_logical3A_176 = vector.broadcast %shift_right_logical3A_175 : i32 to vector<16xi32>
          %shift_right_logical3A_177 = arith.shrui %gather3A, %shift_right_logical3A_176 : vector<16xi32>
          %and3A_178 = arith.constant 255 : i32
          %and3A_179 = vector.broadcast %and3A_178 : i32 to vector<16xi32>
          %and3A_180 = arith.andi %shift_right_logical3A_177, %and3A_179 : vector<16xi32>
          %mul3A_181 = arith.constant 16 : i32
          %mul3A_182 = vector.broadcast %mul3A_181 : i32 to vector<16xi32>
          %mul3A_183 = arith.muli %and3A_180, %mul3A_182 : vector<16xi32>
          %add3A_184 = arith.addi %mul3A_183, %iota3A : vector<16xi32>
          %gather3A_185 = tpu.vector_load_idx %arg9[%add3A_184] : memref<4096xi32, #tpu.memory_space<vmem>>[vector<16xi32>], vector<16xi32>,
          tpu.vector_store_idx %arg7[%gather3A_185], %gather3A : memref<4096xi32, #tpu.memory_space<vmem>>[vector<16xi32>], vector<16xi32>,
          tpu.vector_store_idx %arg8[%gather3A_185], %gather3A_174 : memref<4096xi32, #tpu.memory_space<vmem>>[vector<16xi32>], vector<16xi32>,
          tpu.vector_store_idx %arg9[%add3A_184], %broadcast_in_dim3A_1 {add = true} : memref<4096xi32, #tpu.memory_space<vmem>>[vector<16xi32>], vector<16xi32>,
          %add3A_186 = arith.constant 64 : i32
          %add3A_187 = arith.addi %scan3A_165, %add3A_186 : i32
          %mul3A_188 = arith.constant 256 : i32
          %mul3A_189 = vector.broadcast %mul3A_188 : i32 to vector<16xi32>
          %mul3A_190 = arith.muli %iota3A, %mul3A_189 : vector<16xi32>
          %add3A_191 = vector.broadcast %add3A_187 : i32 to vector<16xi32>
          %add3A_192 = arith.addi %mul3A_190, %add3A_191 : vector<16xi32>
          %gather3A_193 = tpu.vector_load_idx %arg5[%add3A_192] : memref<4096xi32, #tpu.memory_space<vmem>>[vector<16xi32>], vector<16xi32>,
          %gather3A_194 = tpu.vector_load_idx %arg6[%add3A_192] : memref<4096xi32, #tpu.memory_space<vmem>>[vector<16xi32>], vector<16xi32>,
          %shift_right_logical3A_195 = arith.constant 16 : i32
          %shift_right_logical3A_196 = vector.broadcast %shift_right_logical3A_195 : i32 to vector<16xi32>
          %shift_right_logical3A_197 = arith.shrui %gather3A_193, %shift_right_logical3A_196 : vector<16xi32>
          %and3A_198 = arith.constant 255 : i32
          %and3A_199 = vector.broadcast %and3A_198 : i32 to vector<16xi32>
          %and3A_200 = arith.andi %shift_right_logical3A_197, %and3A_199 : vector<16xi32>
          %mul3A_201 = arith.constant 16 : i32
          %mul3A_202 = vector.broadcast %mul3A_201 : i32 to vector<16xi32>
          %mul3A_203 = arith.muli %and3A_200, %mul3A_202 : vector<16xi32>
          %add3A_204 = arith.addi %mul3A_203, %iota3A : vector<16xi32>
          %gather3A_205 = tpu.vector_load_idx %arg10[%add3A_204] : memref<4096xi32, #tpu.memory_space<vmem>>[vector<16xi32>], vector<16xi32>,
          tpu.vector_store_idx %arg7[%gather3A_205], %gather3A_193 : memref<4096xi32, #tpu.memory_space<vmem>>[vector<16xi32>], vector<16xi32>,
          tpu.vector_store_idx %arg8[%gather3A_205], %gather3A_194 : memref<4096xi32, #tpu.memory_space<vmem>>[vector<16xi32>], vector<16xi32>,
          tpu.vector_store_idx %arg10[%add3A_204], %broadcast_in_dim3A_1 {add = true} : memref<4096xi32, #tpu.memory_space<vmem>>[vector<16xi32>], vector<16xi32>,
          %add3A_206 = arith.constant 128 : i32
          %add3A_207 = arith.addi %scan3A_165, %add3A_206 : i32
          %mul3A_208 = arith.constant 256 : i32
          %mul3A_209 = vector.broadcast %mul3A_208 : i32 to vector<16xi32>
          %mul3A_210 = arith.muli %iota3A, %mul3A_209 : vector<16xi32>
          %add3A_211 = vector.broadcast %add3A_207 : i32 to vector<16xi32>
          %add3A_212 = arith.addi %mul3A_210, %add3A_211 : vector<16xi32>
          %gather3A_213 = tpu.vector_load_idx %arg5[%add3A_212] : memref<4096xi32, #tpu.memory_space<vmem>>[vector<16xi32>], vector<16xi32>,
          %gather3A_214 = tpu.vector_load_idx %arg6[%add3A_212] : memref<4096xi32, #tpu.memory_space<vmem>>[vector<16xi32>], vector<16xi32>,
          %shift_right_logical3A_215 = arith.constant 16 : i32
          %shift_right_logical3A_216 = vector.broadcast %shift_right_logical3A_215 : i32 to vector<16xi32>
          %shift_right_logical3A_217 = arith.shrui %gather3A_213, %shift_right_logical3A_216 : vector<16xi32>
          %and3A_218 = arith.constant 255 : i32
          %and3A_219 = vector.broadcast %and3A_218 : i32 to vector<16xi32>
          %and3A_220 = arith.andi %shift_right_logical3A_217, %and3A_219 : vector<16xi32>
          %mul3A_221 = arith.constant 16 : i32
          %mul3A_222 = vector.broadcast %mul3A_221 : i32 to vector<16xi32>
          %mul3A_223 = arith.muli %and3A_220, %mul3A_222 : vector<16xi32>
          %add3A_224 = arith.addi %mul3A_223, %iota3A : vector<16xi32>
          %gather3A_225 = tpu.vector_load_idx %arg11[%add3A_224] : memref<4096xi32, #tpu.memory_space<vmem>>[vector<16xi32>], vector<16xi32>,
          tpu.vector_store_idx %arg7[%gather3A_225], %gather3A_213 : memref<4096xi32, #tpu.memory_space<vmem>>[vector<16xi32>], vector<16xi32>,
          tpu.vector_store_idx %arg8[%gather3A_225], %gather3A_214 : memref<4096xi32, #tpu.memory_space<vmem>>[vector<16xi32>], vector<16xi32>,
          tpu.vector_store_idx %arg11[%add3A_224], %broadcast_in_dim3A_1 {add = true} : memref<4096xi32, #tpu.memory_space<vmem>>[vector<16xi32>], vector<16xi32>,
          %add3A_226 = arith.constant 192 : i32
          %add3A_227 = arith.addi %scan3A_165, %add3A_226 : i32
          %mul3A_228 = arith.constant 256 : i32
          %mul3A_229 = vector.broadcast %mul3A_228 : i32 to vector<16xi32>
          %mul3A_230 = arith.muli %iota3A, %mul3A_229 : vector<16xi32>
          %add3A_231 = vector.broadcast %add3A_227 : i32 to vector<16xi32>
          %add3A_232 = arith.addi %mul3A_230, %add3A_231 : vector<16xi32>
          %gather3A_233 = tpu.vector_load_idx %arg5[%add3A_232] : memref<4096xi32, #tpu.memory_space<vmem>>[vector<16xi32>], vector<16xi32>,
          %gather3A_234 = tpu.vector_load_idx %arg6[%add3A_232] : memref<4096xi32, #tpu.memory_space<vmem>>[vector<16xi32>], vector<16xi32>,
          %shift_right_logical3A_235 = arith.constant 16 : i32
          %shift_right_logical3A_236 = vector.broadcast %shift_right_logical3A_235 : i32 to vector<16xi32>
          %shift_right_logical3A_237 = arith.shrui %gather3A_233, %shift_right_logical3A_236 : vector<16xi32>
          %and3A_238 = arith.constant 255 : i32
          %and3A_239 = vector.broadcast %and3A_238 : i32 to vector<16xi32>
          %and3A_240 = arith.andi %shift_right_logical3A_237, %and3A_239 : vector<16xi32>
          %mul3A_241 = arith.constant 16 : i32
          %mul3A_242 = vector.broadcast %mul3A_241 : i32 to vector<16xi32>
          %mul3A_243 = arith.muli %and3A_240, %mul3A_242 : vector<16xi32>
          %add3A_244 = arith.addi %mul3A_243, %iota3A : vector<16xi32>
          %gather3A_245 = tpu.vector_load_idx %arg12[%add3A_244] : memref<4096xi32, #tpu.memory_space<vmem>>[vector<16xi32>], vector<16xi32>,
          tpu.vector_store_idx %arg7[%gather3A_245], %gather3A_233 : memref<4096xi32, #tpu.memory_space<vmem>>[vector<16xi32>], vector<16xi32>,
          tpu.vector_store_idx %arg8[%gather3A_245], %gather3A_234 : memref<4096xi32, #tpu.memory_space<vmem>>[vector<16xi32>], vector<16xi32>,
          tpu.vector_store_idx %arg12[%add3A_244], %broadcast_in_dim3A_1 {add = true} : memref<4096xi32, #tpu.memory_space<vmem>>[vector<16xi32>], vector<16xi32>,
          %scan3A_246 = arith.constant 0 : i32
          %scan3A_247 = arith.constant 1 : i32
          %scan3A_248 = arith.addi %scan3A_165, %scan3A_247 : i32
          %add3A_249 = arith.constant 0 : i32
          %add3A_250 = arith.addi %scan3A_248, %add3A_249 : i32
          %mul3A_251 = arith.constant 256 : i32
          %mul3A_252 = vector.broadcast %mul3A_251 : i32 to vector<16xi32>
          %mul3A_253 = arith.muli %iota3A, %mul3A_252 : vector<16xi32>
          %add3A_254 = vector.broadcast %add3A_250 : i32 to vector<16xi32>
          %add3A_255 = arith.addi %mul3A_253, %add3A_254 : vector<16xi32>
          %gather3A_256 = tpu.vector_load_idx %arg5[%add3A_255] : memref<4096xi32, #tpu.memory_space<vmem>>[vector<16xi32>], vector<16xi32>,
          %gather3A_257 = tpu.vector_load_idx %arg6[%add3A_255] : memref<4096xi32, #tpu.memory_space<vmem>>[vector<16xi32>], vector<16xi32>,
          %shift_right_logical3A_258 = arith.constant 16 : i32
          %shift_right_logical3A_259 = vector.broadcast %shift_right_logical3A_258 : i32 to vector<16xi32>
          %shift_right_logical3A_260 = arith.shrui %gather3A_256, %shift_right_logical3A_259 : vector<16xi32>
          %and3A_261 = arith.constant 255 : i32
          %and3A_262 = vector.broadcast %and3A_261 : i32 to vector<16xi32>
          %and3A_263 = arith.andi %shift_right_logical3A_260, %and3A_262 : vector<16xi32>
          %mul3A_264 = arith.constant 16 : i32
          %mul3A_265 = vector.broadcast %mul3A_264 : i32 to vector<16xi32>
          %mul3A_266 = arith.muli %and3A_263, %mul3A_265 : vector<16xi32>
          %add3A_267 = arith.addi %mul3A_266, %iota3A : vector<16xi32>
          %gather3A_268 = tpu.vector_load_idx %arg9[%add3A_267] : memref<4096xi32, #tpu.memory_space<vmem>>[vector<16xi32>], vector<16xi32>,
          tpu.vector_store_idx %arg7[%gather3A_268], %gather3A_256 : memref<4096xi32, #tpu.memory_space<vmem>>[vector<16xi32>], vector<16xi32>,
          tpu.vector_store_idx %arg8[%gather3A_268], %gather3A_257 : memref<4096xi32, #tpu.memory_space<vmem>>[vector<16xi32>], vector<16xi32>,
          tpu.vector_store_idx %arg9[%add3A_267], %broadcast_in_dim3A_1 {add = true} : memref<4096xi32, #tpu.memory_space<vmem>>[vector<16xi32>], vector<16xi32>,
          %add3A_269 = arith.constant 64 : i32
          %add3A_270 = arith.addi %scan3A_248, %add3A_269 : i32
          %mul3A_271 = arith.constant 256 : i32
          %mul3A_272 = vector.broadcast %mul3A_271 : i32 to vector<16xi32>
          %mul3A_273 = arith.muli %iota3A, %mul3A_272 : vector<16xi32>
          %add3A_274 = vector.broadcast %add3A_270 : i32 to vector<16xi32>
          %add3A_275 = arith.addi %mul3A_273, %add3A_274 : vector<16xi32>
          %gather3A_276 = tpu.vector_load_idx %arg5[%add3A_275] : memref<4096xi32, #tpu.memory_space<vmem>>[vector<16xi32>], vector<16xi32>,
          %gather3A_277 = tpu.vector_load_idx %arg6[%add3A_275] : memref<4096xi32, #tpu.memory_space<vmem>>[vector<16xi32>], vector<16xi32>,
          %shift_right_logical3A_278 = arith.constant 16 : i32
          %shift_right_logical3A_279 = vector.broadcast %shift_right_logical3A_278 : i32 to vector<16xi32>
          %shift_right_logical3A_280 = arith.shrui %gather3A_276, %shift_right_logical3A_279 : vector<16xi32>
          %and3A_281 = arith.constant 255 : i32
          %and3A_282 = vector.broadcast %and3A_281 : i32 to vector<16xi32>
          %and3A_283 = arith.andi %shift_right_logical3A_280, %and3A_282 : vector<16xi32>
          %mul3A_284 = arith.constant 16 : i32
          %mul3A_285 = vector.broadcast %mul3A_284 : i32 to vector<16xi32>
          %mul3A_286 = arith.muli %and3A_283, %mul3A_285 : vector<16xi32>
          %add3A_287 = arith.addi %mul3A_286, %iota3A : vector<16xi32>
          %gather3A_288 = tpu.vector_load_idx %arg10[%add3A_287] : memref<4096xi32, #tpu.memory_space<vmem>>[vector<16xi32>], vector<16xi32>,
          tpu.vector_store_idx %arg7[%gather3A_288], %gather3A_276 : memref<4096xi32, #tpu.memory_space<vmem>>[vector<16xi32>], vector<16xi32>,
          tpu.vector_store_idx %arg8[%gather3A_288], %gather3A_277 : memref<4096xi32, #tpu.memory_space<vmem>>[vector<16xi32>], vector<16xi32>,
          tpu.vector_store_idx %arg10[%add3A_287], %broadcast_in_dim3A_1 {add = true} : memref<4096xi32, #tpu.memory_space<vmem>>[vector<16xi32>], vector<16xi32>,
          %add3A_289 = arith.constant 128 : i32
          %add3A_290 = arith.addi %scan3A_248, %add3A_289 : i32
          %mul3A_291 = arith.constant 256 : i32
          %mul3A_292 = vector.broadcast %mul3A_291 : i32 to vector<16xi32>
          %mul3A_293 = arith.muli %iota3A, %mul3A_292 : vector<16xi32>
          %add3A_294 = vector.broadcast %add3A_290 : i32 to vector<16xi32>
          %add3A_295 = arith.addi %mul3A_293, %add3A_294 : vector<16xi32>
          %gather3A_296 = tpu.vector_load_idx %arg5[%add3A_295] : memref<4096xi32, #tpu.memory_space<vmem>>[vector<16xi32>], vector<16xi32>,
          %gather3A_297 = tpu.vector_load_idx %arg6[%add3A_295] : memref<4096xi32, #tpu.memory_space<vmem>>[vector<16xi32>], vector<16xi32>,
          %shift_right_logical3A_298 = arith.constant 16 : i32
          %shift_right_logical3A_299 = vector.broadcast %shift_right_logical3A_298 : i32 to vector<16xi32>
          %shift_right_logical3A_300 = arith.shrui %gather3A_296, %shift_right_logical3A_299 : vector<16xi32>
          %and3A_301 = arith.constant 255 : i32
          %and3A_302 = vector.broadcast %and3A_301 : i32 to vector<16xi32>
          %and3A_303 = arith.andi %shift_right_logical3A_300, %and3A_302 : vector<16xi32>
          %mul3A_304 = arith.constant 16 : i32
          %mul3A_305 = vector.broadcast %mul3A_304 : i32 to vector<16xi32>
          %mul3A_306 = arith.muli %and3A_303, %mul3A_305 : vector<16xi32>
          %add3A_307 = arith.addi %mul3A_306, %iota3A : vector<16xi32>
          %gather3A_308 = tpu.vector_load_idx %arg11[%add3A_307] : memref<4096xi32, #tpu.memory_space<vmem>>[vector<16xi32>], vector<16xi32>,
          tpu.vector_store_idx %arg7[%gather3A_308], %gather3A_296 : memref<4096xi32, #tpu.memory_space<vmem>>[vector<16xi32>], vector<16xi32>,
          tpu.vector_store_idx %arg8[%gather3A_308], %gather3A_297 : memref<4096xi32, #tpu.memory_space<vmem>>[vector<16xi32>], vector<16xi32>,
          tpu.vector_store_idx %arg11[%add3A_307], %broadcast_in_dim3A_1 {add = true} : memref<4096xi32, #tpu.memory_space<vmem>>[vector<16xi32>], vector<16xi32>,
          %add3A_309 = arith.constant 192 : i32
          %add3A_310 = arith.addi %scan3A_248, %add3A_309 : i32
          %mul3A_311 = arith.constant 256 : i32
          %mul3A_312 = vector.broadcast %mul3A_311 : i32 to vector<16xi32>
          %mul3A_313 = arith.muli %iota3A, %mul3A_312 : vector<16xi32>
          %add3A_314 = vector.broadcast %add3A_310 : i32 to vector<16xi32>
          %add3A_315 = arith.addi %mul3A_313, %add3A_314 : vector<16xi32>
          %gather3A_316 = tpu.vector_load_idx %arg5[%add3A_315] : memref<4096xi32, #tpu.memory_space<vmem>>[vector<16xi32>], vector<16xi32>,
          %gather3A_317 = tpu.vector_load_idx %arg6[%add3A_315] : memref<4096xi32, #tpu.memory_space<vmem>>[vector<16xi32>], vector<16xi32>,
          %shift_right_logical3A_318 = arith.constant 16 : i32
          %shift_right_logical3A_319 = vector.broadcast %shift_right_logical3A_318 : i32 to vector<16xi32>
          %shift_right_logical3A_320 = arith.shrui %gather3A_316, %shift_right_logical3A_319 : vector<16xi32>
          %and3A_321 = arith.constant 255 : i32
          %and3A_322 = vector.broadcast %and3A_321 : i32 to vector<16xi32>
          %and3A_323 = arith.andi %shift_right_logical3A_320, %and3A_322 : vector<16xi32>
          %mul3A_324 = arith.constant 16 : i32
          %mul3A_325 = vector.broadcast %mul3A_324 : i32 to vector<16xi32>
          %mul3A_326 = arith.muli %and3A_323, %mul3A_325 : vector<16xi32>
          %add3A_327 = arith.addi %mul3A_326, %iota3A : vector<16xi32>
          %gather3A_328 = tpu.vector_load_idx %arg12[%add3A_327] : memref<4096xi32, #tpu.memory_space<vmem>>[vector<16xi32>], vector<16xi32>,
          tpu.vector_store_idx %arg7[%gather3A_328], %gather3A_316 : memref<4096xi32, #tpu.memory_space<vmem>>[vector<16xi32>], vector<16xi32>,
          tpu.vector_store_idx %arg8[%gather3A_328], %gather3A_317 : memref<4096xi32, #tpu.memory_space<vmem>>[vector<16xi32>], vector<16xi32>,
          tpu.vector_store_idx %arg12[%add3A_327], %broadcast_in_dim3A_1 {add = true} : memref<4096xi32, #tpu.memory_space<vmem>>[vector<16xi32>], vector<16xi32>,
          %scan3A_329 = arith.constant 0 : i32
          scf.yield %scan3A_329 : i32
        }
        %scan3A_164 = arith.constant 64 : i32
      } else {
      }
      %ge3A_105 = arith.constant 4 : i32
      %ge3A_106 = arith.cmpi sge, %add3A_54, %ge3A_105 : i32
      %convert_element_type3A_107 = arith.extui %ge3A_106 : i1 to i32
      %cond3A_108 = arith.constant 0 : i32
      %cond3A_109 = arith.cmpi ne, %convert_element_type3A_107, %cond3A_108 : i32
      scf.if %cond3A_109 {
        %scan3A_123 = arith.constant 0 : i32
        %scan3A_124 = arith.constant 0 : i32
        %scan3A_125 = arith.constant 256 : i32
        %scan3A_126 = arith.addi %scan3A_124, %scan3A_125 : i32
        %scan3A_127 = arith.constant 4 : i32
        %scan3A_128 = scf.for %scan3A_165 = %scan3A_124 to %scan3A_126 step %scan3A_127 iter_args(%scan3A_166 = %scan3A_123) -> (i32)  : i32 {
          %mul3A_167 = arith.constant 16 : i32
          %mul3A_168 = arith.muli %scan3A_165, %mul3A_167 : i32
          %swap3A = arith.index_cast %mul3A_168 : i32 to index
          %swap3A_169 = tpu.vector_load %arg9[%swap3A] {strides = array<i32>} : memref<4096xi32, #tpu.memory_space<vmem>>, vector<16xi32>,
          tpu.vector_store %arg9[%swap3A], %broadcast_in_dim3A_3 {strides = array<i32>} : memref<4096xi32, #tpu.memory_space<vmem>>, vector<16xi32>,
          %mul3A_170 = arith.constant 16 : i32
          %mul3A_171 = arith.muli %scan3A_165, %mul3A_170 : i32
          %swap3A_172 = arith.index_cast %mul3A_171 : i32 to index
          %swap3A_173 = tpu.vector_load %arg10[%swap3A_172] {strides = array<i32>} : memref<4096xi32, #tpu.memory_space<vmem>>, vector<16xi32>,
          tpu.vector_store %arg10[%swap3A_172], %broadcast_in_dim3A_3 {strides = array<i32>} : memref<4096xi32, #tpu.memory_space<vmem>>, vector<16xi32>,
          %mul3A_174 = arith.constant 16 : i32
          %mul3A_175 = arith.muli %scan3A_165, %mul3A_174 : i32
          %swap3A_176 = arith.index_cast %mul3A_175 : i32 to index
          %swap3A_177 = tpu.vector_load %arg11[%swap3A_176] {strides = array<i32>} : memref<4096xi32, #tpu.memory_space<vmem>>, vector<16xi32>,
          tpu.vector_store %arg11[%swap3A_176], %broadcast_in_dim3A_3 {strides = array<i32>} : memref<4096xi32, #tpu.memory_space<vmem>>, vector<16xi32>,
          %mul3A_178 = arith.constant 16 : i32
          %mul3A_179 = arith.muli %scan3A_165, %mul3A_178 : i32
          %swap3A_180 = arith.index_cast %mul3A_179 : i32 to index
          %swap3A_181 = tpu.vector_load %arg12[%swap3A_180] {strides = array<i32>} : memref<4096xi32, #tpu.memory_space<vmem>>, vector<16xi32>,
          tpu.vector_store %arg12[%swap3A_180], %broadcast_in_dim3A_3 {strides = array<i32>} : memref<4096xi32, #tpu.memory_space<vmem>>, vector<16xi32>,
          %scan3A_182 = arith.constant 0 : i32
          %scan3A_183 = arith.constant 1 : i32
          %scan3A_184 = arith.addi %scan3A_165, %scan3A_183 : i32
          %mul3A_185 = arith.constant 16 : i32
          %mul3A_186 = arith.muli %scan3A_184, %mul3A_185 : i32
          %swap3A_187 = arith.index_cast %mul3A_186 : i32 to index
          %swap3A_188 = tpu.vector_load %arg9[%swap3A_187] {strides = array<i32>} : memref<4096xi32, #tpu.memory_space<vmem>>, vector<16xi32>,
          tpu.vector_store %arg9[%swap3A_187], %broadcast_in_dim3A_3 {strides = array<i32>} : memref<4096xi32, #tpu.memory_space<vmem>>, vector<16xi32>,
          %mul3A_189 = arith.constant 16 : i32
          %mul3A_190 = arith.muli %scan3A_184, %mul3A_189 : i32
          %swap3A_191 = arith.index_cast %mul3A_190 : i32 to index
          %swap3A_192 = tpu.vector_load %arg10[%swap3A_191] {strides = array<i32>} : memref<4096xi32, #tpu.memory_space<vmem>>, vector<16xi32>,
          tpu.vector_store %arg10[%swap3A_191], %broadcast_in_dim3A_3 {strides = array<i32>} : memref<4096xi32, #tpu.memory_space<vmem>>, vector<16xi32>,
          %mul3A_193 = arith.constant 16 : i32
          %mul3A_194 = arith.muli %scan3A_184, %mul3A_193 : i32
          %swap3A_195 = arith.index_cast %mul3A_194 : i32 to index
          %swap3A_196 = tpu.vector_load %arg11[%swap3A_195] {strides = array<i32>} : memref<4096xi32, #tpu.memory_space<vmem>>, vector<16xi32>,
          tpu.vector_store %arg11[%swap3A_195], %broadcast_in_dim3A_3 {strides = array<i32>} : memref<4096xi32, #tpu.memory_space<vmem>>, vector<16xi32>,
          %mul3A_197 = arith.constant 16 : i32
          %mul3A_198 = arith.muli %scan3A_184, %mul3A_197 : i32
          %swap3A_199 = arith.index_cast %mul3A_198 : i32 to index
          %swap3A_200 = tpu.vector_load %arg12[%swap3A_199] {strides = array<i32>} : memref<4096xi32, #tpu.memory_space<vmem>>, vector<16xi32>,
          tpu.vector_store %arg12[%swap3A_199], %broadcast_in_dim3A_3 {strides = array<i32>} : memref<4096xi32, #tpu.memory_space<vmem>>, vector<16xi32>,
          %scan3A_201 = arith.constant 0 : i32
          %scan3A_202 = arith.constant 2 : i32
          %scan3A_203 = arith.addi %scan3A_165, %scan3A_202 : i32
          %mul3A_204 = arith.constant 16 : i32
          %mul3A_205 = arith.muli %scan3A_203, %mul3A_204 : i32
          %swap3A_206 = arith.index_cast %mul3A_205 : i32 to index
          %swap3A_207 = tpu.vector_load %arg9[%swap3A_206] {strides = array<i32>} : memref<4096xi32, #tpu.memory_space<vmem>>, vector<16xi32>,
          tpu.vector_store %arg9[%swap3A_206], %broadcast_in_dim3A_3 {strides = array<i32>} : memref<4096xi32, #tpu.memory_space<vmem>>, vector<16xi32>,
          %mul3A_208 = arith.constant 16 : i32
          %mul3A_209 = arith.muli %scan3A_203, %mul3A_208 : i32
          %swap3A_210 = arith.index_cast %mul3A_209 : i32 to index
          %swap3A_211 = tpu.vector_load %arg10[%swap3A_210] {strides = array<i32>} : memref<4096xi32, #tpu.memory_space<vmem>>, vector<16xi32>,
          tpu.vector_store %arg10[%swap3A_210], %broadcast_in_dim3A_3 {strides = array<i32>} : memref<4096xi32, #tpu.memory_space<vmem>>, vector<16xi32>,
          %mul3A_212 = arith.constant 16 : i32
          %mul3A_213 = arith.muli %scan3A_203, %mul3A_212 : i32
          %swap3A_214 = arith.index_cast %mul3A_213 : i32 to index
          %swap3A_215 = tpu.vector_load %arg11[%swap3A_214] {strides = array<i32>} : memref<4096xi32, #tpu.memory_space<vmem>>, vector<16xi32>,
          tpu.vector_store %arg11[%swap3A_214], %broadcast_in_dim3A_3 {strides = array<i32>} : memref<4096xi32, #tpu.memory_space<vmem>>, vector<16xi32>,
          %mul3A_216 = arith.constant 16 : i32
          %mul3A_217 = arith.muli %scan3A_203, %mul3A_216 : i32
          %swap3A_218 = arith.index_cast %mul3A_217 : i32 to index
          %swap3A_219 = tpu.vector_load %arg12[%swap3A_218] {strides = array<i32>} : memref<4096xi32, #tpu.memory_space<vmem>>, vector<16xi32>,
          tpu.vector_store %arg12[%swap3A_218], %broadcast_in_dim3A_3 {strides = array<i32>} : memref<4096xi32, #tpu.memory_space<vmem>>, vector<16xi32>,
          %scan3A_220 = arith.constant 0 : i32
          %scan3A_221 = arith.constant 3 : i32
          %scan3A_222 = arith.addi %scan3A_165, %scan3A_221 : i32
          %mul3A_223 = arith.constant 16 : i32
          %mul3A_224 = arith.muli %scan3A_222, %mul3A_223 : i32
          %swap3A_225 = arith.index_cast %mul3A_224 : i32 to index
          %swap3A_226 = tpu.vector_load %arg9[%swap3A_225] {strides = array<i32>} : memref<4096xi32, #tpu.memory_space<vmem>>, vector<16xi32>,
          tpu.vector_store %arg9[%swap3A_225], %broadcast_in_dim3A_3 {strides = array<i32>} : memref<4096xi32, #tpu.memory_space<vmem>>, vector<16xi32>,
          %mul3A_227 = arith.constant 16 : i32
          %mul3A_228 = arith.muli %scan3A_222, %mul3A_227 : i32
          %swap3A_229 = arith.index_cast %mul3A_228 : i32 to index
          %swap3A_230 = tpu.vector_load %arg10[%swap3A_229] {strides = array<i32>} : memref<4096xi32, #tpu.memory_space<vmem>>, vector<16xi32>,
          tpu.vector_store %arg10[%swap3A_229], %broadcast_in_dim3A_3 {strides = array<i32>} : memref<4096xi32, #tpu.memory_space<vmem>>, vector<16xi32>,
          %mul3A_231 = arith.constant 16 : i32
          %mul3A_232 = arith.muli %scan3A_222, %mul3A_231 : i32
          %swap3A_233 = arith.index_cast %mul3A_232 : i32 to index
          %swap3A_234 = tpu.vector_load %arg11[%swap3A_233] {strides = array<i32>} : memref<4096xi32, #tpu.memory_space<vmem>>, vector<16xi32>,
          tpu.vector_store %arg11[%swap3A_233], %broadcast_in_dim3A_3 {strides = array<i32>} : memref<4096xi32, #tpu.memory_space<vmem>>, vector<16xi32>,
          %mul3A_235 = arith.constant 16 : i32
          %mul3A_236 = arith.muli %scan3A_222, %mul3A_235 : i32
          %swap3A_237 = arith.index_cast %mul3A_236 : i32 to index
          %swap3A_238 = tpu.vector_load %arg12[%swap3A_237] {strides = array<i32>} : memref<4096xi32, #tpu.memory_space<vmem>>, vector<16xi32>,
          tpu.vector_store %arg12[%swap3A_237], %broadcast_in_dim3A_3 {strides = array<i32>} : memref<4096xi32, #tpu.memory_space<vmem>>, vector<16xi32>,
          %scan3A_239 = arith.constant 0 : i32
          scf.yield %scan3A_239 : i32
        }
        %scan3A_129 = arith.constant 256 : i32
        %scan3A_130 = arith.constant 0 : i32
        %scan3A_131 = arith.constant 0 : i32
        %scan3A_132 = arith.constant 64 : i32
        %scan3A_133 = arith.addi %scan3A_131, %scan3A_132 : i32
        %scan3A_134 = arith.constant 2 : i32
        %scan3A_135 = scf.for %scan3A_165 = %scan3A_131 to %scan3A_133 step %scan3A_134 iter_args(%scan3A_166 = %scan3A_130) -> (i32)  : i32 {
          %add3A_167 = arith.constant 0 : i32
          %add3A_168 = arith.addi %scan3A_165, %add3A_167 : i32
          %mul3A_169 = arith.constant 256 : i32
          %mul3A_170 = vector.broadcast %mul3A_169 : i32 to vector<16xi32>
          %mul3A_171 = arith.muli %iota3A, %mul3A_170 : vector<16xi32>
          %add3A_172 = vector.broadcast %add3A_168 : i32 to vector<16xi32>
          %add3A_173 = arith.addi %mul3A_171, %add3A_172 : vector<16xi32>
          %gather3A = tpu.vector_load_idx %arg7[%add3A_173] : memref<4096xi32, #tpu.memory_space<vmem>>[vector<16xi32>], vector<16xi32>,
          %shift_right_logical3A_174 = arith.constant 24 : i32
          %shift_right_logical3A_175 = vector.broadcast %shift_right_logical3A_174 : i32 to vector<16xi32>
          %shift_right_logical3A_176 = arith.shrui %gather3A, %shift_right_logical3A_175 : vector<16xi32>
          %and3A_177 = arith.constant 255 : i32
          %and3A_178 = vector.broadcast %and3A_177 : i32 to vector<16xi32>
          %and3A_179 = arith.andi %shift_right_logical3A_176, %and3A_178 : vector<16xi32>
          %mul3A_180 = arith.constant 16 : i32
          %mul3A_181 = vector.broadcast %mul3A_180 : i32 to vector<16xi32>
          %mul3A_182 = arith.muli %and3A_179, %mul3A_181 : vector<16xi32>
          %add3A_183 = arith.addi %mul3A_182, %iota3A : vector<16xi32>
          tpu.vector_store_idx %arg9[%add3A_183], %broadcast_in_dim3A_1 {add = true} : memref<4096xi32, #tpu.memory_space<vmem>>[vector<16xi32>], vector<16xi32>,
          %add3A_184 = arith.constant 64 : i32
          %add3A_185 = arith.addi %scan3A_165, %add3A_184 : i32
          %mul3A_186 = arith.constant 256 : i32
          %mul3A_187 = vector.broadcast %mul3A_186 : i32 to vector<16xi32>
          %mul3A_188 = arith.muli %iota3A, %mul3A_187 : vector<16xi32>
          %add3A_189 = vector.broadcast %add3A_185 : i32 to vector<16xi32>
          %add3A_190 = arith.addi %mul3A_188, %add3A_189 : vector<16xi32>
          %gather3A_191 = tpu.vector_load_idx %arg7[%add3A_190] : memref<4096xi32, #tpu.memory_space<vmem>>[vector<16xi32>], vector<16xi32>,
          %shift_right_logical3A_192 = arith.constant 24 : i32
          %shift_right_logical3A_193 = vector.broadcast %shift_right_logical3A_192 : i32 to vector<16xi32>
          %shift_right_logical3A_194 = arith.shrui %gather3A_191, %shift_right_logical3A_193 : vector<16xi32>
          %and3A_195 = arith.constant 255 : i32
          %and3A_196 = vector.broadcast %and3A_195 : i32 to vector<16xi32>
          %and3A_197 = arith.andi %shift_right_logical3A_194, %and3A_196 : vector<16xi32>
          %mul3A_198 = arith.constant 16 : i32
          %mul3A_199 = vector.broadcast %mul3A_198 : i32 to vector<16xi32>
          %mul3A_200 = arith.muli %and3A_197, %mul3A_199 : vector<16xi32>
          %add3A_201 = arith.addi %mul3A_200, %iota3A : vector<16xi32>
          tpu.vector_store_idx %arg10[%add3A_201], %broadcast_in_dim3A_1 {add = true} : memref<4096xi32, #tpu.memory_space<vmem>>[vector<16xi32>], vector<16xi32>,
          %add3A_202 = arith.constant 128 : i32
          %add3A_203 = arith.addi %scan3A_165, %add3A_202 : i32
          %mul3A_204 = arith.constant 256 : i32
          %mul3A_205 = vector.broadcast %mul3A_204 : i32 to vector<16xi32>
          %mul3A_206 = arith.muli %iota3A, %mul3A_205 : vector<16xi32>
          %add3A_207 = vector.broadcast %add3A_203 : i32 to vector<16xi32>
          %add3A_208 = arith.addi %mul3A_206, %add3A_207 : vector<16xi32>
          %gather3A_209 = tpu.vector_load_idx %arg7[%add3A_208] : memref<4096xi32, #tpu.memory_space<vmem>>[vector<16xi32>], vector<16xi32>,
          %shift_right_logical3A_210 = arith.constant 24 : i32
          %shift_right_logical3A_211 = vector.broadcast %shift_right_logical3A_210 : i32 to vector<16xi32>
          %shift_right_logical3A_212 = arith.shrui %gather3A_209, %shift_right_logical3A_211 : vector<16xi32>
          %and3A_213 = arith.constant 255 : i32
          %and3A_214 = vector.broadcast %and3A_213 : i32 to vector<16xi32>
          %and3A_215 = arith.andi %shift_right_logical3A_212, %and3A_214 : vector<16xi32>
          %mul3A_216 = arith.constant 16 : i32
          %mul3A_217 = vector.broadcast %mul3A_216 : i32 to vector<16xi32>
          %mul3A_218 = arith.muli %and3A_215, %mul3A_217 : vector<16xi32>
          %add3A_219 = arith.addi %mul3A_218, %iota3A : vector<16xi32>
          tpu.vector_store_idx %arg11[%add3A_219], %broadcast_in_dim3A_1 {add = true} : memref<4096xi32, #tpu.memory_space<vmem>>[vector<16xi32>], vector<16xi32>,
          %add3A_220 = arith.constant 192 : i32
          %add3A_221 = arith.addi %scan3A_165, %add3A_220 : i32
          %mul3A_222 = arith.constant 256 : i32
          %mul3A_223 = vector.broadcast %mul3A_222 : i32 to vector<16xi32>
          %mul3A_224 = arith.muli %iota3A, %mul3A_223 : vector<16xi32>
          %add3A_225 = vector.broadcast %add3A_221 : i32 to vector<16xi32>
          %add3A_226 = arith.addi %mul3A_224, %add3A_225 : vector<16xi32>
          %gather3A_227 = tpu.vector_load_idx %arg7[%add3A_226] : memref<4096xi32, #tpu.memory_space<vmem>>[vector<16xi32>], vector<16xi32>,
          %shift_right_logical3A_228 = arith.constant 24 : i32
          %shift_right_logical3A_229 = vector.broadcast %shift_right_logical3A_228 : i32 to vector<16xi32>
          %shift_right_logical3A_230 = arith.shrui %gather3A_227, %shift_right_logical3A_229 : vector<16xi32>
          %and3A_231 = arith.constant 255 : i32
          %and3A_232 = vector.broadcast %and3A_231 : i32 to vector<16xi32>
          %and3A_233 = arith.andi %shift_right_logical3A_230, %and3A_232 : vector<16xi32>
          %mul3A_234 = arith.constant 16 : i32
          %mul3A_235 = vector.broadcast %mul3A_234 : i32 to vector<16xi32>
          %mul3A_236 = arith.muli %and3A_233, %mul3A_235 : vector<16xi32>
          %add3A_237 = arith.addi %mul3A_236, %iota3A : vector<16xi32>
          tpu.vector_store_idx %arg12[%add3A_237], %broadcast_in_dim3A_1 {add = true} : memref<4096xi32, #tpu.memory_space<vmem>>[vector<16xi32>], vector<16xi32>,
          %scan3A_238 = arith.constant 0 : i32
          %scan3A_239 = arith.constant 1 : i32
          %scan3A_240 = arith.addi %scan3A_165, %scan3A_239 : i32
          %add3A_241 = arith.constant 0 : i32
          %add3A_242 = arith.addi %scan3A_240, %add3A_241 : i32
          %mul3A_243 = arith.constant 256 : i32
          %mul3A_244 = vector.broadcast %mul3A_243 : i32 to vector<16xi32>
          %mul3A_245 = arith.muli %iota3A, %mul3A_244 : vector<16xi32>
          %add3A_246 = vector.broadcast %add3A_242 : i32 to vector<16xi32>
          %add3A_247 = arith.addi %mul3A_245, %add3A_246 : vector<16xi32>
          %gather3A_248 = tpu.vector_load_idx %arg7[%add3A_247] : memref<4096xi32, #tpu.memory_space<vmem>>[vector<16xi32>], vector<16xi32>,
          %shift_right_logical3A_249 = arith.constant 24 : i32
          %shift_right_logical3A_250 = vector.broadcast %shift_right_logical3A_249 : i32 to vector<16xi32>
          %shift_right_logical3A_251 = arith.shrui %gather3A_248, %shift_right_logical3A_250 : vector<16xi32>
          %and3A_252 = arith.constant 255 : i32
          %and3A_253 = vector.broadcast %and3A_252 : i32 to vector<16xi32>
          %and3A_254 = arith.andi %shift_right_logical3A_251, %and3A_253 : vector<16xi32>
          %mul3A_255 = arith.constant 16 : i32
          %mul3A_256 = vector.broadcast %mul3A_255 : i32 to vector<16xi32>
          %mul3A_257 = arith.muli %and3A_254, %mul3A_256 : vector<16xi32>
          %add3A_258 = arith.addi %mul3A_257, %iota3A : vector<16xi32>
          tpu.vector_store_idx %arg9[%add3A_258], %broadcast_in_dim3A_1 {add = true} : memref<4096xi32, #tpu.memory_space<vmem>>[vector<16xi32>], vector<16xi32>,
          %add3A_259 = arith.constant 64 : i32
          %add3A_260 = arith.addi %scan3A_240, %add3A_259 : i32
          %mul3A_261 = arith.constant 256 : i32
          %mul3A_262 = vector.broadcast %mul3A_261 : i32 to vector<16xi32>
          %mul3A_263 = arith.muli %iota3A, %mul3A_262 : vector<16xi32>
          %add3A_264 = vector.broadcast %add3A_260 : i32 to vector<16xi32>
          %add3A_265 = arith.addi %mul3A_263, %add3A_264 : vector<16xi32>
          %gather3A_266 = tpu.vector_load_idx %arg7[%add3A_265] : memref<4096xi32, #tpu.memory_space<vmem>>[vector<16xi32>], vector<16xi32>,
          %shift_right_logical3A_267 = arith.constant 24 : i32
          %shift_right_logical3A_268 = vector.broadcast %shift_right_logical3A_267 : i32 to vector<16xi32>
          %shift_right_logical3A_269 = arith.shrui %gather3A_266, %shift_right_logical3A_268 : vector<16xi32>
          %and3A_270 = arith.constant 255 : i32
          %and3A_271 = vector.broadcast %and3A_270 : i32 to vector<16xi32>
          %and3A_272 = arith.andi %shift_right_logical3A_269, %and3A_271 : vector<16xi32>
          %mul3A_273 = arith.constant 16 : i32
          %mul3A_274 = vector.broadcast %mul3A_273 : i32 to vector<16xi32>
          %mul3A_275 = arith.muli %and3A_272, %mul3A_274 : vector<16xi32>
          %add3A_276 = arith.addi %mul3A_275, %iota3A : vector<16xi32>
          tpu.vector_store_idx %arg10[%add3A_276], %broadcast_in_dim3A_1 {add = true} : memref<4096xi32, #tpu.memory_space<vmem>>[vector<16xi32>], vector<16xi32>,
          %add3A_277 = arith.constant 128 : i32
          %add3A_278 = arith.addi %scan3A_240, %add3A_277 : i32
          %mul3A_279 = arith.constant 256 : i32
          %mul3A_280 = vector.broadcast %mul3A_279 : i32 to vector<16xi32>
          %mul3A_281 = arith.muli %iota3A, %mul3A_280 : vector<16xi32>
          %add3A_282 = vector.broadcast %add3A_278 : i32 to vector<16xi32>
          %add3A_283 = arith.addi %mul3A_281, %add3A_282 : vector<16xi32>
          %gather3A_284 = tpu.vector_load_idx %arg7[%add3A_283] : memref<4096xi32, #tpu.memory_space<vmem>>[vector<16xi32>], vector<16xi32>,
          %shift_right_logical3A_285 = arith.constant 24 : i32
          %shift_right_logical3A_286 = vector.broadcast %shift_right_logical3A_285 : i32 to vector<16xi32>
          %shift_right_logical3A_287 = arith.shrui %gather3A_284, %shift_right_logical3A_286 : vector<16xi32>
          %and3A_288 = arith.constant 255 : i32
          %and3A_289 = vector.broadcast %and3A_288 : i32 to vector<16xi32>
          %and3A_290 = arith.andi %shift_right_logical3A_287, %and3A_289 : vector<16xi32>
          %mul3A_291 = arith.constant 16 : i32
          %mul3A_292 = vector.broadcast %mul3A_291 : i32 to vector<16xi32>
          %mul3A_293 = arith.muli %and3A_290, %mul3A_292 : vector<16xi32>
          %add3A_294 = arith.addi %mul3A_293, %iota3A : vector<16xi32>
          tpu.vector_store_idx %arg11[%add3A_294], %broadcast_in_dim3A_1 {add = true} : memref<4096xi32, #tpu.memory_space<vmem>>[vector<16xi32>], vector<16xi32>,
          %add3A_295 = arith.constant 192 : i32
          %add3A_296 = arith.addi %scan3A_240, %add3A_295 : i32
          %mul3A_297 = arith.constant 256 : i32
          %mul3A_298 = vector.broadcast %mul3A_297 : i32 to vector<16xi32>
          %mul3A_299 = arith.muli %iota3A, %mul3A_298 : vector<16xi32>
          %add3A_300 = vector.broadcast %add3A_296 : i32 to vector<16xi32>
          %add3A_301 = arith.addi %mul3A_299, %add3A_300 : vector<16xi32>
          %gather3A_302 = tpu.vector_load_idx %arg7[%add3A_301] : memref<4096xi32, #tpu.memory_space<vmem>>[vector<16xi32>], vector<16xi32>,
          %shift_right_logical3A_303 = arith.constant 24 : i32
          %shift_right_logical3A_304 = vector.broadcast %shift_right_logical3A_303 : i32 to vector<16xi32>
          %shift_right_logical3A_305 = arith.shrui %gather3A_302, %shift_right_logical3A_304 : vector<16xi32>
          %and3A_306 = arith.constant 255 : i32
          %and3A_307 = vector.broadcast %and3A_306 : i32 to vector<16xi32>
          %and3A_308 = arith.andi %shift_right_logical3A_305, %and3A_307 : vector<16xi32>
          %mul3A_309 = arith.constant 16 : i32
          %mul3A_310 = vector.broadcast %mul3A_309 : i32 to vector<16xi32>
          %mul3A_311 = arith.muli %and3A_308, %mul3A_310 : vector<16xi32>
          %add3A_312 = arith.addi %mul3A_311, %iota3A : vector<16xi32>
          tpu.vector_store_idx %arg12[%add3A_312], %broadcast_in_dim3A_1 {add = true} : memref<4096xi32, #tpu.memory_space<vmem>>[vector<16xi32>], vector<16xi32>,
          %scan3A_313 = arith.constant 0 : i32
          scf.yield %scan3A_313 : i32
        }
        %scan3A_136 = arith.constant 64 : i32
        %scan3A_137 = arith.constant 0 : i32
        %scan3A_138 = arith.constant 0 : i32
        %scan3A_139 = arith.constant 256 : i32
        %scan3A_140 = arith.addi %scan3A_138, %scan3A_139 : i32
        %scan3A_141 = arith.constant 4 : i32
        %scan3A_142 = scf.for %scan3A_165 = %scan3A_138 to %scan3A_140 step %scan3A_141 iter_args(%scan3A_166 = %scan3A_137) -> (i32)  : i32 {
          %mul3A_167 = arith.constant 16 : i32
          %mul3A_168 = arith.muli %scan3A_165, %mul3A_167 : i32
          %get3A = arith.index_cast %mul3A_168 : i32 to index
          %get3A_169 = tpu.vector_load %arg9[%get3A] {strides = array<i32>} : memref<4096xi32, #tpu.memory_space<vmem>>, vector<16xi32>,
          %add3A_170 = arith.addi %broadcast_in_dim3A_3, %get3A_169 : vector<16xi32>
          %mul3A_171 = arith.constant 16 : i32
          %mul3A_172 = arith.muli %scan3A_165, %mul3A_171 : i32
          %get3A_173 = arith.index_cast %mul3A_172 : i32 to index
          %get3A_174 = tpu.vector_load %arg10[%get3A_173] {strides = array<i32>} : memref<4096xi32, #tpu.memory_space<vmem>>, vector<16xi32>,
          %add3A_175 = arith.addi %add3A_170, %get3A_174 : vector<16xi32>
          %mul3A_176 = arith.constant 16 : i32
          %mul3A_177 = arith.muli %scan3A_165, %mul3A_176 : i32
          %get3A_178 = arith.index_cast %mul3A_177 : i32 to index
          %get3A_179 = tpu.vector_load %arg11[%get3A_178] {strides = array<i32>} : memref<4096xi32, #tpu.memory_space<vmem>>, vector<16xi32>,
          %add3A_180 = arith.addi %add3A_175, %get3A_179 : vector<16xi32>
          %mul3A_181 = arith.constant 16 : i32
          %mul3A_182 = arith.muli %scan3A_165, %mul3A_181 : i32
          %get3A_183 = arith.index_cast %mul3A_182 : i32 to index
          %get3A_184 = tpu.vector_load %arg12[%get3A_183] {strides = array<i32>} : memref<4096xi32, #tpu.memory_space<vmem>>, vector<16xi32>,
          %add3A_185 = arith.addi %add3A_180, %get3A_184 : vector<16xi32>
          %broadcast_in_dim3A_186 = arith.constant true
          %broadcast_in_dim3A_187 = vector.broadcast %broadcast_in_dim3A_186 : i1 to vector<16xi1>
          %masked_cumsum3A = tpu.scan <sum>, %add3A_185 masked %broadcast_in_dim3A_187 : vector<16xi32>, vector<16xi1> -> vector<16xi32>
          %reduce_max3A_188 = arith.constant true
          %reduce_max3A_189 = vector.broadcast %reduce_max3A_188 : i1 to vector<16xi1>
          %reduce_max3A_190 = arith.constant -2147483648 : i32
          %reduce_max3A_191 = vector.broadcast %reduce_max3A_190 : i32 to vector<16xi32>
          %reduce_max3A_192 = arith.xori %masked_cumsum3A, %reduce_max3A_191 : vector<16xi32>
          %reduce_max3A_193 = tpu.scan <max>, %reduce_max3A_192 masked %reduce_max3A_189 : vector<16xi32>, vector<16xi1> -> vector<16xi32>
          %reduce_max3A_194 = arith.xori %reduce_max3A_193, %reduce_max3A_191 : vector<16xi32>
          %reduce_max3A_195 = vector.extract %reduce_max3A_194[15] : i32 from vector<16xi32>
          %add3A_196 = vector.broadcast %scan3A_165 : i32 to vector<16xi32>
          %add3A_197 = arith.addi %broadcast_in_dim3A_3, %add3A_196 : vector<16xi32>
          %add3A_198 = vector.broadcast %reduce_max3A_195 : i32 to vector<16xi32>
          %add3A_199 = arith.addi %broadcast_in_dim3A_3, %add3A_198 : vector<16xi32>
          %eq3A_200 = arith.constant 0 : i32
          %eq3A_201 = vector.broadcast %eq3A_200 : i32 to vector<16xi32>
          %eq3A_202 = arith.cmpi eq, %iota3A, %eq3A_201 : vector<16xi32>
          tpu.vector_store_idx %arg13[%add3A_197], %add3A_199 masked %eq3A_202 : memref<256xi32, #tpu.memory_space<vmem>>[vector<16xi32>], vector<16xi32>, vector<16xi1>
          %scan3A_203 = arith.constant 0 : i32
          %scan3A_204 = arith.constant 1 : i32
          %scan3A_205 = arith.addi %scan3A_165, %scan3A_204 : i32
          %mul3A_206 = arith.constant 16 : i32
          %mul3A_207 = arith.muli %scan3A_205, %mul3A_206 : i32
          %get3A_208 = arith.index_cast %mul3A_207 : i32 to index
          %get3A_209 = tpu.vector_load %arg9[%get3A_208] {strides = array<i32>} : memref<4096xi32, #tpu.memory_space<vmem>>, vector<16xi32>,
          %add3A_210 = arith.addi %broadcast_in_dim3A_3, %get3A_209 : vector<16xi32>
          %mul3A_211 = arith.constant 16 : i32
          %mul3A_212 = arith.muli %scan3A_205, %mul3A_211 : i32
          %get3A_213 = arith.index_cast %mul3A_212 : i32 to index
          %get3A_214 = tpu.vector_load %arg10[%get3A_213] {strides = array<i32>} : memref<4096xi32, #tpu.memory_space<vmem>>, vector<16xi32>,
          %add3A_215 = arith.addi %add3A_210, %get3A_214 : vector<16xi32>
          %mul3A_216 = arith.constant 16 : i32
          %mul3A_217 = arith.muli %scan3A_205, %mul3A_216 : i32
          %get3A_218 = arith.index_cast %mul3A_217 : i32 to index
          %get3A_219 = tpu.vector_load %arg11[%get3A_218] {strides = array<i32>} : memref<4096xi32, #tpu.memory_space<vmem>>, vector<16xi32>,
          %add3A_220 = arith.addi %add3A_215, %get3A_219 : vector<16xi32>
          %mul3A_221 = arith.constant 16 : i32
          %mul3A_222 = arith.muli %scan3A_205, %mul3A_221 : i32
          %get3A_223 = arith.index_cast %mul3A_222 : i32 to index
          %get3A_224 = tpu.vector_load %arg12[%get3A_223] {strides = array<i32>} : memref<4096xi32, #tpu.memory_space<vmem>>, vector<16xi32>,
          %add3A_225 = arith.addi %add3A_220, %get3A_224 : vector<16xi32>
          %broadcast_in_dim3A_226 = arith.constant true
          %broadcast_in_dim3A_227 = vector.broadcast %broadcast_in_dim3A_226 : i1 to vector<16xi1>
          %masked_cumsum3A_228 = tpu.scan <sum>, %add3A_225 masked %broadcast_in_dim3A_227 : vector<16xi32>, vector<16xi1> -> vector<16xi32>
          %reduce_max3A_229 = arith.constant true
          %reduce_max3A_230 = vector.broadcast %reduce_max3A_229 : i1 to vector<16xi1>
          %reduce_max3A_231 = arith.constant -2147483648 : i32
          %reduce_max3A_232 = vector.broadcast %reduce_max3A_231 : i32 to vector<16xi32>
          %reduce_max3A_233 = arith.xori %masked_cumsum3A_228, %reduce_max3A_232 : vector<16xi32>
          %reduce_max3A_234 = tpu.scan <max>, %reduce_max3A_233 masked %reduce_max3A_230 : vector<16xi32>, vector<16xi1> -> vector<16xi32>
          %reduce_max3A_235 = arith.xori %reduce_max3A_234, %reduce_max3A_232 : vector<16xi32>
          %reduce_max3A_236 = vector.extract %reduce_max3A_235[15] : i32 from vector<16xi32>
          %add3A_237 = vector.broadcast %scan3A_205 : i32 to vector<16xi32>
          %add3A_238 = arith.addi %broadcast_in_dim3A_3, %add3A_237 : vector<16xi32>
          %add3A_239 = vector.broadcast %reduce_max3A_236 : i32 to vector<16xi32>
          %add3A_240 = arith.addi %broadcast_in_dim3A_3, %add3A_239 : vector<16xi32>
          %eq3A_241 = arith.constant 0 : i32
          %eq3A_242 = vector.broadcast %eq3A_241 : i32 to vector<16xi32>
          %eq3A_243 = arith.cmpi eq, %iota3A, %eq3A_242 : vector<16xi32>
          tpu.vector_store_idx %arg13[%add3A_238], %add3A_240 masked %eq3A_243 : memref<256xi32, #tpu.memory_space<vmem>>[vector<16xi32>], vector<16xi32>, vector<16xi1>
          %scan3A_244 = arith.constant 0 : i32
          %scan3A_245 = arith.constant 2 : i32
          %scan3A_246 = arith.addi %scan3A_165, %scan3A_245 : i32
          %mul3A_247 = arith.constant 16 : i32
          %mul3A_248 = arith.muli %scan3A_246, %mul3A_247 : i32
          %get3A_249 = arith.index_cast %mul3A_248 : i32 to index
          %get3A_250 = tpu.vector_load %arg9[%get3A_249] {strides = array<i32>} : memref<4096xi32, #tpu.memory_space<vmem>>, vector<16xi32>,
          %add3A_251 = arith.addi %broadcast_in_dim3A_3, %get3A_250 : vector<16xi32>
          %mul3A_252 = arith.constant 16 : i32
          %mul3A_253 = arith.muli %scan3A_246, %mul3A_252 : i32
          %get3A_254 = arith.index_cast %mul3A_253 : i32 to index
          %get3A_255 = tpu.vector_load %arg10[%get3A_254] {strides = array<i32>} : memref<4096xi32, #tpu.memory_space<vmem>>, vector<16xi32>,
          %add3A_256 = arith.addi %add3A_251, %get3A_255 : vector<16xi32>
          %mul3A_257 = arith.constant 16 : i32
          %mul3A_258 = arith.muli %scan3A_246, %mul3A_257 : i32
          %get3A_259 = arith.index_cast %mul3A_258 : i32 to index
          %get3A_260 = tpu.vector_load %arg11[%get3A_259] {strides = array<i32>} : memref<4096xi32, #tpu.memory_space<vmem>>, vector<16xi32>,
          %add3A_261 = arith.addi %add3A_256, %get3A_260 : vector<16xi32>
          %mul3A_262 = arith.constant 16 : i32
          %mul3A_263 = arith.muli %scan3A_246, %mul3A_262 : i32
          %get3A_264 = arith.index_cast %mul3A_263 : i32 to index
          %get3A_265 = tpu.vector_load %arg12[%get3A_264] {strides = array<i32>} : memref<4096xi32, #tpu.memory_space<vmem>>, vector<16xi32>,
          %add3A_266 = arith.addi %add3A_261, %get3A_265 : vector<16xi32>
          %broadcast_in_dim3A_267 = arith.constant true
          %broadcast_in_dim3A_268 = vector.broadcast %broadcast_in_dim3A_267 : i1 to vector<16xi1>
          %masked_cumsum3A_269 = tpu.scan <sum>, %add3A_266 masked %broadcast_in_dim3A_268 : vector<16xi32>, vector<16xi1> -> vector<16xi32>
          %reduce_max3A_270 = arith.constant true
          %reduce_max3A_271 = vector.broadcast %reduce_max3A_270 : i1 to vector<16xi1>
          %reduce_max3A_272 = arith.constant -2147483648 : i32
          %reduce_max3A_273 = vector.broadcast %reduce_max3A_272 : i32 to vector<16xi32>
          %reduce_max3A_274 = arith.xori %masked_cumsum3A_269, %reduce_max3A_273 : vector<16xi32>
          %reduce_max3A_275 = tpu.scan <max>, %reduce_max3A_274 masked %reduce_max3A_271 : vector<16xi32>, vector<16xi1> -> vector<16xi32>
          %reduce_max3A_276 = arith.xori %reduce_max3A_275, %reduce_max3A_273 : vector<16xi32>
          %reduce_max3A_277 = vector.extract %reduce_max3A_276[15] : i32 from vector<16xi32>
          %add3A_278 = vector.broadcast %scan3A_246 : i32 to vector<16xi32>
          %add3A_279 = arith.addi %broadcast_in_dim3A_3, %add3A_278 : vector<16xi32>
          %add3A_280 = vector.broadcast %reduce_max3A_277 : i32 to vector<16xi32>
          %add3A_281 = arith.addi %broadcast_in_dim3A_3, %add3A_280 : vector<16xi32>
          %eq3A_282 = arith.constant 0 : i32
          %eq3A_283 = vector.broadcast %eq3A_282 : i32 to vector<16xi32>
          %eq3A_284 = arith.cmpi eq, %iota3A, %eq3A_283 : vector<16xi32>
          tpu.vector_store_idx %arg13[%add3A_279], %add3A_281 masked %eq3A_284 : memref<256xi32, #tpu.memory_space<vmem>>[vector<16xi32>], vector<16xi32>, vector<16xi1>
          %scan3A_285 = arith.constant 0 : i32
          %scan3A_286 = arith.constant 3 : i32
          %scan3A_287 = arith.addi %scan3A_165, %scan3A_286 : i32
          %mul3A_288 = arith.constant 16 : i32
          %mul3A_289 = arith.muli %scan3A_287, %mul3A_288 : i32
          %get3A_290 = arith.index_cast %mul3A_289 : i32 to index
          %get3A_291 = tpu.vector_load %arg9[%get3A_290] {strides = array<i32>} : memref<4096xi32, #tpu.memory_space<vmem>>, vector<16xi32>,
          %add3A_292 = arith.addi %broadcast_in_dim3A_3, %get3A_291 : vector<16xi32>
          %mul3A_293 = arith.constant 16 : i32
          %mul3A_294 = arith.muli %scan3A_287, %mul3A_293 : i32
          %get3A_295 = arith.index_cast %mul3A_294 : i32 to index
          %get3A_296 = tpu.vector_load %arg10[%get3A_295] {strides = array<i32>} : memref<4096xi32, #tpu.memory_space<vmem>>, vector<16xi32>,
          %add3A_297 = arith.addi %add3A_292, %get3A_296 : vector<16xi32>
          %mul3A_298 = arith.constant 16 : i32
          %mul3A_299 = arith.muli %scan3A_287, %mul3A_298 : i32
          %get3A_300 = arith.index_cast %mul3A_299 : i32 to index
          %get3A_301 = tpu.vector_load %arg11[%get3A_300] {strides = array<i32>} : memref<4096xi32, #tpu.memory_space<vmem>>, vector<16xi32>,
          %add3A_302 = arith.addi %add3A_297, %get3A_301 : vector<16xi32>
          %mul3A_303 = arith.constant 16 : i32
          %mul3A_304 = arith.muli %scan3A_287, %mul3A_303 : i32
          %get3A_305 = arith.index_cast %mul3A_304 : i32 to index
          %get3A_306 = tpu.vector_load %arg12[%get3A_305] {strides = array<i32>} : memref<4096xi32, #tpu.memory_space<vmem>>, vector<16xi32>,
          %add3A_307 = arith.addi %add3A_302, %get3A_306 : vector<16xi32>
          %broadcast_in_dim3A_308 = arith.constant true
          %broadcast_in_dim3A_309 = vector.broadcast %broadcast_in_dim3A_308 : i1 to vector<16xi1>
          %masked_cumsum3A_310 = tpu.scan <sum>, %add3A_307 masked %broadcast_in_dim3A_309 : vector<16xi32>, vector<16xi1> -> vector<16xi32>
          %reduce_max3A_311 = arith.constant true
          %reduce_max3A_312 = vector.broadcast %reduce_max3A_311 : i1 to vector<16xi1>
          %reduce_max3A_313 = arith.constant -2147483648 : i32
          %reduce_max3A_314 = vector.broadcast %reduce_max3A_313 : i32 to vector<16xi32>
          %reduce_max3A_315 = arith.xori %masked_cumsum3A_310, %reduce_max3A_314 : vector<16xi32>
          %reduce_max3A_316 = tpu.scan <max>, %reduce_max3A_315 masked %reduce_max3A_312 : vector<16xi32>, vector<16xi1> -> vector<16xi32>
          %reduce_max3A_317 = arith.xori %reduce_max3A_316, %reduce_max3A_314 : vector<16xi32>
          %reduce_max3A_318 = vector.extract %reduce_max3A_317[15] : i32 from vector<16xi32>
          %add3A_319 = vector.broadcast %scan3A_287 : i32 to vector<16xi32>
          %add3A_320 = arith.addi %broadcast_in_dim3A_3, %add3A_319 : vector<16xi32>
          %add3A_321 = vector.broadcast %reduce_max3A_318 : i32 to vector<16xi32>
          %add3A_322 = arith.addi %broadcast_in_dim3A_3, %add3A_321 : vector<16xi32>
          %eq3A_323 = arith.constant 0 : i32
          %eq3A_324 = vector.broadcast %eq3A_323 : i32 to vector<16xi32>
          %eq3A_325 = arith.cmpi eq, %iota3A, %eq3A_324 : vector<16xi32>
          tpu.vector_store_idx %arg13[%add3A_320], %add3A_322 masked %eq3A_325 : memref<256xi32, #tpu.memory_space<vmem>>[vector<16xi32>], vector<16xi32>, vector<16xi1>
          %scan3A_326 = arith.constant 0 : i32
          scf.yield %scan3A_326 : i32
        }
        %scan3A_143 = arith.constant 256 : i32
        %scan3A_144 = arith.constant 0 : i32
        %scan3A_145 = arith.constant 0 : i32
        %scan3A_146 = arith.constant 16 : i32
        %scan3A_147 = arith.addi %scan3A_145, %scan3A_146 : i32
        %scan3A_148 = arith.constant 1 : i32
        %scan3A_149 = scf.for %scan3A_165 = %scan3A_145 to %scan3A_147 step %scan3A_148 iter_args(%scan3A_166 = %scan3A_144) -> (i32)  : i32 {
          %mul3A_167 = arith.constant 16 : i32
          %mul3A_168 = arith.muli %scan3A_165, %mul3A_167 : i32
          %get3A = arith.index_cast %mul3A_168 : i32 to index
          %get3A_169 = tpu.vector_load %arg13[%get3A] {strides = array<i32>} : memref<256xi32, #tpu.memory_space<vmem>>, vector<16xi32>,
          %broadcast_in_dim3A_170 = arith.constant true
          %broadcast_in_dim3A_171 = vector.broadcast %broadcast_in_dim3A_170 : i1 to vector<16xi1>
          %masked_cumsum3A = tpu.scan <sum>, %get3A_169 masked %broadcast_in_dim3A_171 : vector<16xi32>, vector<16xi1> -> vector<16xi32>
          %sub3A_172 = arith.subi %masked_cumsum3A, %get3A_169 : vector<16xi32>
          %add3A_173 = vector.broadcast %scan3A_166 : i32 to vector<16xi32>
          %add3A_174 = arith.addi %sub3A_172, %add3A_173 : vector<16xi32>
          %mul3A_175 = arith.constant 16 : i32
          %mul3A_176 = arith.muli %scan3A_165, %mul3A_175 : i32
          %swap3A = arith.index_cast %mul3A_176 : i32 to index
          %swap3A_177 = tpu.vector_load %arg13[%swap3A] {strides = array<i32>} : memref<256xi32, #tpu.memory_space<vmem>>, vector<16xi32>,
          tpu.vector_store %arg13[%swap3A], %add3A_174 {strides = array<i32>} : memref<256xi32, #tpu.memory_space<vmem>>, vector<16xi32>,
          %reduce_max3A_178 = arith.constant true
          %reduce_max3A_179 = vector.broadcast %reduce_max3A_178 : i1 to vector<16xi1>
          %reduce_max3A_180 = arith.constant -2147483648 : i32
          %reduce_max3A_181 = vector.broadcast %reduce_max3A_180 : i32 to vector<16xi32>
          %reduce_max3A_182 = arith.xori %masked_cumsum3A, %reduce_max3A_181 : vector<16xi32>
          %reduce_max3A_183 = tpu.scan <max>, %reduce_max3A_182 masked %reduce_max3A_179 : vector<16xi32>, vector<16xi1> -> vector<16xi32>
          %reduce_max3A_184 = arith.xori %reduce_max3A_183, %reduce_max3A_181 : vector<16xi32>
          %reduce_max3A_185 = vector.extract %reduce_max3A_184[15] : i32 from vector<16xi32>
          %add3A_186 = arith.addi %scan3A_166, %reduce_max3A_185 : i32
          scf.yield %add3A_186 : i32
        }
        %scan3A_150 = arith.constant 16 : i32
        %scan3A_151 = arith.constant 0 : i32
        %scan3A_152 = arith.constant 0 : i32
        %scan3A_153 = arith.constant 256 : i32
        %scan3A_154 = arith.addi %scan3A_152, %scan3A_153 : i32
        %scan3A_155 = arith.constant 2 : i32
        %scan3A_156 = scf.for %scan3A_165 = %scan3A_152 to %scan3A_154 step %scan3A_155 iter_args(%scan3A_166 = %scan3A_151) -> (i32)  : i32 {
          %mul3A_167 = arith.constant 16 : i32
          %mul3A_168 = arith.muli %scan3A_165, %mul3A_167 : i32
          %get3A = arith.index_cast %mul3A_168 : i32 to index
          %get3A_169 = tpu.vector_load %arg9[%get3A] {strides = array<i32>} : memref<4096xi32, #tpu.memory_space<vmem>>, vector<16xi32>,
          %get3A_170 = arith.index_cast %mul3A_168 : i32 to index
          %get3A_171 = tpu.vector_load %arg10[%get3A_170] {strides = array<i32>} : memref<4096xi32, #tpu.memory_space<vmem>>, vector<16xi32>,
          %get3A_172 = arith.index_cast %mul3A_168 : i32 to index
          %get3A_173 = tpu.vector_load %arg11[%get3A_172] {strides = array<i32>} : memref<4096xi32, #tpu.memory_space<vmem>>, vector<16xi32>,
          %get3A_174 = arith.index_cast %mul3A_168 : i32 to index
          %get3A_175 = tpu.vector_load %arg12[%get3A_174] {strides = array<i32>} : memref<4096xi32, #tpu.memory_space<vmem>>, vector<16xi32>,
          %add3A_176 = arith.addi %get3A_169, %get3A_171 : vector<16xi32>
          %add3A_177 = arith.addi %add3A_176, %get3A_173 : vector<16xi32>
          %add3A_178 = arith.addi %add3A_177, %get3A_175 : vector<16xi32>
          %broadcast_in_dim3A_179 = arith.constant true
          %broadcast_in_dim3A_180 = vector.broadcast %broadcast_in_dim3A_179 : i1 to vector<16xi1>
          %masked_cumsum3A = tpu.scan <sum>, %add3A_178 masked %broadcast_in_dim3A_180 : vector<16xi32>, vector<16xi1> -> vector<16xi32>
          %add3A_181 = vector.broadcast %scan3A_165 : i32 to vector<16xi32>
          %add3A_182 = arith.addi %broadcast_in_dim3A_3, %add3A_181 : vector<16xi32>
          %gather3A = tpu.vector_load_idx %arg13[%add3A_182] : memref<256xi32, #tpu.memory_space<vmem>>[vector<16xi32>], vector<16xi32>,
          %sub3A_183 = arith.subi %masked_cumsum3A, %add3A_178 : vector<16xi32>
          %add3A_184 = arith.addi %sub3A_183, %gather3A : vector<16xi32>
          %swap3A = arith.index_cast %mul3A_168 : i32 to index
          %swap3A_185 = tpu.vector_load %arg9[%swap3A] {strides = array<i32>} : memref<4096xi32, #tpu.memory_space<vmem>>, vector<16xi32>,
          tpu.vector_store %arg9[%swap3A], %add3A_184 {strides = array<i32>} : memref<4096xi32, #tpu.memory_space<vmem>>, vector<16xi32>,
          %add3A_186 = arith.addi %add3A_184, %get3A_169 : vector<16xi32>
          %swap3A_187 = arith.index_cast %mul3A_168 : i32 to index
          %swap3A_188 = tpu.vector_load %arg10[%swap3A_187] {strides = array<i32>} : memref<4096xi32, #tpu.memory_space<vmem>>, vector<16xi32>,
          tpu.vector_store %arg10[%swap3A_187], %add3A_186 {strides = array<i32>} : memref<4096xi32, #tpu.memory_space<vmem>>, vector<16xi32>,
          %add3A_189 = arith.addi %add3A_186, %get3A_171 : vector<16xi32>
          %swap3A_190 = arith.index_cast %mul3A_168 : i32 to index
          %swap3A_191 = tpu.vector_load %arg11[%swap3A_190] {strides = array<i32>} : memref<4096xi32, #tpu.memory_space<vmem>>, vector<16xi32>,
          tpu.vector_store %arg11[%swap3A_190], %add3A_189 {strides = array<i32>} : memref<4096xi32, #tpu.memory_space<vmem>>, vector<16xi32>,
          %add3A_192 = arith.addi %add3A_189, %get3A_173 : vector<16xi32>
          %swap3A_193 = arith.index_cast %mul3A_168 : i32 to index
          %swap3A_194 = tpu.vector_load %arg12[%swap3A_193] {strides = array<i32>} : memref<4096xi32, #tpu.memory_space<vmem>>, vector<16xi32>,
          tpu.vector_store %arg12[%swap3A_193], %add3A_192 {strides = array<i32>} : memref<4096xi32, #tpu.memory_space<vmem>>, vector<16xi32>,
          %scan3A_195 = arith.constant 0 : i32
          %scan3A_196 = arith.constant 1 : i32
          %scan3A_197 = arith.addi %scan3A_165, %scan3A_196 : i32
          %mul3A_198 = arith.constant 16 : i32
          %mul3A_199 = arith.muli %scan3A_197, %mul3A_198 : i32
          %get3A_200 = arith.index_cast %mul3A_199 : i32 to index
          %get3A_201 = tpu.vector_load %arg9[%get3A_200] {strides = array<i32>} : memref<4096xi32, #tpu.memory_space<vmem>>, vector<16xi32>,
          %get3A_202 = arith.index_cast %mul3A_199 : i32 to index
          %get3A_203 = tpu.vector_load %arg10[%get3A_202] {strides = array<i32>} : memref<4096xi32, #tpu.memory_space<vmem>>, vector<16xi32>,
          %get3A_204 = arith.index_cast %mul3A_199 : i32 to index
          %get3A_205 = tpu.vector_load %arg11[%get3A_204] {strides = array<i32>} : memref<4096xi32, #tpu.memory_space<vmem>>, vector<16xi32>,
          %get3A_206 = arith.index_cast %mul3A_199 : i32 to index
          %get3A_207 = tpu.vector_load %arg12[%get3A_206] {strides = array<i32>} : memref<4096xi32, #tpu.memory_space<vmem>>, vector<16xi32>,
          %add3A_208 = arith.addi %get3A_201, %get3A_203 : vector<16xi32>
          %add3A_209 = arith.addi %add3A_208, %get3A_205 : vector<16xi32>
          %add3A_210 = arith.addi %add3A_209, %get3A_207 : vector<16xi32>
          %broadcast_in_dim3A_211 = arith.constant true
          %broadcast_in_dim3A_212 = vector.broadcast %broadcast_in_dim3A_211 : i1 to vector<16xi1>
          %masked_cumsum3A_213 = tpu.scan <sum>, %add3A_210 masked %broadcast_in_dim3A_212 : vector<16xi32>, vector<16xi1> -> vector<16xi32>
          %add3A_214 = vector.broadcast %scan3A_197 : i32 to vector<16xi32>
          %add3A_215 = arith.addi %broadcast_in_dim3A_3, %add3A_214 : vector<16xi32>
          %gather3A_216 = tpu.vector_load_idx %arg13[%add3A_215] : memref<256xi32, #tpu.memory_space<vmem>>[vector<16xi32>], vector<16xi32>,
          %sub3A_217 = arith.subi %masked_cumsum3A_213, %add3A_210 : vector<16xi32>
          %add3A_218 = arith.addi %sub3A_217, %gather3A_216 : vector<16xi32>
          %swap3A_219 = arith.index_cast %mul3A_199 : i32 to index
          %swap3A_220 = tpu.vector_load %arg9[%swap3A_219] {strides = array<i32>} : memref<4096xi32, #tpu.memory_space<vmem>>, vector<16xi32>,
          tpu.vector_store %arg9[%swap3A_219], %add3A_218 {strides = array<i32>} : memref<4096xi32, #tpu.memory_space<vmem>>, vector<16xi32>,
          %add3A_221 = arith.addi %add3A_218, %get3A_201 : vector<16xi32>
          %swap3A_222 = arith.index_cast %mul3A_199 : i32 to index
          %swap3A_223 = tpu.vector_load %arg10[%swap3A_222] {strides = array<i32>} : memref<4096xi32, #tpu.memory_space<vmem>>, vector<16xi32>,
          tpu.vector_store %arg10[%swap3A_222], %add3A_221 {strides = array<i32>} : memref<4096xi32, #tpu.memory_space<vmem>>, vector<16xi32>,
          %add3A_224 = arith.addi %add3A_221, %get3A_203 : vector<16xi32>
          %swap3A_225 = arith.index_cast %mul3A_199 : i32 to index
          %swap3A_226 = tpu.vector_load %arg11[%swap3A_225] {strides = array<i32>} : memref<4096xi32, #tpu.memory_space<vmem>>, vector<16xi32>,
          tpu.vector_store %arg11[%swap3A_225], %add3A_224 {strides = array<i32>} : memref<4096xi32, #tpu.memory_space<vmem>>, vector<16xi32>,
          %add3A_227 = arith.addi %add3A_224, %get3A_205 : vector<16xi32>
          %swap3A_228 = arith.index_cast %mul3A_199 : i32 to index
          %swap3A_229 = tpu.vector_load %arg12[%swap3A_228] {strides = array<i32>} : memref<4096xi32, #tpu.memory_space<vmem>>, vector<16xi32>,
          tpu.vector_store %arg12[%swap3A_228], %add3A_227 {strides = array<i32>} : memref<4096xi32, #tpu.memory_space<vmem>>, vector<16xi32>,
          %scan3A_230 = arith.constant 0 : i32
          scf.yield %scan3A_230 : i32
        }
        %scan3A_157 = arith.constant 256 : i32
        %scan3A_158 = arith.constant 0 : i32
        %scan3A_159 = arith.constant 0 : i32
        %scan3A_160 = arith.constant 64 : i32
        %scan3A_161 = arith.addi %scan3A_159, %scan3A_160 : i32
        %scan3A_162 = arith.constant 2 : i32
        %scan3A_163 = scf.for %scan3A_165 = %scan3A_159 to %scan3A_161 step %scan3A_162 iter_args(%scan3A_166 = %scan3A_158) -> (i32)  : i32 {
          %add3A_167 = arith.constant 0 : i32
          %add3A_168 = arith.addi %scan3A_165, %add3A_167 : i32
          %mul3A_169 = arith.constant 256 : i32
          %mul3A_170 = vector.broadcast %mul3A_169 : i32 to vector<16xi32>
          %mul3A_171 = arith.muli %iota3A, %mul3A_170 : vector<16xi32>
          %add3A_172 = vector.broadcast %add3A_168 : i32 to vector<16xi32>
          %add3A_173 = arith.addi %mul3A_171, %add3A_172 : vector<16xi32>
          %gather3A = tpu.vector_load_idx %arg7[%add3A_173] : memref<4096xi32, #tpu.memory_space<vmem>>[vector<16xi32>], vector<16xi32>,
          %gather3A_174 = tpu.vector_load_idx %arg8[%add3A_173] : memref<4096xi32, #tpu.memory_space<vmem>>[vector<16xi32>], vector<16xi32>,
          %shift_right_logical3A_175 = arith.constant 24 : i32
          %shift_right_logical3A_176 = vector.broadcast %shift_right_logical3A_175 : i32 to vector<16xi32>
          %shift_right_logical3A_177 = arith.shrui %gather3A, %shift_right_logical3A_176 : vector<16xi32>
          %and3A_178 = arith.constant 255 : i32
          %and3A_179 = vector.broadcast %and3A_178 : i32 to vector<16xi32>
          %and3A_180 = arith.andi %shift_right_logical3A_177, %and3A_179 : vector<16xi32>
          %mul3A_181 = arith.constant 16 : i32
          %mul3A_182 = vector.broadcast %mul3A_181 : i32 to vector<16xi32>
          %mul3A_183 = arith.muli %and3A_180, %mul3A_182 : vector<16xi32>
          %add3A_184 = arith.addi %mul3A_183, %iota3A : vector<16xi32>
          %gather3A_185 = tpu.vector_load_idx %arg9[%add3A_184] : memref<4096xi32, #tpu.memory_space<vmem>>[vector<16xi32>], vector<16xi32>,
          tpu.vector_store_idx %arg5[%gather3A_185], %gather3A : memref<4096xi32, #tpu.memory_space<vmem>>[vector<16xi32>], vector<16xi32>,
          tpu.vector_store_idx %arg6[%gather3A_185], %gather3A_174 : memref<4096xi32, #tpu.memory_space<vmem>>[vector<16xi32>], vector<16xi32>,
          tpu.vector_store_idx %arg9[%add3A_184], %broadcast_in_dim3A_1 {add = true} : memref<4096xi32, #tpu.memory_space<vmem>>[vector<16xi32>], vector<16xi32>,
          %add3A_186 = arith.constant 64 : i32
          %add3A_187 = arith.addi %scan3A_165, %add3A_186 : i32
          %mul3A_188 = arith.constant 256 : i32
          %mul3A_189 = vector.broadcast %mul3A_188 : i32 to vector<16xi32>
          %mul3A_190 = arith.muli %iota3A, %mul3A_189 : vector<16xi32>
          %add3A_191 = vector.broadcast %add3A_187 : i32 to vector<16xi32>
          %add3A_192 = arith.addi %mul3A_190, %add3A_191 : vector<16xi32>
          %gather3A_193 = tpu.vector_load_idx %arg7[%add3A_192] : memref<4096xi32, #tpu.memory_space<vmem>>[vector<16xi32>], vector<16xi32>,
          %gather3A_194 = tpu.vector_load_idx %arg8[%add3A_192] : memref<4096xi32, #tpu.memory_space<vmem>>[vector<16xi32>], vector<16xi32>,
          %shift_right_logical3A_195 = arith.constant 24 : i32
          %shift_right_logical3A_196 = vector.broadcast %shift_right_logical3A_195 : i32 to vector<16xi32>
          %shift_right_logical3A_197 = arith.shrui %gather3A_193, %shift_right_logical3A_196 : vector<16xi32>
          %and3A_198 = arith.constant 255 : i32
          %and3A_199 = vector.broadcast %and3A_198 : i32 to vector<16xi32>
          %and3A_200 = arith.andi %shift_right_logical3A_197, %and3A_199 : vector<16xi32>
          %mul3A_201 = arith.constant 16 : i32
          %mul3A_202 = vector.broadcast %mul3A_201 : i32 to vector<16xi32>
          %mul3A_203 = arith.muli %and3A_200, %mul3A_202 : vector<16xi32>
          %add3A_204 = arith.addi %mul3A_203, %iota3A : vector<16xi32>
          %gather3A_205 = tpu.vector_load_idx %arg10[%add3A_204] : memref<4096xi32, #tpu.memory_space<vmem>>[vector<16xi32>], vector<16xi32>,
          tpu.vector_store_idx %arg5[%gather3A_205], %gather3A_193 : memref<4096xi32, #tpu.memory_space<vmem>>[vector<16xi32>], vector<16xi32>,
          tpu.vector_store_idx %arg6[%gather3A_205], %gather3A_194 : memref<4096xi32, #tpu.memory_space<vmem>>[vector<16xi32>], vector<16xi32>,
          tpu.vector_store_idx %arg10[%add3A_204], %broadcast_in_dim3A_1 {add = true} : memref<4096xi32, #tpu.memory_space<vmem>>[vector<16xi32>], vector<16xi32>,
          %add3A_206 = arith.constant 128 : i32
          %add3A_207 = arith.addi %scan3A_165, %add3A_206 : i32
          %mul3A_208 = arith.constant 256 : i32
          %mul3A_209 = vector.broadcast %mul3A_208 : i32 to vector<16xi32>
          %mul3A_210 = arith.muli %iota3A, %mul3A_209 : vector<16xi32>
          %add3A_211 = vector.broadcast %add3A_207 : i32 to vector<16xi32>
          %add3A_212 = arith.addi %mul3A_210, %add3A_211 : vector<16xi32>
          %gather3A_213 = tpu.vector_load_idx %arg7[%add3A_212] : memref<4096xi32, #tpu.memory_space<vmem>>[vector<16xi32>], vector<16xi32>,
          %gather3A_214 = tpu.vector_load_idx %arg8[%add3A_212] : memref<4096xi32, #tpu.memory_space<vmem>>[vector<16xi32>], vector<16xi32>,
          %shift_right_logical3A_215 = arith.constant 24 : i32
          %shift_right_logical3A_216 = vector.broadcast %shift_right_logical3A_215 : i32 to vector<16xi32>
          %shift_right_logical3A_217 = arith.shrui %gather3A_213, %shift_right_logical3A_216 : vector<16xi32>
          %and3A_218 = arith.constant 255 : i32
          %and3A_219 = vector.broadcast %and3A_218 : i32 to vector<16xi32>
          %and3A_220 = arith.andi %shift_right_logical3A_217, %and3A_219 : vector<16xi32>
          %mul3A_221 = arith.constant 16 : i32
          %mul3A_222 = vector.broadcast %mul3A_221 : i32 to vector<16xi32>
          %mul3A_223 = arith.muli %and3A_220, %mul3A_222 : vector<16xi32>
          %add3A_224 = arith.addi %mul3A_223, %iota3A : vector<16xi32>
          %gather3A_225 = tpu.vector_load_idx %arg11[%add3A_224] : memref<4096xi32, #tpu.memory_space<vmem>>[vector<16xi32>], vector<16xi32>,
          tpu.vector_store_idx %arg5[%gather3A_225], %gather3A_213 : memref<4096xi32, #tpu.memory_space<vmem>>[vector<16xi32>], vector<16xi32>,
          tpu.vector_store_idx %arg6[%gather3A_225], %gather3A_214 : memref<4096xi32, #tpu.memory_space<vmem>>[vector<16xi32>], vector<16xi32>,
          tpu.vector_store_idx %arg11[%add3A_224], %broadcast_in_dim3A_1 {add = true} : memref<4096xi32, #tpu.memory_space<vmem>>[vector<16xi32>], vector<16xi32>,
          %add3A_226 = arith.constant 192 : i32
          %add3A_227 = arith.addi %scan3A_165, %add3A_226 : i32
          %mul3A_228 = arith.constant 256 : i32
          %mul3A_229 = vector.broadcast %mul3A_228 : i32 to vector<16xi32>
          %mul3A_230 = arith.muli %iota3A, %mul3A_229 : vector<16xi32>
          %add3A_231 = vector.broadcast %add3A_227 : i32 to vector<16xi32>
          %add3A_232 = arith.addi %mul3A_230, %add3A_231 : vector<16xi32>
          %gather3A_233 = tpu.vector_load_idx %arg7[%add3A_232] : memref<4096xi32, #tpu.memory_space<vmem>>[vector<16xi32>], vector<16xi32>,
          %gather3A_234 = tpu.vector_load_idx %arg8[%add3A_232] : memref<4096xi32, #tpu.memory_space<vmem>>[vector<16xi32>], vector<16xi32>,
          %shift_right_logical3A_235 = arith.constant 24 : i32
          %shift_right_logical3A_236 = vector.broadcast %shift_right_logical3A_235 : i32 to vector<16xi32>
          %shift_right_logical3A_237 = arith.shrui %gather3A_233, %shift_right_logical3A_236 : vector<16xi32>
          %and3A_238 = arith.constant 255 : i32
          %and3A_239 = vector.broadcast %and3A_238 : i32 to vector<16xi32>
          %and3A_240 = arith.andi %shift_right_logical3A_237, %and3A_239 : vector<16xi32>
          %mul3A_241 = arith.constant 16 : i32
          %mul3A_242 = vector.broadcast %mul3A_241 : i32 to vector<16xi32>
          %mul3A_243 = arith.muli %and3A_240, %mul3A_242 : vector<16xi32>
          %add3A_244 = arith.addi %mul3A_243, %iota3A : vector<16xi32>
          %gather3A_245 = tpu.vector_load_idx %arg12[%add3A_244] : memref<4096xi32, #tpu.memory_space<vmem>>[vector<16xi32>], vector<16xi32>,
          tpu.vector_store_idx %arg5[%gather3A_245], %gather3A_233 : memref<4096xi32, #tpu.memory_space<vmem>>[vector<16xi32>], vector<16xi32>,
          tpu.vector_store_idx %arg6[%gather3A_245], %gather3A_234 : memref<4096xi32, #tpu.memory_space<vmem>>[vector<16xi32>], vector<16xi32>,
          tpu.vector_store_idx %arg12[%add3A_244], %broadcast_in_dim3A_1 {add = true} : memref<4096xi32, #tpu.memory_space<vmem>>[vector<16xi32>], vector<16xi32>,
          %scan3A_246 = arith.constant 0 : i32
          %scan3A_247 = arith.constant 1 : i32
          %scan3A_248 = arith.addi %scan3A_165, %scan3A_247 : i32
          %add3A_249 = arith.constant 0 : i32
          %add3A_250 = arith.addi %scan3A_248, %add3A_249 : i32
          %mul3A_251 = arith.constant 256 : i32
          %mul3A_252 = vector.broadcast %mul3A_251 : i32 to vector<16xi32>
          %mul3A_253 = arith.muli %iota3A, %mul3A_252 : vector<16xi32>
          %add3A_254 = vector.broadcast %add3A_250 : i32 to vector<16xi32>
          %add3A_255 = arith.addi %mul3A_253, %add3A_254 : vector<16xi32>
          %gather3A_256 = tpu.vector_load_idx %arg7[%add3A_255] : memref<4096xi32, #tpu.memory_space<vmem>>[vector<16xi32>], vector<16xi32>,
          %gather3A_257 = tpu.vector_load_idx %arg8[%add3A_255] : memref<4096xi32, #tpu.memory_space<vmem>>[vector<16xi32>], vector<16xi32>,
          %shift_right_logical3A_258 = arith.constant 24 : i32
          %shift_right_logical3A_259 = vector.broadcast %shift_right_logical3A_258 : i32 to vector<16xi32>
          %shift_right_logical3A_260 = arith.shrui %gather3A_256, %shift_right_logical3A_259 : vector<16xi32>
          %and3A_261 = arith.constant 255 : i32
          %and3A_262 = vector.broadcast %and3A_261 : i32 to vector<16xi32>
          %and3A_263 = arith.andi %shift_right_logical3A_260, %and3A_262 : vector<16xi32>
          %mul3A_264 = arith.constant 16 : i32
          %mul3A_265 = vector.broadcast %mul3A_264 : i32 to vector<16xi32>
          %mul3A_266 = arith.muli %and3A_263, %mul3A_265 : vector<16xi32>
          %add3A_267 = arith.addi %mul3A_266, %iota3A : vector<16xi32>
          %gather3A_268 = tpu.vector_load_idx %arg9[%add3A_267] : memref<4096xi32, #tpu.memory_space<vmem>>[vector<16xi32>], vector<16xi32>,
          tpu.vector_store_idx %arg5[%gather3A_268], %gather3A_256 : memref<4096xi32, #tpu.memory_space<vmem>>[vector<16xi32>], vector<16xi32>,
          tpu.vector_store_idx %arg6[%gather3A_268], %gather3A_257 : memref<4096xi32, #tpu.memory_space<vmem>>[vector<16xi32>], vector<16xi32>,
          tpu.vector_store_idx %arg9[%add3A_267], %broadcast_in_dim3A_1 {add = true} : memref<4096xi32, #tpu.memory_space<vmem>>[vector<16xi32>], vector<16xi32>,
          %add3A_269 = arith.constant 64 : i32
          %add3A_270 = arith.addi %scan3A_248, %add3A_269 : i32
          %mul3A_271 = arith.constant 256 : i32
          %mul3A_272 = vector.broadcast %mul3A_271 : i32 to vector<16xi32>
          %mul3A_273 = arith.muli %iota3A, %mul3A_272 : vector<16xi32>
          %add3A_274 = vector.broadcast %add3A_270 : i32 to vector<16xi32>
          %add3A_275 = arith.addi %mul3A_273, %add3A_274 : vector<16xi32>
          %gather3A_276 = tpu.vector_load_idx %arg7[%add3A_275] : memref<4096xi32, #tpu.memory_space<vmem>>[vector<16xi32>], vector<16xi32>,
          %gather3A_277 = tpu.vector_load_idx %arg8[%add3A_275] : memref<4096xi32, #tpu.memory_space<vmem>>[vector<16xi32>], vector<16xi32>,
          %shift_right_logical3A_278 = arith.constant 24 : i32
          %shift_right_logical3A_279 = vector.broadcast %shift_right_logical3A_278 : i32 to vector<16xi32>
          %shift_right_logical3A_280 = arith.shrui %gather3A_276, %shift_right_logical3A_279 : vector<16xi32>
          %and3A_281 = arith.constant 255 : i32
          %and3A_282 = vector.broadcast %and3A_281 : i32 to vector<16xi32>
          %and3A_283 = arith.andi %shift_right_logical3A_280, %and3A_282 : vector<16xi32>
          %mul3A_284 = arith.constant 16 : i32
          %mul3A_285 = vector.broadcast %mul3A_284 : i32 to vector<16xi32>
          %mul3A_286 = arith.muli %and3A_283, %mul3A_285 : vector<16xi32>
          %add3A_287 = arith.addi %mul3A_286, %iota3A : vector<16xi32>
          %gather3A_288 = tpu.vector_load_idx %arg10[%add3A_287] : memref<4096xi32, #tpu.memory_space<vmem>>[vector<16xi32>], vector<16xi32>,
          tpu.vector_store_idx %arg5[%gather3A_288], %gather3A_276 : memref<4096xi32, #tpu.memory_space<vmem>>[vector<16xi32>], vector<16xi32>,
          tpu.vector_store_idx %arg6[%gather3A_288], %gather3A_277 : memref<4096xi32, #tpu.memory_space<vmem>>[vector<16xi32>], vector<16xi32>,
          tpu.vector_store_idx %arg10[%add3A_287], %broadcast_in_dim3A_1 {add = true} : memref<4096xi32, #tpu.memory_space<vmem>>[vector<16xi32>], vector<16xi32>,
          %add3A_289 = arith.constant 128 : i32
          %add3A_290 = arith.addi %scan3A_248, %add3A_289 : i32
          %mul3A_291 = arith.constant 256 : i32
          %mul3A_292 = vector.broadcast %mul3A_291 : i32 to vector<16xi32>
          %mul3A_293 = arith.muli %iota3A, %mul3A_292 : vector<16xi32>
          %add3A_294 = vector.broadcast %add3A_290 : i32 to vector<16xi32>
          %add3A_295 = arith.addi %mul3A_293, %add3A_294 : vector<16xi32>
          %gather3A_296 = tpu.vector_load_idx %arg7[%add3A_295] : memref<4096xi32, #tpu.memory_space<vmem>>[vector<16xi32>], vector<16xi32>,
          %gather3A_297 = tpu.vector_load_idx %arg8[%add3A_295] : memref<4096xi32, #tpu.memory_space<vmem>>[vector<16xi32>], vector<16xi32>,
          %shift_right_logical3A_298 = arith.constant 24 : i32
          %shift_right_logical3A_299 = vector.broadcast %shift_right_logical3A_298 : i32 to vector<16xi32>
          %shift_right_logical3A_300 = arith.shrui %gather3A_296, %shift_right_logical3A_299 : vector<16xi32>
          %and3A_301 = arith.constant 255 : i32
          %and3A_302 = vector.broadcast %and3A_301 : i32 to vector<16xi32>
          %and3A_303 = arith.andi %shift_right_logical3A_300, %and3A_302 : vector<16xi32>
          %mul3A_304 = arith.constant 16 : i32
          %mul3A_305 = vector.broadcast %mul3A_304 : i32 to vector<16xi32>
          %mul3A_306 = arith.muli %and3A_303, %mul3A_305 : vector<16xi32>
          %add3A_307 = arith.addi %mul3A_306, %iota3A : vector<16xi32>
          %gather3A_308 = tpu.vector_load_idx %arg11[%add3A_307] : memref<4096xi32, #tpu.memory_space<vmem>>[vector<16xi32>], vector<16xi32>,
          tpu.vector_store_idx %arg5[%gather3A_308], %gather3A_296 : memref<4096xi32, #tpu.memory_space<vmem>>[vector<16xi32>], vector<16xi32>,
          tpu.vector_store_idx %arg6[%gather3A_308], %gather3A_297 : memref<4096xi32, #tpu.memory_space<vmem>>[vector<16xi32>], vector<16xi32>,
          tpu.vector_store_idx %arg11[%add3A_307], %broadcast_in_dim3A_1 {add = true} : memref<4096xi32, #tpu.memory_space<vmem>>[vector<16xi32>], vector<16xi32>,
          %add3A_309 = arith.constant 192 : i32
          %add3A_310 = arith.addi %scan3A_248, %add3A_309 : i32
          %mul3A_311 = arith.constant 256 : i32
          %mul3A_312 = vector.broadcast %mul3A_311 : i32 to vector<16xi32>
          %mul3A_313 = arith.muli %iota3A, %mul3A_312 : vector<16xi32>
          %add3A_314 = vector.broadcast %add3A_310 : i32 to vector<16xi32>
          %add3A_315 = arith.addi %mul3A_313, %add3A_314 : vector<16xi32>
          %gather3A_316 = tpu.vector_load_idx %arg7[%add3A_315] : memref<4096xi32, #tpu.memory_space<vmem>>[vector<16xi32>], vector<16xi32>,
          %gather3A_317 = tpu.vector_load_idx %arg8[%add3A_315] : memref<4096xi32, #tpu.memory_space<vmem>>[vector<16xi32>], vector<16xi32>,
          %shift_right_logical3A_318 = arith.constant 24 : i32
          %shift_right_logical3A_319 = vector.broadcast %shift_right_logical3A_318 : i32 to vector<16xi32>
          %shift_right_logical3A_320 = arith.shrui %gather3A_316, %shift_right_logical3A_319 : vector<16xi32>
          %and3A_321 = arith.constant 255 : i32
          %and3A_322 = vector.broadcast %and3A_321 : i32 to vector<16xi32>
          %and3A_323 = arith.andi %shift_right_logical3A_320, %and3A_322 : vector<16xi32>
          %mul3A_324 = arith.constant 16 : i32
          %mul3A_325 = vector.broadcast %mul3A_324 : i32 to vector<16xi32>
          %mul3A_326 = arith.muli %and3A_323, %mul3A_325 : vector<16xi32>
          %add3A_327 = arith.addi %mul3A_326, %iota3A : vector<16xi32>
          %gather3A_328 = tpu.vector_load_idx %arg12[%add3A_327] : memref<4096xi32, #tpu.memory_space<vmem>>[vector<16xi32>], vector<16xi32>,
          tpu.vector_store_idx %arg5[%gather3A_328], %gather3A_316 : memref<4096xi32, #tpu.memory_space<vmem>>[vector<16xi32>], vector<16xi32>,
          tpu.vector_store_idx %arg6[%gather3A_328], %gather3A_317 : memref<4096xi32, #tpu.memory_space<vmem>>[vector<16xi32>], vector<16xi32>,
          tpu.vector_store_idx %arg12[%add3A_327], %broadcast_in_dim3A_1 {add = true} : memref<4096xi32, #tpu.memory_space<vmem>>[vector<16xi32>], vector<16xi32>,
          %scan3A_329 = arith.constant 0 : i32
          scf.yield %scan3A_329 : i32
        }
        %scan3A_164 = arith.constant 64 : i32
      } else {
      }
      %and3A = arith.constant 1 : i32
      %and3A_110 = arith.andi %add3A_54, %and3A : i32
      %eq3A = arith.constant 1 : i32
      %eq3A_111 = arith.cmpi eq, %and3A_110, %eq3A : i32
      %convert_element_type3A_112 = arith.extui %eq3A_111 : i1 to i32
      %cond3A_113 = arith.constant 0 : i32
      %cond3A_114 = arith.cmpi ne, %convert_element_type3A_112, %cond3A_113 : i32
      scf.if %cond3A_114 {
        "tpu.region"() ({
          %run_scoped3A = tpu.sem_alloc : memref<!tpu.dma_semaphore, #tpu.memory_space<semaphore_mem>>
          %dma_start3A = arith.constant 0 : i32
          %dma_start3A_123 = tpu.memref_slice %arg3[%add3A_14, %dma_start3A] : memref<128x4096xi32, #tpu.memory_space<hbm>> -> memref<1x4096xi32, #tpu.memory_space<hbm>>
          %dma_start3A_124 = tpu.memref_squeeze %dma_start3A_123 : memref<1x4096xi32, #tpu.memory_space<hbm>> -> memref<4096xi32, #tpu.memory_space<hbm>>
          %dma_start3A_125 = arith.constant 0 : i32
          %dma_start3A_126 = tpu.memref_slice %arg3[%add3A_14, %dma_start3A_125] : memref<128x4096xi32, #tpu.memory_space<hbm>> -> memref<1x4096xi32, #tpu.memory_space<hbm>>
          %dma_start3A_127 = tpu.memref_squeeze %dma_start3A_126 : memref<1x4096xi32, #tpu.memory_space<hbm>> -> memref<4096xi32, #tpu.memory_space<hbm>>
          tpu.enqueue_dma source(%arg8 : memref<4096xi32, #tpu.memory_space<vmem>>) target(%dma_start3A_127 : memref<4096xi32, #tpu.memory_space<hbm>>) target_semaphore(%run_scoped3A : memref<!tpu.dma_semaphore, #tpu.memory_space<semaphore_mem>>)
          %dma_wait3A = arith.constant 0 : i32
          %dma_wait3A_128 = tpu.memref_slice %arg3[%add3A_14, %dma_wait3A] : memref<128x4096xi32, #tpu.memory_space<hbm>> -> memref<1x4096xi32, #tpu.memory_space<hbm>>
          %dma_wait3A_129 = tpu.memref_squeeze %dma_wait3A_128 : memref<1x4096xi32, #tpu.memory_space<hbm>> -> memref<4096xi32, #tpu.memory_space<hbm>>
          %dma_wait3A_130 = arith.constant 0 : i32
          %dma_wait3A_131 = tpu.memref_slice %arg3[%add3A_14, %dma_wait3A_130] : memref<128x4096xi32, #tpu.memory_space<hbm>> -> memref<1x4096xi32, #tpu.memory_space<hbm>>
          %dma_wait3A_132 = tpu.memref_squeeze %dma_wait3A_131 : memref<1x4096xi32, #tpu.memory_space<hbm>> -> memref<4096xi32, #tpu.memory_space<hbm>>
          tpu.wait_dma2 semaphore(%run_scoped3A : memref<!tpu.dma_semaphore, #tpu.memory_space<semaphore_mem>>) src(%arg8 : memref<4096xi32, #tpu.memory_space<vmem>>) dst(%dma_wait3A_132 : memref<4096xi32, #tpu.memory_space<hbm>>)
          tpu.yield
        }) : () -> ()
      } else {
      }
      %and3A_115 = arith.constant 1 : i32
      %and3A_116 = arith.andi %add3A_54, %and3A_115 : i32
      %eq3A_117 = arith.constant 0 : i32
      %eq3A_118 = arith.cmpi eq, %and3A_116, %eq3A_117 : i32
      %convert_element_type3A_119 = arith.extui %eq3A_118 : i1 to i32
      %cond3A_120 = arith.constant 0 : i32
      %cond3A_121 = arith.cmpi ne, %convert_element_type3A_119, %cond3A_120 : i32
      scf.if %cond3A_121 {
        "tpu.region"() ({
          %run_scoped3A = tpu.sem_alloc : memref<!tpu.dma_semaphore, #tpu.memory_space<semaphore_mem>>
          %dma_start3A = arith.constant 0 : i32
          %dma_start3A_123 = tpu.memref_slice %arg3[%add3A_14, %dma_start3A] : memref<128x4096xi32, #tpu.memory_space<hbm>> -> memref<1x4096xi32, #tpu.memory_space<hbm>>
          %dma_start3A_124 = tpu.memref_squeeze %dma_start3A_123 : memref<1x4096xi32, #tpu.memory_space<hbm>> -> memref<4096xi32, #tpu.memory_space<hbm>>
          %dma_start3A_125 = arith.constant 0 : i32
          %dma_start3A_126 = tpu.memref_slice %arg3[%add3A_14, %dma_start3A_125] : memref<128x4096xi32, #tpu.memory_space<hbm>> -> memref<1x4096xi32, #tpu.memory_space<hbm>>
          %dma_start3A_127 = tpu.memref_squeeze %dma_start3A_126 : memref<1x4096xi32, #tpu.memory_space<hbm>> -> memref<4096xi32, #tpu.memory_space<hbm>>
          tpu.enqueue_dma source(%arg6 : memref<4096xi32, #tpu.memory_space<vmem>>) target(%dma_start3A_127 : memref<4096xi32, #tpu.memory_space<hbm>>) target_semaphore(%run_scoped3A : memref<!tpu.dma_semaphore, #tpu.memory_space<semaphore_mem>>)
          %dma_wait3A = arith.constant 0 : i32
          %dma_wait3A_128 = tpu.memref_slice %arg3[%add3A_14, %dma_wait3A] : memref<128x4096xi32, #tpu.memory_space<hbm>> -> memref<1x4096xi32, #tpu.memory_space<hbm>>
          %dma_wait3A_129 = tpu.memref_squeeze %dma_wait3A_128 : memref<1x4096xi32, #tpu.memory_space<hbm>> -> memref<4096xi32, #tpu.memory_space<hbm>>
          %dma_wait3A_130 = arith.constant 0 : i32
          %dma_wait3A_131 = tpu.memref_slice %arg3[%add3A_14, %dma_wait3A_130] : memref<128x4096xi32, #tpu.memory_space<hbm>> -> memref<1x4096xi32, #tpu.memory_space<hbm>>
          %dma_wait3A_132 = tpu.memref_squeeze %dma_wait3A_131 : memref<1x4096xi32, #tpu.memory_space<hbm>> -> memref<4096xi32, #tpu.memory_space<hbm>>
          tpu.wait_dma2 semaphore(%run_scoped3A : memref<!tpu.dma_semaphore, #tpu.memory_space<semaphore_mem>>) src(%arg6 : memref<4096xi32, #tpu.memory_space<vmem>>) dst(%dma_wait3A_132 : memref<4096xi32, #tpu.memory_space<hbm>>)
          tpu.yield
        }) : () -> ()
      } else {
      }
      %scan3A_122 = arith.constant 0 : i32
      scf.yield %scan3A_122 : i32
    }
    %scan3A_9 = arith.constant 4 : i32
    return
  }
}

</mosaic_0001>

<sc_bundles>
// kernel: kernel.3.cloned.1.call-start
scs
__scs_entry_jumppad:
0x0: {  	(pc) =	sbr.rel $0x88, $3  }
0x1: {  	(tag) =	ssettag $0x0;
	lr =	simm.s32 $0x1  }
0x2: {  	[smem:$0x3F9D] =	sst lr;
	_ =	strace $0xD0000000  }
0x3: {  	_ = 	snop  }
0x4: {  	_ = 	snop  }
0x5: {  	_ = 	snop  }
0x6: {  	_ = 	snop  }
0x7: {  	_ = 	snop  }
__scs_overlays_trampoline_lowered:
0x8: {  	[smem:$0x3FAC] =	sst s0  }
0x9: {  	[smem:$0x3FAD] =	sst s1  }
0xa: {  	[smem:$0x3FAE] =	sst s2  }
0xb: {  	[smem:$0x3FAF] =	sst s3  }
0xc: {  	[smem:$0x3FB0] =	sst s4  }
0xd: {  	[smem:$0x3FB1] =	sst s5  }
0xe: {  	[smem:$0x3FB2] =	sst s6  }
0xf: {  	[smem:$0x3FB3] =	sst s7  }
0x10: {  	[smem:$0x3FB4] =	sst s8  }
0x11: {  	[smem:$0x3FB5] =	sst s9;
	s0 =	simm.s32 @!p0 $0x0  }
0x12: {  	s1 =	sld [smem:$0x3F9B];
	s0 =	simm.s32 @p0 $0x1  }
0x13: {  	[smem:$0x3FB6] =	sst s0;
	s0 =	simm.s32 @!p1 $0x0  }
0x14: {  	s2 =	sld [smem:$0x3F9A];
	s0 =	simm.s32 @p1 $0x1  }
0x15: {  	[smem:$0x3FB7] =	sst s0;
	s0 =	simm.s32 @!p2 $0x0  }
0x16: {  	s3 =	sld [smem:$0x3FDB];
	s0 =	simm.s32 @p2 $0x1  }
0x17: {  	s4 =	simm.s32 $0x1BF5;
	[smem:$0x3FB9] =	sst s0  }
0x18: {  	s0 =	sld [smem:$0x3F9C];
	_ =	swait.ge [sflag:s4], $0x0  }
0x19: {  	s7 =	sld [smem:$0x3F9D]  }
0x1a: {  	s8 =	sadd.s32 $0xFFFFE003, lr  }
0x1b: {  	s9 =	sadd.s32 $0xFFFFFEF7, lr;
	s5 =	simm.s32 $0xFFFFFFFF;
	p2 =	slt.u32 s8, $0xFFFFF086  }
0x1c: {  	p1 =	slt.u32 s9, $0xF7A;
	s5 =	simm.s32 @!p2 $0x0  }
0x1d: {  	s5 =	simm.s32 @p1 $0x1;
	p0 =	seq.s32 s7, s2  }
0x1e: {  	s7 =	smul.u32 @!p0 $0xF7A, s2;
	p2 =	seq.s32 @!p0 s5, $0x0  }
0x1f: {  	s9 =	smul.u32 $0xF7A, s1;
	s8 =	simm.s32 @!p0 $0x1BF5;
	p2 =	por !p2, p0  }
0x20: {  	[sflag:s8] =	ssyncset.s32 @!p0 $0xFFFFF086;
	s6 =	sadd.s32 @!p0 s3, s7;
	s7 =	simm.s32 @!p0 $0x108  }
0x21: {  	s3 =	sadd.s32 s3, s9;
	s6 =	sadd.s32 @!p0 $0x88, s6;
	s7 =	simm.s32 @p2 $0x1082  }
0x22: {  	[simem:s7], [sflag:s8] =	dma.local @!p0 [hbm:s6], $0xF7A  }
0x23: {  	s9 =	sor.u32 $0xD0000000, s2;
	s6 =	simm.s32 $0x108;
	_ =	swait.ge @!p0 [sflag:s8], $0x0  }
0x24: {  	s3 =	sadd.s32 $0x88, s3;
	s6 =	simm.s32 @!p1 $0x1082;
	[sflag:s4] =	ssyncset.s32 $0xFFFFF086  }
0x25: {  	[simem:s6], [sflag:s4] =	dma.local [hbm:s3], $0xF7A  }
0x26: {  	[smem:$0x3F9D] =	sst s1;
	(tag) =	ssettag s2;
	_ =	strace s9  }
0x27: {  	s1 =	sld [smem:$0x3FAD]  }
0x28: {  	s2 =	sld [smem:$0x3FAE]  }
0x29: {  	s4 =	sld [smem:$0x3FB0]  }
0x2a: {  	p0 =	seq.s32 s5, $0x0;
	s5 =	sld [smem:$0x3FB1]  }
0x2b: {  	s6 =	sld [smem:$0x3FB2]  }
0x2c: {  	s7 =	sld [smem:$0x3FB3]  }
0x2d: {  	s3 =	simm.s32 $0x108;
	s8 =	sld [smem:$0x3FB4]  }
0x2e: {  	s3 =	simm.s32 @!p0 $0x1082;
	s9 =	sld [smem:$0x3FB5]  }
0x2f: {  	lr =	sadd.s32 s0, s3;
	s0 =	sld [smem:$0x3FAC]  }
0x30: {  	s3 =	sld [smem:$0x3FAF]  }
0x31: {  	[smem:$0x3FB8] =	sst s10  }
0x32: {  	s10 =	sld [smem:$0x3FB6];
	_ =	sdelay $0x3  }
0x33: {  	p0 =	seq.s32 s10, $0x1;
	s10 =	sld [smem:$0x3FB8];
	_ =	sdelay $0x3  }
0x34: {  	[smem:$0x3FB8] =	sst s10  }
0x35: {  	s10 =	sld [smem:$0x3FB7];
	_ =	sdelay $0x3  }
0x36: {  	p1 =	seq.s32 s10, $0x1;
	s10 =	sld [smem:$0x3FB8];
	_ =	sdelay $0x3  }
0x37: {  	[smem:$0x3FB8] =	sst s10  }
0x38: {  	s10 =	sld [smem:$0x3FB9]  }
0x39: {  	_ = 	snop;
	(pc) =	sbr.ind lr, $3  }
0x3a: {  	_ = 	snop  }
0x3b: {  	_ = 	snop  }
0x3c: {  	p2 =	seq.s32 s10, $0x1;
	s10 =	sld [smem:$0x3FB8]  }
0x3d: {  	_ =	shalt  }
0x3e: {  	_ =	shalt  }
0x3f: {  	_ =	shalt  }
0x40: {  	_ =	shalt  }
0x41: {  	_ =	shalt  }
0x42: {  	_ =	shalt  }
0x43: {  	_ =	shalt  }
0x44: {  	_ =	shalt  }
0x45: {  	_ =	shalt  }
0x46: {  	_ =	shalt  }
0x47: {  	_ =	shalt  }
0x48: {  	_ =	shalt  }
0x49: {  	_ =	shalt  }
0x4a: {  	_ =	shalt  }
0x4b: {  	_ =	shalt  }
0x4c: {  	_ =	shalt  }
0x4d: {  	_ =	shalt  }
0x4e: {  	_ =	shalt  }
0x4f: {  	_ =	shalt  }
0x50: {  	_ =	shalt  }
0x51: {  	_ =	shalt  }
0x52: {  	_ =	shalt  }
0x53: {  	_ =	shalt  }
0x54: {  	_ =	shalt  }
0x55: {  	_ =	shalt  }
0x56: {  	_ =	shalt  }
0x57: {  	_ =	shalt  }
0x58: {  	_ =	shalt  }
0x59: {  	_ =	shalt  }
0x5a: {  	_ =	shalt  }
0x5b: {  	_ =	shalt  }
0x5c: {  	_ =	shalt  }
0x5d: {  	_ =	shalt  }
0x5e: {  	_ =	shalt  }
0x5f: {  	_ =	shalt  }
0x60: {  	_ =	shalt  }
0x61: {  	_ =	shalt  }
0x62: {  	_ =	shalt  }
0x63: {  	_ =	shalt  }
0x64: {  	_ =	shalt  }
0x65: {  	_ =	shalt  }
0x66: {  	_ =	shalt  }
0x67: {  	_ =	shalt  }
0x68: {  	_ =	shalt  }
0x69: {  	_ =	shalt  }
0x6a: {  	_ =	shalt  }
0x6b: {  	_ =	shalt  }
0x6c: {  	_ =	shalt  }
0x6d: {  	_ =	shalt  }
0x6e: {  	_ =	shalt  }
0x6f: {  	_ =	shalt  }
0x70: {  	_ =	shalt  }
0x71: {  	_ =	shalt  }
0x72: {  	_ =	shalt  }
0x73: {  	_ =	shalt  }
0x74: {  	_ =	shalt  }
0x75: {  	_ =	shalt  }
0x76: {  	_ =	shalt  }
0x77: {  	_ =	shalt  }
0x78: {  	_ =	shalt  }
0x79: {  	_ =	shalt  }
0x7a: {  	_ =	shalt  }
0x7b: {  	_ =	shalt  }
0x7c: {  	_ =	shalt  }
0x7d: {  	_ =	shalt  }
0x7e: {  	_ =	shalt  }
0x7f: {  	_ =	shalt  }
0x80: {  	_ =	shalt  }
0x81: {  	_ =	shalt  }
0x82: {  	_ =	shalt  }
0x83: {  	_ =	shalt  }
0x84: {  	_ =	shalt  }
0x85: {  	_ =	shalt  }
0x86: {  	_ =	shalt  }
0x87: {  	_ =	shalt  }
.Lfunc_end0:
.L_simem_size_0:
called_computation_lowered:
.L_overlay_start_0:
0x88: {  	s2 =	sld [smem:$0x3FD9]  }
0x89: {  	s3 =	sld [smem:$0x3FFE];
	_ =	sdelay $0x1  }
0x8a: {  	s1 =	srdreg.scid  }
0x8b: {  	s0 =	sand.u32 $0x1, s1  }
0x8c: {  	s14 =	sshll.u32 s0, $0xA;
	s2 =	sadd.s32 s3, s2  }
0x8d: {  	s2 =	sadd.s32 s2, s14  }
0x8e: {  	[smem:$0x3FC4] =	sst s2  }
0x8f: {  	_ = 	snop  }
0x90: {  	s2 =	sld [smem:$0x3FD0];
	_ =	sdelay $0x2  }
0x91: {  	s15 =	simm.s32 $0xA;
	s4 =	simm.s32 $0x10  }
0x92: {  	[smem:s4], [sflag:s15] =	dma.local [hbm:s2], $0x1  }
0x93: {  	_ =	swait.eq [sflag:s15], $0x1  }
0x94: {  	[sflag:s15] =	ssyncset.done $0x0  }
0x95: {  	[sflag:s15] =	ssyncadd.s32 $0xFFFFFFFF  }
0x96: {  	s16 =	sld [smem:$0x11];
	(tm) =	ssettm $0x1  }
0x97: {  	s17 =	sld [smem:$0x3FFB];
	_ =	sdelay $0x3  }
0x98: {  	_ =	strace s17  }
0x99: {  	s3 =	sld [smem:$0x3FFC];
	_ =	sdelay $0x3  }
0x9a: {  	_ =	strace s3  }
0x9b: {  	s3 =	sld [smem:$0x3FFD];
	_ =	sdelay $0x3  }
0x9c: {  	_ =	strace s3  }
0x9d: {  	_ =	strace $0x8FFFFFFF  }
0x9e: {  	s18 =	sld [smem:$0x3FDB];
	_ =	sdelay $0x1  }
0x9f: {  	s19 =	simm.s32 $_scs_section_size  }
0xa0: {  	s5 =	simm.s32 $_size__tile_overlayer_lowered;
	s6 =	simm.s32 $_tile_overlayer_lowered  }
0xa1: {  	s22 =	simm.s32 $0x1BFF;
	s21 =	sshll.u32 s6, $0x1;
	s3 =	sadd.s32 s19, s18  }
0xa2: {  	s7 =	simm.s32 $0x0;
	s20 =	sshll.u32 s5, $0x1;
	s5 =	sadd.s32 s21, s3  }
0xa3: {  	[timem:s7], [sflag:s22] =	dma.local [hbm:s5], s20  }
0xa4: {  	_ =	swait.ge [sflag:s22], s20  }
0xa5: {  	s4 =	ssub.s32 $0x0, s20;
	[sflag:s22] =	ssyncset.done $0x0  }
0xa6: {  	[sflag:s22] =	ssyncadd.s32 s4;
	_ =	sdelay $0x1  }
0xa7: {  	s23 =	simm.s32 $0x1B8B  }
0xa8: {  	_ =	swait.ge [sflag:s23], $0x1  }
0xa9: {  	[sflag:s23] =	ssyncset.done $0x0  }
0xaa: {  	s25 =	simm.s32 $0x1B8E;
	s24 =	sld [smem:$0x3FFE];
	[sflag:s23] =	ssyncadd.s32 $0xFFFFFFFF  }
0xab: {  	s26 =	simm.s32 $execute0_lowered;
	[smem:$0x3FD2] =	sst s25  }
0xac: {  	s5 =	sshll.u32 s26, $0x1;
	_ =	strace $0x80000046;
	[dreg:$0x1] =	wrdreg $0xFFFFFFFF  }
0xad: {  	s28 =	simm.s32 $_size_execute0_lowered;
	s3 =	sadd.s32 s3, s5;
	[dreg:$0x0] =	wrdreg $0x0  }
0xae: {  	s5 =	sshll.u32 s28, $0x1;
	[dreg:$0x2] =	wrdreg s3  }
0xaf: {  	[dreg:$0x3] =	wrdreg s5  }
0xb0: {  	[dreg:$0x4] =	wrdreg $0xC0  }
0xb1: {  	_ =	task [dreg:s7], $0x5FFFF  }
0xb2: {  	[dreg:$0x1] =	wrdreg $0xFFFFFFFF  }
0xb3: {  	[dreg:$0x0] =	wrdreg $0x60  }
0xb4: {  	[dreg:$0x2] =	wrdreg s24  }
0xb5: {  	[dreg:$0x3] =	wrdreg s16  }
0xb6: {  	[dreg:$0x4] =	wrdreg $0x9  }
0xb7: {  	_ =	task.clear_ibuf [dreg:s7], $0x5FFFF;
	_ =	strace $0x90000046  }
0xb8: {  	s29 =	simm.s32 $0x9;
	_ =	strace $0x80000048  }
0xb9: {  	_ =	swait.ge [sflag:s29], $0x1  }
0xba: {  	[sflag:s29] =	ssyncadd.s32 $0xFFFFFFFF  }
0xbb: {  	_ =	strace $0x90000048  }
0xbc: {  	_ =	sfence  }
0xbd: {  	s30 =	sld [smem:$0x0];
	_ =	sdelay $0x2  }
0xbe: {  	s31 =	sshll.u32 s1, $0xD;
	s1 =	sshrl.u32 s1, $0x2  }
0xbf: {  	s3 =	sand.u32 $0x4000, s31;
	s1 =	sadd.s32 s1, s30  }
0xc0: {  	s0 =	sor.u32 s3, s0;
	s1 =	sshll.u32 s1, $0x11  }
0xc1: {  	s0 =	sor.u32 s1, s0  }
0xc2: {  	s0 =	sadd.s32 $0x8F2B, s0  }
0xc3: {  	[sflag:s0] =	ssyncadd.remote.s32 $0x1  }
0xc4: {  	_ =	sfence.sel $0xFFFF  }
0xc5: {  	[dreg:$0x0] =	wrdreg $0xFFFFFFFF;
	(pc) =	sbr.abs _section_cstart, $3  }
0xc6: {  	[dreg:$0x1] =	wrdreg $0xFFFFFFFF  }
0xc7: {  	_ =	task.clear_ibuf [dreg:s7], $0x2FFFF;
	_ =	strace $0x9FFFFFFF  }
0xc8: {  	(tm) =	ssettm $0x7FFFFFFF  }
0xc9: {  	_ =	shalt  }
tec
execute0_lowered:
.L_overlay_start_1:
0x0: {  	(tag) =	ssettag $0x1  }
0x1: {  	s2 =	rddreg [dreg:$0x1];
	s0 =	srdreg.scid;
	s4 =	simm.s32 $0x0  }
0x2: {  	s1 =	stileid.u32;
	s7 =	simm.s32 $0x80;
	s8 =	simm.s32 $0x400  }
0x3: {  	s9 =	simm.s32 $0x2;
	s10 =	simm.s32 $0x5000;
	s11 =	simm.s32 $0x6000  }
0x4: {  	s12 =	simm.s32 $0x7000;
	s13 =	simm.s32 $0x8000;
	s14 =	simm.s32 $0x9000  }
0x5: {  	s15 =	simm.s32 $0x3000;
	s16 =	simm.s32 $0x4000;
	s0 =	sand.u32 $0x1, s0  }
.Ltmp0:
0x6: {  	s17 =	simm.s32 $0x1;
	s3 =	ssub.s32 $0x2, s0;
	(pc) =	sbr.rel .LBB2_1-.Ltmp0, $4  }
0x7: {  	v0 =	vlaneseq.u32;
	s18 =	simm.s32 $0x1000;
	s19 =	simm.s32 $0x2000;
	s5 =	sshrl.u32 s3, $0x1  }
0x8: {  	[smem:$0x7FF] =	sst s4;
	s6 =	sshll.u32 s1, $0xC;
	v1 =	vmul.u32 $0x100, v0;
	s3 =	ssub.s32 s3, s5  }
0x9: {  	v2 =	vimm.s32 $0x80000000;
	s1 =	simm.s32 $0x0;
	s0 =	sshll.u32 s0, $0x6;
	s31 =	smax.u32 s3, $0x1  }
0xa: {  	v3 =	vimm.s32 $0x0;
	v4 =	vimm.s32 $0x1;
	_ =	strace $0x80000047;
	v5 =	vor.u32 $0x80, v1;
	s5 =	sor.u32 s6, s0;
	[dreg:$0x3] =	wrdreg s31  }
.LBB2_57:
0xb: {  	s1 =	rddreg [dreg:$0x4]  }
0xc: {  	s0 =	rddreg [dreg:$0x3];
	s1 =	sadd.s32 $0x1, s1  }
0xd: {  	p0 =	sne.s32 s1, s0  }
.Ltmp1:
0xe: {  	_ = 	snop;
	(pc) =	sbr.rel @!p0 .LBB2_58-.Ltmp1, $1  }
0xf: {  	_ =	sdelay $0x3  }
.LBB2_1:
.Ltmp2:
0x10: {  	(pc) =	sbr.rel .LBB2_2-.Ltmp2, $2  }
0x11: {  	_ =	sdelay $0x2  }
0x12: {  	[dreg:$0x4] =	wrdreg s1;
	s21 =	simm.s32 $0x0  }
.LBB2_59:
0x13: {  	s0 =	sadd.s32 s2, s22  }
0x14: {  	[hbm4b:s0+s7] =	stream.strided.scatter [tilespmem:s16], [sflag:$0x2], $0x1000, s8, s7, $0x38;
	[tilespmem:$0x9100] =	vst v63  }
0x15: {  	_ =	swait.ge [sflag:s9], $0x1000  }
0x16: {  	[sflag:s9] =	ssyncset.done $0x0  }
0x17: {  	[sflag:s9] =	ssyncadd.s32 $0xFFFFF000  }
.LBB2_56:
0x18: {  	s21 =	sadd.s32 $0x1, s21  }
0x19: {  	p0 =	sne.s32 s21, $0x4  }
.Ltmp3:
0x1a: {  	_ = 	snop;
	(pc) =	sbr.rel @!p0 .LBB2_57-.Ltmp3, $1  }
0x1b: {  	_ =	sdelay $0x3  }
.LBB2_2:
0x1c: {  	s0 =	sshll.u32 s21, $0x4  }
0x1d: {  	s30 =	rddreg [dreg:$0x0];
	s22 =	sadd.s32 s5, s0  }
0x1e: {  	s0 =	sadd.s32 s30, s22  }
0x1f: {  	[tilespmem:s4], [sflag:$0x2] =	stream.strided.gather [hbm4b:s0+s7], $0x1000, s8, s7, $0x38;
	[tilespmem:$0x9100] =	vst v63  }
0x20: {  	_ =	swait.ge [sflag:s9], $0x1000  }
0x21: {  	[sflag:s9] =	ssyncset.done $0x0  }
0x22: {  	s31 =	simm.s32 $0x40;
	[sflag:s9] =	ssyncadd.s32 $0xFFFFF000  }
0x23: {  	v6 =	vld [tilespmem:s31+$0x30]  }
0x24: {  	v7 =	vld [tilespmem:s31+$0x20]  }
0x25: {  	v9 =	vld [tilespmem:s31+$0x10]  }
0x26: {  	v8 =	vld [tilespmem:s31+$0x0]  }
0x27: {  	v12 =	vld [tilespmem:s31+$0xFFFFFFF0]  }
0x28: {  	v10 =	vld [tilespmem:s31+$0xFFFFFFC0]  }
0x29: {  	v13 =	vld [tilespmem:s31+$0xFFFFFFD0]  }
0x2a: {  	v11 =	vld [tilespmem:s31+$0xFFFFFFE0];
	_ =	sdelay $0x1  }
0x2b: {  	v14 =	vimm.s32 $0x7FFFFFFF;
	v15 =	vimm.s32 $0x80000000;
	vm0 =	vgt.s32 v6, $0xFFFFFFFF  }
0x2c: {  	vm3 =	vgt.s32 v10, $0xFFFFFFFF;
	vm2 =	vgt.s32 v9, $0xFFFFFFFF;
	vm1 =	vgt.s32 v7, $0xFFFFFFFF  }
0x2d: {  	vm4 =	vgt.s32 v12, $0xFFFFFFFF;
	vm5 =	vgt.s32 v13, $0xFFFFFFFF;
	v16 =	vsel vm3, $0xFFFFFFFF, v2  }
0x2e: {  	vm6 =	vgt.s32 v11, $0xFFFFFFFF;
	vm3 =	vgt.s32 v8, $0xFFFFFFFF;
	v10 =	vxor.u32 v10, v16  }
0x2f: {  	v63 =	vsel vm5, $0xFFFFFFFF, v2;
	vm7 =	vlt.s32 v14, v10;
	vm8 =	vgt.s32 v15, v10  }
0x30: {  	v13 =	vxor.u32 v13, v63;
	v14 =	vsel vm7, v14, v10;
	v10 =	vsel vm8, v15, v10  }
0x31: {  	v15 =	vsel vm6, $0xFFFFFFFF, v2;
	vm5 =	vlt.s32 v14, v13;
	vm14 =	vgt.s32 v10, v13  }
0x32: {  	v11 =	vxor.u32 v11, v15;
	v14 =	vsel vm5, v14, v13;
	v13 =	vsel vm14, v10, v13  }
0x33: {  	v15 =	vsel vm4, $0xFFFFFFFF, v2;
	vm5 =	vlt.s32 v14, v11;
	vm15 =	vgt.s32 v13, v11  }
0x34: {  	s6 =	simm.s32 $0x0;
	s20 =	simm.s32 $0xC0;
	v12 =	vxor.u32 v12, v15;
	v10 =	vsel vm5, v14, v11;
	v11 =	vsel vm15, v13, v11  }
.LBB2_3:
0x35: {  	v13 =	vld [tilespmem:s20+$0x30];
	vm4 =	vlt.s32 v10, v12;
	vm5 =	vgt.s32 v11, v12;
	v14 =	vsel vm3, $0xFFFFFFFF, v2  }
0x36: {  	v15 =	vld [tilespmem:s20+$0x20];
	v10 =	vsel vm4, v10, v12;
	v11 =	vsel vm5, v11, v12;
	v12 =	vxor.u32 v8, v14  }
0x37: {  	v16 =	vsel vm2, $0xFFFFFFFF, v2;
	v14 =	vld [tilespmem:s20+$0x10];
	vm3 =	vlt.s32 v10, v12;
	vm4 =	vgt.s32 v11, v12  }
0x38: {  	v9 =	vxor.u32 v9, v16;
	v8 =	vld [tilespmem:s20+$0x0];
	v10 =	vsel vm3, v10, v12;
	v11 =	vsel vm4, v11, v12  }
0x39: {  	v16 =	vsel vm1, $0xFFFFFFFF, v2;
	v12 =	vld [tilespmem:s20+$0xFFFFFFF0];
	vm2 =	vlt.s32 v10, v9;
	vm3 =	vgt.s32 v11, v9  }
0x3a: {  	s6 =	sadd.s32 $0x8, s6;
	v17 =	vld [tilespmem:s20+$0xFFFFFFC0];
	v10 =	vsel vm2, v10, v9;
	v9 =	vsel vm3, v11, v9;
	v11 =	vxor.u32 v7, v16  }
0x3b: {  	v18 =	vsel vm0, $0xFFFFFFFF, v2;
	p0 =	slt.u32 s6, $0xF8;
	v16 =	vld [tilespmem:s20+$0xFFFFFFE0];
	vm1 =	vlt.s32 v10, v11;
	vm2 =	vgt.s32 v9, v11;
	v7 =	vmovc v15  }
0x3c: {  	v18 =	vxor.u32 v6, v18;
	v6 =	vmovc v13;
	v15 =	vld [tilespmem:s20+$0xFFFFFFD0];
	v10 =	vsel vm1, v10, v11;
	v11 =	vsel vm2, v9, v11  }
0x3d: {  	s23 =	simm.s32 $0x6020;
	s24 =	simm.s32 $0x5020;
	vm1 =	vlt.s32 v10, v18;
	vm2 =	vgt.s32 v11, v18;
	v9 =	vmov v14  }
0x3e: {  	s0 =	simm.s32 $0x8020;
	s3 =	simm.s32 $0x7020;
	vm0 =	vgt.s32 v6, $0xFFFFFFFF;
	v10 =	vsel vm1, v10, v18;
	v11 =	vsel vm2, v11, v18  }
0x3f: {  	vm2 =	vgt.s32 v9, $0xFFFFFFFF;
	vm1 =	vgt.s32 v7, $0xFFFFFFFF;
	vm3 =	vgt.s32 v17, $0xFFFFFFFF  }
0x40: {  	vm4 =	vgt.s32 v12, $0xFFFFFFFF;
	v13 =	vsel vm3, $0xFFFFFFFF, v2;
	vm3 =	vgt.s32 v8, $0xFFFFFFFF  }
0x41: {  	vm6 =	vgt.s32 v16, $0xFFFFFFFF;
	v13 =	vxor.u32 v17, v13;
	vm5 =	vgt.s32 v15, $0xFFFFFFFF  }
0x42: {  	vm7 =	vlt.s32 v10, v13;
	vm8 =	vgt.s32 v11, v13;
	v14 =	vsel vm5, $0xFFFFFFFF, v2  }
.Ltmp4:
0x43: {  	v10 =	vsel vm7, v10, v13;
	v11 =	vsel vm8, v11, v13;
	v13 =	vxor.u32 v15, v14;
	(pc) =	sbr.rel @p0 .LBB2_3-.Ltmp4, $4  }
0x44: {  	v14 =	vsel vm6, $0xFFFFFFFF, v2;
	vm5 =	vlt.s32 v10, v13;
	vm7 =	vgt.s32 v11, v13  }
0x45: {  	v10 =	vsel vm5, v10, v13;
	v11 =	vsel vm7, v11, v13;
	v13 =	vxor.u32 v16, v14  }
0x46: {  	v14 =	vsel vm4, $0xFFFFFFFF, v2;
	vm5 =	vlt.s32 v10, v13;
	vm6 =	vgt.s32 v11, v13  }
0x47: {  	s20 =	sadd.s32 $0x80, s20;
	v12 =	vxor.u32 v12, v14;
	v10 =	vsel vm5, v10, v13;
	v11 =	vsel vm6, v11, v13  }
0x48: {  	[tilespmem:s24+$0xFFFFFFE0] =	vst v3  }
0x49: {  	[tilespmem:s23+$0xFFFFFFE0] =	vst v3  }
0x4a: {  	[tilespmem:s3+$0xFFFFFFE0] =	vst v3  }
0x4b: {  	[tilespmem:s0+$0xFFFFFFE0] =	vst v3  }
0x4c: {  	[tilespmem:s24+$0xFFFFFFF0] =	vst v3  }
0x4d: {  	vm4 =	vlt.s32 v10, v12;
	vm5 =	vgt.s32 v11, v12;
	v13 =	vsel vm3, $0xFFFFFFFF, v2;
	[tilespmem:s23+$0xFFFFFFF0] =	vst v3  }
0x4e: {  	v10 =	vsel vm4, v10, v12;
	v11 =	vsel vm5, v11, v12;
	v8 =	vxor.u32 v8, v13;
	[tilespmem:s3+$0xFFFFFFF0] =	vst v3  }
0x4f: {  	v61 =	vsel vm2, $0xFFFFFFFF, v2;
	vm8 =	vlt.s32 v10, v8;
	vm9 =	vgt.s32 v11, v8;
	[tilespmem:s0+$0xFFFFFFF0] =	vst v3  }
0x50: {  	v9 =	vxor.u32 v9, v61;
	v10 =	vsel vm8, v10, v8;
	v8 =	vsel vm9, v11, v8;
	[tilespmem:s24+$0x0] =	vst v3  }
0x51: {  	v62 =	vsel vm1, $0xFFFFFFFF, v2;
	vm10 =	vlt.s32 v10, v9;
	vm11 =	vgt.s32 v8, v9;
	[tilespmem:s23+$0x0] =	vst v3  }
0x52: {  	v7 =	vxor.u32 v7, v62;
	v10 =	vsel vm10, v10, v9;
	v8 =	vsel vm11, v8, v9;
	[tilespmem:s3+$0x0] =	vst v3  }
0x53: {  	v63 =	vsel vm0, $0xFFFFFFFF, v2;
	vm12 =	vlt.s32 v10, v7;
	vm13 =	vgt.s32 v8, v7;
	[tilespmem:s0+$0x0] =	vst v3  }
0x54: {  	v6 =	vxor.u32 v6, v63;
	v10 =	vsel vm12, v10, v7;
	v8 =	vsel vm13, v8, v7;
	[tilespmem:s24+$0x10] =	vst v3  }
0x55: {  	vm14 =	vlt.s32 v10, v6;
	vm15 =	vgt.s32 v8, v6;
	[tilespmem:s23+$0x10] =	vst v3  }
0x56: {  	s6 =	simm.s32 $0x0;
	s20 =	simm.s32 $0x6060;
	v7 =	vsel vm14, v10, v6;
	v6 =	vsel vm15, v8, v6;
	s23 =	simm.s32 $0x5060;
	[tilespmem:s3+$0x10] =	vst v3  }
.LBB2_5:
0x57: {  	s6 =	sadd.s32 $0x4, s6;
	[tilespmem:s0+$0x10] =	vst v3;
	s0 =	sadd.s32 $0x40, s0;
	s3 =	sadd.s32 $0x40, s3  }
0x58: {  	[tilespmem:s23+$0xFFFFFFE0] =	vst v3;
	p0 =	slt.u32 s6, $0xFC  }
0x59: {  	[tilespmem:s20+$0xFFFFFFE0] =	vst v3  }
0x5a: {  	[tilespmem:s3+$0xFFFFFFE0] =	vst v3  }
0x5b: {  	[tilespmem:s0+$0xFFFFFFE0] =	vst v3  }
0x5c: {  	[tilespmem:s23+$0xFFFFFFF0] =	vst v3  }
0x5d: {  	[tilespmem:s20+$0xFFFFFFF0] =	vst v3  }
0x5e: {  	[tilespmem:s3+$0xFFFFFFF0] =	vst v3  }
0x5f: {  	[tilespmem:s0+$0xFFFFFFF0] =	vst v3  }
0x60: {  	[tilespmem:s23+$0x0] =	vst v3  }
0x61: {  	[tilespmem:s20+$0x0] =	vst v3  }
.Ltmp5:
0x62: {  	[tilespmem:s3+$0x0] =	vst v3;
	(pc) =	sbr.rel @p0 .LBB2_5-.Ltmp5, $4  }
0x63: {  	[tilespmem:s0+$0x0] =	vst v3  }
0x64: {  	[tilespmem:s23+$0x10] =	vst v3  }
0x65: {  	[tilespmem:s20+$0x10] =	vst v3  }
0x66: {  	s23 =	sadd.s32 $0x40, s23;
	s20 =	sadd.s32 $0x40, s20;
	[tilespmem:s3+$0x10] =	vst v3  }
0x67: {  	v7 =	vxor.u32 $0x80000000, v7  }
0x68: {  	(xrf0) =	vmin.scan.msk.u32 $0xffff, v7;
	_ =	sdelay $0x5  }
0x69: {  	v7, _, _ =	vpop (xrf0)  }
0x6a: {  	(v2sf) =	vpush v7, $0xF;
	_ =	sdelay $0xe  }
0x6b: {  	s31 =	spop (v2sf)  }
0x6c: {  	s23 =	sxor.u32 $0x80000000, s31  }
0x6d: {  	[tilespmem:s0+$0x10] =	vst v3;
	s24 =	simm.s32 $0x0;
	s0 =	simm.s32 $0x0;
	v7 =	vmov s23  }
.LBB2_7:
0x6e: {  	v8 =	vmov s0  }
0x6f: {  	v8 =	vand.u32 $0x7E, v8  }
0x70: {  	v8 =	vbroadcast v8, $0x0;
	_ =	sdelay $0x1  }
0x71: {  	v9 =	vor.u32 v1, v8;
	_ =	sdelay $0x4  }
0x72: {  	v9 =	vld.idx.msk [tilespmem:v9+s24+$0x0], $0xffff;
	_ =	sdelay $0x4  }
0x73: {  	vm0 =	vgt.s32 v9, $0xFFFFFFFF  }
0x74: {  	v10 =	vsel vm0, $0xFFFFFFFF, v3  }
0x75: {  	s3 =	sadd.s32 $0x40, s0;
	v9 =	vxor.u32 v9, v10  }
0x76: {  	v51 =	vmov s3;
	v9 =	vsub.s32 v9, v7  }
0x77: {  	v10 =	vand.u32 $0x7E, v51;
	v9 =	vshll.u32 v9, $0x4  }
0x78: {  	v10 =	vbroadcast v10, $0x0;
	v9 =	vor.u32 v0, v9  }
0x79: {  	v9 =	vand.u32 $0xFFF, v9  }
0x7a: {  	v10 =	vor.u32 v1, v10;
	_ =	sdelay $0x3  }
0x7b: {  	[tilespmem:v9+s10+$0x0] =	vst.idx.add.s32.msk $0xffff, v4  }
0x7c: {  	v9 =	vld.idx.msk [tilespmem:v10+s24+$0x0], $0xffff;
	_ =	sdelay $0x4  }
0x7d: {  	vm9 =	vgt.s32 v9, $0xFFFFFFFF  }
0x7e: {  	v52 =	vsel vm9, $0xFFFFFFFF, v3  }
0x7f: {  	v9 =	vxor.u32 v9, v52  }
0x80: {  	v9 =	vsub.s32 v9, v7  }
0x81: {  	v9 =	vshll.u32 v9, $0x4  }
0x82: {  	v9 =	vor.u32 v0, v9  }
0x83: {  	v9 =	vand.u32 $0xFFF, v9  }
0x84: {  	v8 =	vor.u32 v5, v8;
	_ =	sdelay $0x3  }
0x85: {  	[tilespmem:v9+s11+$0x0] =	vst.idx.add.s32.msk $0xffff, v4  }
0x86: {  	v8 =	vld.idx.msk [tilespmem:v8+s24+$0x0], $0xffff;
	_ =	sdelay $0x4  }
0x87: {  	vm10 =	vgt.s32 v8, $0xFFFFFFFF  }
0x88: {  	v53 =	vsel vm10, $0xFFFFFFFF, v3  }
0x89: {  	s20 =	sadd.s32 $0xC0, s0;
	v8 =	vxor.u32 v8, v53  }
0x8a: {  	v54 =	vmov s20;
	v8 =	vsub.s32 v8, v7  }
0x8b: {  	v9 =	vand.u32 $0x7E, v54;
	v8 =	vshll.u32 v8, $0x4  }
0x8c: {  	v9 =	vbroadcast v9, $0x0;
	v8 =	vor.u32 v0, v8  }
0x8d: {  	v8 =	vand.u32 $0xFFF, v8  }
0x8e: {  	v9 =	vor.u32 v5, v9;
	_ =	sdelay $0x3  }
0x8f: {  	[tilespmem:v8+s12+$0x0] =	vst.idx.add.s32.msk $0xffff, v4  }
0x90: {  	v8 =	vld.idx.msk [tilespmem:v9+s24+$0x0], $0xffff;
	_ =	sdelay $0x4  }
0x91: {  	vm11 =	vgt.s32 v8, $0xFFFFFFFF  }
0x92: {  	v55 =	vsel vm11, $0xFFFFFFFF, v3  }
0x93: {  	v8 =	vxor.u32 v8, v55  }
0x94: {  	v8 =	vsub.s32 v8, v7  }
0x95: {  	v8 =	vshll.u32 v8, $0x4  }
0x96: {  	v8 =	vor.u32 v0, v8  }
0x97: {  	s25 =	sadd.s32 $0x1, s0;
	v8 =	vand.u32 $0xFFF, v8  }
0x98: {  	v56 =	vor.u32 s25, v1;
	_ =	sdelay $0x3  }
0x99: {  	[tilespmem:v8+s13+$0x0] =	vst.idx.add.s32.msk $0xffff, v4  }
0x9a: {  	v8 =	vld.idx.msk [tilespmem:v56+s24+$0x0], $0xffff;
	_ =	sdelay $0x4  }
0x9b: {  	vm12 =	vgt.s32 v8, $0xFFFFFFFF  }
0x9c: {  	v57 =	vsel vm12, $0xFFFFFFFF, v3  }
0x9d: {  	v8 =	vxor.u32 v8, v57  }
0x9e: {  	v8 =	vsub.s32 v8, v7  }
0x9f: {  	v8 =	vshll.u32 v8, $0x4  }
0xa0: {  	v8 =	vor.u32 v0, v8  }
0xa1: {  	s26 =	sadd.s32 $0x41, s0;
	v8 =	vand.u32 $0xFFF, v8  }
0xa2: {  	v58 =	vor.u32 s26, v1;
	_ =	sdelay $0x3  }
0xa3: {  	[tilespmem:v8+s10+$0x0] =	vst.idx.add.s32.msk $0xffff, v4  }
0xa4: {  	v8 =	vld.idx.msk [tilespmem:v58+s24+$0x0], $0xffff;
	_ =	sdelay $0x4  }
0xa5: {  	vm13 =	vgt.s32 v8, $0xFFFFFFFF  }
0xa6: {  	v59 =	vsel vm13, $0xFFFFFFFF, v3  }
0xa7: {  	v8 =	vxor.u32 v8, v59  }
0xa8: {  	v8 =	vsub.s32 v8, v7  }
0xa9: {  	v8 =	vshll.u32 v8, $0x4  }
0xaa: {  	v8 =	vor.u32 v0, v8  }
0xab: {  	s30 =	sadd.s32 $0x81, s0;
	v8 =	vand.u32 $0xFFF, v8  }
0xac: {  	v60 =	vor.u32 s30, v1;
	_ =	sdelay $0x3  }
0xad: {  	[tilespmem:v8+s11+$0x0] =	vst.idx.add.s32.msk $0xffff, v4  }
0xae: {  	v8 =	vld.idx.msk [tilespmem:v60+s24+$0x0], $0xffff;
	_ =	sdelay $0x4  }
0xaf: {  	vm14 =	vgt.s32 v8, $0xFFFFFFFF  }
0xb0: {  	v61 =	vsel vm14, $0xFFFFFFFF, v3  }
0xb1: {  	v8 =	vxor.u32 v8, v61  }
0xb2: {  	v8 =	vsub.s32 v8, v7  }
0xb3: {  	v8 =	vshll.u32 v8, $0x4  }
0xb4: {  	v8 =	vor.u32 v0, v8  }
0xb5: {  	s31 =	sadd.s32 $0xC1, s0;
	v8 =	vand.u32 $0xFFF, v8  }
0xb6: {  	v62 =	vor.u32 s31, v1;
	_ =	sdelay $0x3  }
0xb7: {  	[tilespmem:v8+s12+$0x0] =	vst.idx.add.s32.msk $0xffff, v4  }
0xb8: {  	v8 =	vld.idx.msk [tilespmem:v62+s24+$0x0], $0xffff;
	_ =	sdelay $0x4  }
0xb9: {  	vm15 =	vgt.s32 v8, $0xFFFFFFFF  }
0xba: {  	v63 =	vsel vm15, $0xFFFFFFFF, v3  }
0xbb: {  	v8 =	vxor.u32 v8, v63  }
0xbc: {  	v8 =	vsub.s32 v8, v7  }
0xbd: {  	v8 =	vshll.u32 v8, $0x4  }
0xbe: {  	v8 =	vor.u32 v0, v8  }
0xbf: {  	p0 =	slt.u32 s0, $0x3E;
	v8 =	vand.u32 $0xFFF, v8  }
.Ltmp6:
0xc0: {  	_ = 	snop;
	(pc) =	sbr.rel @p0 .LBB2_7-.Ltmp6, $3  }
0xc1: {  	_ =	sdelay $0x1  }
0xc2: {  	s0 =	sadd.s32 $0x2, s0;
	s28 =	simm.s32 $0x7020  }
0xc3: {  	s29 =	simm.s32 $0x8020;
	s26 =	simm.s32 $0x6020;
	s25 =	simm.s32 $0x5020;
	[tilespmem:v8+s13+$0x0] =	vst.idx.add.s32.msk $0xffff, v4  }
0xc4: {  	v8 =	vld [tilespmem:s26+$0xFFFFFFE0]  }
0xc5: {  	v9 =	vld [tilespmem:s25+$0xFFFFFFE0]  }
0xc6: {  	v10 =	vld [tilespmem:s28+$0xFFFFFFE0]  }
0xc7: {  	v11 =	vld [tilespmem:s29+$0xFFFFFFE0];
	_ =	sdelay $0x2  }
0xc8: {  	v8 =	vadd.s32 v9, v8  }
0xc9: {  	v8 =	vadd.s32 v10, v8  }
0xca: {  	v8 =	vadd.s32 v11, v8  }
0xcb: {  	(xrf0) =	vadd.scan.msk.s32 $0xffff, v8;
	_ =	sdelay $0x5  }
0xcc: {  	v8, _, _ =	vpop (xrf0)  }
0xcd: {  	v8 =	vxor.u32 $0x80000000, v8  }
0xce: {  	(xrf0) =	vmax.scan.msk.u32 $0xffff, v8;
	_ =	sdelay $0x5  }
0xcf: {  	v8, _, _ =	vpop (xrf0)  }
0xd0: {  	(v2sf) =	vpush v8, $0xF;
	_ =	sdelay $0x9  }
0xd1: {  	v8 =	vmov s24  }
0xd2: {  	v8 =	vand.u32 $0xFFFFFFFC, v8  }
0xd3: {  	v8 =	vbroadcast v8, $0x0;
	_ =	sdelay $0x2  }
0xd4: {  	s0 =	spop (v2sf)  }
0xd5: {  	s0 =	sxor.u32 $0x80000000, s0  }
0xd6: {  	v58 =	vmov s0  }
0xd7: {  	[tilespmem:v8+s14+$0x0] =	vst.idx.msk $0x1, v58  }
0xd8: {  	v8 =	vld [tilespmem:s25+$0xFFFFFFF0]  }
0xd9: {  	v9 =	vld [tilespmem:s26+$0xFFFFFFF0]  }
0xda: {  	v59 =	vld [tilespmem:s28+$0xFFFFFFF0]  }
0xdb: {  	v60 =	vld [tilespmem:s29+$0xFFFFFFF0];
	_ =	sdelay $0x2  }
0xdc: {  	v8 =	vadd.s32 v8, v9  }
0xdd: {  	v8 =	vadd.s32 v59, v8  }
0xde: {  	v8 =	vadd.s32 v60, v8  }
0xdf: {  	(xrf0) =	vadd.scan.msk.s32 $0xffff, v8;
	_ =	sdelay $0x5  }
0xe0: {  	v8, _, _ =	vpop (xrf0)  }
0xe1: {  	v8 =	vxor.u32 $0x80000000, v8  }
0xe2: {  	(xrf0) =	vmax.scan.msk.u32 $0xffff, v8;
	_ =	sdelay $0x5  }
0xe3: {  	v8, _, _ =	vpop (xrf0)  }
0xe4: {  	(v2sf) =	vpush v8, $0xF;
	_ =	sdelay $0x8  }
0xe5: {  	s6 =	simm.s32 $0x1  }
0xe6: {  	v8 =	vmov s6  }
0xe7: {  	v8 =	vand.u32 $0xFFFFFFFD, v8  }
0xe8: {  	v8 =	vbroadcast v8, $0x0;
	_ =	sdelay $0x2  }
0xe9: {  	s20 =	spop (v2sf)  }
0xea: {  	s0 =	sxor.u32 $0x80000000, s20  }
0xeb: {  	v61 =	vmov s0  }
0xec: {  	[tilespmem:v8+s14+$0x0] =	vst.idx.msk $0x1, v61  }
0xed: {  	v8 =	vld [tilespmem:s25+$0x0]  }
0xee: {  	v9 =	vld [tilespmem:s26+$0x0]  }
0xef: {  	v62 =	vld [tilespmem:s28+$0x0]  }
0xf0: {  	v63 =	vld [tilespmem:s29+$0x0];
	_ =	sdelay $0x2  }
0xf1: {  	v8 =	vadd.s32 v8, v9  }
0xf2: {  	v8 =	vadd.s32 v62, v8  }
0xf3: {  	v8 =	vadd.s32 v63, v8  }
0xf4: {  	(xrf0) =	vadd.scan.msk.s32 $0xffff, v8;
	_ =	sdelay $0x5  }
0xf5: {  	v8, _, _ =	vpop (xrf0)  }
0xf6: {  	v8 =	vxor.u32 $0x80000000, v8  }
0xf7: {  	(xrf0) =	vmax.scan.msk.u32 $0xffff, v8;
	_ =	sdelay $0x3  }
0xf8: {  	s3 =	simm.s32 $0x4;
	s30 =	simm.s32 $0x6020  }
0xf9: {  	s31 =	simm.s32 $0x7020;
	s6 =	simm.s32 $0x5060;
	s0 =	simm.s32 $0x8020  }
.LBB2_9:
0xfa: {  	s26 =	sadd.s32 $0x40, s26;
	s28 =	sadd.s32 $0x40, s28;
	s29 =	sadd.s32 $0x40, s29;
	v8, _, _ =	vpop (xrf0)  }
0xfb: {  	p0 =	slt.u32 s3, $0xFC;
	s20 =	smov.u32 s3;
	s3 =	sadd.s32 $0x4, s3;
	(v2sf) =	vpush v8, $0xF  }
0xfc: {  	_ =	sdelay $0x7  }
0xfd: {  	s1 =	sadd.s32 $0x2, s24  }
0xfe: {  	v8 =	vmov s1  }
0xff: {  	v8 =	vand.u32 $0xFFFFFFFE, v8  }
0x100: {  	v8 =	vbroadcast v8, $0x0;
	_ =	sdelay $0x2  }
0x101: {  	s1 =	spop (v2sf)  }
0x102: {  	s1 =	sxor.u32 $0x80000000, s1  }
0x103: {  	v9 =	vmov s1  }
0x104: {  	[tilespmem:v8+s14+$0x0] =	vst.idx.msk $0x1, v9  }
0x105: {  	v8 =	vld [tilespmem:s25+$0x10];
	s25 =	smov.u32 s6  }
0x106: {  	v9 =	vld [tilespmem:s30+$0x10];
	s30 =	smov.u32 s26  }
0x107: {  	v10 =	vld [tilespmem:s31+$0x10];
	s31 =	smov.u32 s28  }
0x108: {  	v11 =	vld [tilespmem:s0+$0x10];
	s0 =	smov.u32 s29;
	_ =	sdelay $0x2  }
0x109: {  	v8 =	vadd.s32 v8, v9  }
0x10a: {  	v8 =	vadd.s32 v10, v8  }
0x10b: {  	v8 =	vadd.s32 v11, v8  }
0x10c: {  	(xrf0) =	vadd.scan.msk.s32 $0xffff, v8;
	_ =	sdelay $0x5  }
0x10d: {  	v8, _, _ =	vpop (xrf0)  }
0x10e: {  	v8 =	vxor.u32 $0x80000000, v8  }
0x10f: {  	(xrf0) =	vmax.scan.msk.u32 $0xffff, v8;
	_ =	sdelay $0x5  }
0x110: {  	v8, _, _ =	vpop (xrf0)  }
0x111: {  	(v2sf) =	vpush v8, $0xF;
	_ =	sdelay $0x9  }
0x112: {  	s1 =	sadd.s32 $0x3, s24;
	s24 =	smov.u32 s20  }
0x113: {  	v8 =	vmov s1;
	_ =	sdelay $0x3  }
0x114: {  	s1 =	spop (v2sf)  }
0x115: {  	s1 =	sxor.u32 $0x80000000, s1  }
0x116: {  	v9 =	vmov s1  }
0x117: {  	[tilespmem:v8+s14+$0x0] =	vst.idx.msk $0x1, v9  }
0x118: {  	v8 =	vld [tilespmem:s26+$0xFFFFFFE0]  }
0x119: {  	v9 =	vld [tilespmem:s6+$0xFFFFFFE0]  }
0x11a: {  	v10 =	vld [tilespmem:s28+$0xFFFFFFE0]  }
0x11b: {  	v11 =	vld [tilespmem:s29+$0xFFFFFFE0];
	_ =	sdelay $0x2  }
0x11c: {  	v8 =	vadd.s32 v9, v8  }
0x11d: {  	v8 =	vadd.s32 v10, v8  }
0x11e: {  	v8 =	vadd.s32 v11, v8  }
0x11f: {  	(xrf0) =	vadd.scan.msk.s32 $0xffff, v8;
	_ =	sdelay $0x5  }
0x120: {  	v8, _, _ =	vpop (xrf0)  }
0x121: {  	v8 =	vxor.u32 $0x80000000, v8  }
0x122: {  	(xrf0) =	vmax.scan.msk.u32 $0xffff, v8;
	_ =	sdelay $0x5  }
0x123: {  	v8, _, _ =	vpop (xrf0)  }
0x124: {  	(v2sf) =	vpush v8, $0xF;
	_ =	sdelay $0x9  }
0x125: {  	v8 =	vmov s24  }
0x126: {  	v8 =	vand.u32 $0xFFFFFFFC, v8  }
0x127: {  	v8 =	vbroadcast v8, $0x0;
	_ =	sdelay $0x2  }
0x128: {  	s1 =	spop (v2sf)  }
0x129: {  	s1 =	sxor.u32 $0x80000000, s1  }
0x12a: {  	v9 =	vmov s1  }
0x12b: {  	[tilespmem:v8+s14+$0x0] =	vst.idx.msk $0x1, v9  }
0x12c: {  	v8 =	vld [tilespmem:s6+$0xFFFFFFF0]  }
0x12d: {  	v9 =	vld [tilespmem:s26+$0xFFFFFFF0]  }
0x12e: {  	v10 =	vld [tilespmem:s28+$0xFFFFFFF0]  }
0x12f: {  	v11 =	vld [tilespmem:s29+$0xFFFFFFF0];
	_ =	sdelay $0x2  }
0x130: {  	v8 =	vadd.s32 v8, v9  }
0x131: {  	v8 =	vadd.s32 v10, v8  }
0x132: {  	v8 =	vadd.s32 v11, v8  }
0x133: {  	(xrf0) =	vadd.scan.msk.s32 $0xffff, v8;
	_ =	sdelay $0x5  }
0x134: {  	v8, _, _ =	vpop (xrf0)  }
0x135: {  	v8 =	vxor.u32 $0x80000000, v8  }
0x136: {  	(xrf0) =	vmax.scan.msk.u32 $0xffff, v8;
	_ =	sdelay $0x5  }
0x137: {  	v8, _, _ =	vpop (xrf0)  }
0x138: {  	(v2sf) =	vpush v8, $0xF;
	_ =	sdelay $0x8  }
0x139: {  	s1 =	sadd.s32 $0x1, s24  }
0x13a: {  	v8 =	vmov s1  }
0x13b: {  	v8 =	vand.u32 $0xFFFFFFFD, v8  }
0x13c: {  	v8 =	vbroadcast v8, $0x0;
	_ =	sdelay $0x2  }
0x13d: {  	s1 =	spop (v2sf)  }
0x13e: {  	s1 =	sxor.u32 $0x80000000, s1  }
0x13f: {  	v9 =	vmov s1  }
0x140: {  	[tilespmem:v8+s14+$0x0] =	vst.idx.msk $0x1, v9  }
0x141: {  	v8 =	vld [tilespmem:s6+$0x0]  }
0x142: {  	v9 =	vld [tilespmem:s26+$0x0]  }
0x143: {  	v10 =	vld [tilespmem:s28+$0x0]  }
0x144: {  	v11 =	vld [tilespmem:s29+$0x0];
	_ =	sdelay $0x2  }
0x145: {  	v8 =	vadd.s32 v8, v9  }
0x146: {  	v8 =	vadd.s32 v10, v8  }
0x147: {  	v8 =	vadd.s32 v11, v8  }
0x148: {  	(xrf0) =	vadd.scan.msk.s32 $0xffff, v8;
	_ =	sdelay $0x5  }
0x149: {  	v8, _, _ =	vpop (xrf0)  }
0x14a: {  	v8 =	vxor.u32 $0x80000000, v8  }
0x14b: {  	(xrf0) =	vmax.scan.msk.u32 $0xffff, v8  }
.Ltmp7:
0x14c: {  	(pc) =	sbr.rel @p0 .LBB2_9-.Ltmp7, $2  }
0x14d: {  	_ =	sdelay $0x2  }
0x14e: {  	s20 =	simm.s32 $0x0;
	s6 =	sadd.s32 $0x40, s6  }
0x14f: {  	v8, _, _ =	vpop (xrf0)  }
0x150: {  	(v2sf) =	vpush v8, $0xF;
	_ =	sdelay $0x8  }
0x151: {  	s1 =	sadd.s32 $0x2, s24  }
0x152: {  	v8 =	vmov s1  }
0x153: {  	v8 =	vand.u32 $0xFFFFFFFE, v8  }
0x154: {  	v8 =	vbroadcast v8, $0x0;
	_ =	sdelay $0x2  }
0x155: {  	s28 =	spop (v2sf)  }
0x156: {  	s1 =	sxor.u32 $0x80000000, s28  }
0x157: {  	v9 =	vmov s1  }
0x158: {  	[tilespmem:v8+s14+$0x0] =	vst.idx.msk $0x1, v9  }
0x159: {  	v8 =	vld [tilespmem:s25+$0x10]  }
0x15a: {  	v9 =	vld [tilespmem:s30+$0x10]  }
0x15b: {  	v10 =	vld [tilespmem:s31+$0x10]  }
0x15c: {  	v11 =	vld [tilespmem:s0+$0x10];
	_ =	sdelay $0x2  }
0x15d: {  	v8 =	vadd.s32 v8, v9  }
0x15e: {  	v8 =	vadd.s32 v10, v8  }
0x15f: {  	v8 =	vadd.s32 v11, v8  }
0x160: {  	(xrf0) =	vadd.scan.msk.s32 $0xffff, v8;
	_ =	sdelay $0x5  }
0x161: {  	v8, _, _ =	vpop (xrf0)  }
0x162: {  	v8 =	vxor.u32 $0x80000000, v8  }
0x163: {  	(xrf0) =	vmax.scan.msk.u32 $0xffff, v8;
	_ =	sdelay $0x5  }
0x164: {  	v8, _, _ =	vpop (xrf0)  }
0x165: {  	(v2sf) =	vpush v8, $0xF;
	_ =	sdelay $0xb  }
0x166: {  	s29 =	sadd.s32 $0x3, s24  }
0x167: {  	v8 =	vmov s29;
	_ =	sdelay $0x1  }
0x168: {  	s30 =	spop (v2sf)  }
0x169: {  	s0 =	sxor.u32 $0x80000000, s30  }
0x16a: {  	v60 =	vmov s0  }
0x16b: {  	s31 =	simm.s32 $0x0;
	[tilespmem:v8+s14+$0x0] =	vst.idx.msk $0x1, v60  }
0x16c: {  	v8 =	vld [tilespmem:s31+$0x9000];
	_ =	sdelay $0x4  }
0x16d: {  	(xrf0) =	vadd.scan.msk.s32 $0xffff, v8;
	_ =	sdelay $0x5  }
0x16e: {  	v61, _, _ =	vpop (xrf0)  }
0x16f: {  	v62 =	vxor.u32 $0x80000000, v61  }
0x170: {  	(xrf0) =	vmax.scan.msk.u32 $0xffff, v62;
	_ =	sdelay $0x4  }
0x171: {  	v8 =	vsub.s32 s20, v8  }
0x172: {  	v8 =	vadd.s32 v61, v8;
	v63, _, _ =	vpop (xrf0)  }
0x173: {  	s6 =	simm.s32 $0x80;
	s3 =	simm.s32 $0x0;
	s0 =	simm.s32 $0x10;
	[tilespmem:s31+$0x9000] =	vst v8;
	(v2sf) =	vpush v63, $0xF  }
.LBB2_11:
0x174: {  	p0 =	sne.s32 s6, $0x3C0;
	v8 =	vld [tilespmem:s0+$0x9000];
	_ =	sdelay $0x4  }
0x175: {  	(xrf0) =	vadd.scan.msk.s32 $0xffff, v8;
	_ =	sdelay $0x5  }
0x176: {  	v9, _, _ =	vpop (xrf0)  }
0x177: {  	v10 =	vxor.u32 $0x80000000, v9  }
0x178: {  	(xrf0) =	vmax.scan.msk.u32 $0xffff, v10  }
0x179: {  	s1 =	spop (v2sf)  }
0x17a: {  	s1 =	sadd.s32 s1, s3  }
.Ltmp8:
0x17b: {  	s3 =	sadd.s32 $0x80000000, s1;
	(pc) =	sbr.rel @p0 .LBB2_11-.Ltmp8, $4  }
0x17c: {  	v10 =	vsub.s32 s3, v8  }
0x17d: {  	v9 =	vadd.s32 v9, v10  }
0x17e: {  	[tilespmem:s0+$0x9000] =	vst v9;
	v8, _, _ =	vpop (xrf0)  }
0x17f: {  	s0 =	sshra.s32 s6, $0x2;
	s6 =	sadd.s32 $0x40, s6;
	(v2sf) =	vpush v8, $0xF  }
0x180: {  	_ =	sdelay $0x5  }
0x181: {  	v8 =	vld [tilespmem:s0+$0x9000];
	_ =	sdelay $0x4  }
0x182: {  	(xrf0) =	vadd.scan.msk.s32 $0xffff, v8;
	_ =	sdelay $0x2  }
0x183: {  	s1 =	spop (v2sf)  }
0x184: {  	s1 =	sadd.s32 s1, s3  }
0x185: {  	s1 =	sadd.s32 $0x80000000, s1  }
0x186: {  	v9, _, _ =	vpop (xrf0);
	v8 =	vsub.s32 s1, v8  }
0x187: {  	v8 =	vadd.s32 v9, v8  }
0x188: {  	[tilespmem:s0+$0x9000] =	vst v8;
	s0 =	simm.s32 $0x6010  }
0x189: {  	s6 =	simm.s32 $0x5010;
	v8 =	vld [tilespmem:s0+$0xFFFFFFF0]  }
0x18a: {  	s24 =	simm.s32 $0x7010;
	v10 =	vld [tilespmem:s6+$0xFFFFFFF0]  }
0x18b: {  	s3 =	simm.s32 $0x8010;
	v11 =	vld [tilespmem:s24+$0xFFFFFFF0]  }
0x18c: {  	v12 =	vld [tilespmem:s3+$0xFFFFFFF0]  }
0x18d: {  	v13 =	vmov s20  }
0x18e: {  	v13 =	vand.u32 $0xFFFFFFFE, v13  }
0x18f: {  	v13 =	vbroadcast v13, $0x0;
	v14 =	vadd.s32 v10, v8  }
0x190: {  	v9 =	vxor.u32 $0x80000000, v9;
	v14 =	vadd.s32 v11, v14  }
0x191: {  	(xrf0) =	vmax.scan.msk.u32 $0xffff, v9;
	v9 =	vadd.s32 v12, v14  }
0x192: {  	(xrf0) =	vadd.scan.msk.s32 $0xffff, v9;
	_ =	sdelay $0x2  }
0x193: {  	v57 =	vld.idx.msk [tilespmem:v13+s14+$0x0], $0xffff;
	_ =	sdelay $0x1  }
0x194: {  	v58, _, _ =	vpop (xrf0)  }
0x195: {  	v59, _, _ =	vpop (xrf0)  }
0x196: {  	v9 =	vsub.s32 v59, v9  }
0x197: {  	v9 =	vadd.s32 v57, v9  }
0x198: {  	[tilespmem:s6+$0xFFFFFFF0] =	vst v9;
	v9 =	vadd.s32 v10, v9  }
0x199: {  	[tilespmem:s0+$0xFFFFFFF0] =	vst v9;
	v8 =	vadd.s32 v8, v9  }
0x19a: {  	[tilespmem:s24+$0xFFFFFFF0] =	vst v8;
	v8 =	vadd.s32 v11, v8  }
0x19b: {  	[tilespmem:s3+$0xFFFFFFF0] =	vst v8  }
0x19c: {  	v10 =	vld [tilespmem:s6+$0x0]  }
0x19d: {  	v9 =	vld [tilespmem:s0+$0x0]  }
0x19e: {  	v8 =	vld [tilespmem:s24+$0x0]  }
0x19f: {  	(v2sf) =	vpush v58, $0xF;
	v11 =	vld [tilespmem:s3+$0x0];
	_ =	sdelay $0x2  }
0x1a0: {  	s30 =	simm.s32 $0x1;
	v60 =	vadd.s32 v10, v9  }
0x1a1: {  	v61 =	vmov s30;
	v12 =	vadd.s32 v8, v60  }
0x1a2: {  	v11 =	vadd.s32 v11, v12  }
0x1a3: {  	(xrf0) =	vadd.scan.msk.s32 $0xffff, v11;
	_ =	sdelay $0x2  }
0x1a4: {  	v62 =	vld.idx.msk [tilespmem:v61+s14+$0x0], $0xffff;
	_ =	sdelay $0x2  }
0x1a5: {  	v63, _, _ =	vpop (xrf0)  }
0x1a6: {  	v11 =	vsub.s32 v63, v11  }
0x1a7: {  	s26 =	simm.s32 $0x2;
	v11 =	vadd.s32 v62, v11  }
0x1a8: {  	s28 =	simm.s32 $0x8030;
	s20 =	simm.s32 $0x7010;
	s31 =	spop (v2sf);
	[tilespmem:s6+$0x0] =	vst v11;
	v10 =	vadd.s32 v10, v11  }
.LBB2_13:
0x1a9: {  	s6 =	sadd.s32 $0x20, s6  }
0x1aa: {  	[tilespmem:s0+$0x0] =	vst v10;
	v9 =	vadd.s32 v9, v10;
	s0 =	sadd.s32 $0x20, s0;
	s24 =	sadd.s32 $0x20, s24;
	s25 =	smov.u32 s26  }
0x1ab: {  	p0 =	slt.u32 s26, $0xFE;
	s26 =	sadd.s32 $0x2, s26;
	[tilespmem:s20+$0x0] =	vst v9;
	v8 =	vadd.s32 v8, v9;
	s20 =	smov.u32 s24  }
0x1ac: {  	[tilespmem:s3+$0x0] =	vst v8;
	s3 =	smov.u32 s28  }
0x1ad: {  	v8 =	vld [tilespmem:s0+$0xFFFFFFF0]  }
0x1ae: {  	v9 =	vld [tilespmem:s6+$0xFFFFFFF0]  }
0x1af: {  	v10 =	vld [tilespmem:s24+$0xFFFFFFF0]  }
0x1b0: {  	v12 =	vmov s25;
	v11 =	vld [tilespmem:s28+$0xFFFFFFF0]  }
0x1b1: {  	v12 =	vand.u32 $0xFFFFFFFE, v12  }
0x1b2: {  	v12 =	vbroadcast v12, $0x0  }
0x1b3: {  	v13 =	vadd.s32 v9, v8  }
0x1b4: {  	v13 =	vadd.s32 v10, v13  }
0x1b5: {  	v11 =	vadd.s32 v11, v13  }
0x1b6: {  	(xrf0) =	vadd.scan.msk.s32 $0xffff, v11;
	_ =	sdelay $0x1  }
0x1b7: {  	v12 =	vld.idx.msk [tilespmem:v12+s14+$0x0], $0xffff;
	_ =	sdelay $0x3  }
0x1b8: {  	v13, _, _ =	vpop (xrf0)  }
0x1b9: {  	v11 =	vsub.s32 v13, v11  }
0x1ba: {  	v11 =	vadd.s32 v12, v11  }
0x1bb: {  	[tilespmem:s6+$0xFFFFFFF0] =	vst v11;
	v9 =	vadd.s32 v9, v11  }
0x1bc: {  	[tilespmem:s0+$0xFFFFFFF0] =	vst v9;
	v8 =	vadd.s32 v8, v9  }
0x1bd: {  	[tilespmem:s24+$0xFFFFFFF0] =	vst v8;
	v8 =	vadd.s32 v10, v8  }
0x1be: {  	[tilespmem:s28+$0xFFFFFFF0] =	vst v8;
	v10 =	vld [tilespmem:s28+$0x0]  }
0x1bf: {  	v11 =	vld [tilespmem:s6+$0x0]  }
0x1c0: {  	v9 =	vld [tilespmem:s0+$0x0]  }
0x1c1: {  	v8 =	vld [tilespmem:s24+$0x0];
	_ =	sdelay $0x1  }
0x1c2: {  	s1 =	sadd.s32 $0x1, s25  }
0x1c3: {  	v12 =	vmov s1  }
0x1c4: {  	v13 =	vadd.s32 v11, v9  }
0x1c5: {  	v13 =	vadd.s32 v8, v13  }
0x1c6: {  	v10 =	vadd.s32 v10, v13  }
0x1c7: {  	(xrf0) =	vadd.scan.msk.s32 $0xffff, v10  }
0x1c8: {  	v12 =	vld.idx.msk [tilespmem:v12+s14+$0x0], $0xffff;
	_ =	sdelay $0x3  }
.Ltmp9:
0x1c9: {  	(pc) =	sbr.rel @p0 .LBB2_13-.Ltmp9, $4  }
0x1ca: {  	v13, _, _ =	vpop (xrf0)  }
0x1cb: {  	v10 =	vsub.s32 v13, v10  }
0x1cc: {  	v10 =	vadd.s32 v12, v10  }
0x1cd: {  	s25 =	simm.s32 $0x0;
	s28 =	sadd.s32 $0x20, s28;
	[tilespmem:s6+$0x0] =	vst v10;
	v10 =	vadd.s32 v11, v10  }
0x1ce: {  	[tilespmem:s0+$0x0] =	vst v10;
	v9 =	vadd.s32 v9, v10  }
0x1cf: {  	[tilespmem:s20+$0x0] =	vst v9;
	v8 =	vadd.s32 v8, v9  }
0x1d0: {  	[tilespmem:s3+$0x0] =	vst v8  }
.LBB2_15:
0x1d1: {  	v8 =	vor.u32 s25, v1;
	_ =	sdelay $0x4  }
0x1d2: {  	v9 =	vld.idx.msk [tilespmem:v8+s4+$0x0], $0xffff;
	_ =	sdelay $0x4  }
0x1d3: {  	vm0 =	vgt.s32 v9, $0xFFFFFFFF  }
0x1d4: {  	v10 =	vsel vm0, $0xFFFFFFFF, v2  }
0x1d5: {  	v9 =	vxor.u32 v9, v10  }
0x1d6: {  	v9 =	vsub.s32 v9, v7  }
0x1d7: {  	v43 =	vshll.u32 v9, $0x4  }
0x1d8: {  	v10 =	vor.u32 v0, v43  }
0x1d9: {  	v10 =	vand.u32 $0xFFF, v10;
	_ =	sdelay $0x4  }
0x1da: {  	v11 =	vld.idx.msk [tilespmem:v10+s10+$0x0], $0xffff;
	_ =	sdelay $0x4  }
0x1db: {  	s0 =	sadd.s32 $0x40, s25  }
0x1dc: {  	v12 =	vor.u32 s0, v1;
	_ =	sdelay $0x1  }
0x1dd: {  	[tilespmem:v11+s15+$0x0] =	vst.idx.msk $0xffff, v9  }
0x1de: {  	[tilespmem:v11+s16+$0x0] =	vst.idx.msk $0xffff, v8  }
0x1df: {  	[tilespmem:v10+s10+$0x0] =	vst.idx.add.s32.msk $0xffff, v4  }
0x1e0: {  	v8 =	vld.idx.msk [tilespmem:v12+s4+$0x0], $0xffff;
	_ =	sdelay $0x4  }
0x1e1: {  	vm9 =	vgt.s32 v8, $0xFFFFFFFF  }
0x1e2: {  	v44 =	vsel vm9, $0xFFFFFFFF, v2  }
0x1e3: {  	v8 =	vxor.u32 v8, v44  }
0x1e4: {  	v8 =	vsub.s32 v8, v7  }
0x1e5: {  	v45 =	vshll.u32 v8, $0x4  }
0x1e6: {  	v9 =	vor.u32 v0, v45  }
0x1e7: {  	v9 =	vand.u32 $0xFFF, v9;
	_ =	sdelay $0x4  }
0x1e8: {  	v10 =	vld.idx.msk [tilespmem:v9+s11+$0x0], $0xffff;
	_ =	sdelay $0x4  }
0x1e9: {  	s24 =	sadd.s32 $0x80, s25  }
0x1ea: {  	v46 =	vor.u32 s24, v1;
	_ =	sdelay $0x1  }
0x1eb: {  	[tilespmem:v10+s15+$0x0] =	vst.idx.msk $0xffff, v8  }
0x1ec: {  	[tilespmem:v10+s16+$0x0] =	vst.idx.msk $0xffff, v12  }
0x1ed: {  	[tilespmem:v9+s11+$0x0] =	vst.idx.add.s32.msk $0xffff, v4  }
0x1ee: {  	v8 =	vld.idx.msk [tilespmem:v46+s4+$0x0], $0xffff;
	_ =	sdelay $0x4  }
0x1ef: {  	vm10 =	vgt.s32 v8, $0xFFFFFFFF  }
0x1f0: {  	v47 =	vsel vm10, $0xFFFFFFFF, v2  }
0x1f1: {  	v8 =	vxor.u32 v8, v47  }
0x1f2: {  	v8 =	vsub.s32 v8, v7  }
0x1f3: {  	v48 =	vshll.u32 v8, $0x4  }
0x1f4: {  	v9 =	vor.u32 v0, v48  }
0x1f5: {  	v9 =	vand.u32 $0xFFF, v9;
	_ =	sdelay $0x4  }
0x1f6: {  	v10 =	vld.idx.msk [tilespmem:v9+s12+$0x0], $0xffff;
	_ =	sdelay $0x4  }
0x1f7: {  	s26 =	sadd.s32 $0xC0, s25  }
0x1f8: {  	v49 =	vor.u32 s26, v1;
	_ =	sdelay $0x1  }
0x1f9: {  	[tilespmem:v10+s15+$0x0] =	vst.idx.msk $0xffff, v8  }
0x1fa: {  	[tilespmem:v10+s16+$0x0] =	vst.idx.msk $0xffff, v46  }
0x1fb: {  	[tilespmem:v9+s12+$0x0] =	vst.idx.add.s32.msk $0xffff, v4  }
0x1fc: {  	v8 =	vld.idx.msk [tilespmem:v49+s4+$0x0], $0xffff;
	_ =	sdelay $0x4  }
0x1fd: {  	vm11 =	vgt.s32 v8, $0xFFFFFFFF  }
0x1fe: {  	v50 =	vsel vm11, $0xFFFFFFFF, v2  }
0x1ff: {  	v8 =	vxor.u32 v8, v50  }
0x200: {  	v8 =	vsub.s32 v8, v7  }
0x201: {  	v51 =	vshll.u32 v8, $0x4  }
0x202: {  	v9 =	vor.u32 v0, v51  }
0x203: {  	v9 =	vand.u32 $0xFFF, v9;
	_ =	sdelay $0x4  }
0x204: {  	v10 =	vld.idx.msk [tilespmem:v9+s13+$0x0], $0xffff;
	_ =	sdelay $0x4  }
0x205: {  	s28 =	sadd.s32 $0x1, s25  }
0x206: {  	v52 =	vor.u32 s28, v1;
	_ =	sdelay $0x1  }
0x207: {  	[tilespmem:v10+s15+$0x0] =	vst.idx.msk $0xffff, v8  }
0x208: {  	[tilespmem:v10+s16+$0x0] =	vst.idx.msk $0xffff, v49  }
0x209: {  	[tilespmem:v9+s13+$0x0] =	vst.idx.add.s32.msk $0xffff, v4  }
0x20a: {  	v8 =	vld.idx.msk [tilespmem:v52+s4+$0x0], $0xffff;
	_ =	sdelay $0x4  }
0x20b: {  	vm12 =	vgt.s32 v8, $0xFFFFFFFF  }
0x20c: {  	v53 =	vsel vm12, $0xFFFFFFFF, v2  }
0x20d: {  	v8 =	vxor.u32 v8, v53  }
0x20e: {  	v8 =	vsub.s32 v8, v7  }
0x20f: {  	v54 =	vshll.u32 v8, $0x4  }
0x210: {  	v9 =	vor.u32 v0, v54  }
0x211: {  	v9 =	vand.u32 $0xFFF, v9;
	_ =	sdelay $0x4  }
0x212: {  	v10 =	vld.idx.msk [tilespmem:v9+s10+$0x0], $0xffff;
	_ =	sdelay $0x4  }
0x213: {  	s29 =	sadd.s32 $0x41, s25  }
0x214: {  	v55 =	vor.u32 s29, v1;
	_ =	sdelay $0x1  }
0x215: {  	[tilespmem:v10+s15+$0x0] =	vst.idx.msk $0xffff, v8  }
0x216: {  	[tilespmem:v10+s16+$0x0] =	vst.idx.msk $0xffff, v52  }
0x217: {  	[tilespmem:v9+s10+$0x0] =	vst.idx.add.s32.msk $0xffff, v4  }
0x218: {  	v8 =	vld.idx.msk [tilespmem:v55+s4+$0x0], $0xffff;
	_ =	sdelay $0x4  }
0x219: {  	vm13 =	vgt.s32 v8, $0xFFFFFFFF  }
0x21a: {  	v56 =	vsel vm13, $0xFFFFFFFF, v2  }
0x21b: {  	v8 =	vxor.u32 v8, v56  }
0x21c: {  	v8 =	vsub.s32 v8, v7  }
0x21d: {  	v57 =	vshll.u32 v8, $0x4  }
0x21e: {  	v9 =	vor.u32 v0, v57  }
0x21f: {  	v9 =	vand.u32 $0xFFF, v9;
	_ =	sdelay $0x4  }
0x220: {  	v10 =	vld.idx.msk [tilespmem:v9+s11+$0x0], $0xffff;
	_ =	sdelay $0x4  }
0x221: {  	s30 =	sadd.s32 $0x81, s25  }
0x222: {  	v58 =	vor.u32 s30, v1;
	_ =	sdelay $0x1  }
0x223: {  	[tilespmem:v10+s15+$0x0] =	vst.idx.msk $0xffff, v8  }
0x224: {  	[tilespmem:v10+s16+$0x0] =	vst.idx.msk $0xffff, v55  }
0x225: {  	[tilespmem:v9+s11+$0x0] =	vst.idx.add.s32.msk $0xffff, v4  }
0x226: {  	v8 =	vld.idx.msk [tilespmem:v58+s4+$0x0], $0xffff;
	_ =	sdelay $0x4  }
0x227: {  	vm14 =	vgt.s32 v8, $0xFFFFFFFF  }
0x228: {  	v59 =	vsel vm14, $0xFFFFFFFF, v2  }
0x229: {  	v8 =	vxor.u32 v8, v59  }
0x22a: {  	v8 =	vsub.s32 v8, v7  }
0x22b: {  	v60 =	vshll.u32 v8, $0x4  }
0x22c: {  	v9 =	vor.u32 v0, v60  }
0x22d: {  	v9 =	vand.u32 $0xFFF, v9;
	_ =	sdelay $0x4  }
0x22e: {  	v10 =	vld.idx.msk [tilespmem:v9+s12+$0x0], $0xffff;
	_ =	sdelay $0x4  }
0x22f: {  	s31 =	sadd.s32 $0xC1, s25  }
0x230: {  	v61 =	vor.u32 s31, v1;
	_ =	sdelay $0x1  }
0x231: {  	[tilespmem:v10+s15+$0x0] =	vst.idx.msk $0xffff, v8  }
0x232: {  	[tilespmem:v10+s16+$0x0] =	vst.idx.msk $0xffff, v58  }
0x233: {  	[tilespmem:v9+s12+$0x0] =	vst.idx.add.s32.msk $0xffff, v4  }
0x234: {  	v8 =	vld.idx.msk [tilespmem:v61+s4+$0x0], $0xffff;
	_ =	sdelay $0x4  }
0x235: {  	vm15 =	vgt.s32 v8, $0xFFFFFFFF  }
0x236: {  	v62 =	vsel vm15, $0xFFFFFFFF, v2  }
0x237: {  	v8 =	vxor.u32 v8, v62  }
0x238: {  	v8 =	vsub.s32 v8, v7  }
0x239: {  	v63 =	vshll.u32 v8, $0x4  }
0x23a: {  	v9 =	vor.u32 v0, v63  }
0x23b: {  	v9 =	vand.u32 $0xFFF, v9;
	_ =	sdelay $0x4  }
0x23c: {  	v10 =	vld.idx.msk [tilespmem:v9+s13+$0x0], $0xffff;
	_ =	sdelay $0x4  }
0x23d: {  	p0 =	slt.u32 s25, $0x3E  }
.Ltmp10:
0x23e: {  	_ = 	snop;
	(pc) =	sbr.rel @p0 .LBB2_15-.Ltmp10, $4  }
0x23f: {  	_ = 	snop  }
0x240: {  	[tilespmem:v10+s15+$0x0] =	vst.idx.msk $0xffff, v8  }
0x241: {  	[tilespmem:v10+s16+$0x0] =	vst.idx.msk $0xffff, v61  }
0x242: {  	s25 =	sadd.s32 $0x2, s25;
	[tilespmem:v9+s13+$0x0] =	vst.idx.add.s32.msk $0xffff, v4  }
0x243: {  	v6 =	vxor.u32 $0x80000000, v6  }
0x244: {  	(xrf0) =	vmax.scan.msk.u32 $0xffff, v6;
	_ =	sdelay $0x5  }
0x245: {  	v6, _, _ =	vpop (xrf0)  }
0x246: {  	(v2sf) =	vpush v6, $0xF;
	_ =	sdelay $0xe  }
0x247: {  	s0 =	spop (v2sf)  }
0x248: {  	s0 =	sxor.u32 $0x80000000, s0  }
0x249: {  	s0 =	ssub.s32 s0, s23  }
0x24a: {  	s1 =	simm.s32 $0x2;
	p0 =	sgt.u32 s0, $0xFF  }
0x24b: {  	s3 =	simm.s32 $0x1;
	s1 =	simm.s32 @!p0 $0x1;
	p0 =	sgt.u32 s0, $0xFFFF  }
0x24c: {  	s3 =	simm.s32 @!p0 $0x0;
	p0 =	sgt.u32 s0, $0xFFFFFF;
	s0 =	simm.s32 $0x1  }
0x24d: {  	s1 =	sadd.s32 s3, s1;
	s0 =	simm.s32 @!p0 $0x0  }
0x24e: {  	s23 =	sadd.s32 s0, s1  }
0x24f: {  	p0 =	slt.u32 s23, $0x2  }
.Ltmp11:
0x250: {  	_ = 	snop;
	(pc) =	sbr.rel @p0 .LBB2_59-.Ltmp11, $1  }
0x251: {  	_ =	sdelay $0x3  }
0x252: {  	s1 =	simm.s32 $0x5020  }
0x253: {  	s6 =	simm.s32 $0x6020;
	[tilespmem:s1+$0xFFFFFFE0] =	vst v3  }
0x254: {  	s0 =	simm.s32 $0x7020;
	[tilespmem:s6+$0xFFFFFFE0] =	vst v3  }
0x255: {  	s3 =	simm.s32 $0x8020;
	[tilespmem:s0+$0xFFFFFFE0] =	vst v3  }
0x256: {  	[tilespmem:s3+$0xFFFFFFE0] =	vst v3  }
0x257: {  	[tilespmem:s1+$0xFFFFFFF0] =	vst v3  }
0x258: {  	[tilespmem:s6+$0xFFFFFFF0] =	vst v3  }
0x259: {  	[tilespmem:s0+$0xFFFFFFF0] =	vst v3  }
0x25a: {  	[tilespmem:s3+$0xFFFFFFF0] =	vst v3  }
0x25b: {  	[tilespmem:s1+$0x0] =	vst v3  }
0x25c: {  	[tilespmem:s6+$0x0] =	vst v3  }
0x25d: {  	[tilespmem:s0+$0x0] =	vst v3  }
0x25e: {  	[tilespmem:s3+$0x0] =	vst v3  }
0x25f: {  	[tilespmem:s1+$0x10] =	vst v3  }
0x260: {  	[tilespmem:s6+$0x10] =	vst v3  }
0x261: {  	s20 =	simm.s32 $0x6060;
	s25 =	simm.s32 $0x5060;
	s6 =	simm.s32 $0x0;
	[tilespmem:s0+$0x10] =	vst v3  }
.LBB2_18:
0x262: {  	s6 =	sadd.s32 $0x4, s6;
	[tilespmem:s3+$0x10] =	vst v3;
	s3 =	sadd.s32 $0x40, s3;
	s0 =	sadd.s32 $0x40, s0  }
0x263: {  	[tilespmem:s25+$0xFFFFFFE0] =	vst v3;
	p0 =	slt.u32 s6, $0xFC  }
0x264: {  	[tilespmem:s20+$0xFFFFFFE0] =	vst v3  }
0x265: {  	[tilespmem:s0+$0xFFFFFFE0] =	vst v3  }
0x266: {  	[tilespmem:s3+$0xFFFFFFE0] =	vst v3  }
0x267: {  	[tilespmem:s25+$0xFFFFFFF0] =	vst v3  }
0x268: {  	[tilespmem:s20+$0xFFFFFFF0] =	vst v3  }
0x269: {  	[tilespmem:s0+$0xFFFFFFF0] =	vst v3  }
0x26a: {  	[tilespmem:s3+$0xFFFFFFF0] =	vst v3  }
0x26b: {  	[tilespmem:s25+$0x0] =	vst v3  }
0x26c: {  	[tilespmem:s20+$0x0] =	vst v3  }
.Ltmp12:
0x26d: {  	[tilespmem:s0+$0x0] =	vst v3;
	(pc) =	sbr.rel @p0 .LBB2_18-.Ltmp12, $4  }
0x26e: {  	[tilespmem:s3+$0x0] =	vst v3  }
0x26f: {  	[tilespmem:s25+$0x10] =	vst v3  }
0x270: {  	[tilespmem:s20+$0x10] =	vst v3  }
0x271: {  	s24 =	simm.s32 $0x0;
	s25 =	sadd.s32 $0x40, s25;
	s20 =	sadd.s32 $0x40, s20;
	[tilespmem:s0+$0x10] =	vst v3  }
0x272: {  	[tilespmem:s3+$0x10] =	vst v3;
	s0 =	simm.s32 $0x0  }
.LBB2_20:
0x273: {  	v6 =	vmov s0  }
0x274: {  	v6 =	vand.u32 $0x7E, v6  }
0x275: {  	v6 =	vbroadcast v6, $0x0;
	_ =	sdelay $0x1  }
0x276: {  	v7 =	vor.u32 v1, v6;
	_ =	sdelay $0x4  }
0x277: {  	v7 =	vld.idx.msk [tilespmem:v7+s15+$0x0], $0xffff;
	_ =	sdelay $0x2  }
0x278: {  	s1 =	sadd.s32 $0x40, s0  }
0x279: {  	v8 =	vmov s1  }
0x27a: {  	v8 =	vand.u32 $0x7E, v8;
	v7 =	vshrl.u32 v7, $0x4  }
0x27b: {  	v8 =	vbroadcast v8, $0x0;
	v7 =	vand.u32 $0xFF0, v7  }
0x27c: {  	v7 =	vor.u32 v0, v7  }
0x27d: {  	v8 =	vor.u32 v1, v8;
	_ =	sdelay $0x3  }
0x27e: {  	[tilespmem:v7+s10+$0x0] =	vst.idx.add.s32.msk $0xffff, v4  }
0x27f: {  	v7 =	vld.idx.msk [tilespmem:v8+s15+$0x0], $0xffff;
	_ =	sdelay $0x4  }
0x280: {  	v7 =	vshrl.u32 v7, $0x4  }
0x281: {  	v7 =	vand.u32 $0xFF0, v7  }
0x282: {  	v7 =	vor.u32 v0, v7  }
0x283: {  	v6 =	vor.u32 v5, v6;
	_ =	sdelay $0x3  }
0x284: {  	[tilespmem:v7+s11+$0x0] =	vst.idx.add.s32.msk $0xffff, v4  }
0x285: {  	v6 =	vld.idx.msk [tilespmem:v6+s15+$0x0], $0xffff;
	_ =	sdelay $0x2  }
0x286: {  	s20 =	sadd.s32 $0xC0, s0  }
0x287: {  	v7 =	vmov s20  }
0x288: {  	v7 =	vand.u32 $0x7E, v7;
	v6 =	vshrl.u32 v6, $0x4  }
0x289: {  	v7 =	vbroadcast v7, $0x0;
	v6 =	vand.u32 $0xFF0, v6  }
0x28a: {  	v6 =	vor.u32 v0, v6  }
0x28b: {  	v7 =	vor.u32 v5, v7;
	_ =	sdelay $0x3  }
0x28c: {  	[tilespmem:v6+s12+$0x0] =	vst.idx.add.s32.msk $0xffff, v4  }
0x28d: {  	v6 =	vld.idx.msk [tilespmem:v7+s15+$0x0], $0xffff;
	_ =	sdelay $0x4  }
0x28e: {  	v6 =	vshrl.u32 v6, $0x4  }
0x28f: {  	v6 =	vand.u32 $0xFF0, v6  }
0x290: {  	s25 =	sadd.s32 $0x1, s0;
	v6 =	vor.u32 v0, v6  }
0x291: {  	v7 =	vor.u32 s25, v1;
	_ =	sdelay $0x3  }
0x292: {  	[tilespmem:v6+s13+$0x0] =	vst.idx.add.s32.msk $0xffff, v4  }
0x293: {  	v6 =	vld.idx.msk [tilespmem:v7+s15+$0x0], $0xffff;
	_ =	sdelay $0x4  }
0x294: {  	v6 =	vshrl.u32 v6, $0x4  }
0x295: {  	v6 =	vand.u32 $0xFF0, v6  }
0x296: {  	s26 =	sadd.s32 $0x41, s0;
	v6 =	vor.u32 v0, v6  }
0x297: {  	v7 =	vor.u32 s26, v1;
	_ =	sdelay $0x3  }
0x298: {  	[tilespmem:v6+s10+$0x0] =	vst.idx.add.s32.msk $0xffff, v4  }
0x299: {  	v6 =	vld.idx.msk [tilespmem:v7+s15+$0x0], $0xffff;
	_ =	sdelay $0x4  }
0x29a: {  	v6 =	vshrl.u32 v6, $0x4  }
0x29b: {  	v6 =	vand.u32 $0xFF0, v6  }
0x29c: {  	s30 =	sadd.s32 $0x81, s0;
	v6 =	vor.u32 v0, v6  }
0x29d: {  	v7 =	vor.u32 s30, v1;
	_ =	sdelay $0x3  }
0x29e: {  	[tilespmem:v6+s11+$0x0] =	vst.idx.add.s32.msk $0xffff, v4  }
0x29f: {  	v6 =	vld.idx.msk [tilespmem:v7+s15+$0x0], $0xffff;
	_ =	sdelay $0x4  }
0x2a0: {  	v6 =	vshrl.u32 v6, $0x4  }
0x2a1: {  	v6 =	vand.u32 $0xFF0, v6  }
0x2a2: {  	s31 =	sadd.s32 $0xC1, s0;
	v6 =	vor.u32 v0, v6  }
0x2a3: {  	v7 =	vor.u32 s31, v1;
	_ =	sdelay $0x3  }
0x2a4: {  	[tilespmem:v6+s12+$0x0] =	vst.idx.add.s32.msk $0xffff, v4  }
0x2a5: {  	v6 =	vld.idx.msk [tilespmem:v7+s15+$0x0], $0xffff;
	_ =	sdelay $0x4  }
0x2a6: {  	v6 =	vshrl.u32 v6, $0x4  }
0x2a7: {  	v6 =	vand.u32 $0xFF0, v6  }
0x2a8: {  	p0 =	slt.u32 s0, $0x3E;
	v6 =	vor.u32 v0, v6  }
.Ltmp13:
0x2a9: {  	_ = 	snop;
	(pc) =	sbr.rel @p0 .LBB2_20-.Ltmp13, $3  }
0x2aa: {  	_ =	sdelay $0x1  }
0x2ab: {  	s0 =	sadd.s32 $0x2, s0;
	s28 =	simm.s32 $0x7020  }
0x2ac: {  	s29 =	simm.s32 $0x8020;
	s25 =	simm.s32 $0x5020;
	s26 =	simm.s32 $0x6020;
	[tilespmem:v6+s13+$0x0] =	vst.idx.add.s32.msk $0xffff, v4  }
0x2ad: {  	v6 =	vld [tilespmem:s26+$0xFFFFFFE0]  }
0x2ae: {  	v7 =	vld [tilespmem:s25+$0xFFFFFFE0]  }
0x2af: {  	v8 =	vld [tilespmem:s28+$0xFFFFFFE0]  }
0x2b0: {  	v9 =	vld [tilespmem:s29+$0xFFFFFFE0];
	_ =	sdelay $0x2  }
0x2b1: {  	v6 =	vadd.s32 v7, v6  }
0x2b2: {  	v6 =	vadd.s32 v8, v6  }
0x2b3: {  	v6 =	vadd.s32 v9, v6  }
0x2b4: {  	(xrf0) =	vadd.scan.msk.s32 $0xffff, v6;
	_ =	sdelay $0x5  }
0x2b5: {  	v6, _, _ =	vpop (xrf0)  }
0x2b6: {  	v6 =	vxor.u32 $0x80000000, v6  }
0x2b7: {  	(xrf0) =	vmax.scan.msk.u32 $0xffff, v6;
	_ =	sdelay $0x5  }
0x2b8: {  	v6, _, _ =	vpop (xrf0)  }
0x2b9: {  	(v2sf) =	vpush v6, $0xF;
	_ =	sdelay $0x9  }
0x2ba: {  	v6 =	vmov s24  }
0x2bb: {  	v6 =	vand.u32 $0xFFFFFFFC, v6  }
0x2bc: {  	v6 =	vbroadcast v6, $0x0;
	_ =	sdelay $0x2  }
0x2bd: {  	s0 =	spop (v2sf)  }
0x2be: {  	s0 =	sxor.u32 $0x80000000, s0  }
0x2bf: {  	v7 =	vmov s0  }
0x2c0: {  	[tilespmem:v6+s14+$0x0] =	vst.idx.msk $0x1, v7  }
0x2c1: {  	v6 =	vld [tilespmem:s25+$0xFFFFFFF0]  }
0x2c2: {  	v7 =	vld [tilespmem:s26+$0xFFFFFFF0]  }
0x2c3: {  	v60 =	vld [tilespmem:s28+$0xFFFFFFF0]  }
0x2c4: {  	v61 =	vld [tilespmem:s29+$0xFFFFFFF0];
	_ =	sdelay $0x2  }
0x2c5: {  	v6 =	vadd.s32 v6, v7  }
0x2c6: {  	v6 =	vadd.s32 v60, v6  }
0x2c7: {  	v6 =	vadd.s32 v61, v6  }
0x2c8: {  	(xrf0) =	vadd.scan.msk.s32 $0xffff, v6;
	_ =	sdelay $0x5  }
0x2c9: {  	v6, _, _ =	vpop (xrf0)  }
0x2ca: {  	v6 =	vxor.u32 $0x80000000, v6  }
0x2cb: {  	(xrf0) =	vmax.scan.msk.u32 $0xffff, v6;
	_ =	sdelay $0x5  }
0x2cc: {  	v6, _, _ =	vpop (xrf0)  }
0x2cd: {  	(v2sf) =	vpush v6, $0xF;
	_ =	sdelay $0x8  }
0x2ce: {  	s6 =	simm.s32 $0x1  }
0x2cf: {  	v6 =	vmov s6  }
0x2d0: {  	v6 =	vand.u32 $0xFFFFFFFD, v6  }
0x2d1: {  	v6 =	vbroadcast v6, $0x0;
	_ =	sdelay $0x2  }
0x2d2: {  	s20 =	spop (v2sf)  }
0x2d3: {  	s0 =	sxor.u32 $0x80000000, s20  }
0x2d4: {  	v7 =	vmov s0  }
0x2d5: {  	[tilespmem:v6+s14+$0x0] =	vst.idx.msk $0x1, v7  }
0x2d6: {  	v6 =	vld [tilespmem:s25+$0x0]  }
0x2d7: {  	v7 =	vld [tilespmem:s26+$0x0]  }
0x2d8: {  	v62 =	vld [tilespmem:s28+$0x0]  }
0x2d9: {  	v63 =	vld [tilespmem:s29+$0x0];
	_ =	sdelay $0x2  }
0x2da: {  	v6 =	vadd.s32 v6, v7  }
0x2db: {  	v6 =	vadd.s32 v62, v6  }
0x2dc: {  	v6 =	vadd.s32 v63, v6  }
0x2dd: {  	(xrf0) =	vadd.scan.msk.s32 $0xffff, v6;
	_ =	sdelay $0x5  }
0x2de: {  	v6, _, _ =	vpop (xrf0)  }
0x2df: {  	v6 =	vxor.u32 $0x80000000, v6  }
0x2e0: {  	(xrf0) =	vmax.scan.msk.u32 $0xffff, v6;
	_ =	sdelay $0x3  }
0x2e1: {  	s3 =	simm.s32 $0x4;
	s30 =	simm.s32 $0x7020  }
0x2e2: {  	s31 =	simm.s32 $0x8020;
	s6 =	simm.s32 $0x5060;
	s0 =	simm.s32 $0x6020  }
.LBB2_22:
0x2e3: {  	s26 =	sadd.s32 $0x40, s26;
	s28 =	sadd.s32 $0x40, s28;
	s29 =	sadd.s32 $0x40, s29;
	v6, _, _ =	vpop (xrf0)  }
0x2e4: {  	p0 =	slt.u32 s3, $0xFC;
	s20 =	smov.u32 s3;
	s3 =	sadd.s32 $0x4, s3;
	(v2sf) =	vpush v6, $0xF  }
0x2e5: {  	_ =	sdelay $0x7  }
0x2e6: {  	s1 =	sadd.s32 $0x2, s24  }
0x2e7: {  	v6 =	vmov s1  }
0x2e8: {  	v6 =	vand.u32 $0xFFFFFFFE, v6  }
0x2e9: {  	v6 =	vbroadcast v6, $0x0;
	_ =	sdelay $0x2  }
0x2ea: {  	s1 =	spop (v2sf)  }
0x2eb: {  	s1 =	sxor.u32 $0x80000000, s1  }
0x2ec: {  	v7 =	vmov s1  }
0x2ed: {  	[tilespmem:v6+s14+$0x0] =	vst.idx.msk $0x1, v7  }
0x2ee: {  	v6 =	vld [tilespmem:s25+$0x10];
	s25 =	smov.u32 s6  }
0x2ef: {  	v7 =	vld [tilespmem:s0+$0x10];
	s0 =	smov.u32 s26  }
0x2f0: {  	v8 =	vld [tilespmem:s30+$0x10];
	s30 =	smov.u32 s28  }
0x2f1: {  	v9 =	vld [tilespmem:s31+$0x10];
	s31 =	smov.u32 s29;
	_ =	sdelay $0x2  }
0x2f2: {  	v6 =	vadd.s32 v6, v7  }
0x2f3: {  	v6 =	vadd.s32 v8, v6  }
0x2f4: {  	v6 =	vadd.s32 v9, v6  }
0x2f5: {  	(xrf0) =	vadd.scan.msk.s32 $0xffff, v6;
	_ =	sdelay $0x5  }
0x2f6: {  	v6, _, _ =	vpop (xrf0)  }
0x2f7: {  	v6 =	vxor.u32 $0x80000000, v6  }
0x2f8: {  	(xrf0) =	vmax.scan.msk.u32 $0xffff, v6;
	_ =	sdelay $0x5  }
0x2f9: {  	v6, _, _ =	vpop (xrf0)  }
0x2fa: {  	(v2sf) =	vpush v6, $0xF;
	_ =	sdelay $0x9  }
0x2fb: {  	s1 =	sadd.s32 $0x3, s24;
	s24 =	smov.u32 s20  }
0x2fc: {  	v6 =	vmov s1;
	_ =	sdelay $0x3  }
0x2fd: {  	s1 =	spop (v2sf)  }
0x2fe: {  	s1 =	sxor.u32 $0x80000000, s1  }
0x2ff: {  	v7 =	vmov s1  }
0x300: {  	[tilespmem:v6+s14+$0x0] =	vst.idx.msk $0x1, v7  }
0x301: {  	v6 =	vld [tilespmem:s26+$0xFFFFFFE0]  }
0x302: {  	v7 =	vld [tilespmem:s6+$0xFFFFFFE0]  }
0x303: {  	v8 =	vld [tilespmem:s28+$0xFFFFFFE0]  }
0x304: {  	v9 =	vld [tilespmem:s29+$0xFFFFFFE0];
	_ =	sdelay $0x2  }
0x305: {  	v6 =	vadd.s32 v7, v6  }
0x306: {  	v6 =	vadd.s32 v8, v6  }
0x307: {  	v6 =	vadd.s32 v9, v6  }
0x308: {  	(xrf0) =	vadd.scan.msk.s32 $0xffff, v6;
	_ =	sdelay $0x5  }
0x309: {  	v6, _, _ =	vpop (xrf0)  }
0x30a: {  	v6 =	vxor.u32 $0x80000000, v6  }
0x30b: {  	(xrf0) =	vmax.scan.msk.u32 $0xffff, v6;
	_ =	sdelay $0x5  }
0x30c: {  	v6, _, _ =	vpop (xrf0)  }
0x30d: {  	(v2sf) =	vpush v6, $0xF;
	_ =	sdelay $0x9  }
0x30e: {  	v6 =	vmov s24  }
0x30f: {  	v6 =	vand.u32 $0xFFFFFFFC, v6  }
0x310: {  	v6 =	vbroadcast v6, $0x0;
	_ =	sdelay $0x2  }
0x311: {  	s1 =	spop (v2sf)  }
0x312: {  	s1 =	sxor.u32 $0x80000000, s1  }
0x313: {  	v7 =	vmov s1  }
0x314: {  	[tilespmem:v6+s14+$0x0] =	vst.idx.msk $0x1, v7  }
0x315: {  	v6 =	vld [tilespmem:s6+$0xFFFFFFF0]  }
0x316: {  	v7 =	vld [tilespmem:s26+$0xFFFFFFF0]  }
0x317: {  	v8 =	vld [tilespmem:s28+$0xFFFFFFF0]  }
0x318: {  	v9 =	vld [tilespmem:s29+$0xFFFFFFF0];
	_ =	sdelay $0x2  }
0x319: {  	v6 =	vadd.s32 v6, v7  }
0x31a: {  	v6 =	vadd.s32 v8, v6  }
0x31b: {  	v6 =	vadd.s32 v9, v6  }
0x31c: {  	(xrf0) =	vadd.scan.msk.s32 $0xffff, v6;
	_ =	sdelay $0x5  }
0x31d: {  	v6, _, _ =	vpop (xrf0)  }
0x31e: {  	v6 =	vxor.u32 $0x80000000, v6  }
0x31f: {  	(xrf0) =	vmax.scan.msk.u32 $0xffff, v6;
	_ =	sdelay $0x5  }
0x320: {  	v6, _, _ =	vpop (xrf0)  }
0x321: {  	(v2sf) =	vpush v6, $0xF;
	_ =	sdelay $0x8  }
0x322: {  	s1 =	sadd.s32 $0x1, s24  }
0x323: {  	v6 =	vmov s1  }
0x324: {  	v6 =	vand.u32 $0xFFFFFFFD, v6  }
0x325: {  	v6 =	vbroadcast v6, $0x0;
	_ =	sdelay $0x2  }
0x326: {  	s1 =	spop (v2sf)  }
0x327: {  	s1 =	sxor.u32 $0x80000000, s1  }
0x328: {  	v7 =	vmov s1  }
0x329: {  	[tilespmem:v6+s14+$0x0] =	vst.idx.msk $0x1, v7  }
0x32a: {  	v6 =	vld [tilespmem:s6+$0x0]  }
0x32b: {  	v7 =	vld [tilespmem:s26+$0x0]  }
0x32c: {  	v8 =	vld [tilespmem:s28+$0x0]  }
0x32d: {  	v9 =	vld [tilespmem:s29+$0x0];
	_ =	sdelay $0x2  }
0x32e: {  	v6 =	vadd.s32 v6, v7  }
0x32f: {  	v6 =	vadd.s32 v8, v6  }
0x330: {  	v6 =	vadd.s32 v9, v6  }
0x331: {  	(xrf0) =	vadd.scan.msk.s32 $0xffff, v6;
	_ =	sdelay $0x5  }
0x332: {  	v6, _, _ =	vpop (xrf0)  }
0x333: {  	v6 =	vxor.u32 $0x80000000, v6  }
0x334: {  	(xrf0) =	vmax.scan.msk.u32 $0xffff, v6  }
.Ltmp14:
0x335: {  	(pc) =	sbr.rel @p0 .LBB2_22-.Ltmp14, $2  }
0x336: {  	_ =	sdelay $0x2  }
0x337: {  	s20 =	simm.s32 $0x0;
	s6 =	sadd.s32 $0x40, s6  }
0x338: {  	v6, _, _ =	vpop (xrf0)  }
0x339: {  	(v2sf) =	vpush v6, $0xF;
	_ =	sdelay $0x8  }
0x33a: {  	s1 =	sadd.s32 $0x2, s24  }
0x33b: {  	v6 =	vmov s1  }
0x33c: {  	v6 =	vand.u32 $0xFFFFFFFE, v6  }
0x33d: {  	v6 =	vbroadcast v6, $0x0;
	_ =	sdelay $0x2  }
0x33e: {  	s28 =	spop (v2sf)  }
0x33f: {  	s1 =	sxor.u32 $0x80000000, s28  }
0x340: {  	v7 =	vmov s1  }
0x341: {  	[tilespmem:v6+s14+$0x0] =	vst.idx.msk $0x1, v7  }
0x342: {  	v6 =	vld [tilespmem:s25+$0x10]  }
0x343: {  	v7 =	vld [tilespmem:s0+$0x10]  }
0x344: {  	v8 =	vld [tilespmem:s30+$0x10]  }
0x345: {  	v9 =	vld [tilespmem:s31+$0x10];
	_ =	sdelay $0x2  }
0x346: {  	v6 =	vadd.s32 v6, v7  }
0x347: {  	v6 =	vadd.s32 v8, v6  }
0x348: {  	v6 =	vadd.s32 v9, v6  }
0x349: {  	(xrf0) =	vadd.scan.msk.s32 $0xffff, v6;
	_ =	sdelay $0x5  }
0x34a: {  	v6, _, _ =	vpop (xrf0)  }
0x34b: {  	v6 =	vxor.u32 $0x80000000, v6  }
0x34c: {  	(xrf0) =	vmax.scan.msk.u32 $0xffff, v6;
	_ =	sdelay $0x5  }
0x34d: {  	v6, _, _ =	vpop (xrf0)  }
0x34e: {  	(v2sf) =	vpush v6, $0xF;
	_ =	sdelay $0xb  }
0x34f: {  	s29 =	sadd.s32 $0x3, s24  }
0x350: {  	v6 =	vmov s29;
	_ =	sdelay $0x1  }
0x351: {  	s30 =	spop (v2sf)  }
0x352: {  	s0 =	sxor.u32 $0x80000000, s30  }
0x353: {  	v7 =	vmov s0  }
0x354: {  	s31 =	simm.s32 $0x0;
	[tilespmem:v6+s14+$0x0] =	vst.idx.msk $0x1, v7  }
0x355: {  	v6 =	vld [tilespmem:s31+$0x9000];
	_ =	sdelay $0x4  }
0x356: {  	(xrf0) =	vadd.scan.msk.s32 $0xffff, v6;
	_ =	sdelay $0x5  }
0x357: {  	v7, _, _ =	vpop (xrf0)  }
0x358: {  	v63 =	vxor.u32 $0x80000000, v7  }
0x359: {  	(xrf0) =	vmax.scan.msk.u32 $0xffff, v63;
	_ =	sdelay $0x4  }
0x35a: {  	v6 =	vsub.s32 s20, v6  }
0x35b: {  	v6 =	vadd.s32 v7, v6;
	v7, _, _ =	vpop (xrf0)  }
0x35c: {  	s6 =	simm.s32 $0x80;
	s3 =	simm.s32 $0x0;
	s0 =	simm.s32 $0x10;
	[tilespmem:s31+$0x9000] =	vst v6;
	(v2sf) =	vpush v7, $0xF  }
.LBB2_24:
0x35d: {  	p0 =	sne.s32 s6, $0x3C0;
	v6 =	vld [tilespmem:s0+$0x9000];
	_ =	sdelay $0x4  }
0x35e: {  	(xrf0) =	vadd.scan.msk.s32 $0xffff, v6;
	_ =	sdelay $0x5  }
0x35f: {  	v7, _, _ =	vpop (xrf0)  }
0x360: {  	v8 =	vxor.u32 $0x80000000, v7  }
0x361: {  	(xrf0) =	vmax.scan.msk.u32 $0xffff, v8  }
0x362: {  	s1 =	spop (v2sf)  }
0x363: {  	s1 =	sadd.s32 s1, s3  }
.Ltmp15:
0x364: {  	s3 =	sadd.s32 $0x80000000, s1;
	(pc) =	sbr.rel @p0 .LBB2_24-.Ltmp15, $4  }
0x365: {  	v8 =	vsub.s32 s3, v6  }
0x366: {  	v7 =	vadd.s32 v7, v8  }
0x367: {  	[tilespmem:s0+$0x9000] =	vst v7;
	v6, _, _ =	vpop (xrf0)  }
0x368: {  	s0 =	sshra.s32 s6, $0x2;
	s6 =	sadd.s32 $0x40, s6;
	(v2sf) =	vpush v6, $0xF  }
0x369: {  	_ =	sdelay $0x5  }
0x36a: {  	v6 =	vld [tilespmem:s0+$0x9000];
	_ =	sdelay $0x4  }
0x36b: {  	(xrf0) =	vadd.scan.msk.s32 $0xffff, v6;
	_ =	sdelay $0x2  }
0x36c: {  	s1 =	spop (v2sf)  }
0x36d: {  	s1 =	sadd.s32 s1, s3  }
0x36e: {  	s1 =	sadd.s32 $0x80000000, s1  }
0x36f: {  	v7, _, _ =	vpop (xrf0);
	v6 =	vsub.s32 s1, v6  }
0x370: {  	v6 =	vadd.s32 v7, v6  }
0x371: {  	[tilespmem:s0+$0x9000] =	vst v6;
	s0 =	simm.s32 $0x6010  }
0x372: {  	s6 =	simm.s32 $0x5010;
	v6 =	vld [tilespmem:s0+$0xFFFFFFF0]  }
0x373: {  	s24 =	simm.s32 $0x7010;
	v8 =	vld [tilespmem:s6+$0xFFFFFFF0]  }
0x374: {  	s3 =	simm.s32 $0x8010;
	v9 =	vld [tilespmem:s24+$0xFFFFFFF0]  }
0x375: {  	v10 =	vld [tilespmem:s3+$0xFFFFFFF0]  }
0x376: {  	v11 =	vmov s20  }
0x377: {  	v11 =	vand.u32 $0xFFFFFFFE, v11  }
0x378: {  	v11 =	vbroadcast v11, $0x0;
	v12 =	vadd.s32 v8, v6  }
0x379: {  	v7 =	vxor.u32 $0x80000000, v7;
	v12 =	vadd.s32 v9, v12  }
0x37a: {  	(xrf0) =	vmax.scan.msk.u32 $0xffff, v7;
	v7 =	vadd.s32 v10, v12  }
0x37b: {  	(xrf0) =	vadd.scan.msk.s32 $0xffff, v7;
	_ =	sdelay $0x2  }
0x37c: {  	v10 =	vld.idx.msk [tilespmem:v11+s14+$0x0], $0xffff;
	_ =	sdelay $0x1  }
0x37d: {  	v11, _, _ =	vpop (xrf0)  }
0x37e: {  	v63, _, _ =	vpop (xrf0)  }
0x37f: {  	v7 =	vsub.s32 v63, v7  }
0x380: {  	v7 =	vadd.s32 v10, v7  }
0x381: {  	[tilespmem:s6+$0xFFFFFFF0] =	vst v7;
	v7 =	vadd.s32 v8, v7  }
0x382: {  	[tilespmem:s0+$0xFFFFFFF0] =	vst v7;
	v6 =	vadd.s32 v6, v7  }
0x383: {  	[tilespmem:s24+$0xFFFFFFF0] =	vst v6;
	v6 =	vadd.s32 v9, v6  }
0x384: {  	[tilespmem:s3+$0xFFFFFFF0] =	vst v6  }
0x385: {  	v8 =	vld [tilespmem:s6+$0x0]  }
0x386: {  	v7 =	vld [tilespmem:s0+$0x0]  }
0x387: {  	v6 =	vld [tilespmem:s24+$0x0]  }
0x388: {  	(v2sf) =	vpush v11, $0xF;
	v9 =	vld [tilespmem:s3+$0x0];
	_ =	sdelay $0x2  }
0x389: {  	s30 =	simm.s32 $0x1;
	v10 =	vadd.s32 v8, v7  }
0x38a: {  	v11 =	vmov s30;
	v10 =	vadd.s32 v6, v10  }
0x38b: {  	v9 =	vadd.s32 v9, v10  }
0x38c: {  	(xrf0) =	vadd.scan.msk.s32 $0xffff, v9;
	_ =	sdelay $0x2  }
0x38d: {  	v10 =	vld.idx.msk [tilespmem:v11+s14+$0x0], $0xffff;
	_ =	sdelay $0x2  }
0x38e: {  	v11, _, _ =	vpop (xrf0)  }
0x38f: {  	v9 =	vsub.s32 v11, v9  }
0x390: {  	s26 =	simm.s32 $0x2;
	v9 =	vadd.s32 v10, v9  }
0x391: {  	s28 =	simm.s32 $0x8030;
	s20 =	simm.s32 $0x7010;
	s31 =	spop (v2sf);
	[tilespmem:s6+$0x0] =	vst v9;
	v8 =	vadd.s32 v8, v9  }
.LBB2_26:
0x392: {  	s6 =	sadd.s32 $0x20, s6  }
0x393: {  	[tilespmem:s0+$0x0] =	vst v8;
	v7 =	vadd.s32 v7, v8;
	s0 =	sadd.s32 $0x20, s0;
	s24 =	sadd.s32 $0x20, s24;
	s25 =	smov.u32 s26  }
0x394: {  	p0 =	slt.u32 s26, $0xFE;
	s26 =	sadd.s32 $0x2, s26;
	[tilespmem:s20+$0x0] =	vst v7;
	v6 =	vadd.s32 v6, v7;
	s20 =	smov.u32 s24  }
0x395: {  	[tilespmem:s3+$0x0] =	vst v6;
	s3 =	smov.u32 s28  }
0x396: {  	v6 =	vld [tilespmem:s0+$0xFFFFFFF0]  }
0x397: {  	v7 =	vld [tilespmem:s6+$0xFFFFFFF0]  }
0x398: {  	v8 =	vld [tilespmem:s24+$0xFFFFFFF0]  }
0x399: {  	v10 =	vmov s25;
	v9 =	vld [tilespmem:s28+$0xFFFFFFF0]  }
0x39a: {  	v10 =	vand.u32 $0xFFFFFFFE, v10  }
0x39b: {  	v10 =	vbroadcast v10, $0x0  }
0x39c: {  	v11 =	vadd.s32 v7, v6  }
0x39d: {  	v11 =	vadd.s32 v8, v11  }
0x39e: {  	v9 =	vadd.s32 v9, v11  }
0x39f: {  	(xrf0) =	vadd.scan.msk.s32 $0xffff, v9;
	_ =	sdelay $0x1  }
0x3a0: {  	v10 =	vld.idx.msk [tilespmem:v10+s14+$0x0], $0xffff;
	_ =	sdelay $0x3  }
0x3a1: {  	v11, _, _ =	vpop (xrf0)  }
0x3a2: {  	v9 =	vsub.s32 v11, v9  }
0x3a3: {  	v9 =	vadd.s32 v10, v9  }
0x3a4: {  	[tilespmem:s6+$0xFFFFFFF0] =	vst v9;
	v7 =	vadd.s32 v7, v9  }
0x3a5: {  	[tilespmem:s0+$0xFFFFFFF0] =	vst v7;
	v6 =	vadd.s32 v6, v7  }
0x3a6: {  	[tilespmem:s24+$0xFFFFFFF0] =	vst v6;
	v6 =	vadd.s32 v8, v6  }
0x3a7: {  	[tilespmem:s28+$0xFFFFFFF0] =	vst v6;
	v8 =	vld [tilespmem:s28+$0x0]  }
0x3a8: {  	v9 =	vld [tilespmem:s6+$0x0]  }
0x3a9: {  	v7 =	vld [tilespmem:s0+$0x0]  }
0x3aa: {  	v6 =	vld [tilespmem:s24+$0x0];
	_ =	sdelay $0x1  }
0x3ab: {  	s1 =	sadd.s32 $0x1, s25  }
0x3ac: {  	v10 =	vmov s1  }
0x3ad: {  	v11 =	vadd.s32 v9, v7  }
0x3ae: {  	v11 =	vadd.s32 v6, v11  }
0x3af: {  	v8 =	vadd.s32 v8, v11  }
0x3b0: {  	(xrf0) =	vadd.scan.msk.s32 $0xffff, v8  }
0x3b1: {  	v10 =	vld.idx.msk [tilespmem:v10+s14+$0x0], $0xffff;
	_ =	sdelay $0x3  }
.Ltmp16:
0x3b2: {  	(pc) =	sbr.rel @p0 .LBB2_26-.Ltmp16, $4  }
0x3b3: {  	v11, _, _ =	vpop (xrf0)  }
0x3b4: {  	v8 =	vsub.s32 v11, v8  }
0x3b5: {  	v8 =	vadd.s32 v10, v8  }
0x3b6: {  	s25 =	simm.s32 $0x0;
	s28 =	sadd.s32 $0x20, s28;
	[tilespmem:s6+$0x0] =	vst v8;
	v8 =	vadd.s32 v9, v8  }
0x3b7: {  	[tilespmem:s0+$0x0] =	vst v8;
	v7 =	vadd.s32 v7, v8  }
0x3b8: {  	[tilespmem:s20+$0x0] =	vst v7;
	v6 =	vadd.s32 v6, v7  }
0x3b9: {  	[tilespmem:s3+$0x0] =	vst v6  }
.LBB2_28:
0x3ba: {  	v6 =	vmov s25  }
0x3bb: {  	v6 =	vand.u32 $0x7E, v6  }
0x3bc: {  	v6 =	vbroadcast v6, $0x0;
	_ =	sdelay $0x1  }
0x3bd: {  	v7 =	vor.u32 v1, v6;
	_ =	sdelay $0x4  }
0x3be: {  	v8 =	vld.idx.msk [tilespmem:v7+s15+$0x0], $0xffff;
	_ =	sdelay $0x4  }
0x3bf: {  	v9 =	vshrl.u32 v8, $0x4  }
0x3c0: {  	v9 =	vand.u32 $0xFF0, v9  }
0x3c1: {  	v9 =	vor.u32 v0, v9;
	_ =	sdelay $0x4  }
0x3c2: {  	v10 =	vld.idx.msk [tilespmem:v9+s10+$0x0], $0xffff  }
0x3c3: {  	s0 =	sadd.s32 $0x40, s25  }
0x3c4: {  	v11 =	vmov s0  }
0x3c5: {  	v11 =	vand.u32 $0x7E, v11  }
0x3c6: {  	v11 =	vbroadcast v11, $0x0;
	v7 =	vld.idx.msk [tilespmem:v7+s16+$0x0], $0xffff;
	_ =	sdelay $0x1  }
0x3c7: {  	v11 =	vor.u32 v1, v11;
	_ =	sdelay $0x1  }
0x3c8: {  	[tilespmem:v10+s18+$0x0] =	vst.idx.msk $0xffff, v8  }
0x3c9: {  	[tilespmem:v10+s19+$0x0] =	vst.idx.msk $0xffff, v7  }
0x3ca: {  	[tilespmem:v9+s10+$0x0] =	vst.idx.add.s32.msk $0xffff, v4  }
0x3cb: {  	v7 =	vld.idx.msk [tilespmem:v11+s15+$0x0], $0xffff;
	_ =	sdelay $0x4  }
0x3cc: {  	v57 =	vshrl.u32 v7, $0x4  }
0x3cd: {  	v8 =	vand.u32 $0xFF0, v57  }
0x3ce: {  	v8 =	vor.u32 v0, v8;
	_ =	sdelay $0x4  }
0x3cf: {  	v9 =	vld.idx.msk [tilespmem:v8+s11+$0x0], $0xffff;
	_ =	sdelay $0x3  }
0x3d0: {  	v10 =	vld.idx.msk [tilespmem:v11+s16+$0x0], $0xffff;
	_ =	sdelay $0x1  }
0x3d1: {  	v6 =	vor.u32 v5, v6;
	_ =	sdelay $0x1  }
0x3d2: {  	[tilespmem:v9+s18+$0x0] =	vst.idx.msk $0xffff, v7  }
0x3d3: {  	[tilespmem:v9+s19+$0x0] =	vst.idx.msk $0xffff, v10  }
0x3d4: {  	[tilespmem:v8+s11+$0x0] =	vst.idx.add.s32.msk $0xffff, v4  }
0x3d5: {  	v7 =	vld.idx.msk [tilespmem:v6+s15+$0x0], $0xffff;
	_ =	sdelay $0x4  }
0x3d6: {  	v58 =	vshrl.u32 v7, $0x4  }
0x3d7: {  	v8 =	vand.u32 $0xFF0, v58  }
0x3d8: {  	v8 =	vor.u32 v0, v8;
	_ =	sdelay $0x4  }
0x3d9: {  	v9 =	vld.idx.msk [tilespmem:v8+s12+$0x0], $0xffff  }
0x3da: {  	s26 =	sadd.s32 $0xC0, s25  }
0x3db: {  	v59 =	vmov s26  }
0x3dc: {  	v10 =	vand.u32 $0x7E, v59  }
0x3dd: {  	v10 =	vbroadcast v10, $0x0;
	v6 =	vld.idx.msk [tilespmem:v6+s16+$0x0], $0xffff;
	_ =	sdelay $0x1  }
0x3de: {  	v10 =	vor.u32 v5, v10;
	_ =	sdelay $0x1  }
0x3df: {  	[tilespmem:v9+s18+$0x0] =	vst.idx.msk $0xffff, v7  }
0x3e0: {  	[tilespmem:v9+s19+$0x0] =	vst.idx.msk $0xffff, v6  }
0x3e1: {  	[tilespmem:v8+s12+$0x0] =	vst.idx.add.s32.msk $0xffff, v4  }
0x3e2: {  	v6 =	vld.idx.msk [tilespmem:v10+s15+$0x0], $0xffff;
	_ =	sdelay $0x4  }
0x3e3: {  	v7 =	vshrl.u32 v6, $0x4  }
0x3e4: {  	v7 =	vand.u32 $0xFF0, v7  }
0x3e5: {  	v7 =	vor.u32 v0, v7;
	_ =	sdelay $0x4  }
0x3e6: {  	v8 =	vld.idx.msk [tilespmem:v7+s13+$0x0], $0xffff;
	_ =	sdelay $0x3  }
0x3e7: {  	v9 =	vld.idx.msk [tilespmem:v10+s16+$0x0], $0xffff  }
0x3e8: {  	s28 =	sadd.s32 $0x1, s25  }
0x3e9: {  	v60 =	vor.u32 s28, v1;
	_ =	sdelay $0x1  }
0x3ea: {  	[tilespmem:v8+s18+$0x0] =	vst.idx.msk $0xffff, v6  }
0x3eb: {  	[tilespmem:v8+s19+$0x0] =	vst.idx.msk $0xffff, v9  }
0x3ec: {  	[tilespmem:v7+s13+$0x0] =	vst.idx.add.s32.msk $0xffff, v4  }
0x3ed: {  	v6 =	vld.idx.msk [tilespmem:v60+s15+$0x0], $0xffff;
	_ =	sdelay $0x4  }
0x3ee: {  	v7 =	vshrl.u32 v6, $0x4  }
0x3ef: {  	v7 =	vand.u32 $0xFF0, v7  }
0x3f0: {  	v7 =	vor.u32 v0, v7;
	_ =	sdelay $0x4  }
0x3f1: {  	v8 =	vld.idx.msk [tilespmem:v7+s10+$0x0], $0xffff;
	_ =	sdelay $0x3  }
0x3f2: {  	v9 =	vld.idx.msk [tilespmem:v60+s16+$0x0], $0xffff  }
0x3f3: {  	s29 =	sadd.s32 $0x41, s25  }
0x3f4: {  	v61 =	vor.u32 s29, v1;
	_ =	sdelay $0x1  }
0x3f5: {  	[tilespmem:v8+s18+$0x0] =	vst.idx.msk $0xffff, v6  }
0x3f6: {  	[tilespmem:v8+s19+$0x0] =	vst.idx.msk $0xffff, v9  }
0x3f7: {  	[tilespmem:v7+s10+$0x0] =	vst.idx.add.s32.msk $0xffff, v4  }
0x3f8: {  	v6 =	vld.idx.msk [tilespmem:v61+s15+$0x0], $0xffff;
	_ =	sdelay $0x4  }
0x3f9: {  	v7 =	vshrl.u32 v6, $0x4  }
0x3fa: {  	v7 =	vand.u32 $0xFF0, v7  }
0x3fb: {  	v7 =	vor.u32 v0, v7;
	_ =	sdelay $0x4  }
0x3fc: {  	v8 =	vld.idx.msk [tilespmem:v7+s11+$0x0], $0xffff;
	_ =	sdelay $0x3  }
0x3fd: {  	v9 =	vld.idx.msk [tilespmem:v61+s16+$0x0], $0xffff  }
0x3fe: {  	s30 =	sadd.s32 $0x81, s25  }
0x3ff: {  	v62 =	vor.u32 s30, v1;
	_ =	sdelay $0x1  }
0x400: {  	[tilespmem:v8+s18+$0x0] =	vst.idx.msk $0xffff, v6  }
0x401: {  	[tilespmem:v8+s19+$0x0] =	vst.idx.msk $0xffff, v9  }
0x402: {  	[tilespmem:v7+s11+$0x0] =	vst.idx.add.s32.msk $0xffff, v4  }
0x403: {  	v6 =	vld.idx.msk [tilespmem:v62+s15+$0x0], $0xffff;
	_ =	sdelay $0x4  }
0x404: {  	v7 =	vshrl.u32 v6, $0x4  }
0x405: {  	v7 =	vand.u32 $0xFF0, v7  }
0x406: {  	v7 =	vor.u32 v0, v7;
	_ =	sdelay $0x4  }
0x407: {  	v8 =	vld.idx.msk [tilespmem:v7+s12+$0x0], $0xffff;
	_ =	sdelay $0x3  }
0x408: {  	v9 =	vld.idx.msk [tilespmem:v62+s16+$0x0], $0xffff  }
0x409: {  	s31 =	sadd.s32 $0xC1, s25  }
0x40a: {  	v63 =	vor.u32 s31, v1;
	_ =	sdelay $0x1  }
0x40b: {  	[tilespmem:v8+s18+$0x0] =	vst.idx.msk $0xffff, v6  }
0x40c: {  	[tilespmem:v8+s19+$0x0] =	vst.idx.msk $0xffff, v9  }
0x40d: {  	[tilespmem:v7+s12+$0x0] =	vst.idx.add.s32.msk $0xffff, v4  }
0x40e: {  	v6 =	vld.idx.msk [tilespmem:v63+s15+$0x0], $0xffff;
	_ =	sdelay $0x4  }
0x40f: {  	v7 =	vshrl.u32 v6, $0x4  }
0x410: {  	v7 =	vand.u32 $0xFF0, v7  }
0x411: {  	v7 =	vor.u32 v0, v7;
	_ =	sdelay $0x4  }
0x412: {  	v8 =	vld.idx.msk [tilespmem:v7+s13+$0x0], $0xffff;
	_ =	sdelay $0x3  }
0x413: {  	v9 =	vld.idx.msk [tilespmem:v63+s16+$0x0], $0xffff  }
0x414: {  	p0 =	slt.u32 s25, $0x3E  }
.Ltmp17:
0x415: {  	_ = 	snop;
	(pc) =	sbr.rel @p0 .LBB2_28-.Ltmp17, $4  }
0x416: {  	_ = 	snop  }
0x417: {  	[tilespmem:v8+s18+$0x0] =	vst.idx.msk $0xffff, v6  }
0x418: {  	[tilespmem:v8+s19+$0x0] =	vst.idx.msk $0xffff, v9  }
0x419: {  	s25 =	sadd.s32 $0x2, s25;
	[tilespmem:v7+s13+$0x0] =	vst.idx.add.s32.msk $0xffff, v4  }
0x41a: {  	p0 =	seq.s32 s23, $0x2  }
.Ltmp18:
0x41b: {  	_ = 	snop;
	(pc) =	sbr.rel @p0 .LBB2_55-.Ltmp18, $1  }
0x41c: {  	_ =	sdelay $0x3  }
0x41d: {  	s1 =	simm.s32 $0x5020  }
0x41e: {  	s6 =	simm.s32 $0x6020;
	[tilespmem:s1+$0xFFFFFFE0] =	vst v3  }
0x41f: {  	s0 =	simm.s32 $0x7020;
	[tilespmem:s6+$0xFFFFFFE0] =	vst v3  }
0x420: {  	s3 =	simm.s32 $0x8020;
	[tilespmem:s0+$0xFFFFFFE0] =	vst v3  }
0x421: {  	[tilespmem:s3+$0xFFFFFFE0] =	vst v3  }
0x422: {  	[tilespmem:s1+$0xFFFFFFF0] =	vst v3  }
0x423: {  	[tilespmem:s6+$0xFFFFFFF0] =	vst v3  }
0x424: {  	[tilespmem:s0+$0xFFFFFFF0] =	vst v3  }
0x425: {  	[tilespmem:s3+$0xFFFFFFF0] =	vst v3  }
0x426: {  	[tilespmem:s1+$0x0] =	vst v3  }
0x427: {  	[tilespmem:s6+$0x0] =	vst v3  }
0x428: {  	[tilespmem:s0+$0x0] =	vst v3  }
0x429: {  	[tilespmem:s3+$0x0] =	vst v3  }
0x42a: {  	[tilespmem:s1+$0x10] =	vst v3  }
0x42b: {  	[tilespmem:s6+$0x10] =	vst v3  }
0x42c: {  	s20 =	simm.s32 $0x6060;
	s25 =	simm.s32 $0x5060;
	s6 =	simm.s32 $0x0;
	[tilespmem:s0+$0x10] =	vst v3  }
.LBB2_31:
0x42d: {  	s6 =	sadd.s32 $0x4, s6;
	[tilespmem:s3+$0x10] =	vst v3;
	s3 =	sadd.s32 $0x40, s3;
	s0 =	sadd.s32 $0x40, s0  }
0x42e: {  	[tilespmem:s25+$0xFFFFFFE0] =	vst v3;
	p0 =	slt.u32 s6, $0xFC  }
0x42f: {  	[tilespmem:s20+$0xFFFFFFE0] =	vst v3  }
0x430: {  	[tilespmem:s0+$0xFFFFFFE0] =	vst v3  }
0x431: {  	[tilespmem:s3+$0xFFFFFFE0] =	vst v3  }
0x432: {  	[tilespmem:s25+$0xFFFFFFF0] =	vst v3  }
0x433: {  	[tilespmem:s20+$0xFFFFFFF0] =	vst v3  }
0x434: {  	[tilespmem:s0+$0xFFFFFFF0] =	vst v3  }
0x435: {  	[tilespmem:s3+$0xFFFFFFF0] =	vst v3  }
0x436: {  	[tilespmem:s25+$0x0] =	vst v3  }
0x437: {  	[tilespmem:s20+$0x0] =	vst v3  }
.Ltmp19:
0x438: {  	[tilespmem:s0+$0x0] =	vst v3;
	(pc) =	sbr.rel @p0 .LBB2_31-.Ltmp19, $4  }
0x439: {  	[tilespmem:s3+$0x0] =	vst v3  }
0x43a: {  	[tilespmem:s25+$0x10] =	vst v3  }
0x43b: {  	[tilespmem:s20+$0x10] =	vst v3  }
0x43c: {  	s24 =	simm.s32 $0x0;
	s25 =	sadd.s32 $0x40, s25;
	s20 =	sadd.s32 $0x40, s20;
	[tilespmem:s0+$0x10] =	vst v3  }
0x43d: {  	[tilespmem:s3+$0x10] =	vst v3;
	s0 =	simm.s32 $0x0  }
.LBB2_33:
0x43e: {  	v6 =	vmov s0  }
0x43f: {  	v6 =	vand.u32 $0x7E, v6  }
0x440: {  	v6 =	vbroadcast v6, $0x0;
	_ =	sdelay $0x1  }
0x441: {  	v7 =	vor.u32 v1, v6;
	_ =	sdelay $0x4  }
0x442: {  	v7 =	vld.idx.msk [tilespmem:v7+s18+$0x0], $0xffff;
	_ =	sdelay $0x2  }
0x443: {  	s1 =	sadd.s32 $0x40, s0  }
0x444: {  	v8 =	vmov s1  }
0x445: {  	v8 =	vand.u32 $0x7E, v8;
	v7 =	vshrl.u32 v7, $0xC  }
0x446: {  	v8 =	vbroadcast v8, $0x0;
	v7 =	vand.u32 $0xFF0, v7  }
0x447: {  	v7 =	vor.u32 v0, v7  }
0x448: {  	v8 =	vor.u32 v1, v8;
	_ =	sdelay $0x3  }
0x449: {  	[tilespmem:v7+s10+$0x0] =	vst.idx.add.s32.msk $0xffff, v4  }
0x44a: {  	v7 =	vld.idx.msk [tilespmem:v8+s18+$0x0], $0xffff;
	_ =	sdelay $0x4  }
0x44b: {  	v7 =	vshrl.u32 v7, $0xC  }
0x44c: {  	v7 =	vand.u32 $0xFF0, v7  }
0x44d: {  	v7 =	vor.u32 v0, v7  }
0x44e: {  	v6 =	vor.u32 v5, v6;
	_ =	sdelay $0x3  }
0x44f: {  	[tilespmem:v7+s11+$0x0] =	vst.idx.add.s32.msk $0xffff, v4  }
0x450: {  	v6 =	vld.idx.msk [tilespmem:v6+s18+$0x0], $0xffff;
	_ =	sdelay $0x2  }
0x451: {  	s20 =	sadd.s32 $0xC0, s0  }
0x452: {  	v7 =	vmov s20  }
0x453: {  	v7 =	vand.u32 $0x7E, v7;
	v6 =	vshrl.u32 v6, $0xC  }
0x454: {  	v7 =	vbroadcast v7, $0x0;
	v6 =	vand.u32 $0xFF0, v6  }
0x455: {  	v6 =	vor.u32 v0, v6  }
0x456: {  	v7 =	vor.u32 v5, v7;
	_ =	sdelay $0x3  }
0x457: {  	[tilespmem:v6+s12+$0x0] =	vst.idx.add.s32.msk $0xffff, v4  }
0x458: {  	v6 =	vld.idx.msk [tilespmem:v7+s18+$0x0], $0xffff;
	_ =	sdelay $0x4  }
0x459: {  	v6 =	vshrl.u32 v6, $0xC  }
0x45a: {  	v6 =	vand.u32 $0xFF0, v6  }
0x45b: {  	s25 =	sadd.s32 $0x1, s0;
	v6 =	vor.u32 v0, v6  }
0x45c: {  	v7 =	vor.u32 s25, v1;
	_ =	sdelay $0x3  }
0x45d: {  	[tilespmem:v6+s13+$0x0] =	vst.idx.add.s32.msk $0xffff, v4  }
0x45e: {  	v6 =	vld.idx.msk [tilespmem:v7+s18+$0x0], $0xffff;
	_ =	sdelay $0x4  }
0x45f: {  	v6 =	vshrl.u32 v6, $0xC  }
0x460: {  	v6 =	vand.u32 $0xFF0, v6  }
0x461: {  	s26 =	sadd.s32 $0x41, s0;
	v6 =	vor.u32 v0, v6  }
0x462: {  	v7 =	vor.u32 s26, v1;
	_ =	sdelay $0x3  }
0x463: {  	[tilespmem:v6+s10+$0x0] =	vst.idx.add.s32.msk $0xffff, v4  }
0x464: {  	v6 =	vld.idx.msk [tilespmem:v7+s18+$0x0], $0xffff;
	_ =	sdelay $0x4  }
0x465: {  	v6 =	vshrl.u32 v6, $0xC  }
0x466: {  	v6 =	vand.u32 $0xFF0, v6  }
0x467: {  	s30 =	sadd.s32 $0x81, s0;
	v6 =	vor.u32 v0, v6  }
0x468: {  	v7 =	vor.u32 s30, v1;
	_ =	sdelay $0x3  }
0x469: {  	[tilespmem:v6+s11+$0x0] =	vst.idx.add.s32.msk $0xffff, v4  }
0x46a: {  	v6 =	vld.idx.msk [tilespmem:v7+s18+$0x0], $0xffff;
	_ =	sdelay $0x4  }
0x46b: {  	v6 =	vshrl.u32 v6, $0xC  }
0x46c: {  	v6 =	vand.u32 $0xFF0, v6  }
0x46d: {  	s31 =	sadd.s32 $0xC1, s0;
	v6 =	vor.u32 v0, v6  }
0x46e: {  	v7 =	vor.u32 s31, v1;
	_ =	sdelay $0x3  }
0x46f: {  	[tilespmem:v6+s12+$0x0] =	vst.idx.add.s32.msk $0xffff, v4  }
0x470: {  	v6 =	vld.idx.msk [tilespmem:v7+s18+$0x0], $0xffff;
	_ =	sdelay $0x4  }
0x471: {  	v6 =	vshrl.u32 v6, $0xC  }
0x472: {  	v6 =	vand.u32 $0xFF0, v6  }
0x473: {  	p0 =	slt.u32 s0, $0x3E;
	v6 =	vor.u32 v0, v6  }
.Ltmp20:
0x474: {  	_ = 	snop;
	(pc) =	sbr.rel @p0 .LBB2_33-.Ltmp20, $3  }
0x475: {  	_ =	sdelay $0x1  }
0x476: {  	s0 =	sadd.s32 $0x2, s0;
	s28 =	simm.s32 $0x7020  }
0x477: {  	s29 =	simm.s32 $0x8020;
	s25 =	simm.s32 $0x5020;
	s26 =	simm.s32 $0x6020;
	[tilespmem:v6+s13+$0x0] =	vst.idx.add.s32.msk $0xffff, v4  }
0x478: {  	v6 =	vld [tilespmem:s26+$0xFFFFFFE0]  }
0x479: {  	v7 =	vld [tilespmem:s25+$0xFFFFFFE0]  }
0x47a: {  	v8 =	vld [tilespmem:s28+$0xFFFFFFE0]  }
0x47b: {  	v9 =	vld [tilespmem:s29+$0xFFFFFFE0];
	_ =	sdelay $0x2  }
0x47c: {  	v6 =	vadd.s32 v7, v6  }
0x47d: {  	v6 =	vadd.s32 v8, v6  }
0x47e: {  	v6 =	vadd.s32 v9, v6  }
0x47f: {  	(xrf0) =	vadd.scan.msk.s32 $0xffff, v6;
	_ =	sdelay $0x5  }
0x480: {  	v6, _, _ =	vpop (xrf0)  }
0x481: {  	v6 =	vxor.u32 $0x80000000, v6  }
0x482: {  	(xrf0) =	vmax.scan.msk.u32 $0xffff, v6;
	_ =	sdelay $0x5  }
0x483: {  	v6, _, _ =	vpop (xrf0)  }
0x484: {  	(v2sf) =	vpush v6, $0xF;
	_ =	sdelay $0x9  }
0x485: {  	v6 =	vmov s24  }
0x486: {  	v6 =	vand.u32 $0xFFFFFFFC, v6  }
0x487: {  	v6 =	vbroadcast v6, $0x0;
	_ =	sdelay $0x2  }
0x488: {  	s0 =	spop (v2sf)  }
0x489: {  	s0 =	sxor.u32 $0x80000000, s0  }
0x48a: {  	v7 =	vmov s0  }
0x48b: {  	[tilespmem:v6+s14+$0x0] =	vst.idx.msk $0x1, v7  }
0x48c: {  	v6 =	vld [tilespmem:s25+$0xFFFFFFF0]  }
0x48d: {  	v7 =	vld [tilespmem:s26+$0xFFFFFFF0]  }
0x48e: {  	v60 =	vld [tilespmem:s28+$0xFFFFFFF0]  }
0x48f: {  	v61 =	vld [tilespmem:s29+$0xFFFFFFF0];
	_ =	sdelay $0x2  }
0x490: {  	v6 =	vadd.s32 v6, v7  }
0x491: {  	v6 =	vadd.s32 v60, v6  }
0x492: {  	v6 =	vadd.s32 v61, v6  }
0x493: {  	(xrf0) =	vadd.scan.msk.s32 $0xffff, v6;
	_ =	sdelay $0x5  }
0x494: {  	v6, _, _ =	vpop (xrf0)  }
0x495: {  	v6 =	vxor.u32 $0x80000000, v6  }
0x496: {  	(xrf0) =	vmax.scan.msk.u32 $0xffff, v6;
	_ =	sdelay $0x5  }
0x497: {  	v6, _, _ =	vpop (xrf0)  }
0x498: {  	(v2sf) =	vpush v6, $0xF;
	_ =	sdelay $0x8  }
0x499: {  	s6 =	simm.s32 $0x1  }
0x49a: {  	v6 =	vmov s6  }
0x49b: {  	v6 =	vand.u32 $0xFFFFFFFD, v6  }
0x49c: {  	v6 =	vbroadcast v6, $0x0;
	_ =	sdelay $0x2  }
0x49d: {  	s20 =	spop (v2sf)  }
0x49e: {  	s0 =	sxor.u32 $0x80000000, s20  }
0x49f: {  	v7 =	vmov s0  }
0x4a0: {  	[tilespmem:v6+s14+$0x0] =	vst.idx.msk $0x1, v7  }
0x4a1: {  	v6 =	vld [tilespmem:s25+$0x0]  }
0x4a2: {  	v7 =	vld [tilespmem:s26+$0x0]  }
0x4a3: {  	v62 =	vld [tilespmem:s28+$0x0]  }
0x4a4: {  	v63 =	vld [tilespmem:s29+$0x0];
	_ =	sdelay $0x2  }
0x4a5: {  	v6 =	vadd.s32 v6, v7  }
0x4a6: {  	v6 =	vadd.s32 v62, v6  }
0x4a7: {  	v6 =	vadd.s32 v63, v6  }
0x4a8: {  	(xrf0) =	vadd.scan.msk.s32 $0xffff, v6;
	_ =	sdelay $0x5  }
0x4a9: {  	v6, _, _ =	vpop (xrf0)  }
0x4aa: {  	v6 =	vxor.u32 $0x80000000, v6  }
0x4ab: {  	(xrf0) =	vmax.scan.msk.u32 $0xffff, v6;
	_ =	sdelay $0x3  }
0x4ac: {  	s3 =	simm.s32 $0x4;
	s30 =	simm.s32 $0x7020  }
0x4ad: {  	s31 =	simm.s32 $0x8020;
	s6 =	simm.s32 $0x5060;
	s0 =	simm.s32 $0x6020  }
.LBB2_35:
0x4ae: {  	s26 =	sadd.s32 $0x40, s26;
	s28 =	sadd.s32 $0x40, s28;
	s29 =	sadd.s32 $0x40, s29;
	v6, _, _ =	vpop (xrf0)  }
0x4af: {  	p0 =	slt.u32 s3, $0xFC;
	s20 =	smov.u32 s3;
	s3 =	sadd.s32 $0x4, s3;
	(v2sf) =	vpush v6, $0xF  }
0x4b0: {  	_ =	sdelay $0x7  }
0x4b1: {  	s1 =	sadd.s32 $0x2, s24  }
0x4b2: {  	v6 =	vmov s1  }
0x4b3: {  	v6 =	vand.u32 $0xFFFFFFFE, v6  }
0x4b4: {  	v6 =	vbroadcast v6, $0x0;
	_ =	sdelay $0x2  }
0x4b5: {  	s1 =	spop (v2sf)  }
0x4b6: {  	s1 =	sxor.u32 $0x80000000, s1  }
0x4b7: {  	v7 =	vmov s1  }
0x4b8: {  	[tilespmem:v6+s14+$0x0] =	vst.idx.msk $0x1, v7  }
0x4b9: {  	v6 =	vld [tilespmem:s25+$0x10];
	s25 =	smov.u32 s6  }
0x4ba: {  	v7 =	vld [tilespmem:s0+$0x10];
	s0 =	smov.u32 s26  }
0x4bb: {  	v8 =	vld [tilespmem:s30+$0x10];
	s30 =	smov.u32 s28  }
0x4bc: {  	v9 =	vld [tilespmem:s31+$0x10];
	s31 =	smov.u32 s29;
	_ =	sdelay $0x2  }
0x4bd: {  	v6 =	vadd.s32 v6, v7  }
0x4be: {  	v6 =	vadd.s32 v8, v6  }
0x4bf: {  	v6 =	vadd.s32 v9, v6  }
0x4c0: {  	(xrf0) =	vadd.scan.msk.s32 $0xffff, v6;
	_ =	sdelay $0x5  }
0x4c1: {  	v6, _, _ =	vpop (xrf0)  }
0x4c2: {  	v6 =	vxor.u32 $0x80000000, v6  }
0x4c3: {  	(xrf0) =	vmax.scan.msk.u32 $0xffff, v6;
	_ =	sdelay $0x5  }
0x4c4: {  	v6, _, _ =	vpop (xrf0)  }
0x4c5: {  	(v2sf) =	vpush v6, $0xF;
	_ =	sdelay $0x9  }
0x4c6: {  	s1 =	sadd.s32 $0x3, s24;
	s24 =	smov.u32 s20  }
0x4c7: {  	v6 =	vmov s1;
	_ =	sdelay $0x3  }
0x4c8: {  	s1 =	spop (v2sf)  }
0x4c9: {  	s1 =	sxor.u32 $0x80000000, s1  }
0x4ca: {  	v7 =	vmov s1  }
0x4cb: {  	[tilespmem:v6+s14+$0x0] =	vst.idx.msk $0x1, v7  }
0x4cc: {  	v6 =	vld [tilespmem:s26+$0xFFFFFFE0]  }
0x4cd: {  	v7 =	vld [tilespmem:s6+$0xFFFFFFE0]  }
0x4ce: {  	v8 =	vld [tilespmem:s28+$0xFFFFFFE0]  }
0x4cf: {  	v9 =	vld [tilespmem:s29+$0xFFFFFFE0];
	_ =	sdelay $0x2  }
0x4d0: {  	v6 =	vadd.s32 v7, v6  }
0x4d1: {  	v6 =	vadd.s32 v8, v6  }
0x4d2: {  	v6 =	vadd.s32 v9, v6  }
0x4d3: {  	(xrf0) =	vadd.scan.msk.s32 $0xffff, v6;
	_ =	sdelay $0x5  }
0x4d4: {  	v6, _, _ =	vpop (xrf0)  }
0x4d5: {  	v6 =	vxor.u32 $0x80000000, v6  }
0x4d6: {  	(xrf0) =	vmax.scan.msk.u32 $0xffff, v6;
	_ =	sdelay $0x5  }
0x4d7: {  	v6, _, _ =	vpop (xrf0)  }
0x4d8: {  	(v2sf) =	vpush v6, $0xF;
	_ =	sdelay $0x9  }
0x4d9: {  	v6 =	vmov s24  }
0x4da: {  	v6 =	vand.u32 $0xFFFFFFFC, v6  }
0x4db: {  	v6 =	vbroadcast v6, $0x0;
	_ =	sdelay $0x2  }
0x4dc: {  	s1 =	spop (v2sf)  }
0x4dd: {  	s1 =	sxor.u32 $0x80000000, s1  }
0x4de: {  	v7 =	vmov s1  }
0x4df: {  	[tilespmem:v6+s14+$0x0] =	vst.idx.msk $0x1, v7  }
0x4e0: {  	v6 =	vld [tilespmem:s6+$0xFFFFFFF0]  }
0x4e1: {  	v7 =	vld [tilespmem:s26+$0xFFFFFFF0]  }
0x4e2: {  	v8 =	vld [tilespmem:s28+$0xFFFFFFF0]  }
0x4e3: {  	v9 =	vld [tilespmem:s29+$0xFFFFFFF0];
	_ =	sdelay $0x2  }
0x4e4: {  	v6 =	vadd.s32 v6, v7  }
0x4e5: {  	v6 =	vadd.s32 v8, v6  }
0x4e6: {  	v6 =	vadd.s32 v9, v6  }
0x4e7: {  	(xrf0) =	vadd.scan.msk.s32 $0xffff, v6;
	_ =	sdelay $0x5  }
0x4e8: {  	v6, _, _ =	vpop (xrf0)  }
0x4e9: {  	v6 =	vxor.u32 $0x80000000, v6  }
0x4ea: {  	(xrf0) =	vmax.scan.msk.u32 $0xffff, v6;
	_ =	sdelay $0x5  }
0x4eb: {  	v6, _, _ =	vpop (xrf0)  }
0x4ec: {  	(v2sf) =	vpush v6, $0xF;
	_ =	sdelay $0x8  }
0x4ed: {  	s1 =	sadd.s32 $0x1, s24  }
0x4ee: {  	v6 =	vmov s1  }
0x4ef: {  	v6 =	vand.u32 $0xFFFFFFFD, v6  }
0x4f0: {  	v6 =	vbroadcast v6, $0x0;
	_ =	sdelay $0x2  }
0x4f1: {  	s1 =	spop (v2sf)  }
0x4f2: {  	s1 =	sxor.u32 $0x80000000, s1  }
0x4f3: {  	v7 =	vmov s1  }
0x4f4: {  	[tilespmem:v6+s14+$0x0] =	vst.idx.msk $0x1, v7  }
0x4f5: {  	v6 =	vld [tilespmem:s6+$0x0]  }
0x4f6: {  	v7 =	vld [tilespmem:s26+$0x0]  }
0x4f7: {  	v8 =	vld [tilespmem:s28+$0x0]  }
0x4f8: {  	v9 =	vld [tilespmem:s29+$0x0];
	_ =	sdelay $0x2  }
0x4f9: {  	v6 =	vadd.s32 v6, v7  }
0x4fa: {  	v6 =	vadd.s32 v8, v6  }
0x4fb: {  	v6 =	vadd.s32 v9, v6  }
0x4fc: {  	(xrf0) =	vadd.scan.msk.s32 $0xffff, v6;
	_ =	sdelay $0x5  }
0x4fd: {  	v6, _, _ =	vpop (xrf0)  }
0x4fe: {  	v6 =	vxor.u32 $0x80000000, v6  }
0x4ff: {  	(xrf0) =	vmax.scan.msk.u32 $0xffff, v6  }
.Ltmp21:
0x500: {  	(pc) =	sbr.rel @p0 .LBB2_35-.Ltmp21, $2  }
0x501: {  	_ =	sdelay $0x2  }
0x502: {  	s20 =	simm.s32 $0x0;
	s6 =	sadd.s32 $0x40, s6  }
0x503: {  	v6, _, _ =	vpop (xrf0)  }
0x504: {  	(v2sf) =	vpush v6, $0xF;
	_ =	sdelay $0x8  }
0x505: {  	s1 =	sadd.s32 $0x2, s24  }
0x506: {  	v6 =	vmov s1  }
0x507: {  	v6 =	vand.u32 $0xFFFFFFFE, v6  }
0x508: {  	v6 =	vbroadcast v6, $0x0;
	_ =	sdelay $0x2  }
0x509: {  	s28 =	spop (v2sf)  }
0x50a: {  	s1 =	sxor.u32 $0x80000000, s28  }
0x50b: {  	v7 =	vmov s1  }
0x50c: {  	[tilespmem:v6+s14+$0x0] =	vst.idx.msk $0x1, v7  }
0x50d: {  	v6 =	vld [tilespmem:s25+$0x10]  }
0x50e: {  	v7 =	vld [tilespmem:s0+$0x10]  }
0x50f: {  	v8 =	vld [tilespmem:s30+$0x10]  }
0x510: {  	v9 =	vld [tilespmem:s31+$0x10];
	_ =	sdelay $0x2  }
0x511: {  	v6 =	vadd.s32 v6, v7  }
0x512: {  	v6 =	vadd.s32 v8, v6  }
0x513: {  	v6 =	vadd.s32 v9, v6  }
0x514: {  	(xrf0) =	vadd.scan.msk.s32 $0xffff, v6;
	_ =	sdelay $0x5  }
0x515: {  	v6, _, _ =	vpop (xrf0)  }
0x516: {  	v6 =	vxor.u32 $0x80000000, v6  }
0x517: {  	(xrf0) =	vmax.scan.msk.u32 $0xffff, v6;
	_ =	sdelay $0x5  }
0x518: {  	v6, _, _ =	vpop (xrf0)  }
0x519: {  	(v2sf) =	vpush v6, $0xF;
	_ =	sdelay $0xb  }
0x51a: {  	s29 =	sadd.s32 $0x3, s24  }
0x51b: {  	v6 =	vmov s29;
	_ =	sdelay $0x1  }
0x51c: {  	s30 =	spop (v2sf)  }
0x51d: {  	s0 =	sxor.u32 $0x80000000, s30  }
0x51e: {  	v7 =	vmov s0  }
0x51f: {  	s31 =	simm.s32 $0x0;
	[tilespmem:v6+s14+$0x0] =	vst.idx.msk $0x1, v7  }
0x520: {  	v6 =	vld [tilespmem:s31+$0x9000];
	_ =	sdelay $0x4  }
0x521: {  	(xrf0) =	vadd.scan.msk.s32 $0xffff, v6;
	_ =	sdelay $0x5  }
0x522: {  	v7, _, _ =	vpop (xrf0)  }
0x523: {  	v63 =	vxor.u32 $0x80000000, v7  }
0x524: {  	(xrf0) =	vmax.scan.msk.u32 $0xffff, v63;
	_ =	sdelay $0x4  }
0x525: {  	v6 =	vsub.s32 s20, v6  }
0x526: {  	v6 =	vadd.s32 v7, v6;
	v7, _, _ =	vpop (xrf0)  }
0x527: {  	s6 =	simm.s32 $0x80;
	s3 =	simm.s32 $0x0;
	s0 =	simm.s32 $0x10;
	[tilespmem:s31+$0x9000] =	vst v6;
	(v2sf) =	vpush v7, $0xF  }
.LBB2_37:
0x528: {  	p0 =	sne.s32 s6, $0x3C0;
	v6 =	vld [tilespmem:s0+$0x9000];
	_ =	sdelay $0x4  }
0x529: {  	(xrf0) =	vadd.scan.msk.s32 $0xffff, v6;
	_ =	sdelay $0x5  }
0x52a: {  	v7, _, _ =	vpop (xrf0)  }
0x52b: {  	v8 =	vxor.u32 $0x80000000, v7  }
0x52c: {  	(xrf0) =	vmax.scan.msk.u32 $0xffff, v8  }
0x52d: {  	s1 =	spop (v2sf)  }
0x52e: {  	s1 =	sadd.s32 s1, s3  }
.Ltmp22:
0x52f: {  	s3 =	sadd.s32 $0x80000000, s1;
	(pc) =	sbr.rel @p0 .LBB2_37-.Ltmp22, $4  }
0x530: {  	v8 =	vsub.s32 s3, v6  }
0x531: {  	v7 =	vadd.s32 v7, v8  }
0x532: {  	[tilespmem:s0+$0x9000] =	vst v7;
	v6, _, _ =	vpop (xrf0)  }
0x533: {  	s0 =	sshra.s32 s6, $0x2;
	s6 =	sadd.s32 $0x40, s6;
	(v2sf) =	vpush v6, $0xF  }
0x534: {  	_ =	sdelay $0x5  }
0x535: {  	v6 =	vld [tilespmem:s0+$0x9000];
	_ =	sdelay $0x4  }
0x536: {  	(xrf0) =	vadd.scan.msk.s32 $0xffff, v6;
	_ =	sdelay $0x2  }
0x537: {  	s1 =	spop (v2sf)  }
0x538: {  	s1 =	sadd.s32 s1, s3  }
0x539: {  	s1 =	sadd.s32 $0x80000000, s1  }
0x53a: {  	v7, _, _ =	vpop (xrf0);
	v6 =	vsub.s32 s1, v6  }
0x53b: {  	v6 =	vadd.s32 v7, v6  }
0x53c: {  	[tilespmem:s0+$0x9000] =	vst v6;
	s0 =	simm.s32 $0x6010  }
0x53d: {  	s6 =	simm.s32 $0x5010;
	v6 =	vld [tilespmem:s0+$0xFFFFFFF0]  }
0x53e: {  	s24 =	simm.s32 $0x7010;
	v8 =	vld [tilespmem:s6+$0xFFFFFFF0]  }
0x53f: {  	s3 =	simm.s32 $0x8010;
	v9 =	vld [tilespmem:s24+$0xFFFFFFF0]  }
0x540: {  	v10 =	vld [tilespmem:s3+$0xFFFFFFF0]  }
0x541: {  	v11 =	vmov s20  }
0x542: {  	v11 =	vand.u32 $0xFFFFFFFE, v11  }
0x543: {  	v11 =	vbroadcast v11, $0x0;
	v12 =	vadd.s32 v8, v6  }
0x544: {  	v7 =	vxor.u32 $0x80000000, v7;
	v12 =	vadd.s32 v9, v12  }
0x545: {  	(xrf0) =	vmax.scan.msk.u32 $0xffff, v7;
	v7 =	vadd.s32 v10, v12  }
0x546: {  	(xrf0) =	vadd.scan.msk.s32 $0xffff, v7;
	_ =	sdelay $0x2  }
0x547: {  	v10 =	vld.idx.msk [tilespmem:v11+s14+$0x0], $0xffff;
	_ =	sdelay $0x1  }
0x548: {  	v11, _, _ =	vpop (xrf0)  }
0x549: {  	v63, _, _ =	vpop (xrf0)  }
0x54a: {  	v7 =	vsub.s32 v63, v7  }
0x54b: {  	v7 =	vadd.s32 v10, v7  }
0x54c: {  	[tilespmem:s6+$0xFFFFFFF0] =	vst v7;
	v7 =	vadd.s32 v8, v7  }
0x54d: {  	[tilespmem:s0+$0xFFFFFFF0] =	vst v7;
	v6 =	vadd.s32 v6, v7  }
0x54e: {  	[tilespmem:s24+$0xFFFFFFF0] =	vst v6;
	v6 =	vadd.s32 v9, v6  }
0x54f: {  	[tilespmem:s3+$0xFFFFFFF0] =	vst v6  }
0x550: {  	v8 =	vld [tilespmem:s6+$0x0]  }
0x551: {  	v7 =	vld [tilespmem:s0+$0x0]  }
0x552: {  	v6 =	vld [tilespmem:s24+$0x0]  }
0x553: {  	(v2sf) =	vpush v11, $0xF;
	v9 =	vld [tilespmem:s3+$0x0];
	_ =	sdelay $0x2  }
0x554: {  	s30 =	simm.s32 $0x1;
	v10 =	vadd.s32 v8, v7  }
0x555: {  	v11 =	vmov s30;
	v10 =	vadd.s32 v6, v10  }
0x556: {  	v9 =	vadd.s32 v9, v10  }
0x557: {  	(xrf0) =	vadd.scan.msk.s32 $0xffff, v9;
	_ =	sdelay $0x2  }
0x558: {  	v10 =	vld.idx.msk [tilespmem:v11+s14+$0x0], $0xffff;
	_ =	sdelay $0x2  }
0x559: {  	v11, _, _ =	vpop (xrf0)  }
0x55a: {  	v9 =	vsub.s32 v11, v9  }
0x55b: {  	s26 =	simm.s32 $0x2;
	v9 =	vadd.s32 v10, v9  }
0x55c: {  	s28 =	simm.s32 $0x8030;
	s20 =	simm.s32 $0x7010;
	s31 =	spop (v2sf);
	[tilespmem:s6+$0x0] =	vst v9;
	v8 =	vadd.s32 v8, v9  }
.LBB2_39:
0x55d: {  	s6 =	sadd.s32 $0x20, s6  }
0x55e: {  	[tilespmem:s0+$0x0] =	vst v8;
	v7 =	vadd.s32 v7, v8;
	s0 =	sadd.s32 $0x20, s0;
	s24 =	sadd.s32 $0x20, s24;
	s25 =	smov.u32 s26  }
0x55f: {  	p0 =	slt.u32 s26, $0xFE;
	s26 =	sadd.s32 $0x2, s26;
	[tilespmem:s20+$0x0] =	vst v7;
	v6 =	vadd.s32 v6, v7;
	s20 =	smov.u32 s24  }
0x560: {  	[tilespmem:s3+$0x0] =	vst v6;
	s3 =	smov.u32 s28  }
0x561: {  	v6 =	vld [tilespmem:s0+$0xFFFFFFF0]  }
0x562: {  	v7 =	vld [tilespmem:s6+$0xFFFFFFF0]  }
0x563: {  	v8 =	vld [tilespmem:s24+$0xFFFFFFF0]  }
0x564: {  	v10 =	vmov s25;
	v9 =	vld [tilespmem:s28+$0xFFFFFFF0]  }
0x565: {  	v10 =	vand.u32 $0xFFFFFFFE, v10  }
0x566: {  	v10 =	vbroadcast v10, $0x0  }
0x567: {  	v11 =	vadd.s32 v7, v6  }
0x568: {  	v11 =	vadd.s32 v8, v11  }
0x569: {  	v9 =	vadd.s32 v9, v11  }
0x56a: {  	(xrf0) =	vadd.scan.msk.s32 $0xffff, v9;
	_ =	sdelay $0x1  }
0x56b: {  	v10 =	vld.idx.msk [tilespmem:v10+s14+$0x0], $0xffff;
	_ =	sdelay $0x3  }
0x56c: {  	v11, _, _ =	vpop (xrf0)  }
0x56d: {  	v9 =	vsub.s32 v11, v9  }
0x56e: {  	v9 =	vadd.s32 v10, v9  }
0x56f: {  	[tilespmem:s6+$0xFFFFFFF0] =	vst v9;
	v7 =	vadd.s32 v7, v9  }
0x570: {  	[tilespmem:s0+$0xFFFFFFF0] =	vst v7;
	v6 =	vadd.s32 v6, v7  }
0x571: {  	[tilespmem:s24+$0xFFFFFFF0] =	vst v6;
	v6 =	vadd.s32 v8, v6  }
0x572: {  	[tilespmem:s28+$0xFFFFFFF0] =	vst v6;
	v8 =	vld [tilespmem:s28+$0x0]  }
0x573: {  	v9 =	vld [tilespmem:s6+$0x0]  }
0x574: {  	v7 =	vld [tilespmem:s0+$0x0]  }
0x575: {  	v6 =	vld [tilespmem:s24+$0x0];
	_ =	sdelay $0x1  }
0x576: {  	s1 =	sadd.s32 $0x1, s25  }
0x577: {  	v10 =	vmov s1  }
0x578: {  	v11 =	vadd.s32 v9, v7  }
0x579: {  	v11 =	vadd.s32 v6, v11  }
0x57a: {  	v8 =	vadd.s32 v8, v11  }
0x57b: {  	(xrf0) =	vadd.scan.msk.s32 $0xffff, v8  }
0x57c: {  	v10 =	vld.idx.msk [tilespmem:v10+s14+$0x0], $0xffff;
	_ =	sdelay $0x3  }
.Ltmp23:
0x57d: {  	(pc) =	sbr.rel @p0 .LBB2_39-.Ltmp23, $4  }
0x57e: {  	v11, _, _ =	vpop (xrf0)  }
0x57f: {  	v8 =	vsub.s32 v11, v8  }
0x580: {  	v8 =	vadd.s32 v10, v8  }
0x581: {  	s25 =	simm.s32 $0x0;
	s28 =	sadd.s32 $0x20, s28;
	[tilespmem:s6+$0x0] =	vst v8;
	v8 =	vadd.s32 v9, v8  }
0x582: {  	[tilespmem:s0+$0x0] =	vst v8;
	v7 =	vadd.s32 v7, v8  }
0x583: {  	[tilespmem:s20+$0x0] =	vst v7;
	v6 =	vadd.s32 v6, v7  }
0x584: {  	[tilespmem:s3+$0x0] =	vst v6  }
.LBB2_41:
0x585: {  	v6 =	vmov s25  }
0x586: {  	v6 =	vand.u32 $0x7E, v6  }
0x587: {  	v6 =	vbroadcast v6, $0x0;
	_ =	sdelay $0x1  }
0x588: {  	v7 =	vor.u32 v1, v6;
	_ =	sdelay $0x4  }
0x589: {  	v8 =	vld.idx.msk [tilespmem:v7+s18+$0x0], $0xffff;
	_ =	sdelay $0x4  }
0x58a: {  	v9 =	vshrl.u32 v8, $0xC  }
0x58b: {  	v9 =	vand.u32 $0xFF0, v9  }
0x58c: {  	v9 =	vor.u32 v0, v9;
	_ =	sdelay $0x4  }
0x58d: {  	v10 =	vld.idx.msk [tilespmem:v9+s10+$0x0], $0xffff  }
0x58e: {  	s0 =	sadd.s32 $0x40, s25  }
0x58f: {  	v11 =	vmov s0  }
0x590: {  	v11 =	vand.u32 $0x7E, v11  }
0x591: {  	v11 =	vbroadcast v11, $0x0;
	v7 =	vld.idx.msk [tilespmem:v7+s19+$0x0], $0xffff;
	_ =	sdelay $0x1  }
0x592: {  	v11 =	vor.u32 v1, v11;
	_ =	sdelay $0x1  }
0x593: {  	[tilespmem:v10+s15+$0x0] =	vst.idx.msk $0xffff, v8  }
0x594: {  	[tilespmem:v10+s16+$0x0] =	vst.idx.msk $0xffff, v7  }
0x595: {  	[tilespmem:v9+s10+$0x0] =	vst.idx.add.s32.msk $0xffff, v4  }
0x596: {  	v7 =	vld.idx.msk [tilespmem:v11+s18+$0x0], $0xffff;
	_ =	sdelay $0x4  }
0x597: {  	v57 =	vshrl.u32 v7, $0xC  }
0x598: {  	v8 =	vand.u32 $0xFF0, v57  }
0x599: {  	v8 =	vor.u32 v0, v8;
	_ =	sdelay $0x4  }
0x59a: {  	v9 =	vld.idx.msk [tilespmem:v8+s11+$0x0], $0xffff;
	_ =	sdelay $0x3  }
0x59b: {  	v10 =	vld.idx.msk [tilespmem:v11+s19+$0x0], $0xffff;
	_ =	sdelay $0x1  }
0x59c: {  	v6 =	vor.u32 v5, v6;
	_ =	sdelay $0x1  }
0x59d: {  	[tilespmem:v9+s15+$0x0] =	vst.idx.msk $0xffff, v7  }
0x59e: {  	[tilespmem:v9+s16+$0x0] =	vst.idx.msk $0xffff, v10  }
0x59f: {  	[tilespmem:v8+s11+$0x0] =	vst.idx.add.s32.msk $0xffff, v4  }
0x5a0: {  	v7 =	vld.idx.msk [tilespmem:v6+s18+$0x0], $0xffff;
	_ =	sdelay $0x4  }
0x5a1: {  	v58 =	vshrl.u32 v7, $0xC  }
0x5a2: {  	v8 =	vand.u32 $0xFF0, v58  }
0x5a3: {  	v8 =	vor.u32 v0, v8;
	_ =	sdelay $0x4  }
0x5a4: {  	v9 =	vld.idx.msk [tilespmem:v8+s12+$0x0], $0xffff  }
0x5a5: {  	s26 =	sadd.s32 $0xC0, s25  }
0x5a6: {  	v59 =	vmov s26  }
0x5a7: {  	v10 =	vand.u32 $0x7E, v59  }
0x5a8: {  	v10 =	vbroadcast v10, $0x0;
	v6 =	vld.idx.msk [tilespmem:v6+s19+$0x0], $0xffff;
	_ =	sdelay $0x1  }
0x5a9: {  	v10 =	vor.u32 v5, v10;
	_ =	sdelay $0x1  }
0x5aa: {  	[tilespmem:v9+s15+$0x0] =	vst.idx.msk $0xffff, v7  }
0x5ab: {  	[tilespmem:v9+s16+$0x0] =	vst.idx.msk $0xffff, v6  }
0x5ac: {  	[tilespmem:v8+s12+$0x0] =	vst.idx.add.s32.msk $0xffff, v4  }
0x5ad: {  	v6 =	vld.idx.msk [tilespmem:v10+s18+$0x0], $0xffff;
	_ =	sdelay $0x4  }
0x5ae: {  	v7 =	vshrl.u32 v6, $0xC  }
0x5af: {  	v7 =	vand.u32 $0xFF0, v7  }
0x5b0: {  	v7 =	vor.u32 v0, v7;
	_ =	sdelay $0x4  }
0x5b1: {  	v8 =	vld.idx.msk [tilespmem:v7+s13+$0x0], $0xffff;
	_ =	sdelay $0x3  }
0x5b2: {  	v9 =	vld.idx.msk [tilespmem:v10+s19+$0x0], $0xffff  }
0x5b3: {  	s28 =	sadd.s32 $0x1, s25  }
0x5b4: {  	v60 =	vor.u32 s28, v1;
	_ =	sdelay $0x1  }
0x5b5: {  	[tilespmem:v8+s15+$0x0] =	vst.idx.msk $0xffff, v6  }
0x5b6: {  	[tilespmem:v8+s16+$0x0] =	vst.idx.msk $0xffff, v9  }
0x5b7: {  	[tilespmem:v7+s13+$0x0] =	vst.idx.add.s32.msk $0xffff, v4  }
0x5b8: {  	v6 =	vld.idx.msk [tilespmem:v60+s18+$0x0], $0xffff;
	_ =	sdelay $0x4  }
0x5b9: {  	v7 =	vshrl.u32 v6, $0xC  }
0x5ba: {  	v7 =	vand.u32 $0xFF0, v7  }
0x5bb: {  	v7 =	vor.u32 v0, v7;
	_ =	sdelay $0x4  }
0x5bc: {  	v8 =	vld.idx.msk [tilespmem:v7+s10+$0x0], $0xffff;
	_ =	sdelay $0x3  }
0x5bd: {  	v9 =	vld.idx.msk [tilespmem:v60+s19+$0x0], $0xffff  }
0x5be: {  	s29 =	sadd.s32 $0x41, s25  }
0x5bf: {  	v61 =	vor.u32 s29, v1;
	_ =	sdelay $0x1  }
0x5c0: {  	[tilespmem:v8+s15+$0x0] =	vst.idx.msk $0xffff, v6  }
0x5c1: {  	[tilespmem:v8+s16+$0x0] =	vst.idx.msk $0xffff, v9  }
0x5c2: {  	[tilespmem:v7+s10+$0x0] =	vst.idx.add.s32.msk $0xffff, v4  }
0x5c3: {  	v6 =	vld.idx.msk [tilespmem:v61+s18+$0x0], $0xffff;
	_ =	sdelay $0x4  }
0x5c4: {  	v7 =	vshrl.u32 v6, $0xC  }
0x5c5: {  	v7 =	vand.u32 $0xFF0, v7  }
0x5c6: {  	v7 =	vor.u32 v0, v7;
	_ =	sdelay $0x4  }
0x5c7: {  	v8 =	vld.idx.msk [tilespmem:v7+s11+$0x0], $0xffff;
	_ =	sdelay $0x3  }
0x5c8: {  	v9 =	vld.idx.msk [tilespmem:v61+s19+$0x0], $0xffff  }
0x5c9: {  	s30 =	sadd.s32 $0x81, s25  }
0x5ca: {  	v62 =	vor.u32 s30, v1;
	_ =	sdelay $0x1  }
0x5cb: {  	[tilespmem:v8+s15+$0x0] =	vst.idx.msk $0xffff, v6  }
0x5cc: {  	[tilespmem:v8+s16+$0x0] =	vst.idx.msk $0xffff, v9  }
0x5cd: {  	[tilespmem:v7+s11+$0x0] =	vst.idx.add.s32.msk $0xffff, v4  }
0x5ce: {  	v6 =	vld.idx.msk [tilespmem:v62+s18+$0x0], $0xffff;
	_ =	sdelay $0x4  }
0x5cf: {  	v7 =	vshrl.u32 v6, $0xC  }
0x5d0: {  	v7 =	vand.u32 $0xFF0, v7  }
0x5d1: {  	v7 =	vor.u32 v0, v7;
	_ =	sdelay $0x4  }
0x5d2: {  	v8 =	vld.idx.msk [tilespmem:v7+s12+$0x0], $0xffff;
	_ =	sdelay $0x3  }
0x5d3: {  	v9 =	vld.idx.msk [tilespmem:v62+s19+$0x0], $0xffff  }
0x5d4: {  	s31 =	sadd.s32 $0xC1, s25  }
0x5d5: {  	v63 =	vor.u32 s31, v1;
	_ =	sdelay $0x1  }
0x5d6: {  	[tilespmem:v8+s15+$0x0] =	vst.idx.msk $0xffff, v6  }
0x5d7: {  	[tilespmem:v8+s16+$0x0] =	vst.idx.msk $0xffff, v9  }
0x5d8: {  	[tilespmem:v7+s12+$0x0] =	vst.idx.add.s32.msk $0xffff, v4  }
0x5d9: {  	v6 =	vld.idx.msk [tilespmem:v63+s18+$0x0], $0xffff;
	_ =	sdelay $0x4  }
0x5da: {  	v7 =	vshrl.u32 v6, $0xC  }
0x5db: {  	v7 =	vand.u32 $0xFF0, v7  }
0x5dc: {  	v7 =	vor.u32 v0, v7;
	_ =	sdelay $0x4  }
0x5dd: {  	v8 =	vld.idx.msk [tilespmem:v7+s13+$0x0], $0xffff;
	_ =	sdelay $0x3  }
0x5de: {  	v9 =	vld.idx.msk [tilespmem:v63+s19+$0x0], $0xffff  }
0x5df: {  	p0 =	slt.u32 s25, $0x3E  }
.Ltmp24:
0x5e0: {  	_ = 	snop;
	(pc) =	sbr.rel @p0 .LBB2_41-.Ltmp24, $4  }
0x5e1: {  	_ = 	snop  }
0x5e2: {  	[tilespmem:v8+s15+$0x0] =	vst.idx.msk $0xffff, v6  }
0x5e3: {  	[tilespmem:v8+s16+$0x0] =	vst.idx.msk $0xffff, v9  }
0x5e4: {  	s25 =	sadd.s32 $0x2, s25;
	[tilespmem:v7+s13+$0x0] =	vst.idx.add.s32.msk $0xffff, v4  }
0x5e5: {  	p0 =	slt.u32 s23, $0x4  }
.Ltmp25:
0x5e6: {  	_ = 	snop;
	(pc) =	sbr.rel @p0 .LBB2_59-.Ltmp25, $1  }
0x5e7: {  	_ =	sdelay $0x3  }
0x5e8: {  	s1 =	simm.s32 $0x5020  }
0x5e9: {  	s6 =	simm.s32 $0x6020;
	[tilespmem:s1+$0xFFFFFFE0] =	vst v3  }
0x5ea: {  	s0 =	simm.s32 $0x7020;
	[tilespmem:s6+$0xFFFFFFE0] =	vst v3  }
0x5eb: {  	s3 =	simm.s32 $0x8020;
	[tilespmem:s0+$0xFFFFFFE0] =	vst v3  }
0x5ec: {  	[tilespmem:s3+$0xFFFFFFE0] =	vst v3  }
0x5ed: {  	[tilespmem:s1+$0xFFFFFFF0] =	vst v3  }
0x5ee: {  	[tilespmem:s6+$0xFFFFFFF0] =	vst v3  }
0x5ef: {  	[tilespmem:s0+$0xFFFFFFF0] =	vst v3  }
0x5f0: {  	[tilespmem:s3+$0xFFFFFFF0] =	vst v3  }
0x5f1: {  	[tilespmem:s1+$0x0] =	vst v3  }
0x5f2: {  	[tilespmem:s6+$0x0] =	vst v3  }
0x5f3: {  	[tilespmem:s0+$0x0] =	vst v3  }
0x5f4: {  	[tilespmem:s3+$0x0] =	vst v3  }
0x5f5: {  	[tilespmem:s1+$0x10] =	vst v3  }
0x5f6: {  	[tilespmem:s6+$0x10] =	vst v3  }
0x5f7: {  	s20 =	simm.s32 $0x6060;
	s24 =	simm.s32 $0x5060;
	s6 =	simm.s32 $0x0;
	[tilespmem:s0+$0x10] =	vst v3  }
.LBB2_44:
0x5f8: {  	s6 =	sadd.s32 $0x4, s6;
	[tilespmem:s3+$0x10] =	vst v3;
	s3 =	sadd.s32 $0x40, s3;
	s0 =	sadd.s32 $0x40, s0  }
0x5f9: {  	[tilespmem:s24+$0xFFFFFFE0] =	vst v3;
	p0 =	slt.u32 s6, $0xFC  }
0x5fa: {  	[tilespmem:s20+$0xFFFFFFE0] =	vst v3  }
0x5fb: {  	[tilespmem:s0+$0xFFFFFFE0] =	vst v3  }
0x5fc: {  	[tilespmem:s3+$0xFFFFFFE0] =	vst v3  }
0x5fd: {  	[tilespmem:s24+$0xFFFFFFF0] =	vst v3  }
0x5fe: {  	[tilespmem:s20+$0xFFFFFFF0] =	vst v3  }
0x5ff: {  	[tilespmem:s0+$0xFFFFFFF0] =	vst v3  }
0x600: {  	[tilespmem:s3+$0xFFFFFFF0] =	vst v3  }
0x601: {  	[tilespmem:s24+$0x0] =	vst v3  }
0x602: {  	[tilespmem:s20+$0x0] =	vst v3  }
.Ltmp26:
0x603: {  	[tilespmem:s0+$0x0] =	vst v3;
	(pc) =	sbr.rel @p0 .LBB2_44-.Ltmp26, $4  }
0x604: {  	[tilespmem:s3+$0x0] =	vst v3  }
0x605: {  	[tilespmem:s24+$0x10] =	vst v3  }
0x606: {  	[tilespmem:s20+$0x10] =	vst v3  }
0x607: {  	s23 =	simm.s32 $0x0;
	s24 =	sadd.s32 $0x40, s24;
	s20 =	sadd.s32 $0x40, s20;
	[tilespmem:s0+$0x10] =	vst v3  }
0x608: {  	[tilespmem:s3+$0x10] =	vst v3;
	s0 =	simm.s32 $0x0  }
.LBB2_46:
0x609: {  	v6 =	vmov s0  }
0x60a: {  	v6 =	vand.u32 $0x7E, v6  }
0x60b: {  	v6 =	vbroadcast v6, $0x0;
	_ =	sdelay $0x1  }
0x60c: {  	v7 =	vor.u32 v1, v6;
	_ =	sdelay $0x4  }
0x60d: {  	v7 =	vld.idx.msk [tilespmem:v7+s15+$0x0], $0xffff;
	_ =	sdelay $0x2  }
0x60e: {  	s1 =	sadd.s32 $0x40, s0  }
0x60f: {  	v8 =	vmov s1  }
0x610: {  	v8 =	vand.u32 $0x7E, v8;
	v7 =	vshrl.u32 v7, $0x14  }
0x611: {  	v8 =	vbroadcast v8, $0x0;
	v7 =	vand.u32 $0xFF0, v7  }
0x612: {  	v7 =	vor.u32 v0, v7  }
0x613: {  	v8 =	vor.u32 v1, v8;
	_ =	sdelay $0x3  }
0x614: {  	[tilespmem:v7+s10+$0x0] =	vst.idx.add.s32.msk $0xffff, v4  }
0x615: {  	v7 =	vld.idx.msk [tilespmem:v8+s15+$0x0], $0xffff;
	_ =	sdelay $0x4  }
0x616: {  	v7 =	vshrl.u32 v7, $0x14  }
0x617: {  	v7 =	vand.u32 $0xFF0, v7  }
0x618: {  	v7 =	vor.u32 v0, v7  }
0x619: {  	v6 =	vor.u32 v5, v6;
	_ =	sdelay $0x3  }
0x61a: {  	[tilespmem:v7+s11+$0x0] =	vst.idx.add.s32.msk $0xffff, v4  }
0x61b: {  	v6 =	vld.idx.msk [tilespmem:v6+s15+$0x0], $0xffff;
	_ =	sdelay $0x2  }
0x61c: {  	s25 =	sadd.s32 $0xC0, s0  }
0x61d: {  	v7 =	vmov s25  }
0x61e: {  	v7 =	vand.u32 $0x7E, v7;
	v6 =	vshrl.u32 v6, $0x14  }
0x61f: {  	v7 =	vbroadcast v7, $0x0;
	v6 =	vand.u32 $0xFF0, v6  }
0x620: {  	v6 =	vor.u32 v0, v6  }
0x621: {  	v7 =	vor.u32 v5, v7;
	_ =	sdelay $0x3  }
0x622: {  	[tilespmem:v6+s12+$0x0] =	vst.idx.add.s32.msk $0xffff, v4  }
0x623: {  	v6 =	vld.idx.msk [tilespmem:v7+s15+$0x0], $0xffff;
	_ =	sdelay $0x4  }
0x624: {  	v6 =	vshrl.u32 v6, $0x14  }
0x625: {  	v6 =	vand.u32 $0xFF0, v6  }
0x626: {  	s26 =	sadd.s32 $0x1, s0;
	v6 =	vor.u32 v0, v6  }
0x627: {  	v7 =	vor.u32 s26, v1;
	_ =	sdelay $0x3  }
0x628: {  	[tilespmem:v6+s13+$0x0] =	vst.idx.add.s32.msk $0xffff, v4  }
0x629: {  	v6 =	vld.idx.msk [tilespmem:v7+s15+$0x0], $0xffff;
	_ =	sdelay $0x4  }
0x62a: {  	v6 =	vshrl.u32 v6, $0x14  }
0x62b: {  	v6 =	vand.u32 $0xFF0, v6  }
0x62c: {  	s29 =	sadd.s32 $0x41, s0;
	v6 =	vor.u32 v0, v6  }
0x62d: {  	v7 =	vor.u32 s29, v1;
	_ =	sdelay $0x3  }
0x62e: {  	[tilespmem:v6+s10+$0x0] =	vst.idx.add.s32.msk $0xffff, v4  }
0x62f: {  	v6 =	vld.idx.msk [tilespmem:v7+s15+$0x0], $0xffff;
	_ =	sdelay $0x4  }
0x630: {  	v6 =	vshrl.u32 v6, $0x14  }
0x631: {  	v6 =	vand.u32 $0xFF0, v6  }
0x632: {  	s30 =	sadd.s32 $0x81, s0;
	v6 =	vor.u32 v0, v6  }
0x633: {  	v7 =	vor.u32 s30, v1;
	_ =	sdelay $0x3  }
0x634: {  	[tilespmem:v6+s11+$0x0] =	vst.idx.add.s32.msk $0xffff, v4  }
0x635: {  	v6 =	vld.idx.msk [tilespmem:v7+s15+$0x0], $0xffff;
	_ =	sdelay $0x4  }
0x636: {  	v6 =	vshrl.u32 v6, $0x14  }
0x637: {  	v6 =	vand.u32 $0xFF0, v6  }
0x638: {  	s31 =	sadd.s32 $0xC1, s0;
	v6 =	vor.u32 v0, v6  }
0x639: {  	v7 =	vor.u32 s31, v1;
	_ =	sdelay $0x3  }
0x63a: {  	[tilespmem:v6+s12+$0x0] =	vst.idx.add.s32.msk $0xffff, v4  }
0x63b: {  	v6 =	vld.idx.msk [tilespmem:v7+s15+$0x0], $0xffff;
	_ =	sdelay $0x4  }
0x63c: {  	v6 =	vshrl.u32 v6, $0x14  }
0x63d: {  	v6 =	vand.u32 $0xFF0, v6  }
0x63e: {  	p0 =	slt.u32 s0, $0x3E;
	v6 =	vor.u32 v0, v6  }
.Ltmp27:
0x63f: {  	_ = 	snop;
	(pc) =	sbr.rel @p0 .LBB2_46-.Ltmp27, $3  }
0x640: {  	_ =	sdelay $0x1  }
0x641: {  	s0 =	sadd.s32 $0x2, s0;
	s28 =	simm.s32 $0x8020  }
0x642: {  	s24 =	simm.s32 $0x5020;
	s25 =	simm.s32 $0x6020;
	s26 =	simm.s32 $0x7020;
	[tilespmem:v6+s13+$0x0] =	vst.idx.add.s32.msk $0xffff, v4  }
0x643: {  	v6 =	vld [tilespmem:s25+$0xFFFFFFE0]  }
0x644: {  	v7 =	vld [tilespmem:s24+$0xFFFFFFE0]  }
0x645: {  	v8 =	vld [tilespmem:s26+$0xFFFFFFE0]  }
0x646: {  	v9 =	vld [tilespmem:s28+$0xFFFFFFE0];
	_ =	sdelay $0x2  }
0x647: {  	v6 =	vadd.s32 v7, v6  }
0x648: {  	v6 =	vadd.s32 v8, v6  }
0x649: {  	v6 =	vadd.s32 v9, v6  }
0x64a: {  	(xrf0) =	vadd.scan.msk.s32 $0xffff, v6;
	_ =	sdelay $0x5  }
0x64b: {  	v6, _, _ =	vpop (xrf0)  }
0x64c: {  	v6 =	vxor.u32 $0x80000000, v6  }
0x64d: {  	(xrf0) =	vmax.scan.msk.u32 $0xffff, v6;
	_ =	sdelay $0x5  }
0x64e: {  	v6, _, _ =	vpop (xrf0)  }
0x64f: {  	(v2sf) =	vpush v6, $0xF;
	_ =	sdelay $0x9  }
0x650: {  	v6 =	vmov s23  }
0x651: {  	v6 =	vand.u32 $0xFFFFFFFC, v6  }
0x652: {  	v6 =	vbroadcast v6, $0x0;
	_ =	sdelay $0x2  }
0x653: {  	s0 =	spop (v2sf)  }
0x654: {  	s0 =	sxor.u32 $0x80000000, s0  }
0x655: {  	v7 =	vmov s0  }
0x656: {  	[tilespmem:v6+s14+$0x0] =	vst.idx.msk $0x1, v7  }
0x657: {  	v6 =	vld [tilespmem:s24+$0xFFFFFFF0]  }
0x658: {  	v7 =	vld [tilespmem:s25+$0xFFFFFFF0]  }
0x659: {  	v60 =	vld [tilespmem:s26+$0xFFFFFFF0]  }
0x65a: {  	v61 =	vld [tilespmem:s28+$0xFFFFFFF0];
	_ =	sdelay $0x2  }
0x65b: {  	v6 =	vadd.s32 v6, v7  }
0x65c: {  	v6 =	vadd.s32 v60, v6  }
0x65d: {  	v6 =	vadd.s32 v61, v6  }
0x65e: {  	(xrf0) =	vadd.scan.msk.s32 $0xffff, v6;
	_ =	sdelay $0x5  }
0x65f: {  	v6, _, _ =	vpop (xrf0)  }
0x660: {  	v6 =	vxor.u32 $0x80000000, v6  }
0x661: {  	(xrf0) =	vmax.scan.msk.u32 $0xffff, v6;
	_ =	sdelay $0x5  }
0x662: {  	v6, _, _ =	vpop (xrf0)  }
0x663: {  	(v2sf) =	vpush v6, $0xF;
	_ =	sdelay $0x8  }
0x664: {  	s20 =	simm.s32 $0x1  }
0x665: {  	v6 =	vmov s20  }
0x666: {  	v6 =	vand.u32 $0xFFFFFFFD, v6  }
0x667: {  	v6 =	vbroadcast v6, $0x0;
	_ =	sdelay $0x2  }
0x668: {  	s31 =	spop (v2sf)  }
0x669: {  	s0 =	sxor.u32 $0x80000000, s31  }
0x66a: {  	v7 =	vmov s0  }
0x66b: {  	[tilespmem:v6+s14+$0x0] =	vst.idx.msk $0x1, v7  }
0x66c: {  	v6 =	vld [tilespmem:s24+$0x0]  }
0x66d: {  	v7 =	vld [tilespmem:s25+$0x0]  }
0x66e: {  	v62 =	vld [tilespmem:s26+$0x0]  }
0x66f: {  	v63 =	vld [tilespmem:s28+$0x0];
	_ =	sdelay $0x2  }
0x670: {  	v6 =	vadd.s32 v6, v7  }
0x671: {  	v6 =	vadd.s32 v62, v6  }
0x672: {  	v6 =	vadd.s32 v63, v6  }
0x673: {  	(xrf0) =	vadd.scan.msk.s32 $0xffff, v6;
	_ =	sdelay $0x5  }
0x674: {  	v6, _, _ =	vpop (xrf0)  }
0x675: {  	v6 =	vxor.u32 $0x80000000, v6  }
0x676: {  	(xrf0) =	vmax.scan.msk.u32 $0xffff, v6;
	_ =	sdelay $0x3  }
0x677: {  	s3 =	simm.s32 $0x4;
	s6 =	simm.s32 $0x5060  }
0x678: {  	s29 =	simm.s32 $0x7020;
	s30 =	simm.s32 $0x8020;
	s0 =	simm.s32 $0x6020  }
.LBB2_48:
0x679: {  	s25 =	sadd.s32 $0x40, s25;
	s26 =	sadd.s32 $0x40, s26;
	s28 =	sadd.s32 $0x40, s28;
	v6, _, _ =	vpop (xrf0)  }
0x67a: {  	p0 =	slt.u32 s3, $0xFC;
	s20 =	smov.u32 s3;
	s3 =	sadd.s32 $0x4, s3;
	(v2sf) =	vpush v6, $0xF  }
0x67b: {  	_ =	sdelay $0x7  }
0x67c: {  	s1 =	sadd.s32 $0x2, s23  }
0x67d: {  	v6 =	vmov s1  }
0x67e: {  	v6 =	vand.u32 $0xFFFFFFFE, v6  }
0x67f: {  	v6 =	vbroadcast v6, $0x0;
	_ =	sdelay $0x2  }
0x680: {  	s1 =	spop (v2sf)  }
0x681: {  	s1 =	sxor.u32 $0x80000000, s1  }
0x682: {  	v7 =	vmov s1  }
0x683: {  	[tilespmem:v6+s14+$0x0] =	vst.idx.msk $0x1, v7  }
0x684: {  	v6 =	vld [tilespmem:s24+$0x10];
	s24 =	smov.u32 s6  }
0x685: {  	v7 =	vld [tilespmem:s0+$0x10];
	s0 =	smov.u32 s25  }
0x686: {  	v8 =	vld [tilespmem:s29+$0x10];
	s29 =	smov.u32 s26  }
0x687: {  	v9 =	vld [tilespmem:s30+$0x10];
	s30 =	smov.u32 s28;
	_ =	sdelay $0x2  }
0x688: {  	v6 =	vadd.s32 v6, v7  }
0x689: {  	v6 =	vadd.s32 v8, v6  }
0x68a: {  	v6 =	vadd.s32 v9, v6  }
0x68b: {  	(xrf0) =	vadd.scan.msk.s32 $0xffff, v6;
	_ =	sdelay $0x5  }
0x68c: {  	v6, _, _ =	vpop (xrf0)  }
0x68d: {  	v6 =	vxor.u32 $0x80000000, v6  }
0x68e: {  	(xrf0) =	vmax.scan.msk.u32 $0xffff, v6;
	_ =	sdelay $0x5  }
0x68f: {  	v6, _, _ =	vpop (xrf0)  }
0x690: {  	(v2sf) =	vpush v6, $0xF;
	_ =	sdelay $0x9  }
0x691: {  	s1 =	sadd.s32 $0x3, s23;
	s23 =	smov.u32 s20  }
0x692: {  	v6 =	vmov s1;
	_ =	sdelay $0x3  }
0x693: {  	s1 =	spop (v2sf)  }
0x694: {  	s1 =	sxor.u32 $0x80000000, s1  }
0x695: {  	v7 =	vmov s1  }
0x696: {  	[tilespmem:v6+s14+$0x0] =	vst.idx.msk $0x1, v7  }
0x697: {  	v6 =	vld [tilespmem:s25+$0xFFFFFFE0]  }
0x698: {  	v7 =	vld [tilespmem:s6+$0xFFFFFFE0]  }
0x699: {  	v8 =	vld [tilespmem:s26+$0xFFFFFFE0]  }
0x69a: {  	v9 =	vld [tilespmem:s28+$0xFFFFFFE0];
	_ =	sdelay $0x2  }
0x69b: {  	v6 =	vadd.s32 v7, v6  }
0x69c: {  	v6 =	vadd.s32 v8, v6  }
0x69d: {  	v6 =	vadd.s32 v9, v6  }
0x69e: {  	(xrf0) =	vadd.scan.msk.s32 $0xffff, v6;
	_ =	sdelay $0x5  }
0x69f: {  	v6, _, _ =	vpop (xrf0)  }
0x6a0: {  	v6 =	vxor.u32 $0x80000000, v6  }
0x6a1: {  	(xrf0) =	vmax.scan.msk.u32 $0xffff, v6;
	_ =	sdelay $0x5  }
0x6a2: {  	v6, _, _ =	vpop (xrf0)  }
0x6a3: {  	(v2sf) =	vpush v6, $0xF;
	_ =	sdelay $0x9  }
0x6a4: {  	v6 =	vmov s23  }
0x6a5: {  	v6 =	vand.u32 $0xFFFFFFFC, v6  }
0x6a6: {  	v6 =	vbroadcast v6, $0x0;
	_ =	sdelay $0x2  }
0x6a7: {  	s1 =	spop (v2sf)  }
0x6a8: {  	s1 =	sxor.u32 $0x80000000, s1  }
0x6a9: {  	v7 =	vmov s1  }
0x6aa: {  	[tilespmem:v6+s14+$0x0] =	vst.idx.msk $0x1, v7  }
0x6ab: {  	v6 =	vld [tilespmem:s6+$0xFFFFFFF0]  }
0x6ac: {  	v7 =	vld [tilespmem:s25+$0xFFFFFFF0]  }
0x6ad: {  	v8 =	vld [tilespmem:s26+$0xFFFFFFF0]  }
0x6ae: {  	v9 =	vld [tilespmem:s28+$0xFFFFFFF0];
	_ =	sdelay $0x2  }
0x6af: {  	v6 =	vadd.s32 v6, v7  }
0x6b0: {  	v6 =	vadd.s32 v8, v6  }
0x6b1: {  	v6 =	vadd.s32 v9, v6  }
0x6b2: {  	(xrf0) =	vadd.scan.msk.s32 $0xffff, v6;
	_ =	sdelay $0x5  }
0x6b3: {  	v6, _, _ =	vpop (xrf0)  }
0x6b4: {  	v6 =	vxor.u32 $0x80000000, v6  }
0x6b5: {  	(xrf0) =	vmax.scan.msk.u32 $0xffff, v6;
	_ =	sdelay $0x5  }
0x6b6: {  	v6, _, _ =	vpop (xrf0)  }
0x6b7: {  	(v2sf) =	vpush v6, $0xF;
	_ =	sdelay $0x8  }
0x6b8: {  	s1 =	sadd.s32 $0x1, s23  }
0x6b9: {  	v6 =	vmov s1  }
0x6ba: {  	v6 =	vand.u32 $0xFFFFFFFD, v6  }
0x6bb: {  	v6 =	vbroadcast v6, $0x0;
	_ =	sdelay $0x2  }
0x6bc: {  	s1 =	spop (v2sf)  }
0x6bd: {  	s1 =	sxor.u32 $0x80000000, s1  }
0x6be: {  	v7 =	vmov s1  }
0x6bf: {  	[tilespmem:v6+s14+$0x0] =	vst.idx.msk $0x1, v7  }
0x6c0: {  	v6 =	vld [tilespmem:s6+$0x0]  }
0x6c1: {  	v7 =	vld [tilespmem:s25+$0x0]  }
0x6c2: {  	v8 =	vld [tilespmem:s26+$0x0]  }
0x6c3: {  	v9 =	vld [tilespmem:s28+$0x0];
	_ =	sdelay $0x2  }
0x6c4: {  	v6 =	vadd.s32 v6, v7  }
0x6c5: {  	v6 =	vadd.s32 v8, v6  }
0x6c6: {  	v6 =	vadd.s32 v9, v6  }
0x6c7: {  	(xrf0) =	vadd.scan.msk.s32 $0xffff, v6;
	_ =	sdelay $0x5  }
0x6c8: {  	v6, _, _ =	vpop (xrf0)  }
0x6c9: {  	v6 =	vxor.u32 $0x80000000, v6  }
0x6ca: {  	(xrf0) =	vmax.scan.msk.u32 $0xffff, v6  }
.Ltmp28:
0x6cb: {  	(pc) =	sbr.rel @p0 .LBB2_48-.Ltmp28, $2  }
0x6cc: {  	_ =	sdelay $0x2  }
0x6cd: {  	s20 =	simm.s32 $0x0;
	s6 =	sadd.s32 $0x40, s6  }
0x6ce: {  	v6, _, _ =	vpop (xrf0)  }
0x6cf: {  	(v2sf) =	vpush v6, $0xF;
	_ =	sdelay $0x8  }
0x6d0: {  	s1 =	sadd.s32 $0x2, s23  }
0x6d1: {  	v6 =	vmov s1  }
0x6d2: {  	v6 =	vand.u32 $0xFFFFFFFE, v6  }
0x6d3: {  	v6 =	vbroadcast v6, $0x0;
	_ =	sdelay $0x2  }
0x6d4: {  	s28 =	spop (v2sf)  }
0x6d5: {  	s1 =	sxor.u32 $0x80000000, s28  }
0x6d6: {  	v7 =	vmov s1  }
0x6d7: {  	[tilespmem:v6+s14+$0x0] =	vst.idx.msk $0x1, v7  }
0x6d8: {  	v6 =	vld [tilespmem:s24+$0x10]  }
0x6d9: {  	v7 =	vld [tilespmem:s0+$0x10]  }
0x6da: {  	v8 =	vld [tilespmem:s29+$0x10]  }
0x6db: {  	v9 =	vld [tilespmem:s30+$0x10];
	_ =	sdelay $0x2  }
0x6dc: {  	v6 =	vadd.s32 v6, v7  }
0x6dd: {  	v6 =	vadd.s32 v8, v6  }
0x6de: {  	v6 =	vadd.s32 v9, v6  }
0x6df: {  	(xrf0) =	vadd.scan.msk.s32 $0xffff, v6;
	_ =	sdelay $0x5  }
0x6e0: {  	v6, _, _ =	vpop (xrf0)  }
0x6e1: {  	v6 =	vxor.u32 $0x80000000, v6  }
0x6e2: {  	(xrf0) =	vmax.scan.msk.u32 $0xffff, v6;
	_ =	sdelay $0x5  }
0x6e3: {  	v6, _, _ =	vpop (xrf0)  }
0x6e4: {  	(v2sf) =	vpush v6, $0xF;
	_ =	sdelay $0xb  }
0x6e5: {  	s29 =	sadd.s32 $0x3, s23  }
0x6e6: {  	v6 =	vmov s29;
	_ =	sdelay $0x1  }
0x6e7: {  	s30 =	spop (v2sf)  }
0x6e8: {  	s0 =	sxor.u32 $0x80000000, s30  }
0x6e9: {  	v7 =	vmov s0  }
0x6ea: {  	s31 =	simm.s32 $0x0;
	[tilespmem:v6+s14+$0x0] =	vst.idx.msk $0x1, v7  }
0x6eb: {  	v6 =	vld [tilespmem:s31+$0x9000];
	_ =	sdelay $0x4  }
0x6ec: {  	(xrf0) =	vadd.scan.msk.s32 $0xffff, v6;
	_ =	sdelay $0x5  }
0x6ed: {  	v7, _, _ =	vpop (xrf0)  }
0x6ee: {  	v63 =	vxor.u32 $0x80000000, v7  }
0x6ef: {  	(xrf0) =	vmax.scan.msk.u32 $0xffff, v63;
	_ =	sdelay $0x4  }
0x6f0: {  	v6 =	vsub.s32 s20, v6  }
0x6f1: {  	v6 =	vadd.s32 v7, v6;
	v7, _, _ =	vpop (xrf0)  }
0x6f2: {  	s6 =	simm.s32 $0x80;
	s3 =	simm.s32 $0x0;
	s0 =	simm.s32 $0x10;
	[tilespmem:s31+$0x9000] =	vst v6;
	(v2sf) =	vpush v7, $0xF  }
.LBB2_50:
0x6f3: {  	p0 =	sne.s32 s6, $0x3C0;
	v6 =	vld [tilespmem:s0+$0x9000];
	_ =	sdelay $0x4  }
0x6f4: {  	(xrf0) =	vadd.scan.msk.s32 $0xffff, v6;
	_ =	sdelay $0x5  }
0x6f5: {  	v7, _, _ =	vpop (xrf0)  }
0x6f6: {  	v8 =	vxor.u32 $0x80000000, v7  }
0x6f7: {  	(xrf0) =	vmax.scan.msk.u32 $0xffff, v8  }
0x6f8: {  	s1 =	spop (v2sf)  }
0x6f9: {  	s1 =	sadd.s32 s1, s3  }
.Ltmp29:
0x6fa: {  	s3 =	sadd.s32 $0x80000000, s1;
	(pc) =	sbr.rel @p0 .LBB2_50-.Ltmp29, $4  }
0x6fb: {  	v8 =	vsub.s32 s3, v6  }
0x6fc: {  	v7 =	vadd.s32 v7, v8  }
0x6fd: {  	[tilespmem:s0+$0x9000] =	vst v7;
	v6, _, _ =	vpop (xrf0)  }
0x6fe: {  	s0 =	sshra.s32 s6, $0x2;
	s6 =	sadd.s32 $0x40, s6;
	(v2sf) =	vpush v6, $0xF  }
0x6ff: {  	_ =	sdelay $0x5  }
0x700: {  	v6 =	vld [tilespmem:s0+$0x9000];
	_ =	sdelay $0x4  }
0x701: {  	(xrf0) =	vadd.scan.msk.s32 $0xffff, v6;
	_ =	sdelay $0x2  }
0x702: {  	s1 =	spop (v2sf)  }
0x703: {  	s1 =	sadd.s32 s1, s3  }
0x704: {  	s1 =	sadd.s32 $0x80000000, s1  }
0x705: {  	v7, _, _ =	vpop (xrf0);
	v6 =	vsub.s32 s1, v6  }
0x706: {  	v6 =	vadd.s32 v7, v6  }
0x707: {  	[tilespmem:s0+$0x9000] =	vst v6;
	s0 =	simm.s32 $0x6010  }
0x708: {  	s6 =	simm.s32 $0x5010;
	v6 =	vld [tilespmem:s0+$0xFFFFFFF0]  }
0x709: {  	s23 =	simm.s32 $0x7010;
	v8 =	vld [tilespmem:s6+$0xFFFFFFF0]  }
0x70a: {  	s3 =	simm.s32 $0x8010;
	v9 =	vld [tilespmem:s23+$0xFFFFFFF0]  }
0x70b: {  	v10 =	vld [tilespmem:s3+$0xFFFFFFF0]  }
0x70c: {  	v11 =	vmov s20  }
0x70d: {  	v11 =	vand.u32 $0xFFFFFFFE, v11  }
0x70e: {  	v11 =	vbroadcast v11, $0x0;
	v12 =	vadd.s32 v8, v6  }
0x70f: {  	v7 =	vxor.u32 $0x80000000, v7;
	v12 =	vadd.s32 v9, v12  }
0x710: {  	(xrf0) =	vmax.scan.msk.u32 $0xffff, v7;
	v7 =	vadd.s32 v10, v12  }
0x711: {  	(xrf0) =	vadd.scan.msk.s32 $0xffff, v7;
	_ =	sdelay $0x2  }
0x712: {  	v10 =	vld.idx.msk [tilespmem:v11+s14+$0x0], $0xffff;
	_ =	sdelay $0x1  }
0x713: {  	v11, _, _ =	vpop (xrf0)  }
0x714: {  	v63, _, _ =	vpop (xrf0)  }
0x715: {  	v7 =	vsub.s32 v63, v7  }
0x716: {  	v7 =	vadd.s32 v10, v7  }
0x717: {  	[tilespmem:s6+$0xFFFFFFF0] =	vst v7;
	v7 =	vadd.s32 v8, v7  }
0x718: {  	[tilespmem:s0+$0xFFFFFFF0] =	vst v7;
	v6 =	vadd.s32 v6, v7  }
0x719: {  	[tilespmem:s23+$0xFFFFFFF0] =	vst v6;
	v6 =	vadd.s32 v9, v6  }
0x71a: {  	[tilespmem:s3+$0xFFFFFFF0] =	vst v6  }
0x71b: {  	v8 =	vld [tilespmem:s6+$0x0]  }
0x71c: {  	v7 =	vld [tilespmem:s0+$0x0]  }
0x71d: {  	v6 =	vld [tilespmem:s23+$0x0]  }
0x71e: {  	(v2sf) =	vpush v11, $0xF;
	v9 =	vld [tilespmem:s3+$0x0];
	_ =	sdelay $0x2  }
0x71f: {  	s30 =	simm.s32 $0x1;
	v10 =	vadd.s32 v8, v7  }
0x720: {  	v11 =	vmov s30;
	v10 =	vadd.s32 v6, v10  }
0x721: {  	v9 =	vadd.s32 v9, v10  }
0x722: {  	(xrf0) =	vadd.scan.msk.s32 $0xffff, v9;
	_ =	sdelay $0x2  }
0x723: {  	v10 =	vld.idx.msk [tilespmem:v11+s14+$0x0], $0xffff;
	_ =	sdelay $0x2  }
0x724: {  	v11, _, _ =	vpop (xrf0)  }
0x725: {  	v9 =	vsub.s32 v11, v9  }
0x726: {  	s25 =	simm.s32 $0x2;
	v9 =	vadd.s32 v10, v9  }
0x727: {  	s26 =	simm.s32 $0x8030;
	s20 =	simm.s32 $0x7010;
	s31 =	spop (v2sf);
	[tilespmem:s6+$0x0] =	vst v9;
	v8 =	vadd.s32 v8, v9  }
.LBB2_52:
0x728: {  	s6 =	sadd.s32 $0x20, s6  }
0x729: {  	[tilespmem:s0+$0x0] =	vst v8;
	v7 =	vadd.s32 v7, v8;
	s0 =	sadd.s32 $0x20, s0;
	s23 =	sadd.s32 $0x20, s23;
	s24 =	smov.u32 s25  }
0x72a: {  	p0 =	slt.u32 s25, $0xFE;
	s25 =	sadd.s32 $0x2, s25;
	[tilespmem:s20+$0x0] =	vst v7;
	v6 =	vadd.s32 v6, v7;
	s20 =	smov.u32 s23  }
0x72b: {  	[tilespmem:s3+$0x0] =	vst v6;
	s3 =	smov.u32 s26  }
0x72c: {  	v6 =	vld [tilespmem:s0+$0xFFFFFFF0]  }
0x72d: {  	v7 =	vld [tilespmem:s6+$0xFFFFFFF0]  }
0x72e: {  	v8 =	vld [tilespmem:s23+$0xFFFFFFF0]  }
0x72f: {  	v10 =	vmov s24;
	v9 =	vld [tilespmem:s26+$0xFFFFFFF0]  }
0x730: {  	v10 =	vand.u32 $0xFFFFFFFE, v10  }
0x731: {  	v10 =	vbroadcast v10, $0x0  }
0x732: {  	v11 =	vadd.s32 v7, v6  }
0x733: {  	v11 =	vadd.s32 v8, v11  }
0x734: {  	v9 =	vadd.s32 v9, v11  }
0x735: {  	(xrf0) =	vadd.scan.msk.s32 $0xffff, v9;
	_ =	sdelay $0x1  }
0x736: {  	v10 =	vld.idx.msk [tilespmem:v10+s14+$0x0], $0xffff;
	_ =	sdelay $0x3  }
0x737: {  	v11, _, _ =	vpop (xrf0)  }
0x738: {  	v9 =	vsub.s32 v11, v9  }
0x739: {  	v9 =	vadd.s32 v10, v9  }
0x73a: {  	[tilespmem:s6+$0xFFFFFFF0] =	vst v9;
	v7 =	vadd.s32 v7, v9  }
0x73b: {  	[tilespmem:s0+$0xFFFFFFF0] =	vst v7;
	v6 =	vadd.s32 v6, v7  }
0x73c: {  	[tilespmem:s23+$0xFFFFFFF0] =	vst v6;
	v6 =	vadd.s32 v8, v6  }
0x73d: {  	[tilespmem:s26+$0xFFFFFFF0] =	vst v6;
	v8 =	vld [tilespmem:s26+$0x0]  }
0x73e: {  	v9 =	vld [tilespmem:s6+$0x0]  }
0x73f: {  	v7 =	vld [tilespmem:s0+$0x0]  }
0x740: {  	v6 =	vld [tilespmem:s23+$0x0];
	_ =	sdelay $0x1  }
0x741: {  	s1 =	sadd.s32 $0x1, s24  }
0x742: {  	v10 =	vmov s1  }
0x743: {  	v11 =	vadd.s32 v9, v7  }
0x744: {  	v11 =	vadd.s32 v6, v11  }
0x745: {  	v8 =	vadd.s32 v8, v11  }
0x746: {  	(xrf0) =	vadd.scan.msk.s32 $0xffff, v8  }
0x747: {  	v10 =	vld.idx.msk [tilespmem:v10+s14+$0x0], $0xffff;
	_ =	sdelay $0x3  }
.Ltmp30:
0x748: {  	(pc) =	sbr.rel @p0 .LBB2_52-.Ltmp30, $4  }
0x749: {  	v11, _, _ =	vpop (xrf0)  }
0x74a: {  	v8 =	vsub.s32 v11, v8  }
0x74b: {  	v8 =	vadd.s32 v10, v8  }
0x74c: {  	s24 =	simm.s32 $0x0;
	s26 =	sadd.s32 $0x20, s26;
	[tilespmem:s6+$0x0] =	vst v8;
	v8 =	vadd.s32 v9, v8  }
0x74d: {  	[tilespmem:s0+$0x0] =	vst v8;
	v7 =	vadd.s32 v7, v8  }
0x74e: {  	[tilespmem:s20+$0x0] =	vst v7;
	v6 =	vadd.s32 v6, v7  }
0x74f: {  	[tilespmem:s3+$0x0] =	vst v6  }
.LBB2_54:
0x750: {  	v6 =	vmov s24  }
0x751: {  	v6 =	vand.u32 $0x7E, v6  }
0x752: {  	v6 =	vbroadcast v6, $0x0;
	_ =	sdelay $0x1  }
0x753: {  	v7 =	vor.u32 v1, v6;
	_ =	sdelay $0x4  }
0x754: {  	v8 =	vld.idx.msk [tilespmem:v7+s15+$0x0], $0xffff;
	_ =	sdelay $0x4  }
0x755: {  	v9 =	vshrl.u32 v8, $0x14  }
0x756: {  	v9 =	vand.u32 $0xFF0, v9  }
0x757: {  	v9 =	vor.u32 v0, v9;
	_ =	sdelay $0x4  }
0x758: {  	v10 =	vld.idx.msk [tilespmem:v9+s10+$0x0], $0xffff  }
0x759: {  	s0 =	sadd.s32 $0x40, s24  }
0x75a: {  	v11 =	vmov s0  }
0x75b: {  	v11 =	vand.u32 $0x7E, v11  }
0x75c: {  	v11 =	vbroadcast v11, $0x0;
	v7 =	vld.idx.msk [tilespmem:v7+s16+$0x0], $0xffff;
	_ =	sdelay $0x1  }
0x75d: {  	v11 =	vor.u32 v1, v11;
	_ =	sdelay $0x1  }
0x75e: {  	[tilespmem:v10+s18+$0x0] =	vst.idx.msk $0xffff, v8  }
0x75f: {  	[tilespmem:v10+s19+$0x0] =	vst.idx.msk $0xffff, v7  }
0x760: {  	[tilespmem:v9+s10+$0x0] =	vst.idx.add.s32.msk $0xffff, v4  }
0x761: {  	v7 =	vld.idx.msk [tilespmem:v11+s15+$0x0], $0xffff;
	_ =	sdelay $0x4  }
0x762: {  	v57 =	vshrl.u32 v7, $0x14  }
0x763: {  	v8 =	vand.u32 $0xFF0, v57  }
0x764: {  	v8 =	vor.u32 v0, v8;
	_ =	sdelay $0x4  }
0x765: {  	v9 =	vld.idx.msk [tilespmem:v8+s11+$0x0], $0xffff;
	_ =	sdelay $0x3  }
0x766: {  	v10 =	vld.idx.msk [tilespmem:v11+s16+$0x0], $0xffff;
	_ =	sdelay $0x1  }
0x767: {  	v6 =	vor.u32 v5, v6;
	_ =	sdelay $0x1  }
0x768: {  	[tilespmem:v9+s18+$0x0] =	vst.idx.msk $0xffff, v7  }
0x769: {  	[tilespmem:v9+s19+$0x0] =	vst.idx.msk $0xffff, v10  }
0x76a: {  	[tilespmem:v8+s11+$0x0] =	vst.idx.add.s32.msk $0xffff, v4  }
0x76b: {  	v7 =	vld.idx.msk [tilespmem:v6+s15+$0x0], $0xffff;
	_ =	sdelay $0x4  }
0x76c: {  	v58 =	vshrl.u32 v7, $0x14  }
0x76d: {  	v8 =	vand.u32 $0xFF0, v58  }
0x76e: {  	v8 =	vor.u32 v0, v8;
	_ =	sdelay $0x4  }
0x76f: {  	v9 =	vld.idx.msk [tilespmem:v8+s12+$0x0], $0xffff  }
0x770: {  	s26 =	sadd.s32 $0xC0, s24  }
0x771: {  	v59 =	vmov s26  }
0x772: {  	v10 =	vand.u32 $0x7E, v59  }
0x773: {  	v10 =	vbroadcast v10, $0x0;
	v6 =	vld.idx.msk [tilespmem:v6+s16+$0x0], $0xffff;
	_ =	sdelay $0x1  }
0x774: {  	v10 =	vor.u32 v5, v10;
	_ =	sdelay $0x1  }
0x775: {  	[tilespmem:v9+s18+$0x0] =	vst.idx.msk $0xffff, v7  }
0x776: {  	[tilespmem:v9+s19+$0x0] =	vst.idx.msk $0xffff, v6  }
0x777: {  	[tilespmem:v8+s12+$0x0] =	vst.idx.add.s32.msk $0xffff, v4  }
0x778: {  	v6 =	vld.idx.msk [tilespmem:v10+s15+$0x0], $0xffff;
	_ =	sdelay $0x4  }
0x779: {  	v7 =	vshrl.u32 v6, $0x14  }
0x77a: {  	v7 =	vand.u32 $0xFF0, v7  }
0x77b: {  	v7 =	vor.u32 v0, v7;
	_ =	sdelay $0x4  }
0x77c: {  	v8 =	vld.idx.msk [tilespmem:v7+s13+$0x0], $0xffff;
	_ =	sdelay $0x3  }
0x77d: {  	v9 =	vld.idx.msk [tilespmem:v10+s16+$0x0], $0xffff  }
0x77e: {  	s28 =	sadd.s32 $0x1, s24  }
0x77f: {  	v60 =	vor.u32 s28, v1;
	_ =	sdelay $0x1  }
0x780: {  	[tilespmem:v8+s18+$0x0] =	vst.idx.msk $0xffff, v6  }
0x781: {  	[tilespmem:v8+s19+$0x0] =	vst.idx.msk $0xffff, v9  }
0x782: {  	[tilespmem:v7+s13+$0x0] =	vst.idx.add.s32.msk $0xffff, v4  }
0x783: {  	v6 =	vld.idx.msk [tilespmem:v60+s15+$0x0], $0xffff;
	_ =	sdelay $0x4  }
0x784: {  	v7 =	vshrl.u32 v6, $0x14  }
0x785: {  	v7 =	vand.u32 $0xFF0, v7  }
0x786: {  	v7 =	vor.u32 v0, v7;
	_ =	sdelay $0x4  }
0x787: {  	v8 =	vld.idx.msk [tilespmem:v7+s10+$0x0], $0xffff;
	_ =	sdelay $0x3  }
0x788: {  	v9 =	vld.idx.msk [tilespmem:v60+s16+$0x0], $0xffff  }
0x789: {  	s29 =	sadd.s32 $0x41, s24  }
0x78a: {  	v61 =	vor.u32 s29, v1;
	_ =	sdelay $0x1  }
0x78b: {  	[tilespmem:v8+s18+$0x0] =	vst.idx.msk $0xffff, v6  }
0x78c: {  	[tilespmem:v8+s19+$0x0] =	vst.idx.msk $0xffff, v9  }
0x78d: {  	[tilespmem:v7+s10+$0x0] =	vst.idx.add.s32.msk $0xffff, v4  }
0x78e: {  	v6 =	vld.idx.msk [tilespmem:v61+s15+$0x0], $0xffff;
	_ =	sdelay $0x4  }
0x78f: {  	v7 =	vshrl.u32 v6, $0x14  }
0x790: {  	v7 =	vand.u32 $0xFF0, v7  }
0x791: {  	v7 =	vor.u32 v0, v7;
	_ =	sdelay $0x4  }
0x792: {  	v8 =	vld.idx.msk [tilespmem:v7+s11+$0x0], $0xffff;
	_ =	sdelay $0x3  }
0x793: {  	v9 =	vld.idx.msk [tilespmem:v61+s16+$0x0], $0xffff  }
0x794: {  	s30 =	sadd.s32 $0x81, s24  }
0x795: {  	v62 =	vor.u32 s30, v1;
	_ =	sdelay $0x1  }
0x796: {  	[tilespmem:v8+s18+$0x0] =	vst.idx.msk $0xffff, v6  }
0x797: {  	[tilespmem:v8+s19+$0x0] =	vst.idx.msk $0xffff, v9  }
0x798: {  	[tilespmem:v7+s11+$0x0] =	vst.idx.add.s32.msk $0xffff, v4  }
0x799: {  	v6 =	vld.idx.msk [tilespmem:v62+s15+$0x0], $0xffff;
	_ =	sdelay $0x4  }
0x79a: {  	v7 =	vshrl.u32 v6, $0x14  }
0x79b: {  	v7 =	vand.u32 $0xFF0, v7  }
0x79c: {  	v7 =	vor.u32 v0, v7;
	_ =	sdelay $0x4  }
0x79d: {  	v8 =	vld.idx.msk [tilespmem:v7+s12+$0x0], $0xffff;
	_ =	sdelay $0x3  }
0x79e: {  	v9 =	vld.idx.msk [tilespmem:v62+s16+$0x0], $0xffff  }
0x79f: {  	s31 =	sadd.s32 $0xC1, s24  }
0x7a0: {  	v63 =	vor.u32 s31, v1;
	_ =	sdelay $0x1  }
0x7a1: {  	[tilespmem:v8+s18+$0x0] =	vst.idx.msk $0xffff, v6  }
0x7a2: {  	[tilespmem:v8+s19+$0x0] =	vst.idx.msk $0xffff, v9  }
0x7a3: {  	[tilespmem:v7+s12+$0x0] =	vst.idx.add.s32.msk $0xffff, v4  }
0x7a4: {  	v6 =	vld.idx.msk [tilespmem:v63+s15+$0x0], $0xffff;
	_ =	sdelay $0x4  }
0x7a5: {  	v7 =	vshrl.u32 v6, $0x14  }
0x7a6: {  	v7 =	vand.u32 $0xFF0, v7  }
0x7a7: {  	v7 =	vor.u32 v0, v7;
	_ =	sdelay $0x4  }
0x7a8: {  	v8 =	vld.idx.msk [tilespmem:v7+s13+$0x0], $0xffff;
	_ =	sdelay $0x3  }
0x7a9: {  	v9 =	vld.idx.msk [tilespmem:v63+s16+$0x0], $0xffff  }
0x7aa: {  	p0 =	slt.u32 s24, $0x3E  }
.Ltmp31:
0x7ab: {  	_ = 	snop;
	(pc) =	sbr.rel @p0 .LBB2_54-.Ltmp31, $4  }
0x7ac: {  	_ = 	snop  }
0x7ad: {  	[tilespmem:v8+s18+$0x0] =	vst.idx.msk $0xffff, v6  }
0x7ae: {  	[tilespmem:v8+s19+$0x0] =	vst.idx.msk $0xffff, v9  }
0x7af: {  	s24 =	sadd.s32 $0x2, s24;
	[tilespmem:v7+s13+$0x0] =	vst.idx.add.s32.msk $0xffff, v4  }
.LBB2_55:
.Ltmp32:
0x7b0: {  	s0 =	sadd.s32 s2, s22;
	(pc) =	sbr.rel .LBB2_56-.Ltmp32, $4  }
0x7b1: {  	[hbm4b:s0+s7] =	stream.strided.scatter [tilespmem:s19], [sflag:$0x1], $0x1000, s8, s7, $0x38;
	[tilespmem:$0x9100] =	vst v63  }
0x7b2: {  	_ =	swait.ge [sflag:s17], $0x1000  }
0x7b3: {  	[sflag:s17] =	ssyncset.done $0x0  }
0x7b4: {  	[sflag:s17] =	ssyncadd.s32 $0xFFFFF000  }
.LBB2_58:
0x7b5: {  	_ =	sfence.sel $0x180000  }
0x7b6: {  	[bflag:$0x0] =	sbarrier.arrive $0xFFFF  }
0x7b7: {  	_ =	strace $0x90000047  }
0x7b8: {  	s0 =	stileid.u32;
	[bflag:$0x2] =	sbarrier.arrive $0xFFFF  }
0x7b9: {  	p0 =	sne.s32 s0, $0x0;
	s0 =	rddreg [dreg:$0x2]  }
0x7ba: {  	s0 =	sadd.s32 @!p0 $0x100000, s0  }
0x7bb: {  	[sflag:s0] =	ssyncadd.tile.s32 @!p0 $0x1;
	_ =	shalt  }
.Lfunc_end2:
_tile_overlayer_lowered:
.L_overlay_start_2:
0x7bc: {  	(tag) =	ssettag $0x2  }
0x7bd: {  	s0 =	rddreg [dreg:$0x0];
	s2 =	stileid.u32  }
0x7be: {  	s1 =	rddreg [dreg:$0x1];
	p0 =	sne.s32 s2, $0x0  }
0x7bf: {  	s3 =	rddreg [dreg:$0x2];
	[bflag:$0x3] =	sbarrier.arrive $0xFFFF;
	s2 =	simm.s32 @!p0 $0x1C01  }
0x7c0: {  	[timem:s3], [sflag:s2] =	dma.local @!p0 [hbm:s0], s1  }
0x7c1: {  	s0 =	simm.s32 @!p0 $0x1  }
0x7c2: {  	_ =	swait.ge @!p0 [sflag:s0], s1  }
0x7c3: {  	s1 =	ssub.s32 @!p0 $0x0, s1;
	[sflag:s0] =	ssyncset.done @!p0 $0x0  }
0x7c4: {  	[sflag:s0] =	ssyncadd.s32 @!p0 s1  }
0x7c5: {  	[bflag:$0x3] =	sbarrier.arrive $0xFFFF  }
0x7c6: {  	_ =	shalt  }

</sc_bundles>
